<compile_context>
chip_gen: v7x
topology: tpu7x:2x2x1
jax: 0.10.2.dev20260603
libtpu: 0.0.44.dev20260713+nightly
codegen_flags: <defaults>
</compile_context>

<pallas_src>
import functools

import jax
import jax.numpy as jnp
from jax.experimental import pallas as pl
from jax.experimental.pallas import tpu as pltpu
from jax.experimental.pallas import tpu_sc as plsc

_BIG = 1e10


def _cparams(n):
    return pltpu.CompilerParams(dimension_semantics=("parallel",) * n)


def _iota2(shape, dim):
    return jax.lax.broadcasted_iota(jnp.int32, shape, dim)


def _fps(xyz, npoint):
    Bc, N, _ = xyz.shape
    C = 128 if N >= 128 else N
    R = N // C
    planes = xyz.transpose(0, 2, 1).reshape(Bc, 3, R, C)

    def kern(p_ref, out_ref):
        P = p_ref[...]
        flat = (_iota2((Bc, R, C), 1) * C + _iota2((Bc, R, C), 2))
        lane = _iota2((Bc, 3, npoint), 2)

        def red(x, op):
            return op(op(x, axis=3, keepdims=True), axis=2, keepdims=True)

        def step(t, carry):
            dists, far, CO = carry
            sel = (flat == far)[:, None, :, :]
            cent = red(jnp.where(sel, P, 0.0), jnp.sum)
            CO = jnp.where(lane == t, cent[:, :, :, 0], CO)
            dd = P - cent
            dd = dd * dd
            d = dd[:, 0] + dd[:, 1] + dd[:, 2]
            dists = jnp.minimum(dists, d)
            m = jnp.max(jnp.max(dists, axis=2, keepdims=True), axis=1,
                        keepdims=True)
            far = jnp.min(jnp.min(jnp.where(dists == m, flat, N), axis=2,
                                  keepdims=True), axis=1, keepdims=True)
            return dists, far, CO

        init = (
            jnp.full((Bc, R, C), _BIG, jnp.float32),
            jnp.zeros((Bc, 1, 1), jnp.int32),
            jnp.zeros((Bc, 3, npoint), jnp.float32),
        )
        _, _, CO = jax.lax.fori_loop(0, npoint, step, init)
        out_ref[...] = CO

    return pl.pallas_call(
        kern,
        grid=(1,),
        in_specs=[pl.BlockSpec((Bc, 3, R, C), lambda i: (0, 0, 0, 0))],
        out_specs=pl.BlockSpec((Bc, 3, npoint), lambda i: (0, 0, 0)),
        out_shape=jax.ShapeDtypeStruct((Bc, 3, npoint), jnp.float32),
    )(planes)


def _group(q_xyz, cand_xyz_t, table, ws, ns, r2, qb, self_feat=None):
    Bc, nq, _ = q_xyz.shape
    nc, Ft = table.shape[1], table.shape[2]
    nblk = nq // qb
    S = 0 if self_feat is None else self_feat.shape[2]
    gw = 3 + S + (Ft - 3)
    outF = ws[-1][0].shape[1] if ws else gw

    wargs = []
    wspecs = []
    for (W, b) in ws:
        wargs += [W, b.reshape(1, -1)]
        wspecs += [
            pl.BlockSpec(W.shape, lambda i, j: (0, 0)),
            pl.BlockSpec((1, b.shape[0]), lambda i, j: (0, 0)),
        ]
    sargs = [] if self_feat is None else [self_feat]
    sspecs = [] if self_feat is None else [
        pl.BlockSpec((1, qb, S), lambda i, j: (i, j, 0))
    ]

    def kern(q_ref, cxt_ref, tab_ref, *rest):
        out_ref = rest[-1]
        rest = rest[:-1]
        self_blk = None
        if self_feat is not None:
            self_blk = rest[0][0]
            rest = rest[1:]
        qx = q_ref[0]
        dx = qx[:, 0:1] - cxt_ref[0, 0:1, :]
        dy = qx[:, 1:2] - cxt_ref[0, 1:2, :]
        dz = qx[:, 2:3] - cxt_ref[0, 2:3, :]
        d = dx * dx + dy * dy + dz * dz
        lane = _iota2((qb, nc), 1)

        ohs = []
        if r2 is not None:
            mi = jnp.where(d <= r2, lane, nc)
            first = None
            for k in range(ns):
                cur = jnp.min(mi, axis=1, keepdims=True)
                mi = jnp.where(mi == cur, nc, mi)
                if k == 0:
                    first = jnp.where(cur == nc, 0, cur)
                    idx = first
                else:
                    idx = jnp.where(cur == nc, first, cur)
                ohs.append((lane == idx).astype(jnp.float32))
        else:
            n3 = _iota2((qb, 1, nc), 2)
            R = jnp.zeros((qb, nc), jnp.float32)
            CH = 128 if nc > 128 else nc
            for m0 in range(0, nc, CH):
                dm = d[:, m0 : m0 + CH]
                m3 = _iota2((qb, CH, 1), 1) + m0
                lt = dm[:, :, None] < d[:, None, :]
                eq = dm[:, :, None] == d[:, None, :]
                cmp = lt | (eq & (m3 < n3))
                R = R + jnp.sum(cmp.astype(jnp.float32), axis=1)
            for k in range(ns):
                ohs.append((R == float(k)).astype(jnp.float32))

        tab = tab_ref[0]
        if self_blk is not None:
            W1, b1 = rest[0], rest[1]
            Wac = jnp.concatenate([W1[0:3, :], W1[3 + S :, :]], axis=0)
            A = jnp.dot(tab, Wac, preferred_element_type=jnp.float32)
            Bq = (jnp.dot(self_blk, W1[3 : 3 + S, :],
                          preferred_element_type=jnp.float32)
                  - jnp.dot(qx, W1[0:3, :],
                            preferred_element_type=jnp.float32) + b1[...])
            oh = jnp.concatenate(ohs, axis=0)
            h = jnp.maximum(
                jnp.dot(oh, A, preferred_element_type=jnp.float32)
                + jnp.concatenate([Bq] * ns, axis=0), 0.0)
            for (W, b) in zip(rest[2::2], rest[3::2]):
                h = jnp.maximum(
                    jnp.dot(h, W[...], preferred_element_type=jnp.float32)
                    + b[...], 0.0)
        else:
            if nc <= 512:
                oh = jnp.concatenate(ohs, axis=0)
                rows = jnp.dot(oh, tab, preferred_element_type=jnp.float32)
            else:
                rows = jnp.concatenate(
                    [jnp.dot(o, tab, preferred_element_type=jnp.float32)
                     for o in ohs], axis=0)

            qxt = jnp.concatenate([qx] * ns, axis=0)
            parts = [rows[:, 0:3] - qxt, rows[:, 3:]]
            h = jnp.concatenate(parts, axis=1)
            for (W, b) in zip(rest[0::2], rest[1::2]):
                h = jnp.maximum(
                    jnp.dot(h, W[...], preferred_element_type=jnp.float32)
                    + b[...], 0.0)
        h = h.reshape(ns, qb, outF)
        out_ref[0] = jnp.max(h, axis=0)

    return pl.pallas_call(
        kern,
        grid=(Bc, nblk),
        in_specs=[
            pl.BlockSpec((1, qb, 3), lambda i, j: (i, j, 0)),
            pl.BlockSpec((1, 3, nc), lambda i, j: (i, 0, 0)),
            pl.BlockSpec((1, nc, Ft), lambda i, j: (i, 0, 0)),
        ] + sspecs + wspecs,
        out_specs=pl.BlockSpec((1, qb, outF), lambda i, j: (i, j, 0)),
        out_shape=jax.ShapeDtypeStruct((Bc, nq, outF), jnp.float32),
        compiler_params=_cparams(2),
    )(q_xyz, cand_xyz_t, table, *sargs, *wargs)


def _mlp(x, ws, relu_last=True):
    Bc, rows, _ = x.shape
    outF = ws[-1][0].shape[1]
    wargs = []
    wspecs = []
    for (W, b) in ws:
        wargs += [W, b.reshape(1, -1)]
        wspecs += [
            pl.BlockSpec(W.shape, lambda i: (0, 0)),
            pl.BlockSpec((1, b.shape[0]), lambda i: (0, 0)),
        ]

    def kern(x_ref, *rest):
        out_ref = rest[-1]
        h = x_ref[0]
        wl = list(zip(rest[0:-1:2], rest[1:-1:2]))
        for li, (W, b) in enumerate(wl):
            h = jnp.dot(h, W[...], preferred_element_type=jnp.float32) + b[...]
            if relu_last or li < len(wl) - 1:
                h = jnp.maximum(h, 0.0)
        out_ref[0] = h

    return pl.pallas_call(
        kern,
        grid=(Bc,),
        in_specs=[pl.BlockSpec((1, rows, x.shape[2]), lambda i: (i, 0, 0))]
        + wspecs,
        out_specs=pl.BlockSpec((1, rows, outF), lambda i: (i, 0, 0)),
        out_shape=jax.ShapeDtypeStruct((Bc, rows, outF), jnp.float32),
        compiler_params=_cparams(1),
    )(x, *wargs)


def _fp_cls(fine_xyz, coarse_xyz_t, coarse_feat, fine_feat, fp_ws, cls_ws):
    Bc, N, _ = fine_xyz.shape
    M, F = coarse_feat.shape[1], coarse_feat.shape[2]
    S = fine_feat.shape[2]
    qb = 2048
    nblk = N // qb
    layers = list(fp_ws) + list(cls_ws)
    n_relu = len(layers) - 1
    wargs = []
    wspecs = []
    for (W, b) in layers:
        wargs += [W, b.reshape(1, -1)]
        wspecs += [
            pl.BlockSpec(W.shape, lambda i, j: (0, 0)),
            pl.BlockSpec((1, b.shape[0]), lambda i, j: (0, 0)),
        ]

    def kern(fx_ref, cxt_ref, cf_ref, ff_ref, *rest):
        out_ref = rest[-1]
        wl = list(zip(rest[0:-1:2], rest[1:-1:2]))
        qx = fx_ref[0]
        dx = qx[:, 0:1] - cxt_ref[0, 0:1, :]
        dy = qx[:, 1:2] - cxt_ref[0, 1:2, :]
        dz = qx[:, 2:3] - cxt_ref[0, 2:3, :]
        d = dx * dx + dy * dy + dz * dz
        lane = _iota2((qb, M), 1)
        Wm = jnp.zeros((qb, M), jnp.float32)
        wsum = jnp.zeros((qb, 1), jnp.float32)
        for k in range(3):
            mval = jnp.min(d, axis=1, keepdims=True)
            cur = jnp.min(jnp.where(d == mval, lane, M), axis=1,
                          keepdims=True)
            d = jnp.where(lane == cur, _BIG, d)
            wk = 1.0 / (mval + 1e-10)
            Wm = Wm + wk * (lane == cur).astype(jnp.float32)
            wsum = wsum + wk
        Wm = Wm / wsum
        interp = jnp.dot(Wm, cf_ref[0], preferred_element_type=jnp.float32)
        h = jnp.concatenate([interp, ff_ref[0]], axis=1)
        for li, (W, b) in enumerate(wl):
            h = jnp.dot(h, W[...], preferred_element_type=jnp.float32) + b[...]
            if li < n_relu:
                h = jnp.maximum(h, 0.0)
        out_ref[0] = h

    return pl.pallas_call(
        kern,
        grid=(Bc, nblk),
        in_specs=[
            pl.BlockSpec((1, qb, 3), lambda i, j: (i, j, 0)),
            pl.BlockSpec((1, 3, M), lambda i, j: (i, 0, 0)),
            pl.BlockSpec((1, M, F), lambda i, j: (i, 0, 0)),
            pl.BlockSpec((1, qb, S), lambda i, j: (i, j, 0)),
        ] + wspecs,
        out_specs=pl.BlockSpec((1, qb, 3), lambda i, j: (i, j, 0)),
        out_shape=jax.ShapeDtypeStruct((Bc, N, 3), jnp.float32),
        compiler_params=_cparams(2),
    )(fine_xyz, coarse_xyz_t, coarse_feat, fine_feat, *wargs)


def _ball_select(q_xyz, cand_xyz_t, ns, r2, qb):
    Bc, nq, _ = q_xyz.shape
    nc = cand_xyz_t.shape[2]
    nblk = nq // qb

    W = 1024 if nc >= 2048 else nc

    def kern(q_ref, cxt_ref, out_ref):
        b = pl.program_id(0)
        qx = q_ref[0]

        def masked_iota(lo, w):
            dx = qx[:, 0:1] - cxt_ref[0, 0:1, lo : lo + w]
            dy = qx[:, 1:2] - cxt_ref[0, 1:2, lo : lo + w]
            dz = qx[:, 2:3] - cxt_ref[0, 2:3, lo : lo + w]
            d = dx * dx + dy * dy + dz * dz
            lane = _iota2((qb, w), 1) + lo
            return jnp.where(d <= r2, lane, nc)

        def extract(mi):
            first = None
            cur = None
            for k in range(ns):
                if k == 0:
                    cur = jnp.min(mi, axis=1, keepdims=True)
                    first = jnp.where(cur == nc, 0, cur)
                    idx = first
                else:
                    cur = jnp.min(jnp.where(mi > cur, mi, nc), axis=1,
                                  keepdims=True)
                    idx = jnp.where(cur == nc, first, cur)
                out_ref[0, 0, :, k : k + 1] = idx + b * nc

        mi_w = masked_iota(0, W)
        if W == nc:
            extract(mi_w)
        else:
            cnt = jnp.sum((mi_w < nc).astype(jnp.float32), axis=1,
                          keepdims=True)
            mincnt = jnp.min(cnt, axis=0, keepdims=True)
            full = mincnt[0, 0] < float(ns)

            @pl.when(jnp.logical_not(full))
            def _():
                extract(mi_w)

            @pl.when(full)
            def _():
                extract(jnp.concatenate(
                    [mi_w, masked_iota(W, nc - W)], axis=1))

    return pl.pallas_call(
        kern,
        grid=(Bc, nblk),
        in_specs=[
            pl.BlockSpec((1, qb, 3), lambda i, j: (i, j, 0)),
            pl.BlockSpec((1, 3, nc), lambda i, j: (i, 0, 0)),
        ],
        out_specs=pl.BlockSpec((1, 1, qb, ns), lambda i, j: (i, j, 0, 0)),
        out_shape=jax.ShapeDtypeStruct((Bc, nblk, qb, ns), jnp.int32),
    )(q_xyz, cand_xyz_t)


def _sc_gather(table, idx):
    V, D = table.shape
    nrow = idx.shape[0]
    NW = 32
    b_per_w = nrow // NW
    nch = b_per_w // 128
    WAVE = 4
    idx2 = idx.reshape(NW * nch, 128)
    mesh = plsc.VectorSubcoreMesh(core_axis_name="c", subcore_axis_name="s")

    @functools.partial(
        pl.kernel,
        mesh=mesh,
        out_type=jax.ShapeDtypeStruct((nrow, D), jnp.float32),
        scratch_types=[
            pltpu.VMEM((nch, 128), jnp.int32),
            pltpu.VMEM((WAVE * 128, D), jnp.float32),
            pltpu.SemaphoreType.DMA,
        ],
    )
    def k(tab_hbm, idx_hbm, out_hbm, idx_v, rows_v, sem):
        wid = jax.lax.axis_index("s") * 2 + jax.lax.axis_index("c")
        pltpu.sync_copy(idx_hbm.at[pl.ds(wid * nch, nch)], idx_v)
        for w in range(nch // WAVE):
            cps = [
                pltpu.async_copy(
                    tab_hbm.at[idx_v.at[w * WAVE + j]],
                    rows_v.at[pl.ds(j * 128, 128)],
                    sem,
                )
                for j in range(WAVE)
            ]
            for cp in cps:
                cp.wait()
            pltpu.sync_copy(
                rows_v,
                out_hbm.at[pl.ds(wid * b_per_w + w * WAVE * 128,
                                 WAVE * 128)])

    return k(table, idx2)


def _post_group_mlp(rows, q_xyz, ws, ns, fw):
    Bc, nblk, qbns, Dp = rows.shape
    qb = qbns // ns
    nq = nblk * qb
    outF = ws[-1][0].shape[1]
    wargs = []
    wspecs = []
    for (W, b) in ws:
        wargs += [W, b.reshape(1, -1)]
        wspecs += [
            pl.BlockSpec(W.shape, lambda i, j: (0, 0)),
            pl.BlockSpec((1, b.shape[0]), lambda i, j: (0, 0)),
        ]

    def kern(r_ref, q_ref, *rest):
        out_ref = rest[-1]
        rows_b = r_ref[0, 0]
        qx = q_ref[0]
        qxrep = jnp.broadcast_to(qx[:, None, :], (qb, ns, 3)).reshape(
            qb * ns, 3)
        h = jnp.concatenate(
            [rows_b[:, 0:3] - qxrep, rows_b[:, 3:fw]], axis=1)
        for (W, b) in zip(rest[0:-1:2], rest[1:-1:2]):
            h = jnp.maximum(
                jnp.dot(h, W[...], preferred_element_type=jnp.float32)
                + b[...], 0.0)
        out_ref[0] = jnp.max(h.reshape(qb, ns, outF), axis=1)

    return pl.pallas_call(
        kern,
        grid=(Bc, nblk),
        in_specs=[
            pl.BlockSpec((1, 1, qbns, Dp), lambda i, j: (i, j, 0, 0)),
            pl.BlockSpec((1, qb, 3), lambda i, j: (i, j, 0)),
        ] + wspecs,
        out_specs=pl.BlockSpec((1, qb, outF), lambda i, j: (i, j, 0)),
        out_shape=jax.ShapeDtypeStruct((Bc, nq, outF), jnp.float32),
    )(rows, q_xyz, *wargs)


def kernel(points1, points2, features1, features2, params):
    P = params
    f1t = features1.transpose(0, 2, 1)
    f2t = features2.transpose(0, 2, 1)
    pts = jnp.concatenate([points1, points2], axis=0)
    ft = jnp.concatenate([f1t, f2t], axis=0)

    nx_t = _fps(pts, 256)
    nx = nx_t.transpose(0, 2, 1)
    B2, N = pts.shape[0], pts.shape[1]
    qb1, ns1 = 256, 16
    table1 = jnp.concatenate(
        [pts, ft, jnp.zeros((B2, N, 61), jnp.float32)], axis=-1)
    idx1 = _ball_select(nx, pts.transpose(0, 2, 1), ns=ns1, r2=1.0, qb=qb1)
    rows1 = _sc_gather(table1.reshape(B2 * N, 128), idx1.reshape(-1))
    rows1 = rows1.reshape(B2, 256 // qb1, qb1 * ns1, 128)
    f_sc1 = _post_group_mlp(rows1, nx, P['sc1'], ns=ns1, fw=67)
    B = points1.shape[0]
    p12, p22 = nx[:B], nx[B:]
    p12t, p22t = nx_t[:B], nx_t[B:]
    f12, f22 = f_sc1[:B], f_sc1[B:]

    table_fe = jnp.concatenate([p22, f22], axis=-1)
    emb = _group(p12, p22t, table_fe, P['fe'],
                 ns=64, r2=None, qb=128, self_feat=f12)

    p13t = _fps(p12, 64)
    p13 = p13t.transpose(0, 2, 1)
    table2 = jnp.concatenate([p12, emb], axis=-1)
    f13 = _group(p13, p12t, table2, P['sc2'], ns=8, r2=4.0, qb=64)

    p14t = _fps(p13, 16)
    p14 = p14t.transpose(0, 2, 1)
    table3 = jnp.concatenate([p13, f13], axis=-1)
    f14 = _group(p14, p13t, table3, P['sc3'], ns=8, r2=16.0, qb=16)

    t_up1 = jnp.concatenate([p14, f14], axis=-1)
    g1 = _group(p13, p14t, t_up1, [], ns=8, r2=None, qb=64)
    nf13 = _mlp(jnp.concatenate([g1, f13], axis=-1), P['up1_mlp2'])

    t_up2 = jnp.concatenate([p13, nf13], axis=-1)
    g2 = _group(p12, p13t, t_up2, P['up2_mlp1'], ns=8, r2=None, qb=256)
    skip_t = jnp.concatenate([f12, emb], axis=-1)
    nf12 = _mlp(jnp.concatenate([g2, skip_t], axis=-1), P['up2_mlp2'])

    out = _fp_cls(points1, p12t, nf12, f1t, P['fp'], P['cls'])
    return out.transpose(0, 2, 1)

# --- scband reference (transcript-rebuilt; emitter-appended) ---
"""Pipeline reference for scband-flow-net3-d-51247549776068 (READ-ONLY COPY).

The authoritative reference and input builder live on the scoring server;
editing this copy changes nothing except your own understanding.
"""

import jax, jax.numpy as jnp
import numpy as np

B, N = 4, 8192


def make_mlp(key, dims):
    ws = []
    for i in range(len(dims) - 1):
        key, k1 = jax.random.split(key)
        W = jax.random.normal(k1, (dims[i], dims[i + 1]), jnp.float32) * (1.0 / np.sqrt(dims[i]))
        b = jnp.zeros((dims[i + 1],), jnp.float32)
        ws.append((W, b))
    return key, ws


def setup_inputs(seed: int = 0):
    key = jax.random.key(seed)
    k1, k2, k3, k4, kp = jax.random.split(key, 5)
    points1 = jax.random.uniform(k1, (B, N, 3), jnp.float32)
    points2 = jax.random.uniform(k2, (B, N, 3), jnp.float32)
    features1 = jax.random.normal(k3, (B, 64, N), jnp.float32)
    features2 = jax.random.normal(k4, (B, 64, N), jnp.float32)
    params = {}
    kp, params['sc1'] = make_mlp(kp, [67, 64, 64, 128])
    kp, params['fe'] = make_mlp(kp, [259, 128, 128, 128])
    kp, params['sc2'] = make_mlp(kp, [131, 128, 128, 256])
    kp, params['sc3'] = make_mlp(kp, [259, 256, 256, 512])
    kp, params['up1_mlp2'] = make_mlp(kp, [771, 256, 256])
    kp, params['up2_mlp1'] = make_mlp(kp, [259, 128, 128, 256])
    kp, params['up2_mlp2'] = make_mlp(kp, [512, 256])
    kp, params['fp'] = make_mlp(kp, [320, 256, 256])
    kp, params['cls'] = make_mlp(kp, [256, 128, 3])
    return {"points1": points1, "points2": points2, "features1": features1, "features2": features2, "params": params}


def square_distance(a, b):
    return jnp.sum((a[:, :, None, :] - b[:, None, :, :]) ** 2, axis=-1)


def index_points(x, idx):
    Bc = x.shape[0]
    batch = jnp.arange(Bc).reshape((Bc,) + (1,) * (idx.ndim - 1))
    return x[batch, idx]


def farthest_point_sample(xyz, npoint):
    xyz = jax.lax.stop_gradient(xyz)
    Bc, Nc, _ = xyz.shape

    def step(carry, _):
        dists, far = carry
        centroid = jnp.take_along_axis(xyz, far[:, None, None], axis=1)
        d = jnp.sum((xyz - centroid) ** 2, axis=-1)
        dists = jnp.minimum(dists, d)
        nf = jnp.argmax(dists, axis=-1).astype(jnp.int32)
        return (dists, nf), far

    init = (jnp.full((Bc, Nc), 1e10, jnp.float32), jnp.zeros((Bc,), jnp.int32))
    _, idxs = jax.lax.scan(step, init, None, length=npoint)
    return jnp.transpose(idxs, (1, 0))


def ball_query(radius, nsample, xyz, new_xyz):
    Nc = xyz.shape[1]
    sqr = square_distance(new_xyz, xyz)
    gi = jnp.broadcast_to(jnp.arange(Nc, dtype=jnp.int32), sqr.shape)
    gi = jnp.where(sqr > radius * radius, Nc, gi)
    gi = jnp.sort(gi, axis=-1)[..., :nsample]
    first = gi[..., :1]
    gi = jnp.where(gi == Nc, first, gi)
    gi = jnp.where(gi == Nc, 0, gi)
    return gi


def apply_mlp(g, ws):
    for (W, b) in ws:
        g = jax.nn.relu(g @ W + b)
    return g


def set_conv(points, features, npoint, radius, nsample, ws):
    fps_idx = farthest_point_sample(points, npoint)
    new_xyz = index_points(points, fps_idx)
    idx = ball_query(radius, nsample, points, new_xyz)
    grouped_xyz = index_points(points, idx) - new_xyz[:, :, None, :]
    feat = jnp.transpose(features, (0, 2, 1))
    grouped_feat = index_points(feat, idx)
    g = jnp.concatenate([grouped_xyz, grouped_feat], axis=-1)
    g = apply_mlp(g, ws)
    g = jnp.max(g, axis=2)
    return new_xyz, jnp.transpose(g, (0, 2, 1))


def flow_embedding(xyz1, xyz2, feat1, feat2, nsample, ws):
    d = square_distance(xyz1, xyz2)
    _, idx = jax.lax.top_k(-d, nsample)
    grouped_xyz = index_points(xyz2, idx) - xyz1[:, :, None, :]
    f2 = jnp.transpose(feat2, (0, 2, 1))
    gf2 = index_points(f2, idx)
    f1 = jnp.transpose(feat1, (0, 2, 1))
    gf1 = jnp.broadcast_to(f1[:, :, None, :], gf2.shape[:3] + (f1.shape[-1],))
    g = jnp.concatenate([grouped_xyz, gf1, gf2], axis=-1)
    g = apply_mlp(g, ws)
    g = jnp.max(g, axis=2)
    return jnp.transpose(g, (0, 2, 1))


def set_upconv(coarse_xyz, fine_xyz, coarse_feat, fine_feat, nsample, mlp1, mlp2):
    d = square_distance(fine_xyz, coarse_xyz)
    _, idx = jax.lax.top_k(-d, nsample)
    grouped_xyz = index_points(coarse_xyz, idx) - fine_xyz[:, :, None, :]
    cf = jnp.transpose(coarse_feat, (0, 2, 1))
    g = jnp.concatenate([grouped_xyz, index_points(cf, idx)], axis=-1)
    g = apply_mlp(g, mlp1)
    g = jnp.max(g, axis=2)
    g = jnp.concatenate([g, jnp.transpose(fine_feat, (0, 2, 1))], axis=-1)
    g = apply_mlp(g, mlp2)
    return jnp.transpose(g, (0, 2, 1))


def feature_prop(coarse_xyz, fine_xyz, coarse_feat, fine_feat, ws):
    d = square_distance(fine_xyz, coarse_xyz)
    negd, idx = jax.lax.top_k(-d, 3)
    w = 1.0 / (-negd + 1e-10)
    w = w / jnp.sum(w, axis=-1, keepdims=True)
    cf = jnp.transpose(coarse_feat, (0, 2, 1))
    interp = jnp.sum(index_points(cf, idx) * w[..., None], axis=2)
    g = jnp.concatenate([interp, jnp.transpose(fine_feat, (0, 2, 1))], axis=-1)
    g = apply_mlp(g, ws)
    return jnp.transpose(g, (0, 2, 1))


def flownet3d_forward(points1, points2, features1, features2, params):
    p12, f12 = set_conv(points1, features1, 256, 1.0, 16, params['sc1'])
    p22, f22 = set_conv(points2, features2, 256, 1.0, 16, params['sc1'])
    emb = flow_embedding(p12, p22, f12, f22, 64, params['fe'])
    p13, f13 = set_conv(p12, emb, 64, 2.0, 8, params['sc2'])
    p14, f14 = set_conv(p13, f13, 16, 4.0, 8, params['sc3'])
    nf13 = set_upconv(p14, p13, f14, f13, 8, [], params['up1_mlp2'])
    skip = jnp.concatenate([f12, emb], axis=1)
    nf12 = set_upconv(p13, p12, nf13, skip, 8, params['up2_mlp1'], params['up2_mlp2'])
    nf1 = feature_prop(p12, points1, nf12, features1, params['fp'])
    g = jnp.transpose(nf1, (0, 2, 1))
    g = apply_mlp(g, params['cls'][:1])
    W2, b2 = params['cls'][1]
    g = g @ W2 + b2
    return jnp.transpose(g, (0, 2, 1))


def reference(points1, points2, features1, features2, params):
    return flownet3d_forward(points1, points2, features1, features2, params)

if __name__ == "__main__":
    import jax
    _d = setup_inputs()
    print(jax.jit(kernel)(*tuple(_d.values())))

</pallas_src>

<mosaic_0001>
#map = affine_map<(d0, d1) -> (0, 0)>
module attributes {stable_mosaic.version = 14 : i64} {
  func.func @k(%arg0: i32, %arg1: i32, %arg2: memref<65536x128xf32, #tpu.memory_space<hbm>>, %arg3: memref<256x128xi32, #tpu.memory_space<hbm>>, %arg4: memref<32768x128xf32, #tpu.memory_space<hbm>>, %arg5: memref<8x128xi32, #tpu.memory_space<vmem>>, %arg6: memref<512x128xf32, #tpu.memory_space<vmem>>, %arg7: memref<!tpu.dma_semaphore, #tpu.memory_space<semaphore_mem>>) attributes {dimension_semantics = [#tpu.dimension_semantics<core_parallel>, #tpu.dimension_semantics<subcore_parallel>], iteration_bounds = array<i64: 2, 16>, scalar_prefetch = 0 : i64, scratch_operands = 3 : i64, tpu.core_type = #tpu.core_type<sc_vector_subcore>, window_params = [{transform_indices = #map}, {transform_indices = #map}, {transform_indices = #map}]} {
    %mul3A = arith.constant 2 : i32
    %mul3A_0 = arith.muli %arg1, %mul3A : i32
    %add3A = arith.addi %mul3A_0, %arg0 : i32
    %mul3A_1 = arith.constant 8 : i32
    %mul3A_2 = arith.muli %add3A, %mul3A_1 : i32
    "tpu.region"() ({
      %run_scoped3A = tpu.sem_alloc : memref<!tpu.dma_semaphore, #tpu.memory_space<semaphore_mem>>
      %dma_start3A_169 = arith.constant 0 : i32
      %dma_start3A_170 = tpu.memref_slice %arg3[%mul3A_2, %dma_start3A_169] : memref<256x128xi32, #tpu.memory_space<hbm>> -> memref<8x128xi32, #tpu.memory_space<hbm>>
      %dma_start3A_171 = arith.constant 0 : i32
      %dma_start3A_172 = tpu.memref_slice %arg3[%mul3A_2, %dma_start3A_171] : memref<256x128xi32, #tpu.memory_space<hbm>> -> memref<8x128xi32, #tpu.memory_space<hbm>>
      tpu.enqueue_dma source(%dma_start3A_172 : memref<8x128xi32, #tpu.memory_space<hbm>>) target(%arg5 : memref<8x128xi32, #tpu.memory_space<vmem>>) target_semaphore(%run_scoped3A : memref<!tpu.dma_semaphore, #tpu.memory_space<semaphore_mem>>)
      %dma_wait3A_173 = arith.constant 0 : i32
      %dma_wait3A_174 = tpu.memref_slice %arg3[%mul3A_2, %dma_wait3A_173] : memref<256x128xi32, #tpu.memory_space<hbm>> -> memref<8x128xi32, #tpu.memory_space<hbm>>
      %dma_wait3A_175 = arith.constant 0 : i32
      %dma_wait3A_176 = tpu.memref_slice %arg3[%mul3A_2, %dma_wait3A_175] : memref<256x128xi32, #tpu.memory_space<hbm>> -> memref<8x128xi32, #tpu.memory_space<hbm>>
      tpu.wait_dma2 semaphore(%run_scoped3A : memref<!tpu.dma_semaphore, #tpu.memory_space<semaphore_mem>>) src(%dma_wait3A_176 : memref<8x128xi32, #tpu.memory_space<hbm>>) dst(%arg5 : memref<8x128xi32, #tpu.memory_space<vmem>>)
      tpu.yield
    }) : () -> ()
    %dma_start3A = arith.constant 0 : i32
    %dma_start3A_3 = arith.constant 0 : i32
    %dma_start3A_4 = arith.constant 0 : i32
    %dma_start3A_5 = tpu.memref_slice %arg6[%dma_start3A_3, %dma_start3A_4] : memref<512x128xf32, #tpu.memory_space<vmem>> -> memref<128x128xf32, #tpu.memory_space<vmem>>
    %dma_start3A_6 = arith.constant 0 : i32
    %dma_start3A_7 = tpu.memref_slice %arg5[%dma_start3A, %dma_start3A_6] : memref<8x128xi32, #tpu.memory_space<vmem>> -> memref<1x128xi32, #tpu.memory_space<vmem>>
    %dma_start3A_8 = tpu.memref_squeeze %dma_start3A_7 : memref<1x128xi32, #tpu.memory_space<vmem>> -> memref<128xi32, #tpu.memory_space<vmem>>
    %dma_start3A_9 = arith.constant 0 : i32
    %dma_start3A_10 = arith.constant 0 : i32
    %dma_start3A_11 = tpu.memref_slice %arg2[%dma_start3A_9, %dma_start3A_10] : memref<65536x128xf32, #tpu.memory_space<hbm>> -> memref<65536x128xf32, #tpu.memory_space<hbm>>
    tpu.enqueue_indirect_dma source(%dma_start3A_11 : memref<65536x128xf32, #tpu.memory_space<hbm>>) target(%dma_start3A_5 : memref<128x128xf32, #tpu.memory_space<vmem>>) offsets(%dma_start3A_8 : memref<128xi32, #tpu.memory_space<vmem>>) semaphore(%arg7 : memref<!tpu.dma_semaphore, #tpu.memory_space<semaphore_mem>>)
    %dma_start3A_12 = arith.constant 1 : i32
    %dma_start3A_13 = arith.constant 128 : i32
    %dma_start3A_14 = arith.constant 0 : i32
    %dma_start3A_15 = tpu.memref_slice %arg6[%dma_start3A_13, %dma_start3A_14] : memref<512x128xf32, #tpu.memory_space<vmem>> -> memref<128x128xf32, #tpu.memory_space<vmem>>
    %dma_start3A_16 = arith.constant 0 : i32
    %dma_start3A_17 = tpu.memref_slice %arg5[%dma_start3A_12, %dma_start3A_16] : memref<8x128xi32, #tpu.memory_space<vmem>> -> memref<1x128xi32, #tpu.memory_space<vmem>>
    %dma_start3A_18 = tpu.memref_squeeze %dma_start3A_17 : memref<1x128xi32, #tpu.memory_space<vmem>> -> memref<128xi32, #tpu.memory_space<vmem>>
    %dma_start3A_19 = arith.constant 0 : i32
    %dma_start3A_20 = arith.constant 0 : i32
    %dma_start3A_21 = tpu.memref_slice %arg2[%dma_start3A_19, %dma_start3A_20] : memref<65536x128xf32, #tpu.memory_space<hbm>> -> memref<65536x128xf32, #tpu.memory_space<hbm>>
    tpu.enqueue_indirect_dma source(%dma_start3A_21 : memref<65536x128xf32, #tpu.memory_space<hbm>>) target(%dma_start3A_15 : memref<128x128xf32, #tpu.memory_space<vmem>>) offsets(%dma_start3A_18 : memref<128xi32, #tpu.memory_space<vmem>>) semaphore(%arg7 : memref<!tpu.dma_semaphore, #tpu.memory_space<semaphore_mem>>)
    %dma_start3A_22 = arith.constant 2 : i32
    %dma_start3A_23 = arith.constant 256 : i32
    %dma_start3A_24 = arith.constant 0 : i32
    %dma_start3A_25 = tpu.memref_slice %arg6[%dma_start3A_23, %dma_start3A_24] : memref<512x128xf32, #tpu.memory_space<vmem>> -> memref<128x128xf32, #tpu.memory_space<vmem>>
    %dma_start3A_26 = arith.constant 0 : i32
    %dma_start3A_27 = tpu.memref_slice %arg5[%dma_start3A_22, %dma_start3A_26] : memref<8x128xi32, #tpu.memory_space<vmem>> -> memref<1x128xi32, #tpu.memory_space<vmem>>
    %dma_start3A_28 = tpu.memref_squeeze %dma_start3A_27 : memref<1x128xi32, #tpu.memory_space<vmem>> -> memref<128xi32, #tpu.memory_space<vmem>>
    %dma_start3A_29 = arith.constant 0 : i32
    %dma_start3A_30 = arith.constant 0 : i32
    %dma_start3A_31 = tpu.memref_slice %arg2[%dma_start3A_29, %dma_start3A_30] : memref<65536x128xf32, #tpu.memory_space<hbm>> -> memref<65536x128xf32, #tpu.memory_space<hbm>>
    tpu.enqueue_indirect_dma source(%dma_start3A_31 : memref<65536x128xf32, #tpu.memory_space<hbm>>) target(%dma_start3A_25 : memref<128x128xf32, #tpu.memory_space<vmem>>) offsets(%dma_start3A_28 : memref<128xi32, #tpu.memory_space<vmem>>) semaphore(%arg7 : memref<!tpu.dma_semaphore, #tpu.memory_space<semaphore_mem>>)
    %dma_start3A_32 = arith.constant 3 : i32
    %dma_start3A_33 = arith.constant 384 : i32
    %dma_start3A_34 = arith.constant 0 : i32
    %dma_start3A_35 = tpu.memref_slice %arg6[%dma_start3A_33, %dma_start3A_34] : memref<512x128xf32, #tpu.memory_space<vmem>> -> memref<128x128xf32, #tpu.memory_space<vmem>>
    %dma_start3A_36 = arith.constant 0 : i32
    %dma_start3A_37 = tpu.memref_slice %arg5[%dma_start3A_32, %dma_start3A_36] : memref<8x128xi32, #tpu.memory_space<vmem>> -> memref<1x128xi32, #tpu.memory_space<vmem>>
    %dma_start3A_38 = tpu.memref_squeeze %dma_start3A_37 : memref<1x128xi32, #tpu.memory_space<vmem>> -> memref<128xi32, #tpu.memory_space<vmem>>
    %dma_start3A_39 = arith.constant 0 : i32
    %dma_start3A_40 = arith.constant 0 : i32
    %dma_start3A_41 = tpu.memref_slice %arg2[%dma_start3A_39, %dma_start3A_40] : memref<65536x128xf32, #tpu.memory_space<hbm>> -> memref<65536x128xf32, #tpu.memory_space<hbm>>
    tpu.enqueue_indirect_dma source(%dma_start3A_41 : memref<65536x128xf32, #tpu.memory_space<hbm>>) target(%dma_start3A_35 : memref<128x128xf32, #tpu.memory_space<vmem>>) offsets(%dma_start3A_38 : memref<128xi32, #tpu.memory_space<vmem>>) semaphore(%arg7 : memref<!tpu.dma_semaphore, #tpu.memory_space<semaphore_mem>>)
    %dma_wait3A = arith.constant 0 : i32
    %dma_wait3A_42 = arith.constant 0 : i32
    %dma_wait3A_43 = arith.constant 0 : i32
    %dma_wait3A_44 = tpu.memref_slice %arg6[%dma_wait3A_42, %dma_wait3A_43] : memref<512x128xf32, #tpu.memory_space<vmem>> -> memref<128x128xf32, #tpu.memory_space<vmem>>
    %dma_wait3A_45 = arith.constant 0 : i32
    %dma_wait3A_46 = tpu.memref_slice %arg5[%dma_wait3A, %dma_wait3A_45] : memref<8x128xi32, #tpu.memory_space<vmem>> -> memref<1x128xi32, #tpu.memory_space<vmem>>
    %dma_wait3A_47 = tpu.memref_squeeze %dma_wait3A_46 : memref<1x128xi32, #tpu.memory_space<vmem>> -> memref<128xi32, #tpu.memory_space<vmem>>
    %dma_wait3A_48 = arith.constant 0 : i32
    %dma_wait3A_49 = arith.constant 0 : i32
    %dma_wait3A_50 = tpu.memref_slice %arg2[%dma_wait3A_48, %dma_wait3A_49] : memref<65536x128xf32, #tpu.memory_space<hbm>> -> memref<65536x128xf32, #tpu.memory_space<hbm>>
    tpu.wait_indirect_dma semaphore(%arg7 : memref<!tpu.dma_semaphore, #tpu.memory_space<semaphore_mem>>) src(%dma_wait3A_50 : memref<65536x128xf32, #tpu.memory_space<hbm>>) dst(%dma_wait3A_44 : memref<128x128xf32, #tpu.memory_space<vmem>>)
    %dma_wait3A_51 = arith.constant 1 : i32
    %dma_wait3A_52 = arith.constant 128 : i32
    %dma_wait3A_53 = arith.constant 0 : i32
    %dma_wait3A_54 = tpu.memref_slice %arg6[%dma_wait3A_52, %dma_wait3A_53] : memref<512x128xf32, #tpu.memory_space<vmem>> -> memref<128x128xf32, #tpu.memory_space<vmem>>
    %dma_wait3A_55 = arith.constant 0 : i32
    %dma_wait3A_56 = tpu.memref_slice %arg5[%dma_wait3A_51, %dma_wait3A_55] : memref<8x128xi32, #tpu.memory_space<vmem>> -> memref<1x128xi32, #tpu.memory_space<vmem>>
    %dma_wait3A_57 = tpu.memref_squeeze %dma_wait3A_56 : memref<1x128xi32, #tpu.memory_space<vmem>> -> memref<128xi32, #tpu.memory_space<vmem>>
    %dma_wait3A_58 = arith.constant 0 : i32
    %dma_wait3A_59 = arith.constant 0 : i32
    %dma_wait3A_60 = tpu.memref_slice %arg2[%dma_wait3A_58, %dma_wait3A_59] : memref<65536x128xf32, #tpu.memory_space<hbm>> -> memref<65536x128xf32, #tpu.memory_space<hbm>>
    tpu.wait_indirect_dma semaphore(%arg7 : memref<!tpu.dma_semaphore, #tpu.memory_space<semaphore_mem>>) src(%dma_wait3A_60 : memref<65536x128xf32, #tpu.memory_space<hbm>>) dst(%dma_wait3A_54 : memref<128x128xf32, #tpu.memory_space<vmem>>)
    %dma_wait3A_61 = arith.constant 2 : i32
    %dma_wait3A_62 = arith.constant 256 : i32
    %dma_wait3A_63 = arith.constant 0 : i32
    %dma_wait3A_64 = tpu.memref_slice %arg6[%dma_wait3A_62, %dma_wait3A_63] : memref<512x128xf32, #tpu.memory_space<vmem>> -> memref<128x128xf32, #tpu.memory_space<vmem>>
    %dma_wait3A_65 = arith.constant 0 : i32
    %dma_wait3A_66 = tpu.memref_slice %arg5[%dma_wait3A_61, %dma_wait3A_65] : memref<8x128xi32, #tpu.memory_space<vmem>> -> memref<1x128xi32, #tpu.memory_space<vmem>>
    %dma_wait3A_67 = tpu.memref_squeeze %dma_wait3A_66 : memref<1x128xi32, #tpu.memory_space<vmem>> -> memref<128xi32, #tpu.memory_space<vmem>>
    %dma_wait3A_68 = arith.constant 0 : i32
    %dma_wait3A_69 = arith.constant 0 : i32
    %dma_wait3A_70 = tpu.memref_slice %arg2[%dma_wait3A_68, %dma_wait3A_69] : memref<65536x128xf32, #tpu.memory_space<hbm>> -> memref<65536x128xf32, #tpu.memory_space<hbm>>
    tpu.wait_indirect_dma semaphore(%arg7 : memref<!tpu.dma_semaphore, #tpu.memory_space<semaphore_mem>>) src(%dma_wait3A_70 : memref<65536x128xf32, #tpu.memory_space<hbm>>) dst(%dma_wait3A_64 : memref<128x128xf32, #tpu.memory_space<vmem>>)
    %dma_wait3A_71 = arith.constant 3 : i32
    %dma_wait3A_72 = arith.constant 384 : i32
    %dma_wait3A_73 = arith.constant 0 : i32
    %dma_wait3A_74 = tpu.memref_slice %arg6[%dma_wait3A_72, %dma_wait3A_73] : memref<512x128xf32, #tpu.memory_space<vmem>> -> memref<128x128xf32, #tpu.memory_space<vmem>>
    %dma_wait3A_75 = arith.constant 0 : i32
    %dma_wait3A_76 = tpu.memref_slice %arg5[%dma_wait3A_71, %dma_wait3A_75] : memref<8x128xi32, #tpu.memory_space<vmem>> -> memref<1x128xi32, #tpu.memory_space<vmem>>
    %dma_wait3A_77 = tpu.memref_squeeze %dma_wait3A_76 : memref<1x128xi32, #tpu.memory_space<vmem>> -> memref<128xi32, #tpu.memory_space<vmem>>
    %dma_wait3A_78 = arith.constant 0 : i32
    %dma_wait3A_79 = arith.constant 0 : i32
    %dma_wait3A_80 = tpu.memref_slice %arg2[%dma_wait3A_78, %dma_wait3A_79] : memref<65536x128xf32, #tpu.memory_space<hbm>> -> memref<65536x128xf32, #tpu.memory_space<hbm>>
    tpu.wait_indirect_dma semaphore(%arg7 : memref<!tpu.dma_semaphore, #tpu.memory_space<semaphore_mem>>) src(%dma_wait3A_80 : memref<65536x128xf32, #tpu.memory_space<hbm>>) dst(%dma_wait3A_74 : memref<128x128xf32, #tpu.memory_space<vmem>>)
    %mul3A_81 = arith.constant 1024 : i32
    %mul3A_82 = arith.muli %add3A, %mul3A_81 : i32
    %add3A_83 = arith.constant 0 : i32
    %add3A_84 = arith.addi %mul3A_82, %add3A_83 : i32
    "tpu.region"() ({
      %run_scoped3A = tpu.sem_alloc : memref<!tpu.dma_semaphore, #tpu.memory_space<semaphore_mem>>
      %dma_start3A_169 = arith.constant 0 : i32
      %dma_start3A_170 = tpu.memref_slice %arg4[%add3A_84, %dma_start3A_169] : memref<32768x128xf32, #tpu.memory_space<hbm>> -> memref<512x128xf32, #tpu.memory_space<hbm>>
      %dma_start3A_171 = arith.constant 0 : i32
      %dma_start3A_172 = tpu.memref_slice %arg4[%add3A_84, %dma_start3A_171] : memref<32768x128xf32, #tpu.memory_space<hbm>> -> memref<512x128xf32, #tpu.memory_space<hbm>>
      tpu.enqueue_dma source(%arg6 : memref<512x128xf32, #tpu.memory_space<vmem>>) target(%dma_start3A_172 : memref<512x128xf32, #tpu.memory_space<hbm>>) target_semaphore(%run_scoped3A : memref<!tpu.dma_semaphore, #tpu.memory_space<semaphore_mem>>)
      %dma_wait3A_173 = arith.constant 0 : i32
      %dma_wait3A_174 = tpu.memref_slice %arg4[%add3A_84, %dma_wait3A_173] : memref<32768x128xf32, #tpu.memory_space<hbm>> -> memref<512x128xf32, #tpu.memory_space<hbm>>
      %dma_wait3A_175 = arith.constant 0 : i32
      %dma_wait3A_176 = tpu.memref_slice %arg4[%add3A_84, %dma_wait3A_175] : memref<32768x128xf32, #tpu.memory_space<hbm>> -> memref<512x128xf32, #tpu.memory_space<hbm>>
      tpu.wait_dma2 semaphore(%run_scoped3A : memref<!tpu.dma_semaphore, #tpu.memory_space<semaphore_mem>>) src(%arg6 : memref<512x128xf32, #tpu.memory_space<vmem>>) dst(%dma_wait3A_176 : memref<512x128xf32, #tpu.memory_space<hbm>>)
      tpu.yield
    }) : () -> ()
    %dma_start3A_85 = arith.constant 4 : i32
    %dma_start3A_86 = arith.constant 0 : i32
    %dma_start3A_87 = arith.constant 0 : i32
    %dma_start3A_88 = tpu.memref_slice %arg6[%dma_start3A_86, %dma_start3A_87] : memref<512x128xf32, #tpu.memory_space<vmem>> -> memref<128x128xf32, #tpu.memory_space<vmem>>
    %dma_start3A_89 = arith.constant 0 : i32
    %dma_start3A_90 = tpu.memref_slice %arg5[%dma_start3A_85, %dma_start3A_89] : memref<8x128xi32, #tpu.memory_space<vmem>> -> memref<1x128xi32, #tpu.memory_space<vmem>>
    %dma_start3A_91 = tpu.memref_squeeze %dma_start3A_90 : memref<1x128xi32, #tpu.memory_space<vmem>> -> memref<128xi32, #tpu.memory_space<vmem>>
    %dma_start3A_92 = arith.constant 0 : i32
    %dma_start3A_93 = arith.constant 0 : i32
    %dma_start3A_94 = tpu.memref_slice %arg2[%dma_start3A_92, %dma_start3A_93] : memref<65536x128xf32, #tpu.memory_space<hbm>> -> memref<65536x128xf32, #tpu.memory_space<hbm>>
    tpu.enqueue_indirect_dma source(%dma_start3A_94 : memref<65536x128xf32, #tpu.memory_space<hbm>>) target(%dma_start3A_88 : memref<128x128xf32, #tpu.memory_space<vmem>>) offsets(%dma_start3A_91 : memref<128xi32, #tpu.memory_space<vmem>>) semaphore(%arg7 : memref<!tpu.dma_semaphore, #tpu.memory_space<semaphore_mem>>)
    %dma_start3A_95 = arith.constant 5 : i32
    %dma_start3A_96 = arith.constant 128 : i32
    %dma_start3A_97 = arith.constant 0 : i32
    %dma_start3A_98 = tpu.memref_slice %arg6[%dma_start3A_96, %dma_start3A_97] : memref<512x128xf32, #tpu.memory_space<vmem>> -> memref<128x128xf32, #tpu.memory_space<vmem>>
    %dma_start3A_99 = arith.constant 0 : i32
    %dma_start3A_100 = tpu.memref_slice %arg5[%dma_start3A_95, %dma_start3A_99] : memref<8x128xi32, #tpu.memory_space<vmem>> -> memref<1x128xi32, #tpu.memory_space<vmem>>
    %dma_start3A_101 = tpu.memref_squeeze %dma_start3A_100 : memref<1x128xi32, #tpu.memory_space<vmem>> -> memref<128xi32, #tpu.memory_space<vmem>>
    %dma_start3A_102 = arith.constant 0 : i32
    %dma_start3A_103 = arith.constant 0 : i32
    %dma_start3A_104 = tpu.memref_slice %arg2[%dma_start3A_102, %dma_start3A_103] : memref<65536x128xf32, #tpu.memory_space<hbm>> -> memref<65536x128xf32, #tpu.memory_space<hbm>>
    tpu.enqueue_indirect_dma source(%dma_start3A_104 : memref<65536x128xf32, #tpu.memory_space<hbm>>) target(%dma_start3A_98 : memref<128x128xf32, #tpu.memory_space<vmem>>) offsets(%dma_start3A_101 : memref<128xi32, #tpu.memory_space<vmem>>) semaphore(%arg7 : memref<!tpu.dma_semaphore, #tpu.memory_space<semaphore_mem>>)
    %dma_start3A_105 = arith.constant 6 : i32
    %dma_start3A_106 = arith.constant 256 : i32
    %dma_start3A_107 = arith.constant 0 : i32
    %dma_start3A_108 = tpu.memref_slice %arg6[%dma_start3A_106, %dma_start3A_107] : memref<512x128xf32, #tpu.memory_space<vmem>> -> memref<128x128xf32, #tpu.memory_space<vmem>>
    %dma_start3A_109 = arith.constant 0 : i32
    %dma_start3A_110 = tpu.memref_slice %arg5[%dma_start3A_105, %dma_start3A_109] : memref<8x128xi32, #tpu.memory_space<vmem>> -> memref<1x128xi32, #tpu.memory_space<vmem>>
    %dma_start3A_111 = tpu.memref_squeeze %dma_start3A_110 : memref<1x128xi32, #tpu.memory_space<vmem>> -> memref<128xi32, #tpu.memory_space<vmem>>
    %dma_start3A_112 = arith.constant 0 : i32
    %dma_start3A_113 = arith.constant 0 : i32
    %dma_start3A_114 = tpu.memref_slice %arg2[%dma_start3A_112, %dma_start3A_113] : memref<65536x128xf32, #tpu.memory_space<hbm>> -> memref<65536x128xf32, #tpu.memory_space<hbm>>
    tpu.enqueue_indirect_dma source(%dma_start3A_114 : memref<65536x128xf32, #tpu.memory_space<hbm>>) target(%dma_start3A_108 : memref<128x128xf32, #tpu.memory_space<vmem>>) offsets(%dma_start3A_111 : memref<128xi32, #tpu.memory_space<vmem>>) semaphore(%arg7 : memref<!tpu.dma_semaphore, #tpu.memory_space<semaphore_mem>>)
    %dma_start3A_115 = arith.constant 7 : i32
    %dma_start3A_116 = arith.constant 384 : i32
    %dma_start3A_117 = arith.constant 0 : i32
    %dma_start3A_118 = tpu.memref_slice %arg6[%dma_start3A_116, %dma_start3A_117] : memref<512x128xf32, #tpu.memory_space<vmem>> -> memref<128x128xf32, #tpu.memory_space<vmem>>
    %dma_start3A_119 = arith.constant 0 : i32
    %dma_start3A_120 = tpu.memref_slice %arg5[%dma_start3A_115, %dma_start3A_119] : memref<8x128xi32, #tpu.memory_space<vmem>> -> memref<1x128xi32, #tpu.memory_space<vmem>>
    %dma_start3A_121 = tpu.memref_squeeze %dma_start3A_120 : memref<1x128xi32, #tpu.memory_space<vmem>> -> memref<128xi32, #tpu.memory_space<vmem>>
    %dma_start3A_122 = arith.constant 0 : i32
    %dma_start3A_123 = arith.constant 0 : i32
    %dma_start3A_124 = tpu.memref_slice %arg2[%dma_start3A_122, %dma_start3A_123] : memref<65536x128xf32, #tpu.memory_space<hbm>> -> memref<65536x128xf32, #tpu.memory_space<hbm>>
    tpu.enqueue_indirect_dma source(%dma_start3A_124 : memref<65536x128xf32, #tpu.memory_space<hbm>>) target(%dma_start3A_118 : memref<128x128xf32, #tpu.memory_space<vmem>>) offsets(%dma_start3A_121 : memref<128xi32, #tpu.memory_space<vmem>>) semaphore(%arg7 : memref<!tpu.dma_semaphore, #tpu.memory_space<semaphore_mem>>)
    %dma_wait3A_125 = arith.constant 4 : i32
    %dma_wait3A_126 = arith.constant 0 : i32
    %dma_wait3A_127 = arith.constant 0 : i32
    %dma_wait3A_128 = tpu.memref_slice %arg6[%dma_wait3A_126, %dma_wait3A_127] : memref<512x128xf32, #tpu.memory_space<vmem>> -> memref<128x128xf32, #tpu.memory_space<vmem>>
    %dma_wait3A_129 = arith.constant 0 : i32
    %dma_wait3A_130 = tpu.memref_slice %arg5[%dma_wait3A_125, %dma_wait3A_129] : memref<8x128xi32, #tpu.memory_space<vmem>> -> memref<1x128xi32, #tpu.memory_space<vmem>>
    %dma_wait3A_131 = tpu.memref_squeeze %dma_wait3A_130 : memref<1x128xi32, #tpu.memory_space<vmem>> -> memref<128xi32, #tpu.memory_space<vmem>>
    %dma_wait3A_132 = arith.constant 0 : i32
    %dma_wait3A_133 = arith.constant 0 : i32
    %dma_wait3A_134 = tpu.memref_slice %arg2[%dma_wait3A_132, %dma_wait3A_133] : memref<65536x128xf32, #tpu.memory_space<hbm>> -> memref<65536x128xf32, #tpu.memory_space<hbm>>
    tpu.wait_indirect_dma semaphore(%arg7 : memref<!tpu.dma_semaphore, #tpu.memory_space<semaphore_mem>>) src(%dma_wait3A_134 : memref<65536x128xf32, #tpu.memory_space<hbm>>) dst(%dma_wait3A_128 : memref<128x128xf32, #tpu.memory_space<vmem>>)
    %dma_wait3A_135 = arith.constant 5 : i32
    %dma_wait3A_136 = arith.constant 128 : i32
    %dma_wait3A_137 = arith.constant 0 : i32
    %dma_wait3A_138 = tpu.memref_slice %arg6[%dma_wait3A_136, %dma_wait3A_137] : memref<512x128xf32, #tpu.memory_space<vmem>> -> memref<128x128xf32, #tpu.memory_space<vmem>>
    %dma_wait3A_139 = arith.constant 0 : i32
    %dma_wait3A_140 = tpu.memref_slice %arg5[%dma_wait3A_135, %dma_wait3A_139] : memref<8x128xi32, #tpu.memory_space<vmem>> -> memref<1x128xi32, #tpu.memory_space<vmem>>
    %dma_wait3A_141 = tpu.memref_squeeze %dma_wait3A_140 : memref<1x128xi32, #tpu.memory_space<vmem>> -> memref<128xi32, #tpu.memory_space<vmem>>
    %dma_wait3A_142 = arith.constant 0 : i32
    %dma_wait3A_143 = arith.constant 0 : i32
    %dma_wait3A_144 = tpu.memref_slice %arg2[%dma_wait3A_142, %dma_wait3A_143] : memref<65536x128xf32, #tpu.memory_space<hbm>> -> memref<65536x128xf32, #tpu.memory_space<hbm>>
    tpu.wait_indirect_dma semaphore(%arg7 : memref<!tpu.dma_semaphore, #tpu.memory_space<semaphore_mem>>) src(%dma_wait3A_144 : memref<65536x128xf32, #tpu.memory_space<hbm>>) dst(%dma_wait3A_138 : memref<128x128xf32, #tpu.memory_space<vmem>>)
    %dma_wait3A_145 = arith.constant 6 : i32
    %dma_wait3A_146 = arith.constant 256 : i32
    %dma_wait3A_147 = arith.constant 0 : i32
    %dma_wait3A_148 = tpu.memref_slice %arg6[%dma_wait3A_146, %dma_wait3A_147] : memref<512x128xf32, #tpu.memory_space<vmem>> -> memref<128x128xf32, #tpu.memory_space<vmem>>
    %dma_wait3A_149 = arith.constant 0 : i32
    %dma_wait3A_150 = tpu.memref_slice %arg5[%dma_wait3A_145, %dma_wait3A_149] : memref<8x128xi32, #tpu.memory_space<vmem>> -> memref<1x128xi32, #tpu.memory_space<vmem>>
    %dma_wait3A_151 = tpu.memref_squeeze %dma_wait3A_150 : memref<1x128xi32, #tpu.memory_space<vmem>> -> memref<128xi32, #tpu.memory_space<vmem>>
    %dma_wait3A_152 = arith.constant 0 : i32
    %dma_wait3A_153 = arith.constant 0 : i32
    %dma_wait3A_154 = tpu.memref_slice %arg2[%dma_wait3A_152, %dma_wait3A_153] : memref<65536x128xf32, #tpu.memory_space<hbm>> -> memref<65536x128xf32, #tpu.memory_space<hbm>>
    tpu.wait_indirect_dma semaphore(%arg7 : memref<!tpu.dma_semaphore, #tpu.memory_space<semaphore_mem>>) src(%dma_wait3A_154 : memref<65536x128xf32, #tpu.memory_space<hbm>>) dst(%dma_wait3A_148 : memref<128x128xf32, #tpu.memory_space<vmem>>)
    %dma_wait3A_155 = arith.constant 7 : i32
    %dma_wait3A_156 = arith.constant 384 : i32
    %dma_wait3A_157 = arith.constant 0 : i32
    %dma_wait3A_158 = tpu.memref_slice %arg6[%dma_wait3A_156, %dma_wait3A_157] : memref<512x128xf32, #tpu.memory_space<vmem>> -> memref<128x128xf32, #tpu.memory_space<vmem>>
    %dma_wait3A_159 = arith.constant 0 : i32
    %dma_wait3A_160 = tpu.memref_slice %arg5[%dma_wait3A_155, %dma_wait3A_159] : memref<8x128xi32, #tpu.memory_space<vmem>> -> memref<1x128xi32, #tpu.memory_space<vmem>>
    %dma_wait3A_161 = tpu.memref_squeeze %dma_wait3A_160 : memref<1x128xi32, #tpu.memory_space<vmem>> -> memref<128xi32, #tpu.memory_space<vmem>>
    %dma_wait3A_162 = arith.constant 0 : i32
    %dma_wait3A_163 = arith.constant 0 : i32
    %dma_wait3A_164 = tpu.memref_slice %arg2[%dma_wait3A_162, %dma_wait3A_163] : memref<65536x128xf32, #tpu.memory_space<hbm>> -> memref<65536x128xf32, #tpu.memory_space<hbm>>
    tpu.wait_indirect_dma semaphore(%arg7 : memref<!tpu.dma_semaphore, #tpu.memory_space<semaphore_mem>>) src(%dma_wait3A_164 : memref<65536x128xf32, #tpu.memory_space<hbm>>) dst(%dma_wait3A_158 : memref<128x128xf32, #tpu.memory_space<vmem>>)
    %mul3A_165 = arith.constant 1024 : i32
    %mul3A_166 = arith.muli %add3A, %mul3A_165 : i32
    %add3A_167 = arith.constant 512 : i32
    %add3A_168 = arith.addi %mul3A_166, %add3A_167 : i32
    "tpu.region"() ({
      %run_scoped3A = tpu.sem_alloc : memref<!tpu.dma_semaphore, #tpu.memory_space<semaphore_mem>>
      %dma_start3A_169 = arith.constant 0 : i32
      %dma_start3A_170 = tpu.memref_slice %arg4[%add3A_168, %dma_start3A_169] : memref<32768x128xf32, #tpu.memory_space<hbm>> -> memref<512x128xf32, #tpu.memory_space<hbm>>
      %dma_start3A_171 = arith.constant 0 : i32
      %dma_start3A_172 = tpu.memref_slice %arg4[%add3A_168, %dma_start3A_171] : memref<32768x128xf32, #tpu.memory_space<hbm>> -> memref<512x128xf32, #tpu.memory_space<hbm>>
      tpu.enqueue_dma source(%arg6 : memref<512x128xf32, #tpu.memory_space<vmem>>) target(%dma_start3A_172 : memref<512x128xf32, #tpu.memory_space<hbm>>) target_semaphore(%run_scoped3A : memref<!tpu.dma_semaphore, #tpu.memory_space<semaphore_mem>>)
      %dma_wait3A_173 = arith.constant 0 : i32
      %dma_wait3A_174 = tpu.memref_slice %arg4[%add3A_168, %dma_wait3A_173] : memref<32768x128xf32, #tpu.memory_space<hbm>> -> memref<512x128xf32, #tpu.memory_space<hbm>>
      %dma_wait3A_175 = arith.constant 0 : i32
      %dma_wait3A_176 = tpu.memref_slice %arg4[%add3A_168, %dma_wait3A_175] : memref<32768x128xf32, #tpu.memory_space<hbm>> -> memref<512x128xf32, #tpu.memory_space<hbm>>
      tpu.wait_dma2 semaphore(%run_scoped3A : memref<!tpu.dma_semaphore, #tpu.memory_space<semaphore_mem>>) src(%arg6 : memref<512x128xf32, #tpu.memory_space<vmem>>) dst(%dma_wait3A_176 : memref<512x128xf32, #tpu.memory_space<hbm>>)
      tpu.yield
    }) : () -> ()
    return
  }
}

module attributes {stable_mosaic.version = 14 : i64} {
  func.func @kern(%arg0: i32, %arg1: memref<8x3x64x128xf32, #tpu.memory_space<vmem>>, %arg2: memref<8x3x256xf32, #tpu.memory_space<vmem>>) attributes {dimension_semantics = [#tpu.dimension_semantics<arbitrary>], iteration_bounds = array<i64: 1>, scalar_prefetch = 0 : i64, scratch_operands = 0 : i64, tpu.core_type = #tpu.core_type<tc>, window_params = [{pipeline_mode = #tpu.pipeline_mode<synchronous>, transform_indices = @transform_0, window_bounds = array<i64: 8, 3, 64, 128>}, {pipeline_mode = #tpu.pipeline_mode<synchronous>, transform_indices = @transform_1, window_bounds = array<i64: 8, 3, 256>}]} {
    %get3A = arith.constant 0 : index
    %get3A_0 = arith.constant 0 : index
    %get3A_1 = arith.constant 0 : index
    %get3A_2 = arith.constant 0 : index
    %get3A_3 = vector.load %arg1[%get3A, %get3A_0, %get3A_1, %get3A_2] : memref<8x3x64x128xf32, #tpu.memory_space<vmem>>, vector<8x3x64x128xf32>
    %iota3A = tpu.iota {dimensions = array<i32: 1>} : vector<8x64x128xi32>
    %mul3A = arith.constant 128 : i32
    %mul3A_4 = vector.broadcast %mul3A : i32 to vector<8x64x128xi32>
    %mul3A_5 = arith.muli %iota3A, %mul3A_4 : vector<8x64x128xi32>
    %iota3A_6 = tpu.iota {dimensions = array<i32: 2>} : vector<8x64x128xi32>
    %add3A = arith.addi %mul3A_5, %iota3A_6 : vector<8x64x128xi32>
    %iota3A_7 = tpu.iota {dimensions = array<i32: 2>} : vector<8x3x256xi32>
    %broadcast_in_dim3A = arith.constant 1.000000e+10 : f32
    %broadcast_in_dim3A_8 = vector.broadcast %broadcast_in_dim3A : f32 to vector<8x64x128xf32>
    %broadcast_in_dim3A_9 = arith.constant 0 : i32
    %broadcast_in_dim3A_10 = vector.broadcast %broadcast_in_dim3A_9 : i32 to vector<8x1x1xi32>
    %broadcast_in_dim3A_11 = arith.constant 0.000000e+00 : f32
    %broadcast_in_dim3A_12 = vector.broadcast %broadcast_in_dim3A_11 : f32 to vector<8x3x256xf32>
    %scan3A = arith.constant 0 : i32
    %scan3A_13 = arith.constant 256 : i32
    %scan3A_14 = arith.addi %scan3A, %scan3A_13 : i32
    %scan3A_15 = arith.constant 1 : i32
    %scan3A_16:3 = scf.for %scan3A_21 = %scan3A to %scan3A_14 step %scan3A_15 iter_args(%scan3A_22 = %broadcast_in_dim3A_8, %scan3A_23 = %broadcast_in_dim3A_10, %scan3A_24 = %broadcast_in_dim3A_12) -> (vector<8x64x128xf32>, vector<8x1x1xi32>, vector<8x3x256xf32>)  : i32 {
      %eq3A = vector.broadcast %scan3A_23 : vector<8x1x1xi32> to vector<8x64x128xi32>
      %eq3A_25 = arith.cmpi eq, %add3A, %eq3A : vector<8x64x128xi32>
      %broadcast_in_dim3A_26 = vector.shape_cast %eq3A_25 : vector<8x64x128xi1> to vector<8x1x64x128xi1>
      %jit3A = arith.constant 0.000000e+00 : f32
      %broadcast_in_dim3A_27 = vector.shape_cast %broadcast_in_dim3A_26 : vector<8x1x64x128xi1> to vector<8x1x64x128xi1>
      %broadcast_in_dim3A_28 = vector.broadcast %broadcast_in_dim3A_27 : vector<8x1x64x128xi1> to vector<8x3x64x128xi1>
      %broadcast_in_dim3A_29 = vector.broadcast %jit3A : f32 to vector<8x3x64x128xf32>
      %select_n3A = arith.select %broadcast_in_dim3A_28, %get3A_3, %broadcast_in_dim3A_29 : vector<8x3x64x128xi1>, vector<8x3x64x128xf32>
      %reduce_sum3A = arith.constant dense<0.000000e+00> : vector<8x3x64xf32>
      %reduce_sum3A_30 = vector.multi_reduction <add>, %select_n3A, %reduce_sum3A [3] : vector<8x3x64x128xf32> to vector<8x3x64xf32>
      %broadcast_in_dim3A_31 = vector.shape_cast %reduce_sum3A_30 : vector<8x3x64xf32> to vector<8x3x64x1xf32>
      %reduce_sum3A_32 = arith.constant dense<0.000000e+00> : vector<8x3x1xf32>
      %reduce_sum3A_33 = vector.multi_reduction <add>, %broadcast_in_dim3A_31, %reduce_sum3A_32 [2] : vector<8x3x64x1xf32> to vector<8x3x1xf32>
      %broadcast_in_dim3A_34 = vector.shape_cast %reduce_sum3A_33 : vector<8x3x1xf32> to vector<8x3x1x1xf32>
      %eq3A_35 = vector.broadcast %scan3A_21 : i32 to vector<8x3x256xi32>
      %eq3A_36 = arith.cmpi eq, %iota3A_7, %eq3A_35 : vector<8x3x256xi32>
      %squeeze3A = vector.shape_cast %broadcast_in_dim3A_34 : vector<8x3x1x1xf32> to vector<8x3x1xf32>
      %broadcast_in_dim3A_37 = vector.shape_cast %squeeze3A : vector<8x3x1xf32> to vector<8x3x1xf32>
      %broadcast_in_dim3A_38 = vector.broadcast %broadcast_in_dim3A_37 : vector<8x3x1xf32> to vector<8x3x256xf32>
      %select_n3A_39 = arith.select %eq3A_36, %broadcast_in_dim3A_38, %scan3A_24 : vector<8x3x256xi1>, vector<8x3x256xf32>
      %sub3A = vector.broadcast %broadcast_in_dim3A_34 : vector<8x3x1x1xf32> to vector<8x3x64x128xf32>
      %sub3A_40 = arith.subf %get3A_3, %sub3A : vector<8x3x64x128xf32>
      %mul3A_41 = arith.mulf %sub3A_40, %sub3A_40 : vector<8x3x64x128xf32>
      %slice3A = vector.extract_strided_slice %mul3A_41 {offsets = [0, 0, 0, 0], sizes = [8, 1, 64, 128], strides = [1, 1, 1, 1]} : vector<8x3x64x128xf32> to vector<8x1x64x128xf32>
      %squeeze3A_42 = vector.shape_cast %slice3A : vector<8x1x64x128xf32> to vector<8x64x128xf32>
      %slice3A_43 = vector.extract_strided_slice %mul3A_41 {offsets = [0, 1, 0, 0], sizes = [8, 1, 64, 128], strides = [1, 1, 1, 1]} : vector<8x3x64x128xf32> to vector<8x1x64x128xf32>
      %squeeze3A_44 = vector.shape_cast %slice3A_43 : vector<8x1x64x128xf32> to vector<8x64x128xf32>
      %add3A_45 = arith.addf %squeeze3A_42, %squeeze3A_44 : vector<8x64x128xf32>
      %slice3A_46 = vector.extract_strided_slice %mul3A_41 {offsets = [0, 2, 0, 0], sizes = [8, 1, 64, 128], strides = [1, 1, 1, 1]} : vector<8x3x64x128xf32> to vector<8x1x64x128xf32>
      %squeeze3A_47 = vector.shape_cast %slice3A_46 : vector<8x1x64x128xf32> to vector<8x64x128xf32>
      %add3A_48 = arith.addf %add3A_45, %squeeze3A_47 : vector<8x64x128xf32>
      %min3A = arith.minimumf %scan3A_22, %add3A_48 : vector<8x64x128xf32>
      %reduce_max3A = arith.constant dense<0xFF800000> : vector<8x64xf32>
      %reduce_max3A_49 = vector.multi_reduction <maximumf>, %min3A, %reduce_max3A [2] : vector<8x64x128xf32> to vector<8x64xf32>
      %broadcast_in_dim3A_50 = vector.shape_cast %reduce_max3A_49 : vector<8x64xf32> to vector<8x64x1xf32>
      %reduce_max3A_51 = arith.constant dense<0xFF800000> : vector<8x1xf32>
      %reduce_max3A_52 = vector.multi_reduction <maximumf>, %broadcast_in_dim3A_50, %reduce_max3A_51 [1] : vector<8x64x1xf32> to vector<8x1xf32>
      %broadcast_in_dim3A_53 = vector.shape_cast %reduce_max3A_52 : vector<8x1xf32> to vector<8x1x1xf32>
      %eq3A_54 = vector.broadcast %broadcast_in_dim3A_53 : vector<8x1x1xf32> to vector<8x64x128xf32>
      %eq3A_55 = arith.cmpf oeq, %min3A, %eq3A_54 : vector<8x64x128xf32>
      %jit3A_56 = arith.constant 8192 : i32
      %broadcast_in_dim3A_57 = vector.broadcast %jit3A_56 : i32 to vector<8x64x128xi32>
      %select_n3A_58 = arith.select %eq3A_55, %add3A, %broadcast_in_dim3A_57 : vector<8x64x128xi1>, vector<8x64x128xi32>
      %reduce_min3A = arith.constant dense<2147483647> : vector<8x64xi32>
      %reduce_min3A_59 = vector.multi_reduction <minsi>, %select_n3A_58, %reduce_min3A [2] : vector<8x64x128xi32> to vector<8x64xi32>
      %broadcast_in_dim3A_60 = vector.shape_cast %reduce_min3A_59 : vector<8x64xi32> to vector<8x64x1xi32>
      %reduce_min3A_61 = arith.constant dense<2147483647> : vector<8x1xi32>
      %reduce_min3A_62 = vector.multi_reduction <minsi>, %broadcast_in_dim3A_60, %reduce_min3A_61 [1] : vector<8x64x1xi32> to vector<8x1xi32>
      %broadcast_in_dim3A_63 = vector.shape_cast %reduce_min3A_62 : vector<8x1xi32> to vector<8x1x1xi32>
      scf.yield %min3A, %broadcast_in_dim3A_63, %select_n3A_39 : vector<8x64x128xf32>, vector<8x1x1xi32>, vector<8x3x256xf32>
    }
    %scan3A_17 = arith.constant 256 : i32
    %swap3A = arith.constant 0 : index
    %swap3A_18 = arith.constant 0 : index
    %swap3A_19 = arith.constant 0 : index
    %swap3A_20 = vector.load %arg2[%swap3A, %swap3A_18, %swap3A_19] : memref<8x3x256xf32, #tpu.memory_space<vmem>>, vector<8x3x256xf32>
    tpu.vector_store %arg2[%swap3A, %swap3A_18, %swap3A_19], %scan3A_16#2 {strides = array<i32>} : memref<8x3x256xf32, #tpu.memory_space<vmem>>, vector<8x3x256xf32>,
    return
  }
  func.func @transform_0(%arg0: i32) -> (i32, i32, i32, i32) {
    %c0_i32 = arith.constant 0 : i32
    %c0_i32_0 = arith.constant 0 : i32
    %c0_i32_1 = arith.constant 0 : i32
    %c0_i32_2 = arith.constant 0 : i32
    %c0_i32_3 = arith.constant 0 : i32
    return %c0_i32, %c0_i32_0, %c0_i32_1, %c0_i32_2 : i32, i32, i32, i32
  }
  func.func @transform_1(%arg0: i32) -> (i32, i32, i32) {
    %c0_i32 = arith.constant 0 : i32
    %c0_i32_0 = arith.constant 0 : i32
    %c0_i32_1 = arith.constant 0 : i32
    %c0_i32_2 = arith.constant 0 : i32
    return %c0_i32, %c0_i32_0, %c0_i32_1 : i32, i32, i32
  }
}

module attributes {stable_mosaic.version = 14 : i64} {
  func.func @kern(%arg0: i32, %arg1: i32, %arg2: memref<1x256x3xf32, #tpu.memory_space<vmem>>, %arg3: memref<1x3x8192xf32, #tpu.memory_space<vmem>>, %arg4: memref<1x1x256x16xi32, #tpu.memory_space<vmem>>) attributes {dimension_semantics = [#tpu.dimension_semantics<arbitrary>, #tpu.dimension_semantics<arbitrary>], iteration_bounds = array<i64: 8, 1>, scalar_prefetch = 0 : i64, scratch_operands = 0 : i64, tpu.core_type = #tpu.core_type<tc>, window_params = [{transform_indices = @transform_0, window_bounds = array<i64: 1, 256, 3>}, {transform_indices = @transform_1, window_bounds = array<i64: 1, 3, 8192>}, {transform_indices = @transform_2, window_bounds = array<i64: 1, 1, 256, 16>}]} {
    %get3A = arith.constant 0 : index
    %get3A_0 = arith.constant 0 : index
    %get3A_1 = arith.constant 0 : index
    %get3A_2 = vector.load %arg2[%get3A, %get3A_0, %get3A_1] : memref<1x256x3xf32, #tpu.memory_space<vmem>>, vector<1x256x3xf32>
    %get3A_3 = vector.shape_cast %get3A_2 : vector<1x256x3xf32> to vector<256x3xf32>
    %slice3A = vector.extract_strided_slice %get3A_3 {offsets = [0, 0], sizes = [256, 1], strides = [1, 1]} : vector<256x3xf32> to vector<256x1xf32>
    %get3A_4 = arith.constant 0 : index
    %get3A_5 = arith.constant 0 : index
    %get3A_6 = arith.constant 0 : index
    %get3A_7 = vector.load %arg3[%get3A_4, %get3A_5, %get3A_6] : memref<1x3x8192xf32, #tpu.memory_space<vmem>>, vector<1x1x1024xf32>
    %get3A_8 = vector.shape_cast %get3A_7 : vector<1x1x1024xf32> to vector<1x1024xf32>
    %sub3A = vector.broadcast %slice3A : vector<256x1xf32> to vector<256x1024xf32>
    %sub3A_9 = vector.broadcast %get3A_8 : vector<1x1024xf32> to vector<256x1024xf32>
    %sub3A_10 = arith.subf %sub3A, %sub3A_9 : vector<256x1024xf32>
    %slice3A_11 = vector.extract_strided_slice %get3A_3 {offsets = [0, 1], sizes = [256, 1], strides = [1, 1]} : vector<256x3xf32> to vector<256x1xf32>
    %get3A_12 = arith.constant 0 : index
    %get3A_13 = arith.constant 1 : index
    %get3A_14 = arith.constant 0 : index
    %get3A_15 = vector.load %arg3[%get3A_12, %get3A_13, %get3A_14] : memref<1x3x8192xf32, #tpu.memory_space<vmem>>, vector<1x1x1024xf32>
    %get3A_16 = vector.shape_cast %get3A_15 : vector<1x1x1024xf32> to vector<1x1024xf32>
    %sub3A_17 = vector.broadcast %slice3A_11 : vector<256x1xf32> to vector<256x1024xf32>
    %sub3A_18 = vector.broadcast %get3A_16 : vector<1x1024xf32> to vector<256x1024xf32>
    %sub3A_19 = arith.subf %sub3A_17, %sub3A_18 : vector<256x1024xf32>
    %slice3A_20 = vector.extract_strided_slice %get3A_3 {offsets = [0, 2], sizes = [256, 1], strides = [1, 1]} : vector<256x3xf32> to vector<256x1xf32>
    %get3A_21 = arith.constant 0 : index
    %get3A_22 = arith.constant 2 : index
    %get3A_23 = arith.constant 0 : index
    %get3A_24 = vector.load %arg3[%get3A_21, %get3A_22, %get3A_23] : memref<1x3x8192xf32, #tpu.memory_space<vmem>>, vector<1x1x1024xf32>
    %get3A_25 = vector.shape_cast %get3A_24 : vector<1x1x1024xf32> to vector<1x1024xf32>
    %sub3A_26 = vector.broadcast %slice3A_20 : vector<256x1xf32> to vector<256x1024xf32>
    %sub3A_27 = vector.broadcast %get3A_25 : vector<1x1024xf32> to vector<256x1024xf32>
    %sub3A_28 = arith.subf %sub3A_26, %sub3A_27 : vector<256x1024xf32>
    %mul3A = arith.mulf %sub3A_10, %sub3A_10 : vector<256x1024xf32>
    %mul3A_29 = arith.mulf %sub3A_19, %sub3A_19 : vector<256x1024xf32>
    %add3A = arith.addf %mul3A, %mul3A_29 : vector<256x1024xf32>
    %mul3A_30 = arith.mulf %sub3A_28, %sub3A_28 : vector<256x1024xf32>
    %add3A_31 = arith.addf %add3A, %mul3A_30 : vector<256x1024xf32>
    %iota3A = tpu.iota {dimensions = array<i32: 1>} : vector<256x1024xi32>
    %add3A_32 = arith.constant 0 : i32
    %add3A_33 = vector.broadcast %add3A_32 : i32 to vector<256x1024xi32>
    %add3A_34 = arith.addi %iota3A, %add3A_33 : vector<256x1024xi32>
    %le3A = arith.constant 1.000000e+00 : f32
    %le3A_35 = vector.broadcast %le3A : f32 to vector<256x1024xf32>
    %le3A_36 = arith.cmpf ole, %add3A_31, %le3A_35 : vector<256x1024xf32>
    %jit3A = arith.constant 8192 : i32
    %broadcast_in_dim3A = vector.broadcast %jit3A : i32 to vector<256x1024xi32>
    %select_n3A = arith.select %le3A_36, %add3A_34, %broadcast_in_dim3A : vector<256x1024xi1>, vector<256x1024xi32>
    %lt3A = arith.constant 8192 : i32
    %lt3A_37 = vector.broadcast %lt3A : i32 to vector<256x1024xi32>
    %lt3A_38 = arith.cmpi slt, %select_n3A, %lt3A_37 : vector<256x1024xi32>
    %convert_element_type3A = arith.extui %lt3A_38 : vector<256x1024xi1> to vector<256x1024xi32>
    %convert_element_type3A_39 = arith.sitofp %convert_element_type3A : vector<256x1024xi32> to vector<256x1024xf32>
    %reduce_sum3A = arith.constant dense<0.000000e+00> : vector<256xf32>
    %reduce_sum3A_40 = vector.multi_reduction <add>, %convert_element_type3A_39, %reduce_sum3A [1] : vector<256x1024xf32> to vector<256xf32>
    %broadcast_in_dim3A_41 = vector.shape_cast %reduce_sum3A_40 : vector<256xf32> to vector<256x1xf32>
    %reduce_min3A = arith.constant dense<0x7F800000> : vector<1xf32>
    %reduce_min3A_42 = vector.multi_reduction <minimumf>, %broadcast_in_dim3A_41, %reduce_min3A [0] : vector<256x1xf32> to vector<1xf32>
    %broadcast_in_dim3A_43 = vector.shape_cast %reduce_min3A_42 : vector<1xf32> to vector<1x1xf32>
    %squeeze3A = vector.extract %broadcast_in_dim3A_43[0, 0] : f32 from vector<1x1xf32>
    %lt3A_44 = arith.constant 1.600000e+01 : f32
    %lt3A_45 = arith.cmpf olt, %squeeze3A, %lt3A_44 : f32
    %not3A = arith.constant true
    %not3A_46 = arith.xori %lt3A_45, %not3A : i1
    %convert_element_type3A_47 = arith.extui %not3A_46 : i1 to i32
    %cond3A = arith.constant 0 : i32
    %cond3A_48 = arith.cmpi ne, %convert_element_type3A_47, %cond3A : i32
    scf.if %cond3A_48 {
      %reduce_min3A_52 = arith.constant dense<2147483647> : vector<256xi32>
      %reduce_min3A_53 = vector.multi_reduction <minsi>, %select_n3A, %reduce_min3A_52 [1] : vector<256x1024xi32> to vector<256xi32>
      %broadcast_in_dim3A_54 = vector.shape_cast %reduce_min3A_53 : vector<256xi32> to vector<256x1xi32>
      %eq3A = arith.constant 8192 : i32
      %eq3A_55 = vector.broadcast %eq3A : i32 to vector<256x1xi32>
      %eq3A_56 = arith.cmpi eq, %broadcast_in_dim3A_54, %eq3A_55 : vector<256x1xi32>
      %jit3A_57 = arith.constant 0 : i32
      %broadcast_in_dim3A_58 = vector.broadcast %jit3A_57 : i32 to vector<256x1xi32>
      %select_n3A_59 = arith.select %eq3A_56, %broadcast_in_dim3A_58, %broadcast_in_dim3A_54 : vector<256x1xi1>, vector<256x1xi32>
      %mul3A_60 = arith.constant 8192 : i32
      %mul3A_61 = arith.muli %arg0, %mul3A_60 : i32
      %add3A_62 = vector.broadcast %mul3A_61 : i32 to vector<256x1xi32>
      %add3A_63 = arith.addi %select_n3A_59, %add3A_62 : vector<256x1xi32>
      %swap3A = arith.constant 0 : index
      %swap3A_64 = arith.constant 0 : index
      %swap3A_65 = arith.constant 0 : index
      %swap3A_66 = arith.constant 0 : index
      %swap3A_67 = vector.load %arg4[%swap3A, %swap3A_64, %swap3A_65, %swap3A_66] : memref<1x1x256x16xi32, #tpu.memory_space<vmem>>, vector<1x1x256x1xi32>
      %swap3A_68 = vector.shape_cast %swap3A_67 : vector<1x1x256x1xi32> to vector<256x1xi32>
      %swap3A_69 = vector.shape_cast %add3A_63 : vector<256x1xi32> to vector<1x1x256x1xi32>
      tpu.vector_store %arg4[%swap3A, %swap3A_64, %swap3A_65, %swap3A_66], %swap3A_69 {strides = array<i32>} : memref<1x1x256x16xi32, #tpu.memory_space<vmem>>, vector<1x1x256x1xi32>,
      %gt3A = vector.broadcast %broadcast_in_dim3A_54 : vector<256x1xi32> to vector<256x1024xi32>
      %gt3A_70 = arith.cmpi sgt, %select_n3A, %gt3A : vector<256x1024xi32>
      %jit3A_71 = arith.constant 8192 : i32
      %broadcast_in_dim3A_72 = vector.broadcast %jit3A_71 : i32 to vector<256x1024xi32>
      %select_n3A_73 = arith.select %gt3A_70, %select_n3A, %broadcast_in_dim3A_72 : vector<256x1024xi1>, vector<256x1024xi32>
      %reduce_min3A_74 = arith.constant dense<2147483647> : vector<256xi32>
      %reduce_min3A_75 = vector.multi_reduction <minsi>, %select_n3A_73, %reduce_min3A_74 [1] : vector<256x1024xi32> to vector<256xi32>
      %broadcast_in_dim3A_76 = vector.shape_cast %reduce_min3A_75 : vector<256xi32> to vector<256x1xi32>
      %eq3A_77 = arith.constant 8192 : i32
      %eq3A_78 = vector.broadcast %eq3A_77 : i32 to vector<256x1xi32>
      %eq3A_79 = arith.cmpi eq, %broadcast_in_dim3A_76, %eq3A_78 : vector<256x1xi32>
      %select_n3A_80 = arith.select %eq3A_79, %select_n3A_59, %broadcast_in_dim3A_76 : vector<256x1xi1>, vector<256x1xi32>
      %mul3A_81 = arith.constant 8192 : i32
      %mul3A_82 = arith.muli %arg0, %mul3A_81 : i32
      %add3A_83 = vector.broadcast %mul3A_82 : i32 to vector<256x1xi32>
      %add3A_84 = arith.addi %select_n3A_80, %add3A_83 : vector<256x1xi32>
      %swap3A_85 = arith.constant 0 : index
      %swap3A_86 = arith.constant 0 : index
      %swap3A_87 = arith.constant 0 : index
      %swap3A_88 = arith.constant 1 : index
      %swap3A_89 = vector.load %arg4[%swap3A_85, %swap3A_86, %swap3A_87, %swap3A_88] : memref<1x1x256x16xi32, #tpu.memory_space<vmem>>, vector<1x1x256x1xi32>
      %swap3A_90 = vector.shape_cast %swap3A_89 : vector<1x1x256x1xi32> to vector<256x1xi32>
      %swap3A_91 = vector.shape_cast %add3A_84 : vector<256x1xi32> to vector<1x1x256x1xi32>
      tpu.vector_store %arg4[%swap3A_85, %swap3A_86, %swap3A_87, %swap3A_88], %swap3A_91 {strides = array<i32>} : memref<1x1x256x16xi32, #tpu.memory_space<vmem>>, vector<1x1x256x1xi32>,
      %gt3A_92 = vector.broadcast %broadcast_in_dim3A_76 : vector<256x1xi32> to vector<256x1024xi32>
      %gt3A_93 = arith.cmpi sgt, %select_n3A, %gt3A_92 : vector<256x1024xi32>
      %jit3A_94 = arith.constant 8192 : i32
      %broadcast_in_dim3A_95 = vector.broadcast %jit3A_94 : i32 to vector<256x1024xi32>
      %select_n3A_96 = arith.select %gt3A_93, %select_n3A, %broadcast_in_dim3A_95 : vector<256x1024xi1>, vector<256x1024xi32>
      %reduce_min3A_97 = arith.constant dense<2147483647> : vector<256xi32>
      %reduce_min3A_98 = vector.multi_reduction <minsi>, %select_n3A_96, %reduce_min3A_97 [1] : vector<256x1024xi32> to vector<256xi32>
      %broadcast_in_dim3A_99 = vector.shape_cast %reduce_min3A_98 : vector<256xi32> to vector<256x1xi32>
      %eq3A_100 = arith.constant 8192 : i32
      %eq3A_101 = vector.broadcast %eq3A_100 : i32 to vector<256x1xi32>
      %eq3A_102 = arith.cmpi eq, %broadcast_in_dim3A_99, %eq3A_101 : vector<256x1xi32>
      %select_n3A_103 = arith.select %eq3A_102, %select_n3A_59, %broadcast_in_dim3A_99 : vector<256x1xi1>, vector<256x1xi32>
      %mul3A_104 = arith.constant 8192 : i32
      %mul3A_105 = arith.muli %arg0, %mul3A_104 : i32
      %add3A_106 = vector.broadcast %mul3A_105 : i32 to vector<256x1xi32>
      %add3A_107 = arith.addi %select_n3A_103, %add3A_106 : vector<256x1xi32>
      %swap3A_108 = arith.constant 0 : index
      %swap3A_109 = arith.constant 0 : index
      %swap3A_110 = arith.constant 0 : index
      %swap3A_111 = arith.constant 2 : index
      %swap3A_112 = vector.load %arg4[%swap3A_108, %swap3A_109, %swap3A_110, %swap3A_111] : memref<1x1x256x16xi32, #tpu.memory_space<vmem>>, vector<1x1x256x1xi32>
      %swap3A_113 = vector.shape_cast %swap3A_112 : vector<1x1x256x1xi32> to vector<256x1xi32>
      %swap3A_114 = vector.shape_cast %add3A_107 : vector<256x1xi32> to vector<1x1x256x1xi32>
      tpu.vector_store %arg4[%swap3A_108, %swap3A_109, %swap3A_110, %swap3A_111], %swap3A_114 {strides = array<i32>} : memref<1x1x256x16xi32, #tpu.memory_space<vmem>>, vector<1x1x256x1xi32>,
      %gt3A_115 = vector.broadcast %broadcast_in_dim3A_99 : vector<256x1xi32> to vector<256x1024xi32>
      %gt3A_116 = arith.cmpi sgt, %select_n3A, %gt3A_115 : vector<256x1024xi32>
      %jit3A_117 = arith.constant 8192 : i32
      %broadcast_in_dim3A_118 = vector.broadcast %jit3A_117 : i32 to vector<256x1024xi32>
      %select_n3A_119 = arith.select %gt3A_116, %select_n3A, %broadcast_in_dim3A_118 : vector<256x1024xi1>, vector<256x1024xi32>
      %reduce_min3A_120 = arith.constant dense<2147483647> : vector<256xi32>
      %reduce_min3A_121 = vector.multi_reduction <minsi>, %select_n3A_119, %reduce_min3A_120 [1] : vector<256x1024xi32> to vector<256xi32>
      %broadcast_in_dim3A_122 = vector.shape_cast %reduce_min3A_121 : vector<256xi32> to vector<256x1xi32>
      %eq3A_123 = arith.constant 8192 : i32
      %eq3A_124 = vector.broadcast %eq3A_123 : i32 to vector<256x1xi32>
      %eq3A_125 = arith.cmpi eq, %broadcast_in_dim3A_122, %eq3A_124 : vector<256x1xi32>
      %select_n3A_126 = arith.select %eq3A_125, %select_n3A_59, %broadcast_in_dim3A_122 : vector<256x1xi1>, vector<256x1xi32>
      %mul3A_127 = arith.constant 8192 : i32
      %mul3A_128 = arith.muli %arg0, %mul3A_127 : i32
      %add3A_129 = vector.broadcast %mul3A_128 : i32 to vector<256x1xi32>
      %add3A_130 = arith.addi %select_n3A_126, %add3A_129 : vector<256x1xi32>
      %swap3A_131 = arith.constant 0 : index
      %swap3A_132 = arith.constant 0 : index
      %swap3A_133 = arith.constant 0 : index
      %swap3A_134 = arith.constant 3 : index
      %swap3A_135 = vector.load %arg4[%swap3A_131, %swap3A_132, %swap3A_133, %swap3A_134] : memref<1x1x256x16xi32, #tpu.memory_space<vmem>>, vector<1x1x256x1xi32>
      %swap3A_136 = vector.shape_cast %swap3A_135 : vector<1x1x256x1xi32> to vector<256x1xi32>
      %swap3A_137 = vector.shape_cast %add3A_130 : vector<256x1xi32> to vector<1x1x256x1xi32>
      tpu.vector_store %arg4[%swap3A_131, %swap3A_132, %swap3A_133, %swap3A_134], %swap3A_137 {strides = array<i32>} : memref<1x1x256x16xi32, #tpu.memory_space<vmem>>, vector<1x1x256x1xi32>,
      %gt3A_138 = vector.broadcast %broadcast_in_dim3A_122 : vector<256x1xi32> to vector<256x1024xi32>
      %gt3A_139 = arith.cmpi sgt, %select_n3A, %gt3A_138 : vector<256x1024xi32>
      %jit3A_140 = arith.constant 8192 : i32
      %broadcast_in_dim3A_141 = vector.broadcast %jit3A_140 : i32 to vector<256x1024xi32>
      %select_n3A_142 = arith.select %gt3A_139, %select_n3A, %broadcast_in_dim3A_141 : vector<256x1024xi1>, vector<256x1024xi32>
      %reduce_min3A_143 = arith.constant dense<2147483647> : vector<256xi32>
      %reduce_min3A_144 = vector.multi_reduction <minsi>, %select_n3A_142, %reduce_min3A_143 [1] : vector<256x1024xi32> to vector<256xi32>
      %broadcast_in_dim3A_145 = vector.shape_cast %reduce_min3A_144 : vector<256xi32> to vector<256x1xi32>
      %eq3A_146 = arith.constant 8192 : i32
      %eq3A_147 = vector.broadcast %eq3A_146 : i32 to vector<256x1xi32>
      %eq3A_148 = arith.cmpi eq, %broadcast_in_dim3A_145, %eq3A_147 : vector<256x1xi32>
      %select_n3A_149 = arith.select %eq3A_148, %select_n3A_59, %broadcast_in_dim3A_145 : vector<256x1xi1>, vector<256x1xi32>
      %mul3A_150 = arith.constant 8192 : i32
      %mul3A_151 = arith.muli %arg0, %mul3A_150 : i32
      %add3A_152 = vector.broadcast %mul3A_151 : i32 to vector<256x1xi32>
      %add3A_153 = arith.addi %select_n3A_149, %add3A_152 : vector<256x1xi32>
      %swap3A_154 = arith.constant 0 : index
      %swap3A_155 = arith.constant 0 : index
      %swap3A_156 = arith.constant 0 : index
      %swap3A_157 = arith.constant 4 : index
      %swap3A_158 = vector.load %arg4[%swap3A_154, %swap3A_155, %swap3A_156, %swap3A_157] : memref<1x1x256x16xi32, #tpu.memory_space<vmem>>, vector<1x1x256x1xi32>
      %swap3A_159 = vector.shape_cast %swap3A_158 : vector<1x1x256x1xi32> to vector<256x1xi32>
      %swap3A_160 = vector.shape_cast %add3A_153 : vector<256x1xi32> to vector<1x1x256x1xi32>
      tpu.vector_store %arg4[%swap3A_154, %swap3A_155, %swap3A_156, %swap3A_157], %swap3A_160 {strides = array<i32>} : memref<1x1x256x16xi32, #tpu.memory_space<vmem>>, vector<1x1x256x1xi32>,
      %gt3A_161 = vector.broadcast %broadcast_in_dim3A_145 : vector<256x1xi32> to vector<256x1024xi32>
      %gt3A_162 = arith.cmpi sgt, %select_n3A, %gt3A_161 : vector<256x1024xi32>
      %jit3A_163 = arith.constant 8192 : i32
      %broadcast_in_dim3A_164 = vector.broadcast %jit3A_163 : i32 to vector<256x1024xi32>
      %select_n3A_165 = arith.select %gt3A_162, %select_n3A, %broadcast_in_dim3A_164 : vector<256x1024xi1>, vector<256x1024xi32>
      %reduce_min3A_166 = arith.constant dense<2147483647> : vector<256xi32>
      %reduce_min3A_167 = vector.multi_reduction <minsi>, %select_n3A_165, %reduce_min3A_166 [1] : vector<256x1024xi32> to vector<256xi32>
      %broadcast_in_dim3A_168 = vector.shape_cast %reduce_min3A_167 : vector<256xi32> to vector<256x1xi32>
      %eq3A_169 = arith.constant 8192 : i32
      %eq3A_170 = vector.broadcast %eq3A_169 : i32 to vector<256x1xi32>
      %eq3A_171 = arith.cmpi eq, %broadcast_in_dim3A_168, %eq3A_170 : vector<256x1xi32>
      %select_n3A_172 = arith.select %eq3A_171, %select_n3A_59, %broadcast_in_dim3A_168 : vector<256x1xi1>, vector<256x1xi32>
      %mul3A_173 = arith.constant 8192 : i32
      %mul3A_174 = arith.muli %arg0, %mul3A_173 : i32
      %add3A_175 = vector.broadcast %mul3A_174 : i32 to vector<256x1xi32>
      %add3A_176 = arith.addi %select_n3A_172, %add3A_175 : vector<256x1xi32>
      %swap3A_177 = arith.constant 0 : index
      %swap3A_178 = arith.constant 0 : index
      %swap3A_179 = arith.constant 0 : index
      %swap3A_180 = arith.constant 5 : index
      %swap3A_181 = vector.load %arg4[%swap3A_177, %swap3A_178, %swap3A_179, %swap3A_180] : memref<1x1x256x16xi32, #tpu.memory_space<vmem>>, vector<1x1x256x1xi32>
      %swap3A_182 = vector.shape_cast %swap3A_181 : vector<1x1x256x1xi32> to vector<256x1xi32>
      %swap3A_183 = vector.shape_cast %add3A_176 : vector<256x1xi32> to vector<1x1x256x1xi32>
      tpu.vector_store %arg4[%swap3A_177, %swap3A_178, %swap3A_179, %swap3A_180], %swap3A_183 {strides = array<i32>} : memref<1x1x256x16xi32, #tpu.memory_space<vmem>>, vector<1x1x256x1xi32>,
      %gt3A_184 = vector.broadcast %broadcast_in_dim3A_168 : vector<256x1xi32> to vector<256x1024xi32>
      %gt3A_185 = arith.cmpi sgt, %select_n3A, %gt3A_184 : vector<256x1024xi32>
      %jit3A_186 = arith.constant 8192 : i32
      %broadcast_in_dim3A_187 = vector.broadcast %jit3A_186 : i32 to vector<256x1024xi32>
      %select_n3A_188 = arith.select %gt3A_185, %select_n3A, %broadcast_in_dim3A_187 : vector<256x1024xi1>, vector<256x1024xi32>
      %reduce_min3A_189 = arith.constant dense<2147483647> : vector<256xi32>
      %reduce_min3A_190 = vector.multi_reduction <minsi>, %select_n3A_188, %reduce_min3A_189 [1] : vector<256x1024xi32> to vector<256xi32>
      %broadcast_in_dim3A_191 = vector.shape_cast %reduce_min3A_190 : vector<256xi32> to vector<256x1xi32>
      %eq3A_192 = arith.constant 8192 : i32
      %eq3A_193 = vector.broadcast %eq3A_192 : i32 to vector<256x1xi32>
      %eq3A_194 = arith.cmpi eq, %broadcast_in_dim3A_191, %eq3A_193 : vector<256x1xi32>
      %select_n3A_195 = arith.select %eq3A_194, %select_n3A_59, %broadcast_in_dim3A_191 : vector<256x1xi1>, vector<256x1xi32>
      %mul3A_196 = arith.constant 8192 : i32
      %mul3A_197 = arith.muli %arg0, %mul3A_196 : i32
      %add3A_198 = vector.broadcast %mul3A_197 : i32 to vector<256x1xi32>
      %add3A_199 = arith.addi %select_n3A_195, %add3A_198 : vector<256x1xi32>
      %swap3A_200 = arith.constant 0 : index
      %swap3A_201 = arith.constant 0 : index
      %swap3A_202 = arith.constant 0 : index
      %swap3A_203 = arith.constant 6 : index
      %swap3A_204 = vector.load %arg4[%swap3A_200, %swap3A_201, %swap3A_202, %swap3A_203] : memref<1x1x256x16xi32, #tpu.memory_space<vmem>>, vector<1x1x256x1xi32>
      %swap3A_205 = vector.shape_cast %swap3A_204 : vector<1x1x256x1xi32> to vector<256x1xi32>
      %swap3A_206 = vector.shape_cast %add3A_199 : vector<256x1xi32> to vector<1x1x256x1xi32>
      tpu.vector_store %arg4[%swap3A_200, %swap3A_201, %swap3A_202, %swap3A_203], %swap3A_206 {strides = array<i32>} : memref<1x1x256x16xi32, #tpu.memory_space<vmem>>, vector<1x1x256x1xi32>,
      %gt3A_207 = vector.broadcast %broadcast_in_dim3A_191 : vector<256x1xi32> to vector<256x1024xi32>
      %gt3A_208 = arith.cmpi sgt, %select_n3A, %gt3A_207 : vector<256x1024xi32>
      %jit3A_209 = arith.constant 8192 : i32
      %broadcast_in_dim3A_210 = vector.broadcast %jit3A_209 : i32 to vector<256x1024xi32>
      %select_n3A_211 = arith.select %gt3A_208, %select_n3A, %broadcast_in_dim3A_210 : vector<256x1024xi1>, vector<256x1024xi32>
      %reduce_min3A_212 = arith.constant dense<2147483647> : vector<256xi32>
      %reduce_min3A_213 = vector.multi_reduction <minsi>, %select_n3A_211, %reduce_min3A_212 [1] : vector<256x1024xi32> to vector<256xi32>
      %broadcast_in_dim3A_214 = vector.shape_cast %reduce_min3A_213 : vector<256xi32> to vector<256x1xi32>
      %eq3A_215 = arith.constant 8192 : i32
      %eq3A_216 = vector.broadcast %eq3A_215 : i32 to vector<256x1xi32>
      %eq3A_217 = arith.cmpi eq, %broadcast_in_dim3A_214, %eq3A_216 : vector<256x1xi32>
      %select_n3A_218 = arith.select %eq3A_217, %select_n3A_59, %broadcast_in_dim3A_214 : vector<256x1xi1>, vector<256x1xi32>
      %mul3A_219 = arith.constant 8192 : i32
      %mul3A_220 = arith.muli %arg0, %mul3A_219 : i32
      %add3A_221 = vector.broadcast %mul3A_220 : i32 to vector<256x1xi32>
      %add3A_222 = arith.addi %select_n3A_218, %add3A_221 : vector<256x1xi32>
      %swap3A_223 = arith.constant 0 : index
      %swap3A_224 = arith.constant 0 : index
      %swap3A_225 = arith.constant 0 : index
      %swap3A_226 = arith.constant 7 : index
      %swap3A_227 = vector.load %arg4[%swap3A_223, %swap3A_224, %swap3A_225, %swap3A_226] : memref<1x1x256x16xi32, #tpu.memory_space<vmem>>, vector<1x1x256x1xi32>
      %swap3A_228 = vector.shape_cast %swap3A_227 : vector<1x1x256x1xi32> to vector<256x1xi32>
      %swap3A_229 = vector.shape_cast %add3A_222 : vector<256x1xi32> to vector<1x1x256x1xi32>
      tpu.vector_store %arg4[%swap3A_223, %swap3A_224, %swap3A_225, %swap3A_226], %swap3A_229 {strides = array<i32>} : memref<1x1x256x16xi32, #tpu.memory_space<vmem>>, vector<1x1x256x1xi32>,
      %gt3A_230 = vector.broadcast %broadcast_in_dim3A_214 : vector<256x1xi32> to vector<256x1024xi32>
      %gt3A_231 = arith.cmpi sgt, %select_n3A, %gt3A_230 : vector<256x1024xi32>
      %jit3A_232 = arith.constant 8192 : i32
      %broadcast_in_dim3A_233 = vector.broadcast %jit3A_232 : i32 to vector<256x1024xi32>
      %select_n3A_234 = arith.select %gt3A_231, %select_n3A, %broadcast_in_dim3A_233 : vector<256x1024xi1>, vector<256x1024xi32>
      %reduce_min3A_235 = arith.constant dense<2147483647> : vector<256xi32>
      %reduce_min3A_236 = vector.multi_reduction <minsi>, %select_n3A_234, %reduce_min3A_235 [1] : vector<256x1024xi32> to vector<256xi32>
      %broadcast_in_dim3A_237 = vector.shape_cast %reduce_min3A_236 : vector<256xi32> to vector<256x1xi32>
      %eq3A_238 = arith.constant 8192 : i32
      %eq3A_239 = vector.broadcast %eq3A_238 : i32 to vector<256x1xi32>
      %eq3A_240 = arith.cmpi eq, %broadcast_in_dim3A_237, %eq3A_239 : vector<256x1xi32>
      %select_n3A_241 = arith.select %eq3A_240, %select_n3A_59, %broadcast_in_dim3A_237 : vector<256x1xi1>, vector<256x1xi32>
      %mul3A_242 = arith.constant 8192 : i32
      %mul3A_243 = arith.muli %arg0, %mul3A_242 : i32
      %add3A_244 = vector.broadcast %mul3A_243 : i32 to vector<256x1xi32>
      %add3A_245 = arith.addi %select_n3A_241, %add3A_244 : vector<256x1xi32>
      %swap3A_246 = arith.constant 0 : index
      %swap3A_247 = arith.constant 0 : index
      %swap3A_248 = arith.constant 0 : index
      %swap3A_249 = arith.constant 8 : index
      %swap3A_250 = vector.load %arg4[%swap3A_246, %swap3A_247, %swap3A_248, %swap3A_249] : memref<1x1x256x16xi32, #tpu.memory_space<vmem>>, vector<1x1x256x1xi32>
      %swap3A_251 = vector.shape_cast %swap3A_250 : vector<1x1x256x1xi32> to vector<256x1xi32>
      %swap3A_252 = vector.shape_cast %add3A_245 : vector<256x1xi32> to vector<1x1x256x1xi32>
      tpu.vector_store %arg4[%swap3A_246, %swap3A_247, %swap3A_248, %swap3A_249], %swap3A_252 {strides = array<i32>} : memref<1x1x256x16xi32, #tpu.memory_space<vmem>>, vector<1x1x256x1xi32>,
      %gt3A_253 = vector.broadcast %broadcast_in_dim3A_237 : vector<256x1xi32> to vector<256x1024xi32>
      %gt3A_254 = arith.cmpi sgt, %select_n3A, %gt3A_253 : vector<256x1024xi32>
      %jit3A_255 = arith.constant 8192 : i32
      %broadcast_in_dim3A_256 = vector.broadcast %jit3A_255 : i32 to vector<256x1024xi32>
      %select_n3A_257 = arith.select %gt3A_254, %select_n3A, %broadcast_in_dim3A_256 : vector<256x1024xi1>, vector<256x1024xi32>
      %reduce_min3A_258 = arith.constant dense<2147483647> : vector<256xi32>
      %reduce_min3A_259 = vector.multi_reduction <minsi>, %select_n3A_257, %reduce_min3A_258 [1] : vector<256x1024xi32> to vector<256xi32>
      %broadcast_in_dim3A_260 = vector.shape_cast %reduce_min3A_259 : vector<256xi32> to vector<256x1xi32>
      %eq3A_261 = arith.constant 8192 : i32
      %eq3A_262 = vector.broadcast %eq3A_261 : i32 to vector<256x1xi32>
      %eq3A_263 = arith.cmpi eq, %broadcast_in_dim3A_260, %eq3A_262 : vector<256x1xi32>
      %select_n3A_264 = arith.select %eq3A_263, %select_n3A_59, %broadcast_in_dim3A_260 : vector<256x1xi1>, vector<256x1xi32>
      %mul3A_265 = arith.constant 8192 : i32
      %mul3A_266 = arith.muli %arg0, %mul3A_265 : i32
      %add3A_267 = vector.broadcast %mul3A_266 : i32 to vector<256x1xi32>
      %add3A_268 = arith.addi %select_n3A_264, %add3A_267 : vector<256x1xi32>
      %swap3A_269 = arith.constant 0 : index
      %swap3A_270 = arith.constant 0 : index
      %swap3A_271 = arith.constant 0 : index
      %swap3A_272 = arith.constant 9 : index
      %swap3A_273 = vector.load %arg4[%swap3A_269, %swap3A_270, %swap3A_271, %swap3A_272] : memref<1x1x256x16xi32, #tpu.memory_space<vmem>>, vector<1x1x256x1xi32>
      %swap3A_274 = vector.shape_cast %swap3A_273 : vector<1x1x256x1xi32> to vector<256x1xi32>
      %swap3A_275 = vector.shape_cast %add3A_268 : vector<256x1xi32> to vector<1x1x256x1xi32>
      tpu.vector_store %arg4[%swap3A_269, %swap3A_270, %swap3A_271, %swap3A_272], %swap3A_275 {strides = array<i32>} : memref<1x1x256x16xi32, #tpu.memory_space<vmem>>, vector<1x1x256x1xi32>,
      %gt3A_276 = vector.broadcast %broadcast_in_dim3A_260 : vector<256x1xi32> to vector<256x1024xi32>
      %gt3A_277 = arith.cmpi sgt, %select_n3A, %gt3A_276 : vector<256x1024xi32>
      %jit3A_278 = arith.constant 8192 : i32
      %broadcast_in_dim3A_279 = vector.broadcast %jit3A_278 : i32 to vector<256x1024xi32>
      %select_n3A_280 = arith.select %gt3A_277, %select_n3A, %broadcast_in_dim3A_279 : vector<256x1024xi1>, vector<256x1024xi32>
      %reduce_min3A_281 = arith.constant dense<2147483647> : vector<256xi32>
      %reduce_min3A_282 = vector.multi_reduction <minsi>, %select_n3A_280, %reduce_min3A_281 [1] : vector<256x1024xi32> to vector<256xi32>
      %broadcast_in_dim3A_283 = vector.shape_cast %reduce_min3A_282 : vector<256xi32> to vector<256x1xi32>
      %eq3A_284 = arith.constant 8192 : i32
      %eq3A_285 = vector.broadcast %eq3A_284 : i32 to vector<256x1xi32>
      %eq3A_286 = arith.cmpi eq, %broadcast_in_dim3A_283, %eq3A_285 : vector<256x1xi32>
      %select_n3A_287 = arith.select %eq3A_286, %select_n3A_59, %broadcast_in_dim3A_283 : vector<256x1xi1>, vector<256x1xi32>
      %mul3A_288 = arith.constant 8192 : i32
      %mul3A_289 = arith.muli %arg0, %mul3A_288 : i32
      %add3A_290 = vector.broadcast %mul3A_289 : i32 to vector<256x1xi32>
      %add3A_291 = arith.addi %select_n3A_287, %add3A_290 : vector<256x1xi32>
      %swap3A_292 = arith.constant 0 : index
      %swap3A_293 = arith.constant 0 : index
      %swap3A_294 = arith.constant 0 : index
      %swap3A_295 = arith.constant 10 : index
      %swap3A_296 = vector.load %arg4[%swap3A_292, %swap3A_293, %swap3A_294, %swap3A_295] : memref<1x1x256x16xi32, #tpu.memory_space<vmem>>, vector<1x1x256x1xi32>
      %swap3A_297 = vector.shape_cast %swap3A_296 : vector<1x1x256x1xi32> to vector<256x1xi32>
      %swap3A_298 = vector.shape_cast %add3A_291 : vector<256x1xi32> to vector<1x1x256x1xi32>
      tpu.vector_store %arg4[%swap3A_292, %swap3A_293, %swap3A_294, %swap3A_295], %swap3A_298 {strides = array<i32>} : memref<1x1x256x16xi32, #tpu.memory_space<vmem>>, vector<1x1x256x1xi32>,
      %gt3A_299 = vector.broadcast %broadcast_in_dim3A_283 : vector<256x1xi32> to vector<256x1024xi32>
      %gt3A_300 = arith.cmpi sgt, %select_n3A, %gt3A_299 : vector<256x1024xi32>
      %jit3A_301 = arith.constant 8192 : i32
      %broadcast_in_dim3A_302 = vector.broadcast %jit3A_301 : i32 to vector<256x1024xi32>
      %select_n3A_303 = arith.select %gt3A_300, %select_n3A, %broadcast_in_dim3A_302 : vector<256x1024xi1>, vector<256x1024xi32>
      %reduce_min3A_304 = arith.constant dense<2147483647> : vector<256xi32>
      %reduce_min3A_305 = vector.multi_reduction <minsi>, %select_n3A_303, %reduce_min3A_304 [1] : vector<256x1024xi32> to vector<256xi32>
      %broadcast_in_dim3A_306 = vector.shape_cast %reduce_min3A_305 : vector<256xi32> to vector<256x1xi32>
      %eq3A_307 = arith.constant 8192 : i32
      %eq3A_308 = vector.broadcast %eq3A_307 : i32 to vector<256x1xi32>
      %eq3A_309 = arith.cmpi eq, %broadcast_in_dim3A_306, %eq3A_308 : vector<256x1xi32>
      %select_n3A_310 = arith.select %eq3A_309, %select_n3A_59, %broadcast_in_dim3A_306 : vector<256x1xi1>, vector<256x1xi32>
      %mul3A_311 = arith.constant 8192 : i32
      %mul3A_312 = arith.muli %arg0, %mul3A_311 : i32
      %add3A_313 = vector.broadcast %mul3A_312 : i32 to vector<256x1xi32>
      %add3A_314 = arith.addi %select_n3A_310, %add3A_313 : vector<256x1xi32>
      %swap3A_315 = arith.constant 0 : index
      %swap3A_316 = arith.constant 0 : index
      %swap3A_317 = arith.constant 0 : index
      %swap3A_318 = arith.constant 11 : index
      %swap3A_319 = vector.load %arg4[%swap3A_315, %swap3A_316, %swap3A_317, %swap3A_318] : memref<1x1x256x16xi32, #tpu.memory_space<vmem>>, vector<1x1x256x1xi32>
      %swap3A_320 = vector.shape_cast %swap3A_319 : vector<1x1x256x1xi32> to vector<256x1xi32>
      %swap3A_321 = vector.shape_cast %add3A_314 : vector<256x1xi32> to vector<1x1x256x1xi32>
      tpu.vector_store %arg4[%swap3A_315, %swap3A_316, %swap3A_317, %swap3A_318], %swap3A_321 {strides = array<i32>} : memref<1x1x256x16xi32, #tpu.memory_space<vmem>>, vector<1x1x256x1xi32>,
      %gt3A_322 = vector.broadcast %broadcast_in_dim3A_306 : vector<256x1xi32> to vector<256x1024xi32>
      %gt3A_323 = arith.cmpi sgt, %select_n3A, %gt3A_322 : vector<256x1024xi32>
      %jit3A_324 = arith.constant 8192 : i32
      %broadcast_in_dim3A_325 = vector.broadcast %jit3A_324 : i32 to vector<256x1024xi32>
      %select_n3A_326 = arith.select %gt3A_323, %select_n3A, %broadcast_in_dim3A_325 : vector<256x1024xi1>, vector<256x1024xi32>
      %reduce_min3A_327 = arith.constant dense<2147483647> : vector<256xi32>
      %reduce_min3A_328 = vector.multi_reduction <minsi>, %select_n3A_326, %reduce_min3A_327 [1] : vector<256x1024xi32> to vector<256xi32>
      %broadcast_in_dim3A_329 = vector.shape_cast %reduce_min3A_328 : vector<256xi32> to vector<256x1xi32>
      %eq3A_330 = arith.constant 8192 : i32
      %eq3A_331 = vector.broadcast %eq3A_330 : i32 to vector<256x1xi32>
      %eq3A_332 = arith.cmpi eq, %broadcast_in_dim3A_329, %eq3A_331 : vector<256x1xi32>
      %select_n3A_333 = arith.select %eq3A_332, %select_n3A_59, %broadcast_in_dim3A_329 : vector<256x1xi1>, vector<256x1xi32>
      %mul3A_334 = arith.constant 8192 : i32
      %mul3A_335 = arith.muli %arg0, %mul3A_334 : i32
      %add3A_336 = vector.broadcast %mul3A_335 : i32 to vector<256x1xi32>
      %add3A_337 = arith.addi %select_n3A_333, %add3A_336 : vector<256x1xi32>
      %swap3A_338 = arith.constant 0 : index
      %swap3A_339 = arith.constant 0 : index
      %swap3A_340 = arith.constant 0 : index
      %swap3A_341 = arith.constant 12 : index
      %swap3A_342 = vector.load %arg4[%swap3A_338, %swap3A_339, %swap3A_340, %swap3A_341] : memref<1x1x256x16xi32, #tpu.memory_space<vmem>>, vector<1x1x256x1xi32>
      %swap3A_343 = vector.shape_cast %swap3A_342 : vector<1x1x256x1xi32> to vector<256x1xi32>
      %swap3A_344 = vector.shape_cast %add3A_337 : vector<256x1xi32> to vector<1x1x256x1xi32>
      tpu.vector_store %arg4[%swap3A_338, %swap3A_339, %swap3A_340, %swap3A_341], %swap3A_344 {strides = array<i32>} : memref<1x1x256x16xi32, #tpu.memory_space<vmem>>, vector<1x1x256x1xi32>,
      %gt3A_345 = vector.broadcast %broadcast_in_dim3A_329 : vector<256x1xi32> to vector<256x1024xi32>
      %gt3A_346 = arith.cmpi sgt, %select_n3A, %gt3A_345 : vector<256x1024xi32>
      %jit3A_347 = arith.constant 8192 : i32
      %broadcast_in_dim3A_348 = vector.broadcast %jit3A_347 : i32 to vector<256x1024xi32>
      %select_n3A_349 = arith.select %gt3A_346, %select_n3A, %broadcast_in_dim3A_348 : vector<256x1024xi1>, vector<256x1024xi32>
      %reduce_min3A_350 = arith.constant dense<2147483647> : vector<256xi32>
      %reduce_min3A_351 = vector.multi_reduction <minsi>, %select_n3A_349, %reduce_min3A_350 [1] : vector<256x1024xi32> to vector<256xi32>
      %broadcast_in_dim3A_352 = vector.shape_cast %reduce_min3A_351 : vector<256xi32> to vector<256x1xi32>
      %eq3A_353 = arith.constant 8192 : i32
      %eq3A_354 = vector.broadcast %eq3A_353 : i32 to vector<256x1xi32>
      %eq3A_355 = arith.cmpi eq, %broadcast_in_dim3A_352, %eq3A_354 : vector<256x1xi32>
      %select_n3A_356 = arith.select %eq3A_355, %select_n3A_59, %broadcast_in_dim3A_352 : vector<256x1xi1>, vector<256x1xi32>
      %mul3A_357 = arith.constant 8192 : i32
      %mul3A_358 = arith.muli %arg0, %mul3A_357 : i32
      %add3A_359 = vector.broadcast %mul3A_358 : i32 to vector<256x1xi32>
      %add3A_360 = arith.addi %select_n3A_356, %add3A_359 : vector<256x1xi32>
      %swap3A_361 = arith.constant 0 : index
      %swap3A_362 = arith.constant 0 : index
      %swap3A_363 = arith.constant 0 : index
      %swap3A_364 = arith.constant 13 : index
      %swap3A_365 = vector.load %arg4[%swap3A_361, %swap3A_362, %swap3A_363, %swap3A_364] : memref<1x1x256x16xi32, #tpu.memory_space<vmem>>, vector<1x1x256x1xi32>
      %swap3A_366 = vector.shape_cast %swap3A_365 : vector<1x1x256x1xi32> to vector<256x1xi32>
      %swap3A_367 = vector.shape_cast %add3A_360 : vector<256x1xi32> to vector<1x1x256x1xi32>
      tpu.vector_store %arg4[%swap3A_361, %swap3A_362, %swap3A_363, %swap3A_364], %swap3A_367 {strides = array<i32>} : memref<1x1x256x16xi32, #tpu.memory_space<vmem>>, vector<1x1x256x1xi32>,
      %gt3A_368 = vector.broadcast %broadcast_in_dim3A_352 : vector<256x1xi32> to vector<256x1024xi32>
      %gt3A_369 = arith.cmpi sgt, %select_n3A, %gt3A_368 : vector<256x1024xi32>
      %jit3A_370 = arith.constant 8192 : i32
      %broadcast_in_dim3A_371 = vector.broadcast %jit3A_370 : i32 to vector<256x1024xi32>
      %select_n3A_372 = arith.select %gt3A_369, %select_n3A, %broadcast_in_dim3A_371 : vector<256x1024xi1>, vector<256x1024xi32>
      %reduce_min3A_373 = arith.constant dense<2147483647> : vector<256xi32>
      %reduce_min3A_374 = vector.multi_reduction <minsi>, %select_n3A_372, %reduce_min3A_373 [1] : vector<256x1024xi32> to vector<256xi32>
      %broadcast_in_dim3A_375 = vector.shape_cast %reduce_min3A_374 : vector<256xi32> to vector<256x1xi32>
      %eq3A_376 = arith.constant 8192 : i32
      %eq3A_377 = vector.broadcast %eq3A_376 : i32 to vector<256x1xi32>
      %eq3A_378 = arith.cmpi eq, %broadcast_in_dim3A_375, %eq3A_377 : vector<256x1xi32>
      %select_n3A_379 = arith.select %eq3A_378, %select_n3A_59, %broadcast_in_dim3A_375 : vector<256x1xi1>, vector<256x1xi32>
      %mul3A_380 = arith.constant 8192 : i32
      %mul3A_381 = arith.muli %arg0, %mul3A_380 : i32
      %add3A_382 = vector.broadcast %mul3A_381 : i32 to vector<256x1xi32>
      %add3A_383 = arith.addi %select_n3A_379, %add3A_382 : vector<256x1xi32>
      %swap3A_384 = arith.constant 0 : index
      %swap3A_385 = arith.constant 0 : index
      %swap3A_386 = arith.constant 0 : index
      %swap3A_387 = arith.constant 14 : index
      %swap3A_388 = vector.load %arg4[%swap3A_384, %swap3A_385, %swap3A_386, %swap3A_387] : memref<1x1x256x16xi32, #tpu.memory_space<vmem>>, vector<1x1x256x1xi32>
      %swap3A_389 = vector.shape_cast %swap3A_388 : vector<1x1x256x1xi32> to vector<256x1xi32>
      %swap3A_390 = vector.shape_cast %add3A_383 : vector<256x1xi32> to vector<1x1x256x1xi32>
      tpu.vector_store %arg4[%swap3A_384, %swap3A_385, %swap3A_386, %swap3A_387], %swap3A_390 {strides = array<i32>} : memref<1x1x256x16xi32, #tpu.memory_space<vmem>>, vector<1x1x256x1xi32>,
      %gt3A_391 = vector.broadcast %broadcast_in_dim3A_375 : vector<256x1xi32> to vector<256x1024xi32>
      %gt3A_392 = arith.cmpi sgt, %select_n3A, %gt3A_391 : vector<256x1024xi32>
      %jit3A_393 = arith.constant 8192 : i32
      %broadcast_in_dim3A_394 = vector.broadcast %jit3A_393 : i32 to vector<256x1024xi32>
      %select_n3A_395 = arith.select %gt3A_392, %select_n3A, %broadcast_in_dim3A_394 : vector<256x1024xi1>, vector<256x1024xi32>
      %reduce_min3A_396 = arith.constant dense<2147483647> : vector<256xi32>
      %reduce_min3A_397 = vector.multi_reduction <minsi>, %select_n3A_395, %reduce_min3A_396 [1] : vector<256x1024xi32> to vector<256xi32>
      %broadcast_in_dim3A_398 = vector.shape_cast %reduce_min3A_397 : vector<256xi32> to vector<256x1xi32>
      %eq3A_399 = arith.constant 8192 : i32
      %eq3A_400 = vector.broadcast %eq3A_399 : i32 to vector<256x1xi32>
      %eq3A_401 = arith.cmpi eq, %broadcast_in_dim3A_398, %eq3A_400 : vector<256x1xi32>
      %select_n3A_402 = arith.select %eq3A_401, %select_n3A_59, %broadcast_in_dim3A_398 : vector<256x1xi1>, vector<256x1xi32>
      %mul3A_403 = arith.constant 8192 : i32
      %mul3A_404 = arith.muli %arg0, %mul3A_403 : i32
      %add3A_405 = vector.broadcast %mul3A_404 : i32 to vector<256x1xi32>
      %add3A_406 = arith.addi %select_n3A_402, %add3A_405 : vector<256x1xi32>
      %swap3A_407 = arith.constant 0 : index
      %swap3A_408 = arith.constant 0 : index
      %swap3A_409 = arith.constant 0 : index
      %swap3A_410 = arith.constant 15 : index
      %swap3A_411 = vector.load %arg4[%swap3A_407, %swap3A_408, %swap3A_409, %swap3A_410] : memref<1x1x256x16xi32, #tpu.memory_space<vmem>>, vector<1x1x256x1xi32>
      %swap3A_412 = vector.shape_cast %swap3A_411 : vector<1x1x256x1xi32> to vector<256x1xi32>
      %swap3A_413 = vector.shape_cast %add3A_406 : vector<256x1xi32> to vector<1x1x256x1xi32>
      tpu.vector_store %arg4[%swap3A_407, %swap3A_408, %swap3A_409, %swap3A_410], %swap3A_413 {strides = array<i32>} : memref<1x1x256x16xi32, #tpu.memory_space<vmem>>, vector<1x1x256x1xi32>,
    } else {
    }
    %convert_element_type3A_49 = arith.extui %lt3A_45 : i1 to i32
    %cond3A_50 = arith.constant 0 : i32
    %cond3A_51 = arith.cmpi ne, %convert_element_type3A_49, %cond3A_50 : i32
    scf.if %cond3A_51 {
      %slice3A_52 = vector.extract_strided_slice %get3A_3 {offsets = [0, 0], sizes = [256, 1], strides = [1, 1]} : vector<256x3xf32> to vector<256x1xf32>
      %get3A_53 = arith.constant 0 : index
      %get3A_54 = arith.constant 0 : index
      %get3A_55 = arith.constant 1024 : index
      %get3A_56 = vector.load %arg3[%get3A_53, %get3A_54, %get3A_55] : memref<1x3x8192xf32, #tpu.memory_space<vmem>>, vector<1x1x7168xf32>
      %get3A_57 = vector.shape_cast %get3A_56 : vector<1x1x7168xf32> to vector<1x7168xf32>
      %sub3A_58 = vector.broadcast %slice3A_52 : vector<256x1xf32> to vector<256x7168xf32>
      %sub3A_59 = vector.broadcast %get3A_57 : vector<1x7168xf32> to vector<256x7168xf32>
      %sub3A_60 = arith.subf %sub3A_58, %sub3A_59 : vector<256x7168xf32>
      %slice3A_61 = vector.extract_strided_slice %get3A_3 {offsets = [0, 1], sizes = [256, 1], strides = [1, 1]} : vector<256x3xf32> to vector<256x1xf32>
      %get3A_62 = arith.constant 0 : index
      %get3A_63 = arith.constant 1 : index
      %get3A_64 = arith.constant 1024 : index
      %get3A_65 = vector.load %arg3[%get3A_62, %get3A_63, %get3A_64] : memref<1x3x8192xf32, #tpu.memory_space<vmem>>, vector<1x1x7168xf32>
      %get3A_66 = vector.shape_cast %get3A_65 : vector<1x1x7168xf32> to vector<1x7168xf32>
      %sub3A_67 = vector.broadcast %slice3A_61 : vector<256x1xf32> to vector<256x7168xf32>
      %sub3A_68 = vector.broadcast %get3A_66 : vector<1x7168xf32> to vector<256x7168xf32>
      %sub3A_69 = arith.subf %sub3A_67, %sub3A_68 : vector<256x7168xf32>
      %slice3A_70 = vector.extract_strided_slice %get3A_3 {offsets = [0, 2], sizes = [256, 1], strides = [1, 1]} : vector<256x3xf32> to vector<256x1xf32>
      %get3A_71 = arith.constant 0 : index
      %get3A_72 = arith.constant 2 : index
      %get3A_73 = arith.constant 1024 : index
      %get3A_74 = vector.load %arg3[%get3A_71, %get3A_72, %get3A_73] : memref<1x3x8192xf32, #tpu.memory_space<vmem>>, vector<1x1x7168xf32>
      %get3A_75 = vector.shape_cast %get3A_74 : vector<1x1x7168xf32> to vector<1x7168xf32>
      %sub3A_76 = vector.broadcast %slice3A_70 : vector<256x1xf32> to vector<256x7168xf32>
      %sub3A_77 = vector.broadcast %get3A_75 : vector<1x7168xf32> to vector<256x7168xf32>
      %sub3A_78 = arith.subf %sub3A_76, %sub3A_77 : vector<256x7168xf32>
      %mul3A_79 = arith.mulf %sub3A_60, %sub3A_60 : vector<256x7168xf32>
      %mul3A_80 = arith.mulf %sub3A_69, %sub3A_69 : vector<256x7168xf32>
      %add3A_81 = arith.addf %mul3A_79, %mul3A_80 : vector<256x7168xf32>
      %mul3A_82 = arith.mulf %sub3A_78, %sub3A_78 : vector<256x7168xf32>
      %add3A_83 = arith.addf %add3A_81, %mul3A_82 : vector<256x7168xf32>
      %iota3A_84 = tpu.iota {dimensions = array<i32: 1>} : vector<256x7168xi32>
      %add3A_85 = arith.constant 1024 : i32
      %add3A_86 = vector.broadcast %add3A_85 : i32 to vector<256x7168xi32>
      %add3A_87 = arith.addi %iota3A_84, %add3A_86 : vector<256x7168xi32>
      %le3A_88 = arith.constant 1.000000e+00 : f32
      %le3A_89 = vector.broadcast %le3A_88 : f32 to vector<256x7168xf32>
      %le3A_90 = arith.cmpf ole, %add3A_83, %le3A_89 : vector<256x7168xf32>
      %jit3A_91 = arith.constant 8192 : i32
      %broadcast_in_dim3A_92 = vector.broadcast %jit3A_91 : i32 to vector<256x7168xi32>
      %select_n3A_93 = arith.select %le3A_90, %add3A_87, %broadcast_in_dim3A_92 : vector<256x7168xi1>, vector<256x7168xi32>
      %concatenate3A = tpu.concatenate %select_n3A, %select_n3A_93 in 1 : vector<256x1024xi32>, vector<256x7168xi32> -> vector<256x8192xi32>
      %reduce_min3A_94 = arith.constant dense<2147483647> : vector<256xi32>
      %reduce_min3A_95 = vector.multi_reduction <minsi>, %concatenate3A, %reduce_min3A_94 [1] : vector<256x8192xi32> to vector<256xi32>
      %broadcast_in_dim3A_96 = vector.shape_cast %reduce_min3A_95 : vector<256xi32> to vector<256x1xi32>
      %eq3A = arith.constant 8192 : i32
      %eq3A_97 = vector.broadcast %eq3A : i32 to vector<256x1xi32>
      %eq3A_98 = arith.cmpi eq, %broadcast_in_dim3A_96, %eq3A_97 : vector<256x1xi32>
      %jit3A_99 = arith.constant 0 : i32
      %broadcast_in_dim3A_100 = vector.broadcast %jit3A_99 : i32 to vector<256x1xi32>
      %select_n3A_101 = arith.select %eq3A_98, %broadcast_in_dim3A_100, %broadcast_in_dim3A_96 : vector<256x1xi1>, vector<256x1xi32>
      %mul3A_102 = arith.constant 8192 : i32
      %mul3A_103 = arith.muli %arg0, %mul3A_102 : i32
      %add3A_104 = vector.broadcast %mul3A_103 : i32 to vector<256x1xi32>
      %add3A_105 = arith.addi %select_n3A_101, %add3A_104 : vector<256x1xi32>
      %swap3A = arith.constant 0 : index
      %swap3A_106 = arith.constant 0 : index
      %swap3A_107 = arith.constant 0 : index
      %swap3A_108 = arith.constant 0 : index
      %swap3A_109 = vector.load %arg4[%swap3A, %swap3A_106, %swap3A_107, %swap3A_108] : memref<1x1x256x16xi32, #tpu.memory_space<vmem>>, vector<1x1x256x1xi32>
      %swap3A_110 = vector.shape_cast %swap3A_109 : vector<1x1x256x1xi32> to vector<256x1xi32>
      %swap3A_111 = vector.shape_cast %add3A_105 : vector<256x1xi32> to vector<1x1x256x1xi32>
      tpu.vector_store %arg4[%swap3A, %swap3A_106, %swap3A_107, %swap3A_108], %swap3A_111 {strides = array<i32>} : memref<1x1x256x16xi32, #tpu.memory_space<vmem>>, vector<1x1x256x1xi32>,
      %gt3A = vector.broadcast %broadcast_in_dim3A_96 : vector<256x1xi32> to vector<256x8192xi32>
      %gt3A_112 = arith.cmpi sgt, %concatenate3A, %gt3A : vector<256x8192xi32>
      %jit3A_113 = arith.constant 8192 : i32
      %broadcast_in_dim3A_114 = vector.broadcast %jit3A_113 : i32 to vector<256x8192xi32>
      %select_n3A_115 = arith.select %gt3A_112, %concatenate3A, %broadcast_in_dim3A_114 : vector<256x8192xi1>, vector<256x8192xi32>
      %reduce_min3A_116 = arith.constant dense<2147483647> : vector<256xi32>
      %reduce_min3A_117 = vector.multi_reduction <minsi>, %select_n3A_115, %reduce_min3A_116 [1] : vector<256x8192xi32> to vector<256xi32>
      %broadcast_in_dim3A_118 = vector.shape_cast %reduce_min3A_117 : vector<256xi32> to vector<256x1xi32>
      %eq3A_119 = arith.constant 8192 : i32
      %eq3A_120 = vector.broadcast %eq3A_119 : i32 to vector<256x1xi32>
      %eq3A_121 = arith.cmpi eq, %broadcast_in_dim3A_118, %eq3A_120 : vector<256x1xi32>
      %select_n3A_122 = arith.select %eq3A_121, %select_n3A_101, %broadcast_in_dim3A_118 : vector<256x1xi1>, vector<256x1xi32>
      %mul3A_123 = arith.constant 8192 : i32
      %mul3A_124 = arith.muli %arg0, %mul3A_123 : i32
      %add3A_125 = vector.broadcast %mul3A_124 : i32 to vector<256x1xi32>
      %add3A_126 = arith.addi %select_n3A_122, %add3A_125 : vector<256x1xi32>
      %swap3A_127 = arith.constant 0 : index
      %swap3A_128 = arith.constant 0 : index
      %swap3A_129 = arith.constant 0 : index
      %swap3A_130 = arith.constant 1 : index
      %swap3A_131 = vector.load %arg4[%swap3A_127, %swap3A_128, %swap3A_129, %swap3A_130] : memref<1x1x256x16xi32, #tpu.memory_space<vmem>>, vector<1x1x256x1xi32>
      %swap3A_132 = vector.shape_cast %swap3A_131 : vector<1x1x256x1xi32> to vector<256x1xi32>
      %swap3A_133 = vector.shape_cast %add3A_126 : vector<256x1xi32> to vector<1x1x256x1xi32>
      tpu.vector_store %arg4[%swap3A_127, %swap3A_128, %swap3A_129, %swap3A_130], %swap3A_133 {strides = array<i32>} : memref<1x1x256x16xi32, #tpu.memory_space<vmem>>, vector<1x1x256x1xi32>,
      %gt3A_134 = vector.broadcast %broadcast_in_dim3A_118 : vector<256x1xi32> to vector<256x8192xi32>
      %gt3A_135 = arith.cmpi sgt, %concatenate3A, %gt3A_134 : vector<256x8192xi32>
      %jit3A_136 = arith.constant 8192 : i32
      %broadcast_in_dim3A_137 = vector.broadcast %jit3A_136 : i32 to vector<256x8192xi32>
      %select_n3A_138 = arith.select %gt3A_135, %concatenate3A, %broadcast_in_dim3A_137 : vector<256x8192xi1>, vector<256x8192xi32>
      %reduce_min3A_139 = arith.constant dense<2147483647> : vector<256xi32>
      %reduce_min3A_140 = vector.multi_reduction <minsi>, %select_n3A_138, %reduce_min3A_139 [1] : vector<256x8192xi32> to vector<256xi32>
      %broadcast_in_dim3A_141 = vector.shape_cast %reduce_min3A_140 : vector<256xi32> to vector<256x1xi32>
      %eq3A_142 = arith.constant 8192 : i32
      %eq3A_143 = vector.broadcast %eq3A_142 : i32 to vector<256x1xi32>
      %eq3A_144 = arith.cmpi eq, %broadcast_in_dim3A_141, %eq3A_143 : vector<256x1xi32>
      %select_n3A_145 = arith.select %eq3A_144, %select_n3A_101, %broadcast_in_dim3A_141 : vector<256x1xi1>, vector<256x1xi32>
      %mul3A_146 = arith.constant 8192 : i32
      %mul3A_147 = arith.muli %arg0, %mul3A_146 : i32
      %add3A_148 = vector.broadcast %mul3A_147 : i32 to vector<256x1xi32>
      %add3A_149 = arith.addi %select_n3A_145, %add3A_148 : vector<256x1xi32>
      %swap3A_150 = arith.constant 0 : index
      %swap3A_151 = arith.constant 0 : index
      %swap3A_152 = arith.constant 0 : index
      %swap3A_153 = arith.constant 2 : index
      %swap3A_154 = vector.load %arg4[%swap3A_150, %swap3A_151, %swap3A_152, %swap3A_153] : memref<1x1x256x16xi32, #tpu.memory_space<vmem>>, vector<1x1x256x1xi32>
      %swap3A_155 = vector.shape_cast %swap3A_154 : vector<1x1x256x1xi32> to vector<256x1xi32>
      %swap3A_156 = vector.shape_cast %add3A_149 : vector<256x1xi32> to vector<1x1x256x1xi32>
      tpu.vector_store %arg4[%swap3A_150, %swap3A_151, %swap3A_152, %swap3A_153], %swap3A_156 {strides = array<i32>} : memref<1x1x256x16xi32, #tpu.memory_space<vmem>>, vector<1x1x256x1xi32>,
      %gt3A_157 = vector.broadcast %broadcast_in_dim3A_141 : vector<256x1xi32> to vector<256x8192xi32>
      %gt3A_158 = arith.cmpi sgt, %concatenate3A, %gt3A_157 : vector<256x8192xi32>
      %jit3A_159 = arith.constant 8192 : i32
      %broadcast_in_dim3A_160 = vector.broadcast %jit3A_159 : i32 to vector<256x8192xi32>
      %select_n3A_161 = arith.select %gt3A_158, %concatenate3A, %broadcast_in_dim3A_160 : vector<256x8192xi1>, vector<256x8192xi32>
      %reduce_min3A_162 = arith.constant dense<2147483647> : vector<256xi32>
      %reduce_min3A_163 = vector.multi_reduction <minsi>, %select_n3A_161, %reduce_min3A_162 [1] : vector<256x8192xi32> to vector<256xi32>
      %broadcast_in_dim3A_164 = vector.shape_cast %reduce_min3A_163 : vector<256xi32> to vector<256x1xi32>
      %eq3A_165 = arith.constant 8192 : i32
      %eq3A_166 = vector.broadcast %eq3A_165 : i32 to vector<256x1xi32>
      %eq3A_167 = arith.cmpi eq, %broadcast_in_dim3A_164, %eq3A_166 : vector<256x1xi32>
      %select_n3A_168 = arith.select %eq3A_167, %select_n3A_101, %broadcast_in_dim3A_164 : vector<256x1xi1>, vector<256x1xi32>
      %mul3A_169 = arith.constant 8192 : i32
      %mul3A_170 = arith.muli %arg0, %mul3A_169 : i32
      %add3A_171 = vector.broadcast %mul3A_170 : i32 to vector<256x1xi32>
      %add3A_172 = arith.addi %select_n3A_168, %add3A_171 : vector<256x1xi32>
      %swap3A_173 = arith.constant 0 : index
      %swap3A_174 = arith.constant 0 : index
      %swap3A_175 = arith.constant 0 : index
      %swap3A_176 = arith.constant 3 : index
      %swap3A_177 = vector.load %arg4[%swap3A_173, %swap3A_174, %swap3A_175, %swap3A_176] : memref<1x1x256x16xi32, #tpu.memory_space<vmem>>, vector<1x1x256x1xi32>
      %swap3A_178 = vector.shape_cast %swap3A_177 : vector<1x1x256x1xi32> to vector<256x1xi32>
      %swap3A_179 = vector.shape_cast %add3A_172 : vector<256x1xi32> to vector<1x1x256x1xi32>
      tpu.vector_store %arg4[%swap3A_173, %swap3A_174, %swap3A_175, %swap3A_176], %swap3A_179 {strides = array<i32>} : memref<1x1x256x16xi32, #tpu.memory_space<vmem>>, vector<1x1x256x1xi32>,
      %gt3A_180 = vector.broadcast %broadcast_in_dim3A_164 : vector<256x1xi32> to vector<256x8192xi32>
      %gt3A_181 = arith.cmpi sgt, %concatenate3A, %gt3A_180 : vector<256x8192xi32>
      %jit3A_182 = arith.constant 8192 : i32
      %broadcast_in_dim3A_183 = vector.broadcast %jit3A_182 : i32 to vector<256x8192xi32>
      %select_n3A_184 = arith.select %gt3A_181, %concatenate3A, %broadcast_in_dim3A_183 : vector<256x8192xi1>, vector<256x8192xi32>
      %reduce_min3A_185 = arith.constant dense<2147483647> : vector<256xi32>
      %reduce_min3A_186 = vector.multi_reduction <minsi>, %select_n3A_184, %reduce_min3A_185 [1] : vector<256x8192xi32> to vector<256xi32>
      %broadcast_in_dim3A_187 = vector.shape_cast %reduce_min3A_186 : vector<256xi32> to vector<256x1xi32>
      %eq3A_188 = arith.constant 8192 : i32
      %eq3A_189 = vector.broadcast %eq3A_188 : i32 to vector<256x1xi32>
      %eq3A_190 = arith.cmpi eq, %broadcast_in_dim3A_187, %eq3A_189 : vector<256x1xi32>
      %select_n3A_191 = arith.select %eq3A_190, %select_n3A_101, %broadcast_in_dim3A_187 : vector<256x1xi1>, vector<256x1xi32>
      %mul3A_192 = arith.constant 8192 : i32
      %mul3A_193 = arith.muli %arg0, %mul3A_192 : i32
      %add3A_194 = vector.broadcast %mul3A_193 : i32 to vector<256x1xi32>
      %add3A_195 = arith.addi %select_n3A_191, %add3A_194 : vector<256x1xi32>
      %swap3A_196 = arith.constant 0 : index
      %swap3A_197 = arith.constant 0 : index
      %swap3A_198 = arith.constant 0 : index
      %swap3A_199 = arith.constant 4 : index
      %swap3A_200 = vector.load %arg4[%swap3A_196, %swap3A_197, %swap3A_198, %swap3A_199] : memref<1x1x256x16xi32, #tpu.memory_space<vmem>>, vector<1x1x256x1xi32>
      %swap3A_201 = vector.shape_cast %swap3A_200 : vector<1x1x256x1xi32> to vector<256x1xi32>
      %swap3A_202 = vector.shape_cast %add3A_195 : vector<256x1xi32> to vector<1x1x256x1xi32>
      tpu.vector_store %arg4[%swap3A_196, %swap3A_197, %swap3A_198, %swap3A_199], %swap3A_202 {strides = array<i32>} : memref<1x1x256x16xi32, #tpu.memory_space<vmem>>, vector<1x1x256x1xi32>,
      %gt3A_203 = vector.broadcast %broadcast_in_dim3A_187 : vector<256x1xi32> to vector<256x8192xi32>
      %gt3A_204 = arith.cmpi sgt, %concatenate3A, %gt3A_203 : vector<256x8192xi32>
      %jit3A_205 = arith.constant 8192 : i32
      %broadcast_in_dim3A_206 = vector.broadcast %jit3A_205 : i32 to vector<256x8192xi32>
      %select_n3A_207 = arith.select %gt3A_204, %concatenate3A, %broadcast_in_dim3A_206 : vector<256x8192xi1>, vector<256x8192xi32>
      %reduce_min3A_208 = arith.constant dense<2147483647> : vector<256xi32>
      %reduce_min3A_209 = vector.multi_reduction <minsi>, %select_n3A_207, %reduce_min3A_208 [1] : vector<256x8192xi32> to vector<256xi32>
      %broadcast_in_dim3A_210 = vector.shape_cast %reduce_min3A_209 : vector<256xi32> to vector<256x1xi32>
      %eq3A_211 = arith.constant 8192 : i32
      %eq3A_212 = vector.broadcast %eq3A_211 : i32 to vector<256x1xi32>
      %eq3A_213 = arith.cmpi eq, %broadcast_in_dim3A_210, %eq3A_212 : vector<256x1xi32>
      %select_n3A_214 = arith.select %eq3A_213, %select_n3A_101, %broadcast_in_dim3A_210 : vector<256x1xi1>, vector<256x1xi32>
      %mul3A_215 = arith.constant 8192 : i32
      %mul3A_216 = arith.muli %arg0, %mul3A_215 : i32
      %add3A_217 = vector.broadcast %mul3A_216 : i32 to vector<256x1xi32>
      %add3A_218 = arith.addi %select_n3A_214, %add3A_217 : vector<256x1xi32>
      %swap3A_219 = arith.constant 0 : index
      %swap3A_220 = arith.constant 0 : index
      %swap3A_221 = arith.constant 0 : index
      %swap3A_222 = arith.constant 5 : index
      %swap3A_223 = vector.load %arg4[%swap3A_219, %swap3A_220, %swap3A_221, %swap3A_222] : memref<1x1x256x16xi32, #tpu.memory_space<vmem>>, vector<1x1x256x1xi32>
      %swap3A_224 = vector.shape_cast %swap3A_223 : vector<1x1x256x1xi32> to vector<256x1xi32>
      %swap3A_225 = vector.shape_cast %add3A_218 : vector<256x1xi32> to vector<1x1x256x1xi32>
      tpu.vector_store %arg4[%swap3A_219, %swap3A_220, %swap3A_221, %swap3A_222], %swap3A_225 {strides = array<i32>} : memref<1x1x256x16xi32, #tpu.memory_space<vmem>>, vector<1x1x256x1xi32>,
      %gt3A_226 = vector.broadcast %broadcast_in_dim3A_210 : vector<256x1xi32> to vector<256x8192xi32>
      %gt3A_227 = arith.cmpi sgt, %concatenate3A, %gt3A_226 : vector<256x8192xi32>
      %jit3A_228 = arith.constant 8192 : i32
      %broadcast_in_dim3A_229 = vector.broadcast %jit3A_228 : i32 to vector<256x8192xi32>
      %select_n3A_230 = arith.select %gt3A_227, %concatenate3A, %broadcast_in_dim3A_229 : vector<256x8192xi1>, vector<256x8192xi32>
      %reduce_min3A_231 = arith.constant dense<2147483647> : vector<256xi32>
      %reduce_min3A_232 = vector.multi_reduction <minsi>, %select_n3A_230, %reduce_min3A_231 [1] : vector<256x8192xi32> to vector<256xi32>
      %broadcast_in_dim3A_233 = vector.shape_cast %reduce_min3A_232 : vector<256xi32> to vector<256x1xi32>
      %eq3A_234 = arith.constant 8192 : i32
      %eq3A_235 = vector.broadcast %eq3A_234 : i32 to vector<256x1xi32>
      %eq3A_236 = arith.cmpi eq, %broadcast_in_dim3A_233, %eq3A_235 : vector<256x1xi32>
      %select_n3A_237 = arith.select %eq3A_236, %select_n3A_101, %broadcast_in_dim3A_233 : vector<256x1xi1>, vector<256x1xi32>
      %mul3A_238 = arith.constant 8192 : i32
      %mul3A_239 = arith.muli %arg0, %mul3A_238 : i32
      %add3A_240 = vector.broadcast %mul3A_239 : i32 to vector<256x1xi32>
      %add3A_241 = arith.addi %select_n3A_237, %add3A_240 : vector<256x1xi32>
      %swap3A_242 = arith.constant 0 : index
      %swap3A_243 = arith.constant 0 : index
      %swap3A_244 = arith.constant 0 : index
      %swap3A_245 = arith.constant 6 : index
      %swap3A_246 = vector.load %arg4[%swap3A_242, %swap3A_243, %swap3A_244, %swap3A_245] : memref<1x1x256x16xi32, #tpu.memory_space<vmem>>, vector<1x1x256x1xi32>
      %swap3A_247 = vector.shape_cast %swap3A_246 : vector<1x1x256x1xi32> to vector<256x1xi32>
      %swap3A_248 = vector.shape_cast %add3A_241 : vector<256x1xi32> to vector<1x1x256x1xi32>
      tpu.vector_store %arg4[%swap3A_242, %swap3A_243, %swap3A_244, %swap3A_245], %swap3A_248 {strides = array<i32>} : memref<1x1x256x16xi32, #tpu.memory_space<vmem>>, vector<1x1x256x1xi32>,
      %gt3A_249 = vector.broadcast %broadcast_in_dim3A_233 : vector<256x1xi32> to vector<256x8192xi32>
      %gt3A_250 = arith.cmpi sgt, %concatenate3A, %gt3A_249 : vector<256x8192xi32>
      %jit3A_251 = arith.constant 8192 : i32
      %broadcast_in_dim3A_252 = vector.broadcast %jit3A_251 : i32 to vector<256x8192xi32>
      %select_n3A_253 = arith.select %gt3A_250, %concatenate3A, %broadcast_in_dim3A_252 : vector<256x8192xi1>, vector<256x8192xi32>
      %reduce_min3A_254 = arith.constant dense<2147483647> : vector<256xi32>
      %reduce_min3A_255 = vector.multi_reduction <minsi>, %select_n3A_253, %reduce_min3A_254 [1] : vector<256x8192xi32> to vector<256xi32>
      %broadcast_in_dim3A_256 = vector.shape_cast %reduce_min3A_255 : vector<256xi32> to vector<256x1xi32>
      %eq3A_257 = arith.constant 8192 : i32
      %eq3A_258 = vector.broadcast %eq3A_257 : i32 to vector<256x1xi32>
      %eq3A_259 = arith.cmpi eq, %broadcast_in_dim3A_256, %eq3A_258 : vector<256x1xi32>
      %select_n3A_260 = arith.select %eq3A_259, %select_n3A_101, %broadcast_in_dim3A_256 : vector<256x1xi1>, vector<256x1xi32>
      %mul3A_261 = arith.constant 8192 : i32
      %mul3A_262 = arith.muli %arg0, %mul3A_261 : i32
      %add3A_263 = vector.broadcast %mul3A_262 : i32 to vector<256x1xi32>
      %add3A_264 = arith.addi %select_n3A_260, %add3A_263 : vector<256x1xi32>
      %swap3A_265 = arith.constant 0 : index
      %swap3A_266 = arith.constant 0 : index
      %swap3A_267 = arith.constant 0 : index
      %swap3A_268 = arith.constant 7 : index
      %swap3A_269 = vector.load %arg4[%swap3A_265, %swap3A_266, %swap3A_267, %swap3A_268] : memref<1x1x256x16xi32, #tpu.memory_space<vmem>>, vector<1x1x256x1xi32>
      %swap3A_270 = vector.shape_cast %swap3A_269 : vector<1x1x256x1xi32> to vector<256x1xi32>
      %swap3A_271 = vector.shape_cast %add3A_264 : vector<256x1xi32> to vector<1x1x256x1xi32>
      tpu.vector_store %arg4[%swap3A_265, %swap3A_266, %swap3A_267, %swap3A_268], %swap3A_271 {strides = array<i32>} : memref<1x1x256x16xi32, #tpu.memory_space<vmem>>, vector<1x1x256x1xi32>,
      %gt3A_272 = vector.broadcast %broadcast_in_dim3A_256 : vector<256x1xi32> to vector<256x8192xi32>
      %gt3A_273 = arith.cmpi sgt, %concatenate3A, %gt3A_272 : vector<256x8192xi32>
      %jit3A_274 = arith.constant 8192 : i32
      %broadcast_in_dim3A_275 = vector.broadcast %jit3A_274 : i32 to vector<256x8192xi32>
      %select_n3A_276 = arith.select %gt3A_273, %concatenate3A, %broadcast_in_dim3A_275 : vector<256x8192xi1>, vector<256x8192xi32>
      %reduce_min3A_277 = arith.constant dense<2147483647> : vector<256xi32>
      %reduce_min3A_278 = vector.multi_reduction <minsi>, %select_n3A_276, %reduce_min3A_277 [1] : vector<256x8192xi32> to vector<256xi32>
      %broadcast_in_dim3A_279 = vector.shape_cast %reduce_min3A_278 : vector<256xi32> to vector<256x1xi32>
      %eq3A_280 = arith.constant 8192 : i32
      %eq3A_281 = vector.broadcast %eq3A_280 : i32 to vector<256x1xi32>
      %eq3A_282 = arith.cmpi eq, %broadcast_in_dim3A_279, %eq3A_281 : vector<256x1xi32>
      %select_n3A_283 = arith.select %eq3A_282, %select_n3A_101, %broadcast_in_dim3A_279 : vector<256x1xi1>, vector<256x1xi32>
      %mul3A_284 = arith.constant 8192 : i32
      %mul3A_285 = arith.muli %arg0, %mul3A_284 : i32
      %add3A_286 = vector.broadcast %mul3A_285 : i32 to vector<256x1xi32>
      %add3A_287 = arith.addi %select_n3A_283, %add3A_286 : vector<256x1xi32>
      %swap3A_288 = arith.constant 0 : index
      %swap3A_289 = arith.constant 0 : index
      %swap3A_290 = arith.constant 0 : index
      %swap3A_291 = arith.constant 8 : index
      %swap3A_292 = vector.load %arg4[%swap3A_288, %swap3A_289, %swap3A_290, %swap3A_291] : memref<1x1x256x16xi32, #tpu.memory_space<vmem>>, vector<1x1x256x1xi32>
      %swap3A_293 = vector.shape_cast %swap3A_292 : vector<1x1x256x1xi32> to vector<256x1xi32>
      %swap3A_294 = vector.shape_cast %add3A_287 : vector<256x1xi32> to vector<1x1x256x1xi32>
      tpu.vector_store %arg4[%swap3A_288, %swap3A_289, %swap3A_290, %swap3A_291], %swap3A_294 {strides = array<i32>} : memref<1x1x256x16xi32, #tpu.memory_space<vmem>>, vector<1x1x256x1xi32>,
      %gt3A_295 = vector.broadcast %broadcast_in_dim3A_279 : vector<256x1xi32> to vector<256x8192xi32>
      %gt3A_296 = arith.cmpi sgt, %concatenate3A, %gt3A_295 : vector<256x8192xi32>
      %jit3A_297 = arith.constant 8192 : i32
      %broadcast_in_dim3A_298 = vector.broadcast %jit3A_297 : i32 to vector<256x8192xi32>
      %select_n3A_299 = arith.select %gt3A_296, %concatenate3A, %broadcast_in_dim3A_298 : vector<256x8192xi1>, vector<256x8192xi32>
      %reduce_min3A_300 = arith.constant dense<2147483647> : vector<256xi32>
      %reduce_min3A_301 = vector.multi_reduction <minsi>, %select_n3A_299, %reduce_min3A_300 [1] : vector<256x8192xi32> to vector<256xi32>
      %broadcast_in_dim3A_302 = vector.shape_cast %reduce_min3A_301 : vector<256xi32> to vector<256x1xi32>
      %eq3A_303 = arith.constant 8192 : i32
      %eq3A_304 = vector.broadcast %eq3A_303 : i32 to vector<256x1xi32>
      %eq3A_305 = arith.cmpi eq, %broadcast_in_dim3A_302, %eq3A_304 : vector<256x1xi32>
      %select_n3A_306 = arith.select %eq3A_305, %select_n3A_101, %broadcast_in_dim3A_302 : vector<256x1xi1>, vector<256x1xi32>
      %mul3A_307 = arith.constant 8192 : i32
      %mul3A_308 = arith.muli %arg0, %mul3A_307 : i32
      %add3A_309 = vector.broadcast %mul3A_308 : i32 to vector<256x1xi32>
      %add3A_310 = arith.addi %select_n3A_306, %add3A_309 : vector<256x1xi32>
      %swap3A_311 = arith.constant 0 : index
      %swap3A_312 = arith.constant 0 : index
      %swap3A_313 = arith.constant 0 : index
      %swap3A_314 = arith.constant 9 : index
      %swap3A_315 = vector.load %arg4[%swap3A_311, %swap3A_312, %swap3A_313, %swap3A_314] : memref<1x1x256x16xi32, #tpu.memory_space<vmem>>, vector<1x1x256x1xi32>
      %swap3A_316 = vector.shape_cast %swap3A_315 : vector<1x1x256x1xi32> to vector<256x1xi32>
      %swap3A_317 = vector.shape_cast %add3A_310 : vector<256x1xi32> to vector<1x1x256x1xi32>
      tpu.vector_store %arg4[%swap3A_311, %swap3A_312, %swap3A_313, %swap3A_314], %swap3A_317 {strides = array<i32>} : memref<1x1x256x16xi32, #tpu.memory_space<vmem>>, vector<1x1x256x1xi32>,
      %gt3A_318 = vector.broadcast %broadcast_in_dim3A_302 : vector<256x1xi32> to vector<256x8192xi32>
      %gt3A_319 = arith.cmpi sgt, %concatenate3A, %gt3A_318 : vector<256x8192xi32>
      %jit3A_320 = arith.constant 8192 : i32
      %broadcast_in_dim3A_321 = vector.broadcast %jit3A_320 : i32 to vector<256x8192xi32>
      %select_n3A_322 = arith.select %gt3A_319, %concatenate3A, %broadcast_in_dim3A_321 : vector<256x8192xi1>, vector<256x8192xi32>
      %reduce_min3A_323 = arith.constant dense<2147483647> : vector<256xi32>
      %reduce_min3A_324 = vector.multi_reduction <minsi>, %select_n3A_322, %reduce_min3A_323 [1] : vector<256x8192xi32> to vector<256xi32>
      %broadcast_in_dim3A_325 = vector.shape_cast %reduce_min3A_324 : vector<256xi32> to vector<256x1xi32>
      %eq3A_326 = arith.constant 8192 : i32
      %eq3A_327 = vector.broadcast %eq3A_326 : i32 to vector<256x1xi32>
      %eq3A_328 = arith.cmpi eq, %broadcast_in_dim3A_325, %eq3A_327 : vector<256x1xi32>
      %select_n3A_329 = arith.select %eq3A_328, %select_n3A_101, %broadcast_in_dim3A_325 : vector<256x1xi1>, vector<256x1xi32>
      %mul3A_330 = arith.constant 8192 : i32
      %mul3A_331 = arith.muli %arg0, %mul3A_330 : i32
      %add3A_332 = vector.broadcast %mul3A_331 : i32 to vector<256x1xi32>
      %add3A_333 = arith.addi %select_n3A_329, %add3A_332 : vector<256x1xi32>
      %swap3A_334 = arith.constant 0 : index
      %swap3A_335 = arith.constant 0 : index
      %swap3A_336 = arith.constant 0 : index
      %swap3A_337 = arith.constant 10 : index
      %swap3A_338 = vector.load %arg4[%swap3A_334, %swap3A_335, %swap3A_336, %swap3A_337] : memref<1x1x256x16xi32, #tpu.memory_space<vmem>>, vector<1x1x256x1xi32>
      %swap3A_339 = vector.shape_cast %swap3A_338 : vector<1x1x256x1xi32> to vector<256x1xi32>
      %swap3A_340 = vector.shape_cast %add3A_333 : vector<256x1xi32> to vector<1x1x256x1xi32>
      tpu.vector_store %arg4[%swap3A_334, %swap3A_335, %swap3A_336, %swap3A_337], %swap3A_340 {strides = array<i32>} : memref<1x1x256x16xi32, #tpu.memory_space<vmem>>, vector<1x1x256x1xi32>,
      %gt3A_341 = vector.broadcast %broadcast_in_dim3A_325 : vector<256x1xi32> to vector<256x8192xi32>
      %gt3A_342 = arith.cmpi sgt, %concatenate3A, %gt3A_341 : vector<256x8192xi32>
      %jit3A_343 = arith.constant 8192 : i32
      %broadcast_in_dim3A_344 = vector.broadcast %jit3A_343 : i32 to vector<256x8192xi32>
      %select_n3A_345 = arith.select %gt3A_342, %concatenate3A, %broadcast_in_dim3A_344 : vector<256x8192xi1>, vector<256x8192xi32>
      %reduce_min3A_346 = arith.constant dense<2147483647> : vector<256xi32>
      %reduce_min3A_347 = vector.multi_reduction <minsi>, %select_n3A_345, %reduce_min3A_346 [1] : vector<256x8192xi32> to vector<256xi32>
      %broadcast_in_dim3A_348 = vector.shape_cast %reduce_min3A_347 : vector<256xi32> to vector<256x1xi32>
      %eq3A_349 = arith.constant 8192 : i32
      %eq3A_350 = vector.broadcast %eq3A_349 : i32 to vector<256x1xi32>
      %eq3A_351 = arith.cmpi eq, %broadcast_in_dim3A_348, %eq3A_350 : vector<256x1xi32>
      %select_n3A_352 = arith.select %eq3A_351, %select_n3A_101, %broadcast_in_dim3A_348 : vector<256x1xi1>, vector<256x1xi32>
      %mul3A_353 = arith.constant 8192 : i32
      %mul3A_354 = arith.muli %arg0, %mul3A_353 : i32
      %add3A_355 = vector.broadcast %mul3A_354 : i32 to vector<256x1xi32>
      %add3A_356 = arith.addi %select_n3A_352, %add3A_355 : vector<256x1xi32>
      %swap3A_357 = arith.constant 0 : index
      %swap3A_358 = arith.constant 0 : index
      %swap3A_359 = arith.constant 0 : index
      %swap3A_360 = arith.constant 11 : index
      %swap3A_361 = vector.load %arg4[%swap3A_357, %swap3A_358, %swap3A_359, %swap3A_360] : memref<1x1x256x16xi32, #tpu.memory_space<vmem>>, vector<1x1x256x1xi32>
      %swap3A_362 = vector.shape_cast %swap3A_361 : vector<1x1x256x1xi32> to vector<256x1xi32>
      %swap3A_363 = vector.shape_cast %add3A_356 : vector<256x1xi32> to vector<1x1x256x1xi32>
      tpu.vector_store %arg4[%swap3A_357, %swap3A_358, %swap3A_359, %swap3A_360], %swap3A_363 {strides = array<i32>} : memref<1x1x256x16xi32, #tpu.memory_space<vmem>>, vector<1x1x256x1xi32>,
      %gt3A_364 = vector.broadcast %broadcast_in_dim3A_348 : vector<256x1xi32> to vector<256x8192xi32>
      %gt3A_365 = arith.cmpi sgt, %concatenate3A, %gt3A_364 : vector<256x8192xi32>
      %jit3A_366 = arith.constant 8192 : i32
      %broadcast_in_dim3A_367 = vector.broadcast %jit3A_366 : i32 to vector<256x8192xi32>
      %select_n3A_368 = arith.select %gt3A_365, %concatenate3A, %broadcast_in_dim3A_367 : vector<256x8192xi1>, vector<256x8192xi32>
      %reduce_min3A_369 = arith.constant dense<2147483647> : vector<256xi32>
      %reduce_min3A_370 = vector.multi_reduction <minsi>, %select_n3A_368, %reduce_min3A_369 [1] : vector<256x8192xi32> to vector<256xi32>
      %broadcast_in_dim3A_371 = vector.shape_cast %reduce_min3A_370 : vector<256xi32> to vector<256x1xi32>
      %eq3A_372 = arith.constant 8192 : i32
      %eq3A_373 = vector.broadcast %eq3A_372 : i32 to vector<256x1xi32>
      %eq3A_374 = arith.cmpi eq, %broadcast_in_dim3A_371, %eq3A_373 : vector<256x1xi32>
      %select_n3A_375 = arith.select %eq3A_374, %select_n3A_101, %broadcast_in_dim3A_371 : vector<256x1xi1>, vector<256x1xi32>
      %mul3A_376 = arith.constant 8192 : i32
      %mul3A_377 = arith.muli %arg0, %mul3A_376 : i32
      %add3A_378 = vector.broadcast %mul3A_377 : i32 to vector<256x1xi32>
      %add3A_379 = arith.addi %select_n3A_375, %add3A_378 : vector<256x1xi32>
      %swap3A_380 = arith.constant 0 : index
      %swap3A_381 = arith.constant 0 : index
      %swap3A_382 = arith.constant 0 : index
      %swap3A_383 = arith.constant 12 : index
      %swap3A_384 = vector.load %arg4[%swap3A_380, %swap3A_381, %swap3A_382, %swap3A_383] : memref<1x1x256x16xi32, #tpu.memory_space<vmem>>, vector<1x1x256x1xi32>
      %swap3A_385 = vector.shape_cast %swap3A_384 : vector<1x1x256x1xi32> to vector<256x1xi32>
      %swap3A_386 = vector.shape_cast %add3A_379 : vector<256x1xi32> to vector<1x1x256x1xi32>
      tpu.vector_store %arg4[%swap3A_380, %swap3A_381, %swap3A_382, %swap3A_383], %swap3A_386 {strides = array<i32>} : memref<1x1x256x16xi32, #tpu.memory_space<vmem>>, vector<1x1x256x1xi32>,
      %gt3A_387 = vector.broadcast %broadcast_in_dim3A_371 : vector<256x1xi32> to vector<256x8192xi32>
      %gt3A_388 = arith.cmpi sgt, %concatenate3A, %gt3A_387 : vector<256x8192xi32>
      %jit3A_389 = arith.constant 8192 : i32
      %broadcast_in_dim3A_390 = vector.broadcast %jit3A_389 : i32 to vector<256x8192xi32>
      %select_n3A_391 = arith.select %gt3A_388, %concatenate3A, %broadcast_in_dim3A_390 : vector<256x8192xi1>, vector<256x8192xi32>
      %reduce_min3A_392 = arith.constant dense<2147483647> : vector<256xi32>
      %reduce_min3A_393 = vector.multi_reduction <minsi>, %select_n3A_391, %reduce_min3A_392 [1] : vector<256x8192xi32> to vector<256xi32>
      %broadcast_in_dim3A_394 = vector.shape_cast %reduce_min3A_393 : vector<256xi32> to vector<256x1xi32>
      %eq3A_395 = arith.constant 8192 : i32
      %eq3A_396 = vector.broadcast %eq3A_395 : i32 to vector<256x1xi32>
      %eq3A_397 = arith.cmpi eq, %broadcast_in_dim3A_394, %eq3A_396 : vector<256x1xi32>
      %select_n3A_398 = arith.select %eq3A_397, %select_n3A_101, %broadcast_in_dim3A_394 : vector<256x1xi1>, vector<256x1xi32>
      %mul3A_399 = arith.constant 8192 : i32
      %mul3A_400 = arith.muli %arg0, %mul3A_399 : i32
      %add3A_401 = vector.broadcast %mul3A_400 : i32 to vector<256x1xi32>
      %add3A_402 = arith.addi %select_n3A_398, %add3A_401 : vector<256x1xi32>
      %swap3A_403 = arith.constant 0 : index
      %swap3A_404 = arith.constant 0 : index
      %swap3A_405 = arith.constant 0 : index
      %swap3A_406 = arith.constant 13 : index
      %swap3A_407 = vector.load %arg4[%swap3A_403, %swap3A_404, %swap3A_405, %swap3A_406] : memref<1x1x256x16xi32, #tpu.memory_space<vmem>>, vector<1x1x256x1xi32>
      %swap3A_408 = vector.shape_cast %swap3A_407 : vector<1x1x256x1xi32> to vector<256x1xi32>
      %swap3A_409 = vector.shape_cast %add3A_402 : vector<256x1xi32> to vector<1x1x256x1xi32>
      tpu.vector_store %arg4[%swap3A_403, %swap3A_404, %swap3A_405, %swap3A_406], %swap3A_409 {strides = array<i32>} : memref<1x1x256x16xi32, #tpu.memory_space<vmem>>, vector<1x1x256x1xi32>,
      %gt3A_410 = vector.broadcast %broadcast_in_dim3A_394 : vector<256x1xi32> to vector<256x8192xi32>
      %gt3A_411 = arith.cmpi sgt, %concatenate3A, %gt3A_410 : vector<256x8192xi32>
      %jit3A_412 = arith.constant 8192 : i32
      %broadcast_in_dim3A_413 = vector.broadcast %jit3A_412 : i32 to vector<256x8192xi32>
      %select_n3A_414 = arith.select %gt3A_411, %concatenate3A, %broadcast_in_dim3A_413 : vector<256x8192xi1>, vector<256x8192xi32>
      %reduce_min3A_415 = arith.constant dense<2147483647> : vector<256xi32>
      %reduce_min3A_416 = vector.multi_reduction <minsi>, %select_n3A_414, %reduce_min3A_415 [1] : vector<256x8192xi32> to vector<256xi32>
      %broadcast_in_dim3A_417 = vector.shape_cast %reduce_min3A_416 : vector<256xi32> to vector<256x1xi32>
      %eq3A_418 = arith.constant 8192 : i32
      %eq3A_419 = vector.broadcast %eq3A_418 : i32 to vector<256x1xi32>
      %eq3A_420 = arith.cmpi eq, %broadcast_in_dim3A_417, %eq3A_419 : vector<256x1xi32>
      %select_n3A_421 = arith.select %eq3A_420, %select_n3A_101, %broadcast_in_dim3A_417 : vector<256x1xi1>, vector<256x1xi32>
      %mul3A_422 = arith.constant 8192 : i32
      %mul3A_423 = arith.muli %arg0, %mul3A_422 : i32
      %add3A_424 = vector.broadcast %mul3A_423 : i32 to vector<256x1xi32>
      %add3A_425 = arith.addi %select_n3A_421, %add3A_424 : vector<256x1xi32>
      %swap3A_426 = arith.constant 0 : index
      %swap3A_427 = arith.constant 0 : index
      %swap3A_428 = arith.constant 0 : index
      %swap3A_429 = arith.constant 14 : index
      %swap3A_430 = vector.load %arg4[%swap3A_426, %swap3A_427, %swap3A_428, %swap3A_429] : memref<1x1x256x16xi32, #tpu.memory_space<vmem>>, vector<1x1x256x1xi32>
      %swap3A_431 = vector.shape_cast %swap3A_430 : vector<1x1x256x1xi32> to vector<256x1xi32>
      %swap3A_432 = vector.shape_cast %add3A_425 : vector<256x1xi32> to vector<1x1x256x1xi32>
      tpu.vector_store %arg4[%swap3A_426, %swap3A_427, %swap3A_428, %swap3A_429], %swap3A_432 {strides = array<i32>} : memref<1x1x256x16xi32, #tpu.memory_space<vmem>>, vector<1x1x256x1xi32>,
      %gt3A_433 = vector.broadcast %broadcast_in_dim3A_417 : vector<256x1xi32> to vector<256x8192xi32>
      %gt3A_434 = arith.cmpi sgt, %concatenate3A, %gt3A_433 : vector<256x8192xi32>
      %jit3A_435 = arith.constant 8192 : i32
      %broadcast_in_dim3A_436 = vector.broadcast %jit3A_435 : i32 to vector<256x8192xi32>
      %select_n3A_437 = arith.select %gt3A_434, %concatenate3A, %broadcast_in_dim3A_436 : vector<256x8192xi1>, vector<256x8192xi32>
      %reduce_min3A_438 = arith.constant dense<2147483647> : vector<256xi32>
      %reduce_min3A_439 = vector.multi_reduction <minsi>, %select_n3A_437, %reduce_min3A_438 [1] : vector<256x8192xi32> to vector<256xi32>
      %broadcast_in_dim3A_440 = vector.shape_cast %reduce_min3A_439 : vector<256xi32> to vector<256x1xi32>
      %eq3A_441 = arith.constant 8192 : i32
      %eq3A_442 = vector.broadcast %eq3A_441 : i32 to vector<256x1xi32>
      %eq3A_443 = arith.cmpi eq, %broadcast_in_dim3A_440, %eq3A_442 : vector<256x1xi32>
      %select_n3A_444 = arith.select %eq3A_443, %select_n3A_101, %broadcast_in_dim3A_440 : vector<256x1xi1>, vector<256x1xi32>
      %mul3A_445 = arith.constant 8192 : i32
      %mul3A_446 = arith.muli %arg0, %mul3A_445 : i32
      %add3A_447 = vector.broadcast %mul3A_446 : i32 to vector<256x1xi32>
      %add3A_448 = arith.addi %select_n3A_444, %add3A_447 : vector<256x1xi32>
      %swap3A_449 = arith.constant 0 : index
      %swap3A_450 = arith.constant 0 : index
      %swap3A_451 = arith.constant 0 : index
      %swap3A_452 = arith.constant 15 : index
      %swap3A_453 = vector.load %arg4[%swap3A_449, %swap3A_450, %swap3A_451, %swap3A_452] : memref<1x1x256x16xi32, #tpu.memory_space<vmem>>, vector<1x1x256x1xi32>
      %swap3A_454 = vector.shape_cast %swap3A_453 : vector<1x1x256x1xi32> to vector<256x1xi32>
      %swap3A_455 = vector.shape_cast %add3A_448 : vector<256x1xi32> to vector<1x1x256x1xi32>
      tpu.vector_store %arg4[%swap3A_449, %swap3A_450, %swap3A_451, %swap3A_452], %swap3A_455 {strides = array<i32>} : memref<1x1x256x16xi32, #tpu.memory_space<vmem>>, vector<1x1x256x1xi32>,
    } else {
    }
    return
  }
  func.func @transform_0(%arg0: i32, %arg1: i32) -> (i32, i32, i32) {
    %c0_i32 = arith.constant 0 : i32
    %c0_i32_0 = arith.constant 0 : i32
    return %arg0, %arg1, %c0_i32 : i32, i32, i32
  }
  func.func @transform_1(%arg0: i32, %arg1: i32) -> (i32, i32, i32) {
    %c0_i32 = arith.constant 0 : i32
    %c0_i32_0 = arith.constant 0 : i32
    %c0_i32_1 = arith.constant 0 : i32
    return %arg0, %c0_i32, %c0_i32_0 : i32, i32, i32
  }
  func.func @transform_2(%arg0: i32, %arg1: i32) -> (i32, i32, i32, i32) {
    %c0_i32 = arith.constant 0 : i32
    %c0_i32_0 = arith.constant 0 : i32
    %c0_i32_1 = arith.constant 0 : i32
    return %arg0, %arg1, %c0_i32, %c0_i32_0 : i32, i32, i32, i32
  }
}

module attributes {stable_mosaic.version = 14 : i64} {
  func.func @kern(%arg0: i32, %arg1: memref<4x3x2x128xf32, #tpu.memory_space<vmem>>, %arg2: memref<4x3x64xf32, #tpu.memory_space<vmem>>) attributes {dimension_semantics = [#tpu.dimension_semantics<arbitrary>], iteration_bounds = array<i64: 1>, scalar_prefetch = 0 : i64, scratch_operands = 0 : i64, tpu.core_type = #tpu.core_type<tc>, window_params = [{pipeline_mode = #tpu.pipeline_mode<synchronous>, transform_indices = @transform_0, window_bounds = array<i64: 4, 3, 2, 128>}, {pipeline_mode = #tpu.pipeline_mode<synchronous>, transform_indices = @transform_1, window_bounds = array<i64: 4, 3, 64>}]} {
    %get3A = arith.constant 0 : index
    %get3A_0 = arith.constant 0 : index
    %get3A_1 = arith.constant 0 : index
    %get3A_2 = arith.constant 0 : index
    %get3A_3 = vector.load %arg1[%get3A, %get3A_0, %get3A_1, %get3A_2] : memref<4x3x2x128xf32, #tpu.memory_space<vmem>>, vector<4x3x2x128xf32>
    %iota3A = tpu.iota {dimensions = array<i32: 1>} : vector<4x2x128xi32>
    %mul3A = arith.constant 128 : i32
    %mul3A_4 = vector.broadcast %mul3A : i32 to vector<4x2x128xi32>
    %mul3A_5 = arith.muli %iota3A, %mul3A_4 : vector<4x2x128xi32>
    %iota3A_6 = tpu.iota {dimensions = array<i32: 2>} : vector<4x2x128xi32>
    %add3A = arith.addi %mul3A_5, %iota3A_6 : vector<4x2x128xi32>
    %iota3A_7 = tpu.iota {dimensions = array<i32: 2>} : vector<4x3x64xi32>
    %broadcast_in_dim3A = arith.constant 1.000000e+10 : f32
    %broadcast_in_dim3A_8 = vector.broadcast %broadcast_in_dim3A : f32 to vector<4x2x128xf32>
    %broadcast_in_dim3A_9 = arith.constant 0 : i32
    %broadcast_in_dim3A_10 = vector.broadcast %broadcast_in_dim3A_9 : i32 to vector<4x1x1xi32>
    %broadcast_in_dim3A_11 = arith.constant 0.000000e+00 : f32
    %broadcast_in_dim3A_12 = vector.broadcast %broadcast_in_dim3A_11 : f32 to vector<4x3x64xf32>
    %scan3A = arith.constant 0 : i32
    %scan3A_13 = arith.constant 64 : i32
    %scan3A_14 = arith.addi %scan3A, %scan3A_13 : i32
    %scan3A_15 = arith.constant 1 : i32
    %scan3A_16:3 = scf.for %scan3A_21 = %scan3A to %scan3A_14 step %scan3A_15 iter_args(%scan3A_22 = %broadcast_in_dim3A_8, %scan3A_23 = %broadcast_in_dim3A_10, %scan3A_24 = %broadcast_in_dim3A_12) -> (vector<4x2x128xf32>, vector<4x1x1xi32>, vector<4x3x64xf32>)  : i32 {
      %eq3A = vector.broadcast %scan3A_23 : vector<4x1x1xi32> to vector<4x2x128xi32>
      %eq3A_25 = arith.cmpi eq, %add3A, %eq3A : vector<4x2x128xi32>
      %broadcast_in_dim3A_26 = vector.shape_cast %eq3A_25 : vector<4x2x128xi1> to vector<4x1x2x128xi1>
      %jit3A = arith.constant 0.000000e+00 : f32
      %broadcast_in_dim3A_27 = vector.shape_cast %broadcast_in_dim3A_26 : vector<4x1x2x128xi1> to vector<4x1x2x128xi1>
      %broadcast_in_dim3A_28 = vector.broadcast %broadcast_in_dim3A_27 : vector<4x1x2x128xi1> to vector<4x3x2x128xi1>
      %broadcast_in_dim3A_29 = vector.broadcast %jit3A : f32 to vector<4x3x2x128xf32>
      %select_n3A = arith.select %broadcast_in_dim3A_28, %get3A_3, %broadcast_in_dim3A_29 : vector<4x3x2x128xi1>, vector<4x3x2x128xf32>
      %reduce_sum3A = arith.constant dense<0.000000e+00> : vector<4x3x2xf32>
      %reduce_sum3A_30 = vector.multi_reduction <add>, %select_n3A, %reduce_sum3A [3] : vector<4x3x2x128xf32> to vector<4x3x2xf32>
      %broadcast_in_dim3A_31 = vector.shape_cast %reduce_sum3A_30 : vector<4x3x2xf32> to vector<4x3x2x1xf32>
      %reduce_sum3A_32 = arith.constant dense<0.000000e+00> : vector<4x3x1xf32>
      %reduce_sum3A_33 = vector.multi_reduction <add>, %broadcast_in_dim3A_31, %reduce_sum3A_32 [2] : vector<4x3x2x1xf32> to vector<4x3x1xf32>
      %broadcast_in_dim3A_34 = vector.shape_cast %reduce_sum3A_33 : vector<4x3x1xf32> to vector<4x3x1x1xf32>
      %eq3A_35 = vector.broadcast %scan3A_21 : i32 to vector<4x3x64xi32>
      %eq3A_36 = arith.cmpi eq, %iota3A_7, %eq3A_35 : vector<4x3x64xi32>
      %squeeze3A = vector.shape_cast %broadcast_in_dim3A_34 : vector<4x3x1x1xf32> to vector<4x3x1xf32>
      %broadcast_in_dim3A_37 = vector.shape_cast %squeeze3A : vector<4x3x1xf32> to vector<4x3x1xf32>
      %broadcast_in_dim3A_38 = vector.broadcast %broadcast_in_dim3A_37 : vector<4x3x1xf32> to vector<4x3x64xf32>
      %select_n3A_39 = arith.select %eq3A_36, %broadcast_in_dim3A_38, %scan3A_24 : vector<4x3x64xi1>, vector<4x3x64xf32>
      %sub3A = vector.broadcast %broadcast_in_dim3A_34 : vector<4x3x1x1xf32> to vector<4x3x2x128xf32>
      %sub3A_40 = arith.subf %get3A_3, %sub3A : vector<4x3x2x128xf32>
      %mul3A_41 = arith.mulf %sub3A_40, %sub3A_40 : vector<4x3x2x128xf32>
      %slice3A = vector.extract_strided_slice %mul3A_41 {offsets = [0, 0, 0, 0], sizes = [4, 1, 2, 128], strides = [1, 1, 1, 1]} : vector<4x3x2x128xf32> to vector<4x1x2x128xf32>
      %squeeze3A_42 = vector.shape_cast %slice3A : vector<4x1x2x128xf32> to vector<4x2x128xf32>
      %slice3A_43 = vector.extract_strided_slice %mul3A_41 {offsets = [0, 1, 0, 0], sizes = [4, 1, 2, 128], strides = [1, 1, 1, 1]} : vector<4x3x2x128xf32> to vector<4x1x2x128xf32>
      %squeeze3A_44 = vector.shape_cast %slice3A_43 : vector<4x1x2x128xf32> to vector<4x2x128xf32>
      %add3A_45 = arith.addf %squeeze3A_42, %squeeze3A_44 : vector<4x2x128xf32>
      %slice3A_46 = vector.extract_strided_slice %mul3A_41 {offsets = [0, 2, 0, 0], sizes = [4, 1, 2, 128], strides = [1, 1, 1, 1]} : vector<4x3x2x128xf32> to vector<4x1x2x128xf32>
      %squeeze3A_47 = vector.shape_cast %slice3A_46 : vector<4x1x2x128xf32> to vector<4x2x128xf32>
      %add3A_48 = arith.addf %add3A_45, %squeeze3A_47 : vector<4x2x128xf32>
      %min3A = arith.minimumf %scan3A_22, %add3A_48 : vector<4x2x128xf32>
      %reduce_max3A = arith.constant dense<0xFF800000> : vector<4x2xf32>
      %reduce_max3A_49 = vector.multi_reduction <maximumf>, %min3A, %reduce_max3A [2] : vector<4x2x128xf32> to vector<4x2xf32>
      %broadcast_in_dim3A_50 = vector.shape_cast %reduce_max3A_49 : vector<4x2xf32> to vector<4x2x1xf32>
      %reduce_max3A_51 = arith.constant dense<0xFF800000> : vector<4x1xf32>
      %reduce_max3A_52 = vector.multi_reduction <maximumf>, %broadcast_in_dim3A_50, %reduce_max3A_51 [1] : vector<4x2x1xf32> to vector<4x1xf32>
      %broadcast_in_dim3A_53 = vector.shape_cast %reduce_max3A_52 : vector<4x1xf32> to vector<4x1x1xf32>
      %eq3A_54 = vector.broadcast %broadcast_in_dim3A_53 : vector<4x1x1xf32> to vector<4x2x128xf32>
      %eq3A_55 = arith.cmpf oeq, %min3A, %eq3A_54 : vector<4x2x128xf32>
      %jit3A_56 = arith.constant 256 : i32
      %broadcast_in_dim3A_57 = vector.broadcast %jit3A_56 : i32 to vector<4x2x128xi32>
      %select_n3A_58 = arith.select %eq3A_55, %add3A, %broadcast_in_dim3A_57 : vector<4x2x128xi1>, vector<4x2x128xi32>
      %reduce_min3A = arith.constant dense<2147483647> : vector<4x2xi32>
      %reduce_min3A_59 = vector.multi_reduction <minsi>, %select_n3A_58, %reduce_min3A [2] : vector<4x2x128xi32> to vector<4x2xi32>
      %broadcast_in_dim3A_60 = vector.shape_cast %reduce_min3A_59 : vector<4x2xi32> to vector<4x2x1xi32>
      %reduce_min3A_61 = arith.constant dense<2147483647> : vector<4x1xi32>
      %reduce_min3A_62 = vector.multi_reduction <minsi>, %broadcast_in_dim3A_60, %reduce_min3A_61 [1] : vector<4x2x1xi32> to vector<4x1xi32>
      %broadcast_in_dim3A_63 = vector.shape_cast %reduce_min3A_62 : vector<4x1xi32> to vector<4x1x1xi32>
      scf.yield %min3A, %broadcast_in_dim3A_63, %select_n3A_39 : vector<4x2x128xf32>, vector<4x1x1xi32>, vector<4x3x64xf32>
    }
    %scan3A_17 = arith.constant 64 : i32
    %swap3A = arith.constant 0 : index
    %swap3A_18 = arith.constant 0 : index
    %swap3A_19 = arith.constant 0 : index
    %swap3A_20 = vector.load %arg2[%swap3A, %swap3A_18, %swap3A_19] : memref<4x3x64xf32, #tpu.memory_space<vmem>>, vector<4x3x64xf32>
    tpu.vector_store %arg2[%swap3A, %swap3A_18, %swap3A_19], %scan3A_16#2 {strides = array<i32>} : memref<4x3x64xf32, #tpu.memory_space<vmem>>, vector<4x3x64xf32>,
    return
  }
  func.func @transform_0(%arg0: i32) -> (i32, i32, i32, i32) {
    %c0_i32 = arith.constant 0 : i32
    %c0_i32_0 = arith.constant 0 : i32
    %c0_i32_1 = arith.constant 0 : i32
    %c0_i32_2 = arith.constant 0 : i32
    %c0_i32_3 = arith.constant 0 : i32
    return %c0_i32, %c0_i32_0, %c0_i32_1, %c0_i32_2 : i32, i32, i32, i32
  }
  func.func @transform_1(%arg0: i32) -> (i32, i32, i32) {
    %c0_i32 = arith.constant 0 : i32
    %c0_i32_0 = arith.constant 0 : i32
    %c0_i32_1 = arith.constant 0 : i32
    %c0_i32_2 = arith.constant 0 : i32
    return %c0_i32, %c0_i32_0, %c0_i32_1 : i32, i32, i32
  }
}

module attributes {stable_mosaic.version = 14 : i64} {
  func.func @kern(%arg0: i32, %arg1: memref<4x3x1x64xf32, #tpu.memory_space<vmem>>, %arg2: memref<4x3x16xf32, #tpu.memory_space<vmem>>) attributes {dimension_semantics = [#tpu.dimension_semantics<arbitrary>], iteration_bounds = array<i64: 1>, scalar_prefetch = 0 : i64, scratch_operands = 0 : i64, tpu.core_type = #tpu.core_type<tc>, window_params = [{pipeline_mode = #tpu.pipeline_mode<synchronous>, transform_indices = @transform_0, window_bounds = array<i64: 4, 3, 1, 64>}, {pipeline_mode = #tpu.pipeline_mode<synchronous>, transform_indices = @transform_1, window_bounds = array<i64: 4, 3, 16>}]} {
    %get3A = arith.constant 0 : index
    %get3A_0 = arith.constant 0 : index
    %get3A_1 = arith.constant 0 : index
    %get3A_2 = arith.constant 0 : index
    %get3A_3 = vector.load %arg1[%get3A, %get3A_0, %get3A_1, %get3A_2] : memref<4x3x1x64xf32, #tpu.memory_space<vmem>>, vector<4x3x1x64xf32>
    %iota3A = tpu.iota {dimensions = array<i32: 1>} : vector<4x1x64xi32>
    %mul3A = arith.constant 64 : i32
    %mul3A_4 = vector.broadcast %mul3A : i32 to vector<4x1x64xi32>
    %mul3A_5 = arith.muli %iota3A, %mul3A_4 : vector<4x1x64xi32>
    %iota3A_6 = tpu.iota {dimensions = array<i32: 2>} : vector<4x1x64xi32>
    %add3A = arith.addi %mul3A_5, %iota3A_6 : vector<4x1x64xi32>
    %iota3A_7 = tpu.iota {dimensions = array<i32: 2>} : vector<4x3x16xi32>
    %broadcast_in_dim3A = arith.constant 1.000000e+10 : f32
    %broadcast_in_dim3A_8 = vector.broadcast %broadcast_in_dim3A : f32 to vector<4x1x64xf32>
    %broadcast_in_dim3A_9 = arith.constant 0 : i32
    %broadcast_in_dim3A_10 = vector.broadcast %broadcast_in_dim3A_9 : i32 to vector<4x1x1xi32>
    %broadcast_in_dim3A_11 = arith.constant 0.000000e+00 : f32
    %broadcast_in_dim3A_12 = vector.broadcast %broadcast_in_dim3A_11 : f32 to vector<4x3x16xf32>
    %scan3A = arith.constant 0 : i32
    %scan3A_13 = arith.constant 16 : i32
    %scan3A_14 = arith.addi %scan3A, %scan3A_13 : i32
    %scan3A_15 = arith.constant 1 : i32
    %scan3A_16:3 = scf.for %scan3A_21 = %scan3A to %scan3A_14 step %scan3A_15 iter_args(%scan3A_22 = %broadcast_in_dim3A_8, %scan3A_23 = %broadcast_in_dim3A_10, %scan3A_24 = %broadcast_in_dim3A_12) -> (vector<4x1x64xf32>, vector<4x1x1xi32>, vector<4x3x16xf32>)  : i32 {
      %eq3A = vector.broadcast %scan3A_23 : vector<4x1x1xi32> to vector<4x1x64xi32>
      %eq3A_25 = arith.cmpi eq, %add3A, %eq3A : vector<4x1x64xi32>
      %broadcast_in_dim3A_26 = vector.shape_cast %eq3A_25 : vector<4x1x64xi1> to vector<4x1x1x64xi1>
      %jit3A = arith.constant 0.000000e+00 : f32
      %broadcast_in_dim3A_27 = vector.shape_cast %broadcast_in_dim3A_26 : vector<4x1x1x64xi1> to vector<4x1x1x64xi1>
      %broadcast_in_dim3A_28 = vector.broadcast %broadcast_in_dim3A_27 : vector<4x1x1x64xi1> to vector<4x3x1x64xi1>
      %broadcast_in_dim3A_29 = vector.broadcast %jit3A : f32 to vector<4x3x1x64xf32>
      %select_n3A = arith.select %broadcast_in_dim3A_28, %get3A_3, %broadcast_in_dim3A_29 : vector<4x3x1x64xi1>, vector<4x3x1x64xf32>
      %reduce_sum3A = arith.constant dense<0.000000e+00> : vector<4x3x1xf32>
      %reduce_sum3A_30 = vector.multi_reduction <add>, %select_n3A, %reduce_sum3A [3] : vector<4x3x1x64xf32> to vector<4x3x1xf32>
      %broadcast_in_dim3A_31 = vector.shape_cast %reduce_sum3A_30 : vector<4x3x1xf32> to vector<4x3x1x1xf32>
      %reduce_sum3A_32 = arith.constant dense<0.000000e+00> : vector<4x3x1xf32>
      %reduce_sum3A_33 = vector.multi_reduction <add>, %broadcast_in_dim3A_31, %reduce_sum3A_32 [2] : vector<4x3x1x1xf32> to vector<4x3x1xf32>
      %broadcast_in_dim3A_34 = vector.shape_cast %reduce_sum3A_33 : vector<4x3x1xf32> to vector<4x3x1x1xf32>
      %eq3A_35 = vector.broadcast %scan3A_21 : i32 to vector<4x3x16xi32>
      %eq3A_36 = arith.cmpi eq, %iota3A_7, %eq3A_35 : vector<4x3x16xi32>
      %squeeze3A = vector.shape_cast %broadcast_in_dim3A_34 : vector<4x3x1x1xf32> to vector<4x3x1xf32>
      %broadcast_in_dim3A_37 = vector.shape_cast %squeeze3A : vector<4x3x1xf32> to vector<4x3x1xf32>
      %broadcast_in_dim3A_38 = vector.broadcast %broadcast_in_dim3A_37 : vector<4x3x1xf32> to vector<4x3x16xf32>
      %select_n3A_39 = arith.select %eq3A_36, %broadcast_in_dim3A_38, %scan3A_24 : vector<4x3x16xi1>, vector<4x3x16xf32>
      %sub3A = vector.broadcast %broadcast_in_dim3A_34 : vector<4x3x1x1xf32> to vector<4x3x1x64xf32>
      %sub3A_40 = arith.subf %get3A_3, %sub3A : vector<4x3x1x64xf32>
      %mul3A_41 = arith.mulf %sub3A_40, %sub3A_40 : vector<4x3x1x64xf32>
      %slice3A = vector.extract_strided_slice %mul3A_41 {offsets = [0, 0, 0, 0], sizes = [4, 1, 1, 64], strides = [1, 1, 1, 1]} : vector<4x3x1x64xf32> to vector<4x1x1x64xf32>
      %squeeze3A_42 = vector.shape_cast %slice3A : vector<4x1x1x64xf32> to vector<4x1x64xf32>
      %slice3A_43 = vector.extract_strided_slice %mul3A_41 {offsets = [0, 1, 0, 0], sizes = [4, 1, 1, 64], strides = [1, 1, 1, 1]} : vector<4x3x1x64xf32> to vector<4x1x1x64xf32>
      %squeeze3A_44 = vector.shape_cast %slice3A_43 : vector<4x1x1x64xf32> to vector<4x1x64xf32>
      %add3A_45 = arith.addf %squeeze3A_42, %squeeze3A_44 : vector<4x1x64xf32>
      %slice3A_46 = vector.extract_strided_slice %mul3A_41 {offsets = [0, 2, 0, 0], sizes = [4, 1, 1, 64], strides = [1, 1, 1, 1]} : vector<4x3x1x64xf32> to vector<4x1x1x64xf32>
      %squeeze3A_47 = vector.shape_cast %slice3A_46 : vector<4x1x1x64xf32> to vector<4x1x64xf32>
      %add3A_48 = arith.addf %add3A_45, %squeeze3A_47 : vector<4x1x64xf32>
      %min3A = arith.minimumf %scan3A_22, %add3A_48 : vector<4x1x64xf32>
      %reduce_max3A = arith.constant dense<0xFF800000> : vector<4x1xf32>
      %reduce_max3A_49 = vector.multi_reduction <maximumf>, %min3A, %reduce_max3A [2] : vector<4x1x64xf32> to vector<4x1xf32>
      %broadcast_in_dim3A_50 = vector.shape_cast %reduce_max3A_49 : vector<4x1xf32> to vector<4x1x1xf32>
      %reduce_max3A_51 = arith.constant dense<0xFF800000> : vector<4x1xf32>
      %reduce_max3A_52 = vector.multi_reduction <maximumf>, %broadcast_in_dim3A_50, %reduce_max3A_51 [1] : vector<4x1x1xf32> to vector<4x1xf32>
      %broadcast_in_dim3A_53 = vector.shape_cast %reduce_max3A_52 : vector<4x1xf32> to vector<4x1x1xf32>
      %eq3A_54 = vector.broadcast %broadcast_in_dim3A_53 : vector<4x1x1xf32> to vector<4x1x64xf32>
      %eq3A_55 = arith.cmpf oeq, %min3A, %eq3A_54 : vector<4x1x64xf32>
      %jit3A_56 = arith.constant 64 : i32
      %broadcast_in_dim3A_57 = vector.broadcast %jit3A_56 : i32 to vector<4x1x64xi32>
      %select_n3A_58 = arith.select %eq3A_55, %add3A, %broadcast_in_dim3A_57 : vector<4x1x64xi1>, vector<4x1x64xi32>
      %reduce_min3A = arith.constant dense<2147483647> : vector<4x1xi32>
      %reduce_min3A_59 = vector.multi_reduction <minsi>, %select_n3A_58, %reduce_min3A [2] : vector<4x1x64xi32> to vector<4x1xi32>
      %broadcast_in_dim3A_60 = vector.shape_cast %reduce_min3A_59 : vector<4x1xi32> to vector<4x1x1xi32>
      %reduce_min3A_61 = arith.constant dense<2147483647> : vector<4x1xi32>
      %reduce_min3A_62 = vector.multi_reduction <minsi>, %broadcast_in_dim3A_60, %reduce_min3A_61 [1] : vector<4x1x1xi32> to vector<4x1xi32>
      %broadcast_in_dim3A_63 = vector.shape_cast %reduce_min3A_62 : vector<4x1xi32> to vector<4x1x1xi32>
      scf.yield %min3A, %broadcast_in_dim3A_63, %select_n3A_39 : vector<4x1x64xf32>, vector<4x1x1xi32>, vector<4x3x16xf32>
    }
    %scan3A_17 = arith.constant 16 : i32
    %swap3A = arith.constant 0 : index
    %swap3A_18 = arith.constant 0 : index
    %swap3A_19 = arith.constant 0 : index
    %swap3A_20 = vector.load %arg2[%swap3A, %swap3A_18, %swap3A_19] : memref<4x3x16xf32, #tpu.memory_space<vmem>>, vector<4x3x16xf32>
    tpu.vector_store %arg2[%swap3A, %swap3A_18, %swap3A_19], %scan3A_16#2 {strides = array<i32>} : memref<4x3x16xf32, #tpu.memory_space<vmem>>, vector<4x3x16xf32>,
    return
  }
  func.func @transform_0(%arg0: i32) -> (i32, i32, i32, i32) {
    %c0_i32 = arith.constant 0 : i32
    %c0_i32_0 = arith.constant 0 : i32
    %c0_i32_1 = arith.constant 0 : i32
    %c0_i32_2 = arith.constant 0 : i32
    %c0_i32_3 = arith.constant 0 : i32
    return %c0_i32, %c0_i32_0, %c0_i32_1, %c0_i32_2 : i32, i32, i32, i32
  }
  func.func @transform_1(%arg0: i32) -> (i32, i32, i32) {
    %c0_i32 = arith.constant 0 : i32
    %c0_i32_0 = arith.constant 0 : i32
    %c0_i32_1 = arith.constant 0 : i32
    %c0_i32_2 = arith.constant 0 : i32
    return %c0_i32, %c0_i32_0, %c0_i32_1 : i32, i32, i32
  }
}

module attributes {stable_mosaic.version = 14 : i64} {
  func.func @kern(%arg0: i32, %arg1: i32, %arg2: memref<1x1x4096x128xf32, #tpu.memory_space<vmem>>, %arg3: memref<1x256x3xf32, #tpu.memory_space<vmem>>, %arg4: memref<67x64xf32, #tpu.memory_space<vmem>>, %arg5: memref<1x64xf32, #tpu.memory_space<vmem>>, %arg6: memref<64x64xf32, #tpu.memory_space<vmem>>, %arg7: memref<1x64xf32, #tpu.memory_space<vmem>>, %arg8: memref<64x128xf32, #tpu.memory_space<vmem>>, %arg9: memref<1x128xf32, #tpu.memory_space<vmem>>, %arg10: memref<1x256x128xf32, #tpu.memory_space<vmem>>) attributes {dimension_semantics = [#tpu.dimension_semantics<arbitrary>, #tpu.dimension_semantics<arbitrary>], iteration_bounds = array<i64: 8, 1>, scalar_prefetch = 0 : i64, scratch_operands = 0 : i64, tpu.core_type = #tpu.core_type<tc>, window_params = [{transform_indices = @transform_0, window_bounds = array<i64: 1, 1, 4096, 128>}, {transform_indices = @transform_1, window_bounds = array<i64: 1, 256, 3>}, {pipeline_mode = #tpu.pipeline_mode<synchronous>, transform_indices = @transform_2, window_bounds = array<i64: 67, 64>}, {pipeline_mode = #tpu.pipeline_mode<synchronous>, transform_indices = @transform_3, window_bounds = array<i64: 1, 64>}, {pipeline_mode = #tpu.pipeline_mode<synchronous>, transform_indices = @transform_4, window_bounds = array<i64: 64, 64>}, {pipeline_mode = #tpu.pipeline_mode<synchronous>, transform_indices = @transform_5, window_bounds = array<i64: 1, 64>}, {pipeline_mode = #tpu.pipeline_mode<synchronous>, transform_indices = @transform_6, window_bounds = array<i64: 64, 128>}, {pipeline_mode = #tpu.pipeline_mode<synchronous>, transform_indices = @transform_7, window_bounds = array<i64: 1, 128>}, {transform_indices = @transform_8, window_bounds = array<i64: 1, 256, 128>}]} {
    %get3A = arith.constant 0 : index
    %get3A_0 = arith.constant 0 : index
    %get3A_1 = arith.constant 0 : index
    %get3A_2 = arith.constant 0 : index
    %get3A_3 = vector.load %arg2[%get3A, %get3A_0, %get3A_1, %get3A_2] : memref<1x1x4096x128xf32, #tpu.memory_space<vmem>>, vector<1x1x4096x128xf32>
    %get3A_4 = vector.shape_cast %get3A_3 : vector<1x1x4096x128xf32> to vector<4096x128xf32>
    %get3A_5 = arith.constant 0 : index
    %get3A_6 = arith.constant 0 : index
    %get3A_7 = arith.constant 0 : index
    %get3A_8 = vector.load %arg3[%get3A_5, %get3A_6, %get3A_7] : memref<1x256x3xf32, #tpu.memory_space<vmem>>, vector<1x256x3xf32>
    %get3A_9 = vector.shape_cast %get3A_8 : vector<1x256x3xf32> to vector<256x3xf32>
    %broadcast_in_dim3A = vector.shape_cast %get3A_9 : vector<256x3xf32> to vector<256x1x3xf32>
    %broadcast_in_dim3A_10 = vector.shape_cast %broadcast_in_dim3A : vector<256x1x3xf32> to vector<256x1x3xf32>
    %broadcast_in_dim3A_11 = vector.broadcast %broadcast_in_dim3A_10 : vector<256x1x3xf32> to vector<256x16x3xf32>
    %reshape3A = vector.shape_cast %broadcast_in_dim3A_11 : vector<256x16x3xf32> to vector<4096x3xf32>
    %slice3A = vector.extract_strided_slice %get3A_4 {offsets = [0, 0], sizes = [4096, 3], strides = [1, 1]} : vector<4096x128xf32> to vector<4096x3xf32>
    %sub3A = arith.subf %slice3A, %reshape3A : vector<4096x3xf32>
    %slice3A_12 = vector.extract_strided_slice %get3A_4 {offsets = [0, 3], sizes = [4096, 64], strides = [1, 1]} : vector<4096x128xf32> to vector<4096x64xf32>
    %concatenate3A = tpu.concatenate %sub3A, %slice3A_12 in 1 : vector<4096x3xf32>, vector<4096x64xf32> -> vector<4096x67xf32>
    %get3A_13 = arith.constant 0 : index
    %get3A_14 = arith.constant 0 : index
    %get3A_15 = vector.load %arg4[%get3A_13, %get3A_14] : memref<67x64xf32, #tpu.memory_space<vmem>>, vector<67x64xf32>
    %dot_general3A = arith.constant dense<0.000000e+00> : vector<4096x64xf32>
    %dot_general3A_16 = tpu.matmul %concatenate3A, %get3A_15, %dot_general3A {dimension_numbers = #tpu.dot_dimension_numbers<[1], [0], [0], [1], [0, 0, 1, 1], [], []>, transpose_lhs_hint = false} : vector<4096x67xf32>, vector<67x64xf32>, vector<4096x64xf32> -> vector<4096x64xf32>
    %get3A_17 = arith.constant 0 : index
    %get3A_18 = arith.constant 0 : index
    %get3A_19 = vector.load %arg5[%get3A_17, %get3A_18] : memref<1x64xf32, #tpu.memory_space<vmem>>, vector<1x64xf32>
    %add3A = vector.broadcast %get3A_19 : vector<1x64xf32> to vector<4096x64xf32>
    %add3A_20 = arith.addf %dot_general3A_16, %add3A : vector<4096x64xf32>
    %max3A = arith.constant 0.000000e+00 : f32
    %max3A_21 = vector.broadcast %max3A : f32 to vector<4096x64xf32>
    %max3A_22 = arith.maximumf %add3A_20, %max3A_21 : vector<4096x64xf32>
    %get3A_23 = arith.constant 0 : index
    %get3A_24 = arith.constant 0 : index
    %get3A_25 = vector.load %arg6[%get3A_23, %get3A_24] : memref<64x64xf32, #tpu.memory_space<vmem>>, vector<64x64xf32>
    %dot_general3A_26 = arith.constant dense<0.000000e+00> : vector<4096x64xf32>
    %dot_general3A_27 = tpu.matmul %max3A_22, %get3A_25, %dot_general3A_26 {dimension_numbers = #tpu.dot_dimension_numbers<[1], [0], [0], [1], [0, 0, 1, 1], [], []>, transpose_lhs_hint = false} : vector<4096x64xf32>, vector<64x64xf32>, vector<4096x64xf32> -> vector<4096x64xf32>
    %get3A_28 = arith.constant 0 : index
    %get3A_29 = arith.constant 0 : index
    %get3A_30 = vector.load %arg7[%get3A_28, %get3A_29] : memref<1x64xf32, #tpu.memory_space<vmem>>, vector<1x64xf32>
    %add3A_31 = vector.broadcast %get3A_30 : vector<1x64xf32> to vector<4096x64xf32>
    %add3A_32 = arith.addf %dot_general3A_27, %add3A_31 : vector<4096x64xf32>
    %max3A_33 = arith.constant 0.000000e+00 : f32
    %max3A_34 = vector.broadcast %max3A_33 : f32 to vector<4096x64xf32>
    %max3A_35 = arith.maximumf %add3A_32, %max3A_34 : vector<4096x64xf32>
    %get3A_36 = arith.constant 0 : index
    %get3A_37 = arith.constant 0 : index
    %get3A_38 = vector.load %arg8[%get3A_36, %get3A_37] : memref<64x128xf32, #tpu.memory_space<vmem>>, vector<64x128xf32>
    %dot_general3A_39 = arith.constant dense<0.000000e+00> : vector<4096x128xf32>
    %dot_general3A_40 = tpu.matmul %max3A_35, %get3A_38, %dot_general3A_39 {dimension_numbers = #tpu.dot_dimension_numbers<[1], [0], [0], [1], [0, 0, 1, 1], [], []>, transpose_lhs_hint = false} : vector<4096x64xf32>, vector<64x128xf32>, vector<4096x128xf32> -> vector<4096x128xf32>
    %get3A_41 = arith.constant 0 : index
    %get3A_42 = arith.constant 0 : index
    %get3A_43 = vector.load %arg9[%get3A_41, %get3A_42] : memref<1x128xf32, #tpu.memory_space<vmem>>, vector<1x128xf32>
    %add3A_44 = vector.broadcast %get3A_43 : vector<1x128xf32> to vector<4096x128xf32>
    %add3A_45 = arith.addf %dot_general3A_40, %add3A_44 : vector<4096x128xf32>
    %max3A_46 = arith.constant 0.000000e+00 : f32
    %max3A_47 = vector.broadcast %max3A_46 : f32 to vector<4096x128xf32>
    %max3A_48 = arith.maximumf %add3A_45, %max3A_47 : vector<4096x128xf32>
    %reshape3A_49 = vector.shape_cast %max3A_48 : vector<4096x128xf32> to vector<256x16x128xf32>
    %reduce_max3A = arith.constant dense<0xFF800000> : vector<256x128xf32>
    %reduce_max3A_50 = vector.multi_reduction <maximumf>, %reshape3A_49, %reduce_max3A [1] : vector<256x16x128xf32> to vector<256x128xf32>
    %swap3A = arith.constant 0 : index
    %swap3A_51 = arith.constant 0 : index
    %swap3A_52 = arith.constant 0 : index
    %swap3A_53 = vector.load %arg10[%swap3A, %swap3A_51, %swap3A_52] : memref<1x256x128xf32, #tpu.memory_space<vmem>>, vector<1x256x128xf32>
    %swap3A_54 = vector.shape_cast %swap3A_53 : vector<1x256x128xf32> to vector<256x128xf32>
    %swap3A_55 = vector.shape_cast %reduce_max3A_50 : vector<256x128xf32> to vector<1x256x128xf32>
    tpu.vector_store %arg10[%swap3A, %swap3A_51, %swap3A_52], %swap3A_55 {strides = array<i32>} : memref<1x256x128xf32, #tpu.memory_space<vmem>>, vector<1x256x128xf32>,
    return
  }
  func.func @transform_0(%arg0: i32, %arg1: i32) -> (i32, i32, i32, i32) {
    %c0_i32 = arith.constant 0 : i32
    %c0_i32_0 = arith.constant 0 : i32
    %c0_i32_1 = arith.constant 0 : i32
    return %arg0, %arg1, %c0_i32, %c0_i32_0 : i32, i32, i32, i32
  }
  func.func @transform_1(%arg0: i32, %arg1: i32) -> (i32, i32, i32) {
    %c0_i32 = arith.constant 0 : i32
    %c0_i32_0 = arith.constant 0 : i32
    return %arg0, %arg1, %c0_i32 : i32, i32, i32
  }
  func.func @transform_2(%arg0: i32, %arg1: i32) -> (i32, i32) {
    %c0_i32 = arith.constant 0 : i32
    %c0_i32_0 = arith.constant 0 : i32
    %c0_i32_1 = arith.constant 0 : i32
    return %c0_i32, %c0_i32_0 : i32, i32
  }
  func.func @transform_3(%arg0: i32, %arg1: i32) -> (i32, i32) {
    %c0_i32 = arith.constant 0 : i32
    %c0_i32_0 = arith.constant 0 : i32
    %c0_i32_1 = arith.constant 0 : i32
    return %c0_i32, %c0_i32_0 : i32, i32
  }
  func.func @transform_4(%arg0: i32, %arg1: i32) -> (i32, i32) {
    %c0_i32 = arith.constant 0 : i32
    %c0_i32_0 = arith.constant 0 : i32
    %c0_i32_1 = arith.constant 0 : i32
    return %c0_i32, %c0_i32_0 : i32, i32
  }
  func.func @transform_5(%arg0: i32, %arg1: i32) -> (i32, i32) {
    %c0_i32 = arith.constant 0 : i32
    %c0_i32_0 = arith.constant 0 : i32
    %c0_i32_1 = arith.constant 0 : i32
    return %c0_i32, %c0_i32_0 : i32, i32
  }
  func.func @transform_6(%arg0: i32, %arg1: i32) -> (i32, i32) {
    %c0_i32 = arith.constant 0 : i32
    %c0_i32_0 = arith.constant 0 : i32
    %c0_i32_1 = arith.constant 0 : i32
    return %c0_i32, %c0_i32_0 : i32, i32
  }
  func.func @transform_7(%arg0: i32, %arg1: i32) -> (i32, i32) {
    %c0_i32 = arith.constant 0 : i32
    %c0_i32_0 = arith.constant 0 : i32
    %c0_i32_1 = arith.constant 0 : i32
    return %c0_i32, %c0_i32_0 : i32, i32
  }
  func.func @transform_8(%arg0: i32, %arg1: i32) -> (i32, i32, i32) {
    %c0_i32 = arith.constant 0 : i32
    %c0_i32_0 = arith.constant 0 : i32
    return %arg0, %arg1, %c0_i32 : i32, i32, i32
  }
}

module attributes {stable_mosaic.version = 14 : i64} {
  func.func @kern(%arg0: i32, %arg1: i32, %arg2: memref<1x128x3xf32, #tpu.memory_space<vmem>>, %arg3: memref<1x3x256xf32, #tpu.memory_space<vmem>>, %arg4: memref<1x256x131xf32, #tpu.memory_space<vmem>>, %arg5: memref<1x128x128xf32, #tpu.memory_space<vmem>>, %arg6: memref<259x128xf32, #tpu.memory_space<vmem>>, %arg7: memref<1x128xf32, #tpu.memory_space<vmem>>, %arg8: memref<128x128xf32, #tpu.memory_space<vmem>>, %arg9: memref<1x128xf32, #tpu.memory_space<vmem>>, %arg10: memref<128x128xf32, #tpu.memory_space<vmem>>, %arg11: memref<1x128xf32, #tpu.memory_space<vmem>>, %arg12: memref<1x128x128xf32, #tpu.memory_space<vmem>>) attributes {dimension_semantics = [#tpu.dimension_semantics<parallel>, #tpu.dimension_semantics<parallel>], iteration_bounds = array<i64: 4, 2>, scalar_prefetch = 0 : i64, scratch_operands = 0 : i64, tpu.core_type = #tpu.core_type<tc>, window_params = [{transform_indices = @transform_0, window_bounds = array<i64: 1, 128, 3>}, {transform_indices = @transform_1, window_bounds = array<i64: 1, 3, 256>}, {transform_indices = @transform_2, window_bounds = array<i64: 1, 256, 131>}, {transform_indices = @transform_3, window_bounds = array<i64: 1, 128, 128>}, {pipeline_mode = #tpu.pipeline_mode<synchronous>, transform_indices = @transform_4, window_bounds = array<i64: 259, 128>}, {pipeline_mode = #tpu.pipeline_mode<synchronous>, transform_indices = @transform_5, window_bounds = array<i64: 1, 128>}, {pipeline_mode = #tpu.pipeline_mode<synchronous>, transform_indices = @transform_6, window_bounds = array<i64: 128, 128>}, {pipeline_mode = #tpu.pipeline_mode<synchronous>, transform_indices = @transform_7, window_bounds = array<i64: 1, 128>}, {pipeline_mode = #tpu.pipeline_mode<synchronous>, transform_indices = @transform_8, window_bounds = array<i64: 128, 128>}, {pipeline_mode = #tpu.pipeline_mode<synchronous>, transform_indices = @transform_9, window_bounds = array<i64: 1, 128>}, {transform_indices = @transform_10, window_bounds = array<i64: 1, 128, 128>}]} {
    %get3A = arith.constant 0 : index
    %get3A_0 = arith.constant 0 : index
    %get3A_1 = arith.constant 0 : index
    %get3A_2 = vector.load %arg5[%get3A, %get3A_0, %get3A_1] : memref<1x128x128xf32, #tpu.memory_space<vmem>>, vector<1x128x128xf32>
    %get3A_3 = vector.shape_cast %get3A_2 : vector<1x128x128xf32> to vector<128x128xf32>
    %get3A_4 = arith.constant 0 : index
    %get3A_5 = arith.constant 0 : index
    %get3A_6 = arith.constant 0 : index
    %get3A_7 = vector.load %arg2[%get3A_4, %get3A_5, %get3A_6] : memref<1x128x3xf32, #tpu.memory_space<vmem>>, vector<1x128x3xf32>
    %get3A_8 = vector.shape_cast %get3A_7 : vector<1x128x3xf32> to vector<128x3xf32>
    %slice3A = vector.extract_strided_slice %get3A_8 {offsets = [0, 0], sizes = [128, 1], strides = [1, 1]} : vector<128x3xf32> to vector<128x1xf32>
    %get3A_9 = arith.constant 0 : index
    %get3A_10 = arith.constant 0 : index
    %get3A_11 = arith.constant 0 : index
    %get3A_12 = vector.load %arg3[%get3A_9, %get3A_10, %get3A_11] : memref<1x3x256xf32, #tpu.memory_space<vmem>>, vector<1x1x256xf32>
    %get3A_13 = vector.shape_cast %get3A_12 : vector<1x1x256xf32> to vector<1x256xf32>
    %sub3A = vector.broadcast %slice3A : vector<128x1xf32> to vector<128x256xf32>
    %sub3A_14 = vector.broadcast %get3A_13 : vector<1x256xf32> to vector<128x256xf32>
    %sub3A_15 = arith.subf %sub3A, %sub3A_14 : vector<128x256xf32>
    %slice3A_16 = vector.extract_strided_slice %get3A_8 {offsets = [0, 1], sizes = [128, 1], strides = [1, 1]} : vector<128x3xf32> to vector<128x1xf32>
    %get3A_17 = arith.constant 0 : index
    %get3A_18 = arith.constant 1 : index
    %get3A_19 = arith.constant 0 : index
    %get3A_20 = vector.load %arg3[%get3A_17, %get3A_18, %get3A_19] : memref<1x3x256xf32, #tpu.memory_space<vmem>>, vector<1x1x256xf32>
    %get3A_21 = vector.shape_cast %get3A_20 : vector<1x1x256xf32> to vector<1x256xf32>
    %sub3A_22 = vector.broadcast %slice3A_16 : vector<128x1xf32> to vector<128x256xf32>
    %sub3A_23 = vector.broadcast %get3A_21 : vector<1x256xf32> to vector<128x256xf32>
    %sub3A_24 = arith.subf %sub3A_22, %sub3A_23 : vector<128x256xf32>
    %slice3A_25 = vector.extract_strided_slice %get3A_8 {offsets = [0, 2], sizes = [128, 1], strides = [1, 1]} : vector<128x3xf32> to vector<128x1xf32>
    %get3A_26 = arith.constant 0 : index
    %get3A_27 = arith.constant 2 : index
    %get3A_28 = arith.constant 0 : index
    %get3A_29 = vector.load %arg3[%get3A_26, %get3A_27, %get3A_28] : memref<1x3x256xf32, #tpu.memory_space<vmem>>, vector<1x1x256xf32>
    %get3A_30 = vector.shape_cast %get3A_29 : vector<1x1x256xf32> to vector<1x256xf32>
    %sub3A_31 = vector.broadcast %slice3A_25 : vector<128x1xf32> to vector<128x256xf32>
    %sub3A_32 = vector.broadcast %get3A_30 : vector<1x256xf32> to vector<128x256xf32>
    %sub3A_33 = arith.subf %sub3A_31, %sub3A_32 : vector<128x256xf32>
    %mul3A = arith.mulf %sub3A_15, %sub3A_15 : vector<128x256xf32>
    %mul3A_34 = arith.mulf %sub3A_24, %sub3A_24 : vector<128x256xf32>
    %add3A = arith.addf %mul3A, %mul3A_34 : vector<128x256xf32>
    %mul3A_35 = arith.mulf %sub3A_33, %sub3A_33 : vector<128x256xf32>
    %add3A_36 = arith.addf %add3A, %mul3A_35 : vector<128x256xf32>
    %iota3A = tpu.iota {dimensions = array<i32: 2>} : vector<128x1x256xi32>
    %broadcast_in_dim3A = arith.constant 0.000000e+00 : f32
    %broadcast_in_dim3A_37 = vector.broadcast %broadcast_in_dim3A : f32 to vector<128x256xf32>
    %slice3A_38 = vector.extract_strided_slice %add3A_36 {offsets = [0, 0], sizes = [128, 128], strides = [1, 1]} : vector<128x256xf32> to vector<128x128xf32>
    %iota3A_39 = tpu.iota {dimensions = array<i32: 1>} : vector<128x128x1xi32>
    %add3A_40 = arith.constant 0 : i32
    %add3A_41 = vector.broadcast %add3A_40 : i32 to vector<128x128x1xi32>
    %add3A_42 = arith.addi %iota3A_39, %add3A_41 : vector<128x128x1xi32>
    %broadcast_in_dim3A_43 = vector.shape_cast %slice3A_38 : vector<128x128xf32> to vector<128x128x1xf32>
    %broadcast_in_dim3A_44 = vector.shape_cast %add3A_36 : vector<128x256xf32> to vector<128x1x256xf32>
    %lt3A = vector.broadcast %broadcast_in_dim3A_43 : vector<128x128x1xf32> to vector<128x128x256xf32>
    %lt3A_45 = vector.broadcast %broadcast_in_dim3A_44 : vector<128x1x256xf32> to vector<128x128x256xf32>
    %lt3A_46 = arith.cmpf olt, %lt3A, %lt3A_45 : vector<128x128x256xf32>
    %broadcast_in_dim3A_47 = vector.shape_cast %slice3A_38 : vector<128x128xf32> to vector<128x128x1xf32>
    %broadcast_in_dim3A_48 = vector.shape_cast %add3A_36 : vector<128x256xf32> to vector<128x1x256xf32>
    %eq3A = vector.broadcast %broadcast_in_dim3A_47 : vector<128x128x1xf32> to vector<128x128x256xf32>
    %eq3A_49 = vector.broadcast %broadcast_in_dim3A_48 : vector<128x1x256xf32> to vector<128x128x256xf32>
    %eq3A_50 = arith.cmpf oeq, %eq3A, %eq3A_49 : vector<128x128x256xf32>
    %lt3A_51 = vector.broadcast %add3A_42 : vector<128x128x1xi32> to vector<128x128x256xi32>
    %lt3A_52 = vector.broadcast %iota3A : vector<128x1x256xi32> to vector<128x128x256xi32>
    %lt3A_53 = arith.cmpi slt, %lt3A_51, %lt3A_52 : vector<128x128x256xi32>
    %and3A = arith.andi %eq3A_50, %lt3A_53 : vector<128x128x256xi1>
    %or3A = arith.ori %lt3A_46, %and3A : vector<128x128x256xi1>
    %convert_element_type3A = arith.extui %or3A : vector<128x128x256xi1> to vector<128x128x256xi32>
    %convert_element_type3A_54 = arith.sitofp %convert_element_type3A : vector<128x128x256xi32> to vector<128x128x256xf32>
    %reduce_sum3A = arith.constant dense<0.000000e+00> : vector<128x256xf32>
    %reduce_sum3A_55 = vector.multi_reduction <add>, %convert_element_type3A_54, %reduce_sum3A [1] : vector<128x128x256xf32> to vector<128x256xf32>
    %add3A_56 = arith.addf %broadcast_in_dim3A_37, %reduce_sum3A_55 : vector<128x256xf32>
    %slice3A_57 = vector.extract_strided_slice %add3A_36 {offsets = [0, 128], sizes = [128, 128], strides = [1, 1]} : vector<128x256xf32> to vector<128x128xf32>
    %iota3A_58 = tpu.iota {dimensions = array<i32: 1>} : vector<128x128x1xi32>
    %add3A_59 = arith.constant 128 : i32
    %add3A_60 = vector.broadcast %add3A_59 : i32 to vector<128x128x1xi32>
    %add3A_61 = arith.addi %iota3A_58, %add3A_60 : vector<128x128x1xi32>
    %broadcast_in_dim3A_62 = vector.shape_cast %slice3A_57 : vector<128x128xf32> to vector<128x128x1xf32>
    %broadcast_in_dim3A_63 = vector.shape_cast %add3A_36 : vector<128x256xf32> to vector<128x1x256xf32>
    %lt3A_64 = vector.broadcast %broadcast_in_dim3A_62 : vector<128x128x1xf32> to vector<128x128x256xf32>
    %lt3A_65 = vector.broadcast %broadcast_in_dim3A_63 : vector<128x1x256xf32> to vector<128x128x256xf32>
    %lt3A_66 = arith.cmpf olt, %lt3A_64, %lt3A_65 : vector<128x128x256xf32>
    %broadcast_in_dim3A_67 = vector.shape_cast %slice3A_57 : vector<128x128xf32> to vector<128x128x1xf32>
    %broadcast_in_dim3A_68 = vector.shape_cast %add3A_36 : vector<128x256xf32> to vector<128x1x256xf32>
    %eq3A_69 = vector.broadcast %broadcast_in_dim3A_67 : vector<128x128x1xf32> to vector<128x128x256xf32>
    %eq3A_70 = vector.broadcast %broadcast_in_dim3A_68 : vector<128x1x256xf32> to vector<128x128x256xf32>
    %eq3A_71 = arith.cmpf oeq, %eq3A_69, %eq3A_70 : vector<128x128x256xf32>
    %lt3A_72 = vector.broadcast %add3A_61 : vector<128x128x1xi32> to vector<128x128x256xi32>
    %lt3A_73 = vector.broadcast %iota3A : vector<128x1x256xi32> to vector<128x128x256xi32>
    %lt3A_74 = arith.cmpi slt, %lt3A_72, %lt3A_73 : vector<128x128x256xi32>
    %and3A_75 = arith.andi %eq3A_71, %lt3A_74 : vector<128x128x256xi1>
    %or3A_76 = arith.ori %lt3A_66, %and3A_75 : vector<128x128x256xi1>
    %convert_element_type3A_77 = arith.extui %or3A_76 : vector<128x128x256xi1> to vector<128x128x256xi32>
    %convert_element_type3A_78 = arith.sitofp %convert_element_type3A_77 : vector<128x128x256xi32> to vector<128x128x256xf32>
    %reduce_sum3A_79 = arith.constant dense<0.000000e+00> : vector<128x256xf32>
    %reduce_sum3A_80 = vector.multi_reduction <add>, %convert_element_type3A_78, %reduce_sum3A_79 [1] : vector<128x128x256xf32> to vector<128x256xf32>
    %add3A_81 = arith.addf %add3A_56, %reduce_sum3A_80 : vector<128x256xf32>
    %eq3A_82 = arith.constant 0.000000e+00 : f32
    %eq3A_83 = vector.broadcast %eq3A_82 : f32 to vector<128x256xf32>
    %eq3A_84 = arith.cmpf oeq, %add3A_81, %eq3A_83 : vector<128x256xf32>
    %convert_element_type3A_85 = arith.extui %eq3A_84 : vector<128x256xi1> to vector<128x256xi32>
    %convert_element_type3A_86 = arith.sitofp %convert_element_type3A_85 : vector<128x256xi32> to vector<128x256xf32>
    %eq3A_87 = arith.constant 1.000000e+00 : f32
    %eq3A_88 = vector.broadcast %eq3A_87 : f32 to vector<128x256xf32>
    %eq3A_89 = arith.cmpf oeq, %add3A_81, %eq3A_88 : vector<128x256xf32>
    %convert_element_type3A_90 = arith.extui %eq3A_89 : vector<128x256xi1> to vector<128x256xi32>
    %convert_element_type3A_91 = arith.sitofp %convert_element_type3A_90 : vector<128x256xi32> to vector<128x256xf32>
    %eq3A_92 = arith.constant 2.000000e+00 : f32
    %eq3A_93 = vector.broadcast %eq3A_92 : f32 to vector<128x256xf32>
    %eq3A_94 = arith.cmpf oeq, %add3A_81, %eq3A_93 : vector<128x256xf32>
    %convert_element_type3A_95 = arith.extui %eq3A_94 : vector<128x256xi1> to vector<128x256xi32>
    %convert_element_type3A_96 = arith.sitofp %convert_element_type3A_95 : vector<128x256xi32> to vector<128x256xf32>
    %eq3A_97 = arith.constant 3.000000e+00 : f32
    %eq3A_98 = vector.broadcast %eq3A_97 : f32 to vector<128x256xf32>
    %eq3A_99 = arith.cmpf oeq, %add3A_81, %eq3A_98 : vector<128x256xf32>
    %convert_element_type3A_100 = arith.extui %eq3A_99 : vector<128x256xi1> to vector<128x256xi32>
    %convert_element_type3A_101 = arith.sitofp %convert_element_type3A_100 : vector<128x256xi32> to vector<128x256xf32>
    %eq3A_102 = arith.constant 4.000000e+00 : f32
    %eq3A_103 = vector.broadcast %eq3A_102 : f32 to vector<128x256xf32>
    %eq3A_104 = arith.cmpf oeq, %add3A_81, %eq3A_103 : vector<128x256xf32>
    %convert_element_type3A_105 = arith.extui %eq3A_104 : vector<128x256xi1> to vector<128x256xi32>
    %convert_element_type3A_106 = arith.sitofp %convert_element_type3A_105 : vector<128x256xi32> to vector<128x256xf32>
    %eq3A_107 = arith.constant 5.000000e+00 : f32
    %eq3A_108 = vector.broadcast %eq3A_107 : f32 to vector<128x256xf32>
    %eq3A_109 = arith.cmpf oeq, %add3A_81, %eq3A_108 : vector<128x256xf32>
    %convert_element_type3A_110 = arith.extui %eq3A_109 : vector<128x256xi1> to vector<128x256xi32>
    %convert_element_type3A_111 = arith.sitofp %convert_element_type3A_110 : vector<128x256xi32> to vector<128x256xf32>
    %eq3A_112 = arith.constant 6.000000e+00 : f32
    %eq3A_113 = vector.broadcast %eq3A_112 : f32 to vector<128x256xf32>
    %eq3A_114 = arith.cmpf oeq, %add3A_81, %eq3A_113 : vector<128x256xf32>
    %convert_element_type3A_115 = arith.extui %eq3A_114 : vector<128x256xi1> to vector<128x256xi32>
    %convert_element_type3A_116 = arith.sitofp %convert_element_type3A_115 : vector<128x256xi32> to vector<128x256xf32>
    %eq3A_117 = arith.constant 7.000000e+00 : f32
    %eq3A_118 = vector.broadcast %eq3A_117 : f32 to vector<128x256xf32>
    %eq3A_119 = arith.cmpf oeq, %add3A_81, %eq3A_118 : vector<128x256xf32>
    %convert_element_type3A_120 = arith.extui %eq3A_119 : vector<128x256xi1> to vector<128x256xi32>
    %convert_element_type3A_121 = arith.sitofp %convert_element_type3A_120 : vector<128x256xi32> to vector<128x256xf32>
    %eq3A_122 = arith.constant 8.000000e+00 : f32
    %eq3A_123 = vector.broadcast %eq3A_122 : f32 to vector<128x256xf32>
    %eq3A_124 = arith.cmpf oeq, %add3A_81, %eq3A_123 : vector<128x256xf32>
    %convert_element_type3A_125 = arith.extui %eq3A_124 : vector<128x256xi1> to vector<128x256xi32>
    %convert_element_type3A_126 = arith.sitofp %convert_element_type3A_125 : vector<128x256xi32> to vector<128x256xf32>
    %eq3A_127 = arith.constant 9.000000e+00 : f32
    %eq3A_128 = vector.broadcast %eq3A_127 : f32 to vector<128x256xf32>
    %eq3A_129 = arith.cmpf oeq, %add3A_81, %eq3A_128 : vector<128x256xf32>
    %convert_element_type3A_130 = arith.extui %eq3A_129 : vector<128x256xi1> to vector<128x256xi32>
    %convert_element_type3A_131 = arith.sitofp %convert_element_type3A_130 : vector<128x256xi32> to vector<128x256xf32>
    %eq3A_132 = arith.constant 1.000000e+01 : f32
    %eq3A_133 = vector.broadcast %eq3A_132 : f32 to vector<128x256xf32>
    %eq3A_134 = arith.cmpf oeq, %add3A_81, %eq3A_133 : vector<128x256xf32>
    %convert_element_type3A_135 = arith.extui %eq3A_134 : vector<128x256xi1> to vector<128x256xi32>
    %convert_element_type3A_136 = arith.sitofp %convert_element_type3A_135 : vector<128x256xi32> to vector<128x256xf32>
    %eq3A_137 = arith.constant 1.100000e+01 : f32
    %eq3A_138 = vector.broadcast %eq3A_137 : f32 to vector<128x256xf32>
    %eq3A_139 = arith.cmpf oeq, %add3A_81, %eq3A_138 : vector<128x256xf32>
    %convert_element_type3A_140 = arith.extui %eq3A_139 : vector<128x256xi1> to vector<128x256xi32>
    %convert_element_type3A_141 = arith.sitofp %convert_element_type3A_140 : vector<128x256xi32> to vector<128x256xf32>
    %eq3A_142 = arith.constant 1.200000e+01 : f32
    %eq3A_143 = vector.broadcast %eq3A_142 : f32 to vector<128x256xf32>
    %eq3A_144 = arith.cmpf oeq, %add3A_81, %eq3A_143 : vector<128x256xf32>
    %convert_element_type3A_145 = arith.extui %eq3A_144 : vector<128x256xi1> to vector<128x256xi32>
    %convert_element_type3A_146 = arith.sitofp %convert_element_type3A_145 : vector<128x256xi32> to vector<128x256xf32>
    %eq3A_147 = arith.constant 1.300000e+01 : f32
    %eq3A_148 = vector.broadcast %eq3A_147 : f32 to vector<128x256xf32>
    %eq3A_149 = arith.cmpf oeq, %add3A_81, %eq3A_148 : vector<128x256xf32>
    %convert_element_type3A_150 = arith.extui %eq3A_149 : vector<128x256xi1> to vector<128x256xi32>
    %convert_element_type3A_151 = arith.sitofp %convert_element_type3A_150 : vector<128x256xi32> to vector<128x256xf32>
    %eq3A_152 = arith.constant 1.400000e+01 : f32
    %eq3A_153 = vector.broadcast %eq3A_152 : f32 to vector<128x256xf32>
    %eq3A_154 = arith.cmpf oeq, %add3A_81, %eq3A_153 : vector<128x256xf32>
    %convert_element_type3A_155 = arith.extui %eq3A_154 : vector<128x256xi1> to vector<128x256xi32>
    %convert_element_type3A_156 = arith.sitofp %convert_element_type3A_155 : vector<128x256xi32> to vector<128x256xf32>
    %eq3A_157 = arith.constant 1.500000e+01 : f32
    %eq3A_158 = vector.broadcast %eq3A_157 : f32 to vector<128x256xf32>
    %eq3A_159 = arith.cmpf oeq, %add3A_81, %eq3A_158 : vector<128x256xf32>
    %convert_element_type3A_160 = arith.extui %eq3A_159 : vector<128x256xi1> to vector<128x256xi32>
    %convert_element_type3A_161 = arith.sitofp %convert_element_type3A_160 : vector<128x256xi32> to vector<128x256xf32>
    %eq3A_162 = arith.constant 1.600000e+01 : f32
    %eq3A_163 = vector.broadcast %eq3A_162 : f32 to vector<128x256xf32>
    %eq3A_164 = arith.cmpf oeq, %add3A_81, %eq3A_163 : vector<128x256xf32>
    %convert_element_type3A_165 = arith.extui %eq3A_164 : vector<128x256xi1> to vector<128x256xi32>
    %convert_element_type3A_166 = arith.sitofp %convert_element_type3A_165 : vector<128x256xi32> to vector<128x256xf32>
    %eq3A_167 = arith.constant 1.700000e+01 : f32
    %eq3A_168 = vector.broadcast %eq3A_167 : f32 to vector<128x256xf32>
    %eq3A_169 = arith.cmpf oeq, %add3A_81, %eq3A_168 : vector<128x256xf32>
    %convert_element_type3A_170 = arith.extui %eq3A_169 : vector<128x256xi1> to vector<128x256xi32>
    %convert_element_type3A_171 = arith.sitofp %convert_element_type3A_170 : vector<128x256xi32> to vector<128x256xf32>
    %eq3A_172 = arith.constant 1.800000e+01 : f32
    %eq3A_173 = vector.broadcast %eq3A_172 : f32 to vector<128x256xf32>
    %eq3A_174 = arith.cmpf oeq, %add3A_81, %eq3A_173 : vector<128x256xf32>
    %convert_element_type3A_175 = arith.extui %eq3A_174 : vector<128x256xi1> to vector<128x256xi32>
    %convert_element_type3A_176 = arith.sitofp %convert_element_type3A_175 : vector<128x256xi32> to vector<128x256xf32>
    %eq3A_177 = arith.constant 1.900000e+01 : f32
    %eq3A_178 = vector.broadcast %eq3A_177 : f32 to vector<128x256xf32>
    %eq3A_179 = arith.cmpf oeq, %add3A_81, %eq3A_178 : vector<128x256xf32>
    %convert_element_type3A_180 = arith.extui %eq3A_179 : vector<128x256xi1> to vector<128x256xi32>
    %convert_element_type3A_181 = arith.sitofp %convert_element_type3A_180 : vector<128x256xi32> to vector<128x256xf32>
    %eq3A_182 = arith.constant 2.000000e+01 : f32
    %eq3A_183 = vector.broadcast %eq3A_182 : f32 to vector<128x256xf32>
    %eq3A_184 = arith.cmpf oeq, %add3A_81, %eq3A_183 : vector<128x256xf32>
    %convert_element_type3A_185 = arith.extui %eq3A_184 : vector<128x256xi1> to vector<128x256xi32>
    %convert_element_type3A_186 = arith.sitofp %convert_element_type3A_185 : vector<128x256xi32> to vector<128x256xf32>
    %eq3A_187 = arith.constant 2.100000e+01 : f32
    %eq3A_188 = vector.broadcast %eq3A_187 : f32 to vector<128x256xf32>
    %eq3A_189 = arith.cmpf oeq, %add3A_81, %eq3A_188 : vector<128x256xf32>
    %convert_element_type3A_190 = arith.extui %eq3A_189 : vector<128x256xi1> to vector<128x256xi32>
    %convert_element_type3A_191 = arith.sitofp %convert_element_type3A_190 : vector<128x256xi32> to vector<128x256xf32>
    %eq3A_192 = arith.constant 2.200000e+01 : f32
    %eq3A_193 = vector.broadcast %eq3A_192 : f32 to vector<128x256xf32>
    %eq3A_194 = arith.cmpf oeq, %add3A_81, %eq3A_193 : vector<128x256xf32>
    %convert_element_type3A_195 = arith.extui %eq3A_194 : vector<128x256xi1> to vector<128x256xi32>
    %convert_element_type3A_196 = arith.sitofp %convert_element_type3A_195 : vector<128x256xi32> to vector<128x256xf32>
    %eq3A_197 = arith.constant 2.300000e+01 : f32
    %eq3A_198 = vector.broadcast %eq3A_197 : f32 to vector<128x256xf32>
    %eq3A_199 = arith.cmpf oeq, %add3A_81, %eq3A_198 : vector<128x256xf32>
    %convert_element_type3A_200 = arith.extui %eq3A_199 : vector<128x256xi1> to vector<128x256xi32>
    %convert_element_type3A_201 = arith.sitofp %convert_element_type3A_200 : vector<128x256xi32> to vector<128x256xf32>
    %eq3A_202 = arith.constant 2.400000e+01 : f32
    %eq3A_203 = vector.broadcast %eq3A_202 : f32 to vector<128x256xf32>
    %eq3A_204 = arith.cmpf oeq, %add3A_81, %eq3A_203 : vector<128x256xf32>
    %convert_element_type3A_205 = arith.extui %eq3A_204 : vector<128x256xi1> to vector<128x256xi32>
    %convert_element_type3A_206 = arith.sitofp %convert_element_type3A_205 : vector<128x256xi32> to vector<128x256xf32>
    %eq3A_207 = arith.constant 2.500000e+01 : f32
    %eq3A_208 = vector.broadcast %eq3A_207 : f32 to vector<128x256xf32>
    %eq3A_209 = arith.cmpf oeq, %add3A_81, %eq3A_208 : vector<128x256xf32>
    %convert_element_type3A_210 = arith.extui %eq3A_209 : vector<128x256xi1> to vector<128x256xi32>
    %convert_element_type3A_211 = arith.sitofp %convert_element_type3A_210 : vector<128x256xi32> to vector<128x256xf32>
    %eq3A_212 = arith.constant 2.600000e+01 : f32
    %eq3A_213 = vector.broadcast %eq3A_212 : f32 to vector<128x256xf32>
    %eq3A_214 = arith.cmpf oeq, %add3A_81, %eq3A_213 : vector<128x256xf32>
    %convert_element_type3A_215 = arith.extui %eq3A_214 : vector<128x256xi1> to vector<128x256xi32>
    %convert_element_type3A_216 = arith.sitofp %convert_element_type3A_215 : vector<128x256xi32> to vector<128x256xf32>
    %eq3A_217 = arith.constant 2.700000e+01 : f32
    %eq3A_218 = vector.broadcast %eq3A_217 : f32 to vector<128x256xf32>
    %eq3A_219 = arith.cmpf oeq, %add3A_81, %eq3A_218 : vector<128x256xf32>
    %convert_element_type3A_220 = arith.extui %eq3A_219 : vector<128x256xi1> to vector<128x256xi32>
    %convert_element_type3A_221 = arith.sitofp %convert_element_type3A_220 : vector<128x256xi32> to vector<128x256xf32>
    %eq3A_222 = arith.constant 2.800000e+01 : f32
    %eq3A_223 = vector.broadcast %eq3A_222 : f32 to vector<128x256xf32>
    %eq3A_224 = arith.cmpf oeq, %add3A_81, %eq3A_223 : vector<128x256xf32>
    %convert_element_type3A_225 = arith.extui %eq3A_224 : vector<128x256xi1> to vector<128x256xi32>
    %convert_element_type3A_226 = arith.sitofp %convert_element_type3A_225 : vector<128x256xi32> to vector<128x256xf32>
    %eq3A_227 = arith.constant 2.900000e+01 : f32
    %eq3A_228 = vector.broadcast %eq3A_227 : f32 to vector<128x256xf32>
    %eq3A_229 = arith.cmpf oeq, %add3A_81, %eq3A_228 : vector<128x256xf32>
    %convert_element_type3A_230 = arith.extui %eq3A_229 : vector<128x256xi1> to vector<128x256xi32>
    %convert_element_type3A_231 = arith.sitofp %convert_element_type3A_230 : vector<128x256xi32> to vector<128x256xf32>
    %eq3A_232 = arith.constant 3.000000e+01 : f32
    %eq3A_233 = vector.broadcast %eq3A_232 : f32 to vector<128x256xf32>
    %eq3A_234 = arith.cmpf oeq, %add3A_81, %eq3A_233 : vector<128x256xf32>
    %convert_element_type3A_235 = arith.extui %eq3A_234 : vector<128x256xi1> to vector<128x256xi32>
    %convert_element_type3A_236 = arith.sitofp %convert_element_type3A_235 : vector<128x256xi32> to vector<128x256xf32>
    %eq3A_237 = arith.constant 3.100000e+01 : f32
    %eq3A_238 = vector.broadcast %eq3A_237 : f32 to vector<128x256xf32>
    %eq3A_239 = arith.cmpf oeq, %add3A_81, %eq3A_238 : vector<128x256xf32>
    %convert_element_type3A_240 = arith.extui %eq3A_239 : vector<128x256xi1> to vector<128x256xi32>
    %convert_element_type3A_241 = arith.sitofp %convert_element_type3A_240 : vector<128x256xi32> to vector<128x256xf32>
    %eq3A_242 = arith.constant 3.200000e+01 : f32
    %eq3A_243 = vector.broadcast %eq3A_242 : f32 to vector<128x256xf32>
    %eq3A_244 = arith.cmpf oeq, %add3A_81, %eq3A_243 : vector<128x256xf32>
    %convert_element_type3A_245 = arith.extui %eq3A_244 : vector<128x256xi1> to vector<128x256xi32>
    %convert_element_type3A_246 = arith.sitofp %convert_element_type3A_245 : vector<128x256xi32> to vector<128x256xf32>
    %eq3A_247 = arith.constant 3.300000e+01 : f32
    %eq3A_248 = vector.broadcast %eq3A_247 : f32 to vector<128x256xf32>
    %eq3A_249 = arith.cmpf oeq, %add3A_81, %eq3A_248 : vector<128x256xf32>
    %convert_element_type3A_250 = arith.extui %eq3A_249 : vector<128x256xi1> to vector<128x256xi32>
    %convert_element_type3A_251 = arith.sitofp %convert_element_type3A_250 : vector<128x256xi32> to vector<128x256xf32>
    %eq3A_252 = arith.constant 3.400000e+01 : f32
    %eq3A_253 = vector.broadcast %eq3A_252 : f32 to vector<128x256xf32>
    %eq3A_254 = arith.cmpf oeq, %add3A_81, %eq3A_253 : vector<128x256xf32>
    %convert_element_type3A_255 = arith.extui %eq3A_254 : vector<128x256xi1> to vector<128x256xi32>
    %convert_element_type3A_256 = arith.sitofp %convert_element_type3A_255 : vector<128x256xi32> to vector<128x256xf32>
    %eq3A_257 = arith.constant 3.500000e+01 : f32
    %eq3A_258 = vector.broadcast %eq3A_257 : f32 to vector<128x256xf32>
    %eq3A_259 = arith.cmpf oeq, %add3A_81, %eq3A_258 : vector<128x256xf32>
    %convert_element_type3A_260 = arith.extui %eq3A_259 : vector<128x256xi1> to vector<128x256xi32>
    %convert_element_type3A_261 = arith.sitofp %convert_element_type3A_260 : vector<128x256xi32> to vector<128x256xf32>
    %eq3A_262 = arith.constant 3.600000e+01 : f32
    %eq3A_263 = vector.broadcast %eq3A_262 : f32 to vector<128x256xf32>
    %eq3A_264 = arith.cmpf oeq, %add3A_81, %eq3A_263 : vector<128x256xf32>
    %convert_element_type3A_265 = arith.extui %eq3A_264 : vector<128x256xi1> to vector<128x256xi32>
    %convert_element_type3A_266 = arith.sitofp %convert_element_type3A_265 : vector<128x256xi32> to vector<128x256xf32>
    %eq3A_267 = arith.constant 3.700000e+01 : f32
    %eq3A_268 = vector.broadcast %eq3A_267 : f32 to vector<128x256xf32>
    %eq3A_269 = arith.cmpf oeq, %add3A_81, %eq3A_268 : vector<128x256xf32>
    %convert_element_type3A_270 = arith.extui %eq3A_269 : vector<128x256xi1> to vector<128x256xi32>
    %convert_element_type3A_271 = arith.sitofp %convert_element_type3A_270 : vector<128x256xi32> to vector<128x256xf32>
    %eq3A_272 = arith.constant 3.800000e+01 : f32
    %eq3A_273 = vector.broadcast %eq3A_272 : f32 to vector<128x256xf32>
    %eq3A_274 = arith.cmpf oeq, %add3A_81, %eq3A_273 : vector<128x256xf32>
    %convert_element_type3A_275 = arith.extui %eq3A_274 : vector<128x256xi1> to vector<128x256xi32>
    %convert_element_type3A_276 = arith.sitofp %convert_element_type3A_275 : vector<128x256xi32> to vector<128x256xf32>
    %eq3A_277 = arith.constant 3.900000e+01 : f32
    %eq3A_278 = vector.broadcast %eq3A_277 : f32 to vector<128x256xf32>
    %eq3A_279 = arith.cmpf oeq, %add3A_81, %eq3A_278 : vector<128x256xf32>
    %convert_element_type3A_280 = arith.extui %eq3A_279 : vector<128x256xi1> to vector<128x256xi32>
    %convert_element_type3A_281 = arith.sitofp %convert_element_type3A_280 : vector<128x256xi32> to vector<128x256xf32>
    %eq3A_282 = arith.constant 4.000000e+01 : f32
    %eq3A_283 = vector.broadcast %eq3A_282 : f32 to vector<128x256xf32>
    %eq3A_284 = arith.cmpf oeq, %add3A_81, %eq3A_283 : vector<128x256xf32>
    %convert_element_type3A_285 = arith.extui %eq3A_284 : vector<128x256xi1> to vector<128x256xi32>
    %convert_element_type3A_286 = arith.sitofp %convert_element_type3A_285 : vector<128x256xi32> to vector<128x256xf32>
    %eq3A_287 = arith.constant 4.100000e+01 : f32
    %eq3A_288 = vector.broadcast %eq3A_287 : f32 to vector<128x256xf32>
    %eq3A_289 = arith.cmpf oeq, %add3A_81, %eq3A_288 : vector<128x256xf32>
    %convert_element_type3A_290 = arith.extui %eq3A_289 : vector<128x256xi1> to vector<128x256xi32>
    %convert_element_type3A_291 = arith.sitofp %convert_element_type3A_290 : vector<128x256xi32> to vector<128x256xf32>
    %eq3A_292 = arith.constant 4.200000e+01 : f32
    %eq3A_293 = vector.broadcast %eq3A_292 : f32 to vector<128x256xf32>
    %eq3A_294 = arith.cmpf oeq, %add3A_81, %eq3A_293 : vector<128x256xf32>
    %convert_element_type3A_295 = arith.extui %eq3A_294 : vector<128x256xi1> to vector<128x256xi32>
    %convert_element_type3A_296 = arith.sitofp %convert_element_type3A_295 : vector<128x256xi32> to vector<128x256xf32>
    %eq3A_297 = arith.constant 4.300000e+01 : f32
    %eq3A_298 = vector.broadcast %eq3A_297 : f32 to vector<128x256xf32>
    %eq3A_299 = arith.cmpf oeq, %add3A_81, %eq3A_298 : vector<128x256xf32>
    %convert_element_type3A_300 = arith.extui %eq3A_299 : vector<128x256xi1> to vector<128x256xi32>
    %convert_element_type3A_301 = arith.sitofp %convert_element_type3A_300 : vector<128x256xi32> to vector<128x256xf32>
    %eq3A_302 = arith.constant 4.400000e+01 : f32
    %eq3A_303 = vector.broadcast %eq3A_302 : f32 to vector<128x256xf32>
    %eq3A_304 = arith.cmpf oeq, %add3A_81, %eq3A_303 : vector<128x256xf32>
    %convert_element_type3A_305 = arith.extui %eq3A_304 : vector<128x256xi1> to vector<128x256xi32>
    %convert_element_type3A_306 = arith.sitofp %convert_element_type3A_305 : vector<128x256xi32> to vector<128x256xf32>
    %eq3A_307 = arith.constant 4.500000e+01 : f32
    %eq3A_308 = vector.broadcast %eq3A_307 : f32 to vector<128x256xf32>
    %eq3A_309 = arith.cmpf oeq, %add3A_81, %eq3A_308 : vector<128x256xf32>
    %convert_element_type3A_310 = arith.extui %eq3A_309 : vector<128x256xi1> to vector<128x256xi32>
    %convert_element_type3A_311 = arith.sitofp %convert_element_type3A_310 : vector<128x256xi32> to vector<128x256xf32>
    %eq3A_312 = arith.constant 4.600000e+01 : f32
    %eq3A_313 = vector.broadcast %eq3A_312 : f32 to vector<128x256xf32>
    %eq3A_314 = arith.cmpf oeq, %add3A_81, %eq3A_313 : vector<128x256xf32>
    %convert_element_type3A_315 = arith.extui %eq3A_314 : vector<128x256xi1> to vector<128x256xi32>
    %convert_element_type3A_316 = arith.sitofp %convert_element_type3A_315 : vector<128x256xi32> to vector<128x256xf32>
    %eq3A_317 = arith.constant 4.700000e+01 : f32
    %eq3A_318 = vector.broadcast %eq3A_317 : f32 to vector<128x256xf32>
    %eq3A_319 = arith.cmpf oeq, %add3A_81, %eq3A_318 : vector<128x256xf32>
    %convert_element_type3A_320 = arith.extui %eq3A_319 : vector<128x256xi1> to vector<128x256xi32>
    %convert_element_type3A_321 = arith.sitofp %convert_element_type3A_320 : vector<128x256xi32> to vector<128x256xf32>
    %eq3A_322 = arith.constant 4.800000e+01 : f32
    %eq3A_323 = vector.broadcast %eq3A_322 : f32 to vector<128x256xf32>
    %eq3A_324 = arith.cmpf oeq, %add3A_81, %eq3A_323 : vector<128x256xf32>
    %convert_element_type3A_325 = arith.extui %eq3A_324 : vector<128x256xi1> to vector<128x256xi32>
    %convert_element_type3A_326 = arith.sitofp %convert_element_type3A_325 : vector<128x256xi32> to vector<128x256xf32>
    %eq3A_327 = arith.constant 4.900000e+01 : f32
    %eq3A_328 = vector.broadcast %eq3A_327 : f32 to vector<128x256xf32>
    %eq3A_329 = arith.cmpf oeq, %add3A_81, %eq3A_328 : vector<128x256xf32>
    %convert_element_type3A_330 = arith.extui %eq3A_329 : vector<128x256xi1> to vector<128x256xi32>
    %convert_element_type3A_331 = arith.sitofp %convert_element_type3A_330 : vector<128x256xi32> to vector<128x256xf32>
    %eq3A_332 = arith.constant 5.000000e+01 : f32
    %eq3A_333 = vector.broadcast %eq3A_332 : f32 to vector<128x256xf32>
    %eq3A_334 = arith.cmpf oeq, %add3A_81, %eq3A_333 : vector<128x256xf32>
    %convert_element_type3A_335 = arith.extui %eq3A_334 : vector<128x256xi1> to vector<128x256xi32>
    %convert_element_type3A_336 = arith.sitofp %convert_element_type3A_335 : vector<128x256xi32> to vector<128x256xf32>
    %eq3A_337 = arith.constant 5.100000e+01 : f32
    %eq3A_338 = vector.broadcast %eq3A_337 : f32 to vector<128x256xf32>
    %eq3A_339 = arith.cmpf oeq, %add3A_81, %eq3A_338 : vector<128x256xf32>
    %convert_element_type3A_340 = arith.extui %eq3A_339 : vector<128x256xi1> to vector<128x256xi32>
    %convert_element_type3A_341 = arith.sitofp %convert_element_type3A_340 : vector<128x256xi32> to vector<128x256xf32>
    %eq3A_342 = arith.constant 5.200000e+01 : f32
    %eq3A_343 = vector.broadcast %eq3A_342 : f32 to vector<128x256xf32>
    %eq3A_344 = arith.cmpf oeq, %add3A_81, %eq3A_343 : vector<128x256xf32>
    %convert_element_type3A_345 = arith.extui %eq3A_344 : vector<128x256xi1> to vector<128x256xi32>
    %convert_element_type3A_346 = arith.sitofp %convert_element_type3A_345 : vector<128x256xi32> to vector<128x256xf32>
    %eq3A_347 = arith.constant 5.300000e+01 : f32
    %eq3A_348 = vector.broadcast %eq3A_347 : f32 to vector<128x256xf32>
    %eq3A_349 = arith.cmpf oeq, %add3A_81, %eq3A_348 : vector<128x256xf32>
    %convert_element_type3A_350 = arith.extui %eq3A_349 : vector<128x256xi1> to vector<128x256xi32>
    %convert_element_type3A_351 = arith.sitofp %convert_element_type3A_350 : vector<128x256xi32> to vector<128x256xf32>
    %eq3A_352 = arith.constant 5.400000e+01 : f32
    %eq3A_353 = vector.broadcast %eq3A_352 : f32 to vector<128x256xf32>
    %eq3A_354 = arith.cmpf oeq, %add3A_81, %eq3A_353 : vector<128x256xf32>
    %convert_element_type3A_355 = arith.extui %eq3A_354 : vector<128x256xi1> to vector<128x256xi32>
    %convert_element_type3A_356 = arith.sitofp %convert_element_type3A_355 : vector<128x256xi32> to vector<128x256xf32>
    %eq3A_357 = arith.constant 5.500000e+01 : f32
    %eq3A_358 = vector.broadcast %eq3A_357 : f32 to vector<128x256xf32>
    %eq3A_359 = arith.cmpf oeq, %add3A_81, %eq3A_358 : vector<128x256xf32>
    %convert_element_type3A_360 = arith.extui %eq3A_359 : vector<128x256xi1> to vector<128x256xi32>
    %convert_element_type3A_361 = arith.sitofp %convert_element_type3A_360 : vector<128x256xi32> to vector<128x256xf32>
    %eq3A_362 = arith.constant 5.600000e+01 : f32
    %eq3A_363 = vector.broadcast %eq3A_362 : f32 to vector<128x256xf32>
    %eq3A_364 = arith.cmpf oeq, %add3A_81, %eq3A_363 : vector<128x256xf32>
    %convert_element_type3A_365 = arith.extui %eq3A_364 : vector<128x256xi1> to vector<128x256xi32>
    %convert_element_type3A_366 = arith.sitofp %convert_element_type3A_365 : vector<128x256xi32> to vector<128x256xf32>
    %eq3A_367 = arith.constant 5.700000e+01 : f32
    %eq3A_368 = vector.broadcast %eq3A_367 : f32 to vector<128x256xf32>
    %eq3A_369 = arith.cmpf oeq, %add3A_81, %eq3A_368 : vector<128x256xf32>
    %convert_element_type3A_370 = arith.extui %eq3A_369 : vector<128x256xi1> to vector<128x256xi32>
    %convert_element_type3A_371 = arith.sitofp %convert_element_type3A_370 : vector<128x256xi32> to vector<128x256xf32>
    %eq3A_372 = arith.constant 5.800000e+01 : f32
    %eq3A_373 = vector.broadcast %eq3A_372 : f32 to vector<128x256xf32>
    %eq3A_374 = arith.cmpf oeq, %add3A_81, %eq3A_373 : vector<128x256xf32>
    %convert_element_type3A_375 = arith.extui %eq3A_374 : vector<128x256xi1> to vector<128x256xi32>
    %convert_element_type3A_376 = arith.sitofp %convert_element_type3A_375 : vector<128x256xi32> to vector<128x256xf32>
    %eq3A_377 = arith.constant 5.900000e+01 : f32
    %eq3A_378 = vector.broadcast %eq3A_377 : f32 to vector<128x256xf32>
    %eq3A_379 = arith.cmpf oeq, %add3A_81, %eq3A_378 : vector<128x256xf32>
    %convert_element_type3A_380 = arith.extui %eq3A_379 : vector<128x256xi1> to vector<128x256xi32>
    %convert_element_type3A_381 = arith.sitofp %convert_element_type3A_380 : vector<128x256xi32> to vector<128x256xf32>
    %eq3A_382 = arith.constant 6.000000e+01 : f32
    %eq3A_383 = vector.broadcast %eq3A_382 : f32 to vector<128x256xf32>
    %eq3A_384 = arith.cmpf oeq, %add3A_81, %eq3A_383 : vector<128x256xf32>
    %convert_element_type3A_385 = arith.extui %eq3A_384 : vector<128x256xi1> to vector<128x256xi32>
    %convert_element_type3A_386 = arith.sitofp %convert_element_type3A_385 : vector<128x256xi32> to vector<128x256xf32>
    %eq3A_387 = arith.constant 6.100000e+01 : f32
    %eq3A_388 = vector.broadcast %eq3A_387 : f32 to vector<128x256xf32>
    %eq3A_389 = arith.cmpf oeq, %add3A_81, %eq3A_388 : vector<128x256xf32>
    %convert_element_type3A_390 = arith.extui %eq3A_389 : vector<128x256xi1> to vector<128x256xi32>
    %convert_element_type3A_391 = arith.sitofp %convert_element_type3A_390 : vector<128x256xi32> to vector<128x256xf32>
    %eq3A_392 = arith.constant 6.200000e+01 : f32
    %eq3A_393 = vector.broadcast %eq3A_392 : f32 to vector<128x256xf32>
    %eq3A_394 = arith.cmpf oeq, %add3A_81, %eq3A_393 : vector<128x256xf32>
    %convert_element_type3A_395 = arith.extui %eq3A_394 : vector<128x256xi1> to vector<128x256xi32>
    %convert_element_type3A_396 = arith.sitofp %convert_element_type3A_395 : vector<128x256xi32> to vector<128x256xf32>
    %eq3A_397 = arith.constant 6.300000e+01 : f32
    %eq3A_398 = vector.broadcast %eq3A_397 : f32 to vector<128x256xf32>
    %eq3A_399 = arith.cmpf oeq, %add3A_81, %eq3A_398 : vector<128x256xf32>
    %convert_element_type3A_400 = arith.extui %eq3A_399 : vector<128x256xi1> to vector<128x256xi32>
    %convert_element_type3A_401 = arith.sitofp %convert_element_type3A_400 : vector<128x256xi32> to vector<128x256xf32>
    %get3A_402 = arith.constant 0 : index
    %get3A_403 = arith.constant 0 : index
    %get3A_404 = arith.constant 0 : index
    %get3A_405 = vector.load %arg4[%get3A_402, %get3A_403, %get3A_404] : memref<1x256x131xf32, #tpu.memory_space<vmem>>, vector<1x256x131xf32>
    %get3A_406 = vector.shape_cast %get3A_405 : vector<1x256x131xf32> to vector<256x131xf32>
    %get3A_407 = arith.constant 0 : index
    %get3A_408 = arith.constant 0 : index
    %get3A_409 = vector.load %arg6[%get3A_407, %get3A_408] : memref<259x128xf32, #tpu.memory_space<vmem>>, vector<3x128xf32>
    %get3A_410 = arith.constant 131 : index
    %get3A_411 = arith.constant 0 : index
    %get3A_412 = vector.load %arg6[%get3A_410, %get3A_411] : memref<259x128xf32, #tpu.memory_space<vmem>>, vector<128x128xf32>
    %concatenate3A = tpu.concatenate %get3A_409, %get3A_412 in 0 : vector<3x128xf32>, vector<128x128xf32> -> vector<131x128xf32>
    %dot_general3A = arith.constant dense<0.000000e+00> : vector<256x128xf32>
    %dot_general3A_413 = tpu.matmul %get3A_406, %concatenate3A, %dot_general3A {dimension_numbers = #tpu.dot_dimension_numbers<[1], [0], [0], [1], [0, 0, 1, 1], [], []>, transpose_lhs_hint = false} : vector<256x131xf32>, vector<131x128xf32>, vector<256x128xf32> -> vector<256x128xf32>
    %get3A_414 = arith.constant 3 : index
    %get3A_415 = arith.constant 0 : index
    %get3A_416 = vector.load %arg6[%get3A_414, %get3A_415] : memref<259x128xf32, #tpu.memory_space<vmem>>, vector<128x128xf32>
    %dot_general3A_417 = arith.constant dense<0.000000e+00> : vector<128x128xf32>
    %dot_general3A_418 = tpu.matmul %get3A_3, %get3A_416, %dot_general3A_417 {dimension_numbers = #tpu.dot_dimension_numbers<[1], [0], [0], [1], [0, 0, 1, 1], [], []>, transpose_lhs_hint = false} : vector<128x128xf32>, vector<128x128xf32>, vector<128x128xf32> -> vector<128x128xf32>
    %get3A_419 = arith.constant 0 : index
    %get3A_420 = arith.constant 0 : index
    %get3A_421 = vector.load %arg6[%get3A_419, %get3A_420] : memref<259x128xf32, #tpu.memory_space<vmem>>, vector<3x128xf32>
    %dot_general3A_422 = arith.constant dense<0.000000e+00> : vector<128x128xf32>
    %dot_general3A_423 = tpu.matmul %get3A_8, %get3A_421, %dot_general3A_422 {dimension_numbers = #tpu.dot_dimension_numbers<[1], [0], [0], [1], [0, 0, 1, 1], [], []>, transpose_lhs_hint = false} : vector<128x3xf32>, vector<3x128xf32>, vector<128x128xf32> -> vector<128x128xf32>
    %sub3A_424 = arith.subf %dot_general3A_418, %dot_general3A_423 : vector<128x128xf32>
    %get3A_425 = arith.constant 0 : index
    %get3A_426 = arith.constant 0 : index
    %get3A_427 = vector.load %arg7[%get3A_425, %get3A_426] : memref<1x128xf32, #tpu.memory_space<vmem>>, vector<1x128xf32>
    %add3A_428 = vector.broadcast %get3A_427 : vector<1x128xf32> to vector<128x128xf32>
    %add3A_429 = arith.addf %sub3A_424, %add3A_428 : vector<128x128xf32>
    %concatenate3A_430 = tpu.concatenate %convert_element_type3A_86, %convert_element_type3A_91, %convert_element_type3A_96, %convert_element_type3A_101, %convert_element_type3A_106, %convert_element_type3A_111, %convert_element_type3A_116, %convert_element_type3A_121, %convert_element_type3A_126, %convert_element_type3A_131, %convert_element_type3A_136, %convert_element_type3A_141, %convert_element_type3A_146, %convert_element_type3A_151, %convert_element_type3A_156, %convert_element_type3A_161, %convert_element_type3A_166, %convert_element_type3A_171, %convert_element_type3A_176, %convert_element_type3A_181, %convert_element_type3A_186, %convert_element_type3A_191, %convert_element_type3A_196, %convert_element_type3A_201, %convert_element_type3A_206, %convert_element_type3A_211, %convert_element_type3A_216, %convert_element_type3A_221, %convert_element_type3A_226, %convert_element_type3A_231, %convert_element_type3A_236, %convert_element_type3A_241, %convert_element_type3A_246, %convert_element_type3A_251, %convert_element_type3A_256, %convert_element_type3A_261, %convert_element_type3A_266, %convert_element_type3A_271, %convert_element_type3A_276, %convert_element_type3A_281, %convert_element_type3A_286, %convert_element_type3A_291, %convert_element_type3A_296, %convert_element_type3A_301, %convert_element_type3A_306, %convert_element_type3A_311, %convert_element_type3A_316, %convert_element_type3A_321, %convert_element_type3A_326, %convert_element_type3A_331, %convert_element_type3A_336, %convert_element_type3A_341, %convert_element_type3A_346, %convert_element_type3A_351, %convert_element_type3A_356, %convert_element_type3A_361, %convert_element_type3A_366, %convert_element_type3A_371, %convert_element_type3A_376, %convert_element_type3A_381, %convert_element_type3A_386, %convert_element_type3A_391, %convert_element_type3A_396, %convert_element_type3A_401 in 0 : vector<128x256xf32>, vector<128x256xf32>, vector<128x256xf32>, vector<128x256xf32>, vector<128x256xf32>, vector<128x256xf32>, vector<128x256xf32>, vector<128x256xf32>, vector<128x256xf32>, vector<128x256xf32>, vector<128x256xf32>, vector<128x256xf32>, vector<128x256xf32>, vector<128x256xf32>, vector<128x256xf32>, vector<128x256xf32>, vector<128x256xf32>, vector<128x256xf32>, vector<128x256xf32>, vector<128x256xf32>, vector<128x256xf32>, vector<128x256xf32>, vector<128x256xf32>, vector<128x256xf32>, vector<128x256xf32>, vector<128x256xf32>, vector<128x256xf32>, vector<128x256xf32>, vector<128x256xf32>, vector<128x256xf32>, vector<128x256xf32>, vector<128x256xf32>, vector<128x256xf32>, vector<128x256xf32>, vector<128x256xf32>, vector<128x256xf32>, vector<128x256xf32>, vector<128x256xf32>, vector<128x256xf32>, vector<128x256xf32>, vector<128x256xf32>, vector<128x256xf32>, vector<128x256xf32>, vector<128x256xf32>, vector<128x256xf32>, vector<128x256xf32>, vector<128x256xf32>, vector<128x256xf32>, vector<128x256xf32>, vector<128x256xf32>, vector<128x256xf32>, vector<128x256xf32>, vector<128x256xf32>, vector<128x256xf32>, vector<128x256xf32>, vector<128x256xf32>, vector<128x256xf32>, vector<128x256xf32>, vector<128x256xf32>, vector<128x256xf32>, vector<128x256xf32>, vector<128x256xf32>, vector<128x256xf32>, vector<128x256xf32> -> vector<8192x256xf32>
    %dot_general3A_431 = arith.constant dense<0.000000e+00> : vector<8192x128xf32>
    %dot_general3A_432 = tpu.matmul %concatenate3A_430, %dot_general3A_413, %dot_general3A_431 {dimension_numbers = #tpu.dot_dimension_numbers<[1], [0], [0], [1], [0, 0, 1, 1], [], []>, transpose_lhs_hint = false} : vector<8192x256xf32>, vector<256x128xf32>, vector<8192x128xf32> -> vector<8192x128xf32>
    %concatenate3A_433 = tpu.concatenate %add3A_429, %add3A_429, %add3A_429, %add3A_429, %add3A_429, %add3A_429, %add3A_429, %add3A_429, %add3A_429, %add3A_429, %add3A_429, %add3A_429, %add3A_429, %add3A_429, %add3A_429, %add3A_429, %add3A_429, %add3A_429, %add3A_429, %add3A_429, %add3A_429, %add3A_429, %add3A_429, %add3A_429, %add3A_429, %add3A_429, %add3A_429, %add3A_429, %add3A_429, %add3A_429, %add3A_429, %add3A_429, %add3A_429, %add3A_429, %add3A_429, %add3A_429, %add3A_429, %add3A_429, %add3A_429, %add3A_429, %add3A_429, %add3A_429, %add3A_429, %add3A_429, %add3A_429, %add3A_429, %add3A_429, %add3A_429, %add3A_429, %add3A_429, %add3A_429, %add3A_429, %add3A_429, %add3A_429, %add3A_429, %add3A_429, %add3A_429, %add3A_429, %add3A_429, %add3A_429, %add3A_429, %add3A_429, %add3A_429, %add3A_429 in 0 : vector<128x128xf32>, vector<128x128xf32>, vector<128x128xf32>, vector<128x128xf32>, vector<128x128xf32>, vector<128x128xf32>, vector<128x128xf32>, vector<128x128xf32>, vector<128x128xf32>, vector<128x128xf32>, vector<128x128xf32>, vector<128x128xf32>, vector<128x128xf32>, vector<128x128xf32>, vector<128x128xf32>, vector<128x128xf32>, vector<128x128xf32>, vector<128x128xf32>, vector<128x128xf32>, vector<128x128xf32>, vector<128x128xf32>, vector<128x128xf32>, vector<128x128xf32>, vector<128x128xf32>, vector<128x128xf32>, vector<128x128xf32>, vector<128x128xf32>, vector<128x128xf32>, vector<128x128xf32>, vector<128x128xf32>, vector<128x128xf32>, vector<128x128xf32>, vector<128x128xf32>, vector<128x128xf32>, vector<128x128xf32>, vector<128x128xf32>, vector<128x128xf32>, vector<128x128xf32>, vector<128x128xf32>, vector<128x128xf32>, vector<128x128xf32>, vector<128x128xf32>, vector<128x128xf32>, vector<128x128xf32>, vector<128x128xf32>, vector<128x128xf32>, vector<128x128xf32>, vector<128x128xf32>, vector<128x128xf32>, vector<128x128xf32>, vector<128x128xf32>, vector<128x128xf32>, vector<128x128xf32>, vector<128x128xf32>, vector<128x128xf32>, vector<128x128xf32>, vector<128x128xf32>, vector<128x128xf32>, vector<128x128xf32>, vector<128x128xf32>, vector<128x128xf32>, vector<128x128xf32>, vector<128x128xf32>, vector<128x128xf32> -> vector<8192x128xf32>
    %add3A_434 = arith.addf %dot_general3A_432, %concatenate3A_433 : vector<8192x128xf32>
    %max3A = arith.constant 0.000000e+00 : f32
    %max3A_435 = vector.broadcast %max3A : f32 to vector<8192x128xf32>
    %max3A_436 = arith.maximumf %add3A_434, %max3A_435 : vector<8192x128xf32>
    %get3A_437 = arith.constant 0 : index
    %get3A_438 = arith.constant 0 : index
    %get3A_439 = vector.load %arg8[%get3A_437, %get3A_438] : memref<128x128xf32, #tpu.memory_space<vmem>>, vector<128x128xf32>
    %dot_general3A_440 = arith.constant dense<0.000000e+00> : vector<8192x128xf32>
    %dot_general3A_441 = tpu.matmul %max3A_436, %get3A_439, %dot_general3A_440 {dimension_numbers = #tpu.dot_dimension_numbers<[1], [0], [0], [1], [0, 0, 1, 1], [], []>, transpose_lhs_hint = false} : vector<8192x128xf32>, vector<128x128xf32>, vector<8192x128xf32> -> vector<8192x128xf32>
    %get3A_442 = arith.constant 0 : index
    %get3A_443 = arith.constant 0 : index
    %get3A_444 = vector.load %arg9[%get3A_442, %get3A_443] : memref<1x128xf32, #tpu.memory_space<vmem>>, vector<1x128xf32>
    %add3A_445 = vector.broadcast %get3A_444 : vector<1x128xf32> to vector<8192x128xf32>
    %add3A_446 = arith.addf %dot_general3A_441, %add3A_445 : vector<8192x128xf32>
    %max3A_447 = arith.constant 0.000000e+00 : f32
    %max3A_448 = vector.broadcast %max3A_447 : f32 to vector<8192x128xf32>
    %max3A_449 = arith.maximumf %add3A_446, %max3A_448 : vector<8192x128xf32>
    %get3A_450 = arith.constant 0 : index
    %get3A_451 = arith.constant 0 : index
    %get3A_452 = vector.load %arg10[%get3A_450, %get3A_451] : memref<128x128xf32, #tpu.memory_space<vmem>>, vector<128x128xf32>
    %dot_general3A_453 = arith.constant dense<0.000000e+00> : vector<8192x128xf32>
    %dot_general3A_454 = tpu.matmul %max3A_449, %get3A_452, %dot_general3A_453 {dimension_numbers = #tpu.dot_dimension_numbers<[1], [0], [0], [1], [0, 0, 1, 1], [], []>, transpose_lhs_hint = false} : vector<8192x128xf32>, vector<128x128xf32>, vector<8192x128xf32> -> vector<8192x128xf32>
    %get3A_455 = arith.constant 0 : index
    %get3A_456 = arith.constant 0 : index
    %get3A_457 = vector.load %arg11[%get3A_455, %get3A_456] : memref<1x128xf32, #tpu.memory_space<vmem>>, vector<1x128xf32>
    %add3A_458 = vector.broadcast %get3A_457 : vector<1x128xf32> to vector<8192x128xf32>
    %add3A_459 = arith.addf %dot_general3A_454, %add3A_458 : vector<8192x128xf32>
    %max3A_460 = arith.constant 0.000000e+00 : f32
    %max3A_461 = vector.broadcast %max3A_460 : f32 to vector<8192x128xf32>
    %max3A_462 = arith.maximumf %add3A_459, %max3A_461 : vector<8192x128xf32>
    %reshape3A = vector.shape_cast %max3A_462 : vector<8192x128xf32> to vector<64x128x128xf32>
    %reduce_max3A = arith.constant dense<0xFF800000> : vector<128x128xf32>
    %reduce_max3A_463 = vector.multi_reduction <maximumf>, %reshape3A, %reduce_max3A [0] : vector<64x128x128xf32> to vector<128x128xf32>
    %swap3A = arith.constant 0 : index
    %swap3A_464 = arith.constant 0 : index
    %swap3A_465 = arith.constant 0 : index
    %swap3A_466 = vector.load %arg12[%swap3A, %swap3A_464, %swap3A_465] : memref<1x128x128xf32, #tpu.memory_space<vmem>>, vector<1x128x128xf32>
    %swap3A_467 = vector.shape_cast %swap3A_466 : vector<1x128x128xf32> to vector<128x128xf32>
    %swap3A_468 = vector.shape_cast %reduce_max3A_463 : vector<128x128xf32> to vector<1x128x128xf32>
    tpu.vector_store %arg12[%swap3A, %swap3A_464, %swap3A_465], %swap3A_468 {strides = array<i32>} : memref<1x128x128xf32, #tpu.memory_space<vmem>>, vector<1x128x128xf32>,
    return
  }
  func.func @transform_0(%arg0: i32, %arg1: i32) -> (i32, i32, i32) {
    %c0_i32 = arith.constant 0 : i32
    %c0_i32_0 = arith.constant 0 : i32
    return %arg0, %arg1, %c0_i32 : i32, i32, i32
  }
  func.func @transform_1(%arg0: i32, %arg1: i32) -> (i32, i32, i32) {
    %c0_i32 = arith.constant 0 : i32
    %c0_i32_0 = arith.constant 0 : i32
    %c0_i32_1 = arith.constant 0 : i32
    return %arg0, %c0_i32, %c0_i32_0 : i32, i32, i32
  }
  func.func @transform_2(%arg0: i32, %arg1: i32) -> (i32, i32, i32) {
    %c0_i32 = arith.constant 0 : i32
    %c0_i32_0 = arith.constant 0 : i32
    %c0_i32_1 = arith.constant 0 : i32
    return %arg0, %c0_i32, %c0_i32_0 : i32, i32, i32
  }
  func.func @transform_3(%arg0: i32, %arg1: i32) -> (i32, i32, i32) {
    %c0_i32 = arith.constant 0 : i32
    %c0_i32_0 = arith.constant 0 : i32
    return %arg0, %arg1, %c0_i32 : i32, i32, i32
  }
  func.func @transform_4(%arg0: i32, %arg1: i32) -> (i32, i32) {
    %c0_i32 = arith.constant 0 : i32
    %c0_i32_0 = arith.constant 0 : i32
    %c0_i32_1 = arith.constant 0 : i32
    return %c0_i32, %c0_i32_0 : i32, i32
  }
  func.func @transform_5(%arg0: i32, %arg1: i32) -> (i32, i32) {
    %c0_i32 = arith.constant 0 : i32
    %c0_i32_0 = arith.constant 0 : i32
    %c0_i32_1 = arith.constant 0 : i32
    return %c0_i32, %c0_i32_0 : i32, i32
  }
  func.func @transform_6(%arg0: i32, %arg1: i32) -> (i32, i32) {
    %c0_i32 = arith.constant 0 : i32
    %c0_i32_0 = arith.constant 0 : i32
    %c0_i32_1 = arith.constant 0 : i32
    return %c0_i32, %c0_i32_0 : i32, i32
  }
  func.func @transform_7(%arg0: i32, %arg1: i32) -> (i32, i32) {
    %c0_i32 = arith.constant 0 : i32
    %c0_i32_0 = arith.constant 0 : i32
    %c0_i32_1 = arith.constant 0 : i32
    return %c0_i32, %c0_i32_0 : i32, i32
  }
  func.func @transform_8(%arg0: i32, %arg1: i32) -> (i32, i32) {
    %c0_i32 = arith.constant 0 : i32
    %c0_i32_0 = arith.constant 0 : i32
    %c0_i32_1 = arith.constant 0 : i32
    return %c0_i32, %c0_i32_0 : i32, i32
  }
  func.func @transform_9(%arg0: i32, %arg1: i32) -> (i32, i32) {
    %c0_i32 = arith.constant 0 : i32
    %c0_i32_0 = arith.constant 0 : i32
    %c0_i32_1 = arith.constant 0 : i32
    return %c0_i32, %c0_i32_0 : i32, i32
  }
  func.func @transform_10(%arg0: i32, %arg1: i32) -> (i32, i32, i32) {
    %c0_i32 = arith.constant 0 : i32
    %c0_i32_0 = arith.constant 0 : i32
    return %arg0, %arg1, %c0_i32 : i32, i32, i32
  }
}

module attributes {stable_mosaic.version = 14 : i64} {
  func.func @kern(%arg0: i32, %arg1: i32, %arg2: memref<1x64x3xf32, #tpu.memory_space<vmem>>, %arg3: memref<1x3x256xf32, #tpu.memory_space<vmem>>, %arg4: memref<1x256x131xf32, #tpu.memory_space<vmem>>, %arg5: memref<131x128xf32, #tpu.memory_space<vmem>>, %arg6: memref<1x128xf32, #tpu.memory_space<vmem>>, %arg7: memref<128x128xf32, #tpu.memory_space<vmem>>, %arg8: memref<1x128xf32, #tpu.memory_space<vmem>>, %arg9: memref<128x256xf32, #tpu.memory_space<vmem>>, %arg10: memref<1x256xf32, #tpu.memory_space<vmem>>, %arg11: memref<1x64x256xf32, #tpu.memory_space<vmem>>) attributes {dimension_semantics = [#tpu.dimension_semantics<parallel>, #tpu.dimension_semantics<parallel>], iteration_bounds = array<i64: 4, 1>, scalar_prefetch = 0 : i64, scratch_operands = 0 : i64, tpu.core_type = #tpu.core_type<tc>, window_params = [{transform_indices = @transform_0, window_bounds = array<i64: 1, 64, 3>}, {transform_indices = @transform_1, window_bounds = array<i64: 1, 3, 256>}, {transform_indices = @transform_2, window_bounds = array<i64: 1, 256, 131>}, {pipeline_mode = #tpu.pipeline_mode<synchronous>, transform_indices = @transform_3, window_bounds = array<i64: 131, 128>}, {pipeline_mode = #tpu.pipeline_mode<synchronous>, transform_indices = @transform_4, window_bounds = array<i64: 1, 128>}, {pipeline_mode = #tpu.pipeline_mode<synchronous>, transform_indices = @transform_5, window_bounds = array<i64: 128, 128>}, {pipeline_mode = #tpu.pipeline_mode<synchronous>, transform_indices = @transform_6, window_bounds = array<i64: 1, 128>}, {pipeline_mode = #tpu.pipeline_mode<synchronous>, transform_indices = @transform_7, window_bounds = array<i64: 128, 256>}, {pipeline_mode = #tpu.pipeline_mode<synchronous>, transform_indices = @transform_8, window_bounds = array<i64: 1, 256>}, {transform_indices = @transform_9, window_bounds = array<i64: 1, 64, 256>}]} {
    %get3A = arith.constant 0 : index
    %get3A_0 = arith.constant 0 : index
    %get3A_1 = arith.constant 0 : index
    %get3A_2 = vector.load %arg2[%get3A, %get3A_0, %get3A_1] : memref<1x64x3xf32, #tpu.memory_space<vmem>>, vector<1x64x3xf32>
    %get3A_3 = vector.shape_cast %get3A_2 : vector<1x64x3xf32> to vector<64x3xf32>
    %slice3A = vector.extract_strided_slice %get3A_3 {offsets = [0, 0], sizes = [64, 1], strides = [1, 1]} : vector<64x3xf32> to vector<64x1xf32>
    %get3A_4 = arith.constant 0 : index
    %get3A_5 = arith.constant 0 : index
    %get3A_6 = arith.constant 0 : index
    %get3A_7 = vector.load %arg3[%get3A_4, %get3A_5, %get3A_6] : memref<1x3x256xf32, #tpu.memory_space<vmem>>, vector<1x1x256xf32>
    %get3A_8 = vector.shape_cast %get3A_7 : vector<1x1x256xf32> to vector<1x256xf32>
    %sub3A = vector.broadcast %slice3A : vector<64x1xf32> to vector<64x256xf32>
    %sub3A_9 = vector.broadcast %get3A_8 : vector<1x256xf32> to vector<64x256xf32>
    %sub3A_10 = arith.subf %sub3A, %sub3A_9 : vector<64x256xf32>
    %slice3A_11 = vector.extract_strided_slice %get3A_3 {offsets = [0, 1], sizes = [64, 1], strides = [1, 1]} : vector<64x3xf32> to vector<64x1xf32>
    %get3A_12 = arith.constant 0 : index
    %get3A_13 = arith.constant 1 : index
    %get3A_14 = arith.constant 0 : index
    %get3A_15 = vector.load %arg3[%get3A_12, %get3A_13, %get3A_14] : memref<1x3x256xf32, #tpu.memory_space<vmem>>, vector<1x1x256xf32>
    %get3A_16 = vector.shape_cast %get3A_15 : vector<1x1x256xf32> to vector<1x256xf32>
    %sub3A_17 = vector.broadcast %slice3A_11 : vector<64x1xf32> to vector<64x256xf32>
    %sub3A_18 = vector.broadcast %get3A_16 : vector<1x256xf32> to vector<64x256xf32>
    %sub3A_19 = arith.subf %sub3A_17, %sub3A_18 : vector<64x256xf32>
    %slice3A_20 = vector.extract_strided_slice %get3A_3 {offsets = [0, 2], sizes = [64, 1], strides = [1, 1]} : vector<64x3xf32> to vector<64x1xf32>
    %get3A_21 = arith.constant 0 : index
    %get3A_22 = arith.constant 2 : index
    %get3A_23 = arith.constant 0 : index
    %get3A_24 = vector.load %arg3[%get3A_21, %get3A_22, %get3A_23] : memref<1x3x256xf32, #tpu.memory_space<vmem>>, vector<1x1x256xf32>
    %get3A_25 = vector.shape_cast %get3A_24 : vector<1x1x256xf32> to vector<1x256xf32>
    %sub3A_26 = vector.broadcast %slice3A_20 : vector<64x1xf32> to vector<64x256xf32>
    %sub3A_27 = vector.broadcast %get3A_25 : vector<1x256xf32> to vector<64x256xf32>
    %sub3A_28 = arith.subf %sub3A_26, %sub3A_27 : vector<64x256xf32>
    %mul3A = arith.mulf %sub3A_10, %sub3A_10 : vector<64x256xf32>
    %mul3A_29 = arith.mulf %sub3A_19, %sub3A_19 : vector<64x256xf32>
    %add3A = arith.addf %mul3A, %mul3A_29 : vector<64x256xf32>
    %mul3A_30 = arith.mulf %sub3A_28, %sub3A_28 : vector<64x256xf32>
    %add3A_31 = arith.addf %add3A, %mul3A_30 : vector<64x256xf32>
    %iota3A = tpu.iota {dimensions = array<i32: 1>} : vector<64x256xi32>
    %le3A = arith.constant 4.000000e+00 : f32
    %le3A_32 = vector.broadcast %le3A : f32 to vector<64x256xf32>
    %le3A_33 = arith.cmpf ole, %add3A_31, %le3A_32 : vector<64x256xf32>
    %jit3A = arith.constant 256 : i32
    %broadcast_in_dim3A = vector.broadcast %jit3A : i32 to vector<64x256xi32>
    %select_n3A = arith.select %le3A_33, %iota3A, %broadcast_in_dim3A : vector<64x256xi1>, vector<64x256xi32>
    %reduce_min3A = arith.constant dense<2147483647> : vector<64xi32>
    %reduce_min3A_34 = vector.multi_reduction <minsi>, %select_n3A, %reduce_min3A [1] : vector<64x256xi32> to vector<64xi32>
    %broadcast_in_dim3A_35 = vector.shape_cast %reduce_min3A_34 : vector<64xi32> to vector<64x1xi32>
    %eq3A = vector.broadcast %broadcast_in_dim3A_35 : vector<64x1xi32> to vector<64x256xi32>
    %eq3A_36 = arith.cmpi eq, %select_n3A, %eq3A : vector<64x256xi32>
    %jit3A_37 = arith.constant 256 : i32
    %broadcast_in_dim3A_38 = vector.broadcast %jit3A_37 : i32 to vector<64x256xi32>
    %select_n3A_39 = arith.select %eq3A_36, %broadcast_in_dim3A_38, %select_n3A : vector<64x256xi1>, vector<64x256xi32>
    %eq3A_40 = arith.constant 256 : i32
    %eq3A_41 = vector.broadcast %eq3A_40 : i32 to vector<64x1xi32>
    %eq3A_42 = arith.cmpi eq, %broadcast_in_dim3A_35, %eq3A_41 : vector<64x1xi32>
    %jit3A_43 = arith.constant 0 : i32
    %broadcast_in_dim3A_44 = vector.broadcast %jit3A_43 : i32 to vector<64x1xi32>
    %select_n3A_45 = arith.select %eq3A_42, %broadcast_in_dim3A_44, %broadcast_in_dim3A_35 : vector<64x1xi1>, vector<64x1xi32>
    %eq3A_46 = vector.broadcast %select_n3A_45 : vector<64x1xi32> to vector<64x256xi32>
    %eq3A_47 = arith.cmpi eq, %iota3A, %eq3A_46 : vector<64x256xi32>
    %convert_element_type3A = arith.extui %eq3A_47 : vector<64x256xi1> to vector<64x256xi32>
    %convert_element_type3A_48 = arith.sitofp %convert_element_type3A : vector<64x256xi32> to vector<64x256xf32>
    %reduce_min3A_49 = arith.constant dense<2147483647> : vector<64xi32>
    %reduce_min3A_50 = vector.multi_reduction <minsi>, %select_n3A_39, %reduce_min3A_49 [1] : vector<64x256xi32> to vector<64xi32>
    %broadcast_in_dim3A_51 = vector.shape_cast %reduce_min3A_50 : vector<64xi32> to vector<64x1xi32>
    %eq3A_52 = vector.broadcast %broadcast_in_dim3A_51 : vector<64x1xi32> to vector<64x256xi32>
    %eq3A_53 = arith.cmpi eq, %select_n3A_39, %eq3A_52 : vector<64x256xi32>
    %jit3A_54 = arith.constant 256 : i32
    %broadcast_in_dim3A_55 = vector.broadcast %jit3A_54 : i32 to vector<64x256xi32>
    %select_n3A_56 = arith.select %eq3A_53, %broadcast_in_dim3A_55, %select_n3A_39 : vector<64x256xi1>, vector<64x256xi32>
    %eq3A_57 = arith.constant 256 : i32
    %eq3A_58 = vector.broadcast %eq3A_57 : i32 to vector<64x1xi32>
    %eq3A_59 = arith.cmpi eq, %broadcast_in_dim3A_51, %eq3A_58 : vector<64x1xi32>
    %select_n3A_60 = arith.select %eq3A_59, %select_n3A_45, %broadcast_in_dim3A_51 : vector<64x1xi1>, vector<64x1xi32>
    %eq3A_61 = vector.broadcast %select_n3A_60 : vector<64x1xi32> to vector<64x256xi32>
    %eq3A_62 = arith.cmpi eq, %iota3A, %eq3A_61 : vector<64x256xi32>
    %convert_element_type3A_63 = arith.extui %eq3A_62 : vector<64x256xi1> to vector<64x256xi32>
    %convert_element_type3A_64 = arith.sitofp %convert_element_type3A_63 : vector<64x256xi32> to vector<64x256xf32>
    %reduce_min3A_65 = arith.constant dense<2147483647> : vector<64xi32>
    %reduce_min3A_66 = vector.multi_reduction <minsi>, %select_n3A_56, %reduce_min3A_65 [1] : vector<64x256xi32> to vector<64xi32>
    %broadcast_in_dim3A_67 = vector.shape_cast %reduce_min3A_66 : vector<64xi32> to vector<64x1xi32>
    %eq3A_68 = vector.broadcast %broadcast_in_dim3A_67 : vector<64x1xi32> to vector<64x256xi32>
    %eq3A_69 = arith.cmpi eq, %select_n3A_56, %eq3A_68 : vector<64x256xi32>
    %jit3A_70 = arith.constant 256 : i32
    %broadcast_in_dim3A_71 = vector.broadcast %jit3A_70 : i32 to vector<64x256xi32>
    %select_n3A_72 = arith.select %eq3A_69, %broadcast_in_dim3A_71, %select_n3A_56 : vector<64x256xi1>, vector<64x256xi32>
    %eq3A_73 = arith.constant 256 : i32
    %eq3A_74 = vector.broadcast %eq3A_73 : i32 to vector<64x1xi32>
    %eq3A_75 = arith.cmpi eq, %broadcast_in_dim3A_67, %eq3A_74 : vector<64x1xi32>
    %select_n3A_76 = arith.select %eq3A_75, %select_n3A_45, %broadcast_in_dim3A_67 : vector<64x1xi1>, vector<64x1xi32>
    %eq3A_77 = vector.broadcast %select_n3A_76 : vector<64x1xi32> to vector<64x256xi32>
    %eq3A_78 = arith.cmpi eq, %iota3A, %eq3A_77 : vector<64x256xi32>
    %convert_element_type3A_79 = arith.extui %eq3A_78 : vector<64x256xi1> to vector<64x256xi32>
    %convert_element_type3A_80 = arith.sitofp %convert_element_type3A_79 : vector<64x256xi32> to vector<64x256xf32>
    %reduce_min3A_81 = arith.constant dense<2147483647> : vector<64xi32>
    %reduce_min3A_82 = vector.multi_reduction <minsi>, %select_n3A_72, %reduce_min3A_81 [1] : vector<64x256xi32> to vector<64xi32>
    %broadcast_in_dim3A_83 = vector.shape_cast %reduce_min3A_82 : vector<64xi32> to vector<64x1xi32>
    %eq3A_84 = vector.broadcast %broadcast_in_dim3A_83 : vector<64x1xi32> to vector<64x256xi32>
    %eq3A_85 = arith.cmpi eq, %select_n3A_72, %eq3A_84 : vector<64x256xi32>
    %jit3A_86 = arith.constant 256 : i32
    %broadcast_in_dim3A_87 = vector.broadcast %jit3A_86 : i32 to vector<64x256xi32>
    %select_n3A_88 = arith.select %eq3A_85, %broadcast_in_dim3A_87, %select_n3A_72 : vector<64x256xi1>, vector<64x256xi32>
    %eq3A_89 = arith.constant 256 : i32
    %eq3A_90 = vector.broadcast %eq3A_89 : i32 to vector<64x1xi32>
    %eq3A_91 = arith.cmpi eq, %broadcast_in_dim3A_83, %eq3A_90 : vector<64x1xi32>
    %select_n3A_92 = arith.select %eq3A_91, %select_n3A_45, %broadcast_in_dim3A_83 : vector<64x1xi1>, vector<64x1xi32>
    %eq3A_93 = vector.broadcast %select_n3A_92 : vector<64x1xi32> to vector<64x256xi32>
    %eq3A_94 = arith.cmpi eq, %iota3A, %eq3A_93 : vector<64x256xi32>
    %convert_element_type3A_95 = arith.extui %eq3A_94 : vector<64x256xi1> to vector<64x256xi32>
    %convert_element_type3A_96 = arith.sitofp %convert_element_type3A_95 : vector<64x256xi32> to vector<64x256xf32>
    %reduce_min3A_97 = arith.constant dense<2147483647> : vector<64xi32>
    %reduce_min3A_98 = vector.multi_reduction <minsi>, %select_n3A_88, %reduce_min3A_97 [1] : vector<64x256xi32> to vector<64xi32>
    %broadcast_in_dim3A_99 = vector.shape_cast %reduce_min3A_98 : vector<64xi32> to vector<64x1xi32>
    %eq3A_100 = vector.broadcast %broadcast_in_dim3A_99 : vector<64x1xi32> to vector<64x256xi32>
    %eq3A_101 = arith.cmpi eq, %select_n3A_88, %eq3A_100 : vector<64x256xi32>
    %jit3A_102 = arith.constant 256 : i32
    %broadcast_in_dim3A_103 = vector.broadcast %jit3A_102 : i32 to vector<64x256xi32>
    %select_n3A_104 = arith.select %eq3A_101, %broadcast_in_dim3A_103, %select_n3A_88 : vector<64x256xi1>, vector<64x256xi32>
    %eq3A_105 = arith.constant 256 : i32
    %eq3A_106 = vector.broadcast %eq3A_105 : i32 to vector<64x1xi32>
    %eq3A_107 = arith.cmpi eq, %broadcast_in_dim3A_99, %eq3A_106 : vector<64x1xi32>
    %select_n3A_108 = arith.select %eq3A_107, %select_n3A_45, %broadcast_in_dim3A_99 : vector<64x1xi1>, vector<64x1xi32>
    %eq3A_109 = vector.broadcast %select_n3A_108 : vector<64x1xi32> to vector<64x256xi32>
    %eq3A_110 = arith.cmpi eq, %iota3A, %eq3A_109 : vector<64x256xi32>
    %convert_element_type3A_111 = arith.extui %eq3A_110 : vector<64x256xi1> to vector<64x256xi32>
    %convert_element_type3A_112 = arith.sitofp %convert_element_type3A_111 : vector<64x256xi32> to vector<64x256xf32>
    %reduce_min3A_113 = arith.constant dense<2147483647> : vector<64xi32>
    %reduce_min3A_114 = vector.multi_reduction <minsi>, %select_n3A_104, %reduce_min3A_113 [1] : vector<64x256xi32> to vector<64xi32>
    %broadcast_in_dim3A_115 = vector.shape_cast %reduce_min3A_114 : vector<64xi32> to vector<64x1xi32>
    %eq3A_116 = vector.broadcast %broadcast_in_dim3A_115 : vector<64x1xi32> to vector<64x256xi32>
    %eq3A_117 = arith.cmpi eq, %select_n3A_104, %eq3A_116 : vector<64x256xi32>
    %jit3A_118 = arith.constant 256 : i32
    %broadcast_in_dim3A_119 = vector.broadcast %jit3A_118 : i32 to vector<64x256xi32>
    %select_n3A_120 = arith.select %eq3A_117, %broadcast_in_dim3A_119, %select_n3A_104 : vector<64x256xi1>, vector<64x256xi32>
    %eq3A_121 = arith.constant 256 : i32
    %eq3A_122 = vector.broadcast %eq3A_121 : i32 to vector<64x1xi32>
    %eq3A_123 = arith.cmpi eq, %broadcast_in_dim3A_115, %eq3A_122 : vector<64x1xi32>
    %select_n3A_124 = arith.select %eq3A_123, %select_n3A_45, %broadcast_in_dim3A_115 : vector<64x1xi1>, vector<64x1xi32>
    %eq3A_125 = vector.broadcast %select_n3A_124 : vector<64x1xi32> to vector<64x256xi32>
    %eq3A_126 = arith.cmpi eq, %iota3A, %eq3A_125 : vector<64x256xi32>
    %convert_element_type3A_127 = arith.extui %eq3A_126 : vector<64x256xi1> to vector<64x256xi32>
    %convert_element_type3A_128 = arith.sitofp %convert_element_type3A_127 : vector<64x256xi32> to vector<64x256xf32>
    %reduce_min3A_129 = arith.constant dense<2147483647> : vector<64xi32>
    %reduce_min3A_130 = vector.multi_reduction <minsi>, %select_n3A_120, %reduce_min3A_129 [1] : vector<64x256xi32> to vector<64xi32>
    %broadcast_in_dim3A_131 = vector.shape_cast %reduce_min3A_130 : vector<64xi32> to vector<64x1xi32>
    %eq3A_132 = vector.broadcast %broadcast_in_dim3A_131 : vector<64x1xi32> to vector<64x256xi32>
    %eq3A_133 = arith.cmpi eq, %select_n3A_120, %eq3A_132 : vector<64x256xi32>
    %jit3A_134 = arith.constant 256 : i32
    %broadcast_in_dim3A_135 = vector.broadcast %jit3A_134 : i32 to vector<64x256xi32>
    %select_n3A_136 = arith.select %eq3A_133, %broadcast_in_dim3A_135, %select_n3A_120 : vector<64x256xi1>, vector<64x256xi32>
    %eq3A_137 = arith.constant 256 : i32
    %eq3A_138 = vector.broadcast %eq3A_137 : i32 to vector<64x1xi32>
    %eq3A_139 = arith.cmpi eq, %broadcast_in_dim3A_131, %eq3A_138 : vector<64x1xi32>
    %select_n3A_140 = arith.select %eq3A_139, %select_n3A_45, %broadcast_in_dim3A_131 : vector<64x1xi1>, vector<64x1xi32>
    %eq3A_141 = vector.broadcast %select_n3A_140 : vector<64x1xi32> to vector<64x256xi32>
    %eq3A_142 = arith.cmpi eq, %iota3A, %eq3A_141 : vector<64x256xi32>
    %convert_element_type3A_143 = arith.extui %eq3A_142 : vector<64x256xi1> to vector<64x256xi32>
    %convert_element_type3A_144 = arith.sitofp %convert_element_type3A_143 : vector<64x256xi32> to vector<64x256xf32>
    %reduce_min3A_145 = arith.constant dense<2147483647> : vector<64xi32>
    %reduce_min3A_146 = vector.multi_reduction <minsi>, %select_n3A_136, %reduce_min3A_145 [1] : vector<64x256xi32> to vector<64xi32>
    %broadcast_in_dim3A_147 = vector.shape_cast %reduce_min3A_146 : vector<64xi32> to vector<64x1xi32>
    %eq3A_148 = arith.constant 256 : i32
    %eq3A_149 = vector.broadcast %eq3A_148 : i32 to vector<64x1xi32>
    %eq3A_150 = arith.cmpi eq, %broadcast_in_dim3A_147, %eq3A_149 : vector<64x1xi32>
    %select_n3A_151 = arith.select %eq3A_150, %select_n3A_45, %broadcast_in_dim3A_147 : vector<64x1xi1>, vector<64x1xi32>
    %eq3A_152 = vector.broadcast %select_n3A_151 : vector<64x1xi32> to vector<64x256xi32>
    %eq3A_153 = arith.cmpi eq, %iota3A, %eq3A_152 : vector<64x256xi32>
    %convert_element_type3A_154 = arith.extui %eq3A_153 : vector<64x256xi1> to vector<64x256xi32>
    %convert_element_type3A_155 = arith.sitofp %convert_element_type3A_154 : vector<64x256xi32> to vector<64x256xf32>
    %get3A_156 = arith.constant 0 : index
    %get3A_157 = arith.constant 0 : index
    %get3A_158 = arith.constant 0 : index
    %get3A_159 = vector.load %arg4[%get3A_156, %get3A_157, %get3A_158] : memref<1x256x131xf32, #tpu.memory_space<vmem>>, vector<1x256x131xf32>
    %get3A_160 = vector.shape_cast %get3A_159 : vector<1x256x131xf32> to vector<256x131xf32>
    %concatenate3A = tpu.concatenate %convert_element_type3A_48, %convert_element_type3A_64, %convert_element_type3A_80, %convert_element_type3A_96, %convert_element_type3A_112, %convert_element_type3A_128, %convert_element_type3A_144, %convert_element_type3A_155 in 0 : vector<64x256xf32>, vector<64x256xf32>, vector<64x256xf32>, vector<64x256xf32>, vector<64x256xf32>, vector<64x256xf32>, vector<64x256xf32>, vector<64x256xf32> -> vector<512x256xf32>
    %dot_general3A = arith.constant dense<0.000000e+00> : vector<512x131xf32>
    %dot_general3A_161 = tpu.matmul %concatenate3A, %get3A_160, %dot_general3A {dimension_numbers = #tpu.dot_dimension_numbers<[1], [0], [0], [1], [0, 0, 1, 1], [], []>, transpose_lhs_hint = false} : vector<512x256xf32>, vector<256x131xf32>, vector<512x131xf32> -> vector<512x131xf32>
    %concatenate3A_162 = tpu.concatenate %get3A_3, %get3A_3, %get3A_3, %get3A_3, %get3A_3, %get3A_3, %get3A_3, %get3A_3 in 0 : vector<64x3xf32>, vector<64x3xf32>, vector<64x3xf32>, vector<64x3xf32>, vector<64x3xf32>, vector<64x3xf32>, vector<64x3xf32>, vector<64x3xf32> -> vector<512x3xf32>
    %slice3A_163 = vector.extract_strided_slice %dot_general3A_161 {offsets = [0, 0], sizes = [512, 3], strides = [1, 1]} : vector<512x131xf32> to vector<512x3xf32>
    %sub3A_164 = arith.subf %slice3A_163, %concatenate3A_162 : vector<512x3xf32>
    %slice3A_165 = vector.extract_strided_slice %dot_general3A_161 {offsets = [0, 3], sizes = [512, 128], strides = [1, 1]} : vector<512x131xf32> to vector<512x128xf32>
    %concatenate3A_166 = tpu.concatenate %sub3A_164, %slice3A_165 in 1 : vector<512x3xf32>, vector<512x128xf32> -> vector<512x131xf32>
    %get3A_167 = arith.constant 0 : index
    %get3A_168 = arith.constant 0 : index
    %get3A_169 = vector.load %arg5[%get3A_167, %get3A_168] : memref<131x128xf32, #tpu.memory_space<vmem>>, vector<131x128xf32>
    %dot_general3A_170 = arith.constant dense<0.000000e+00> : vector<512x128xf32>
    %dot_general3A_171 = tpu.matmul %concatenate3A_166, %get3A_169, %dot_general3A_170 {dimension_numbers = #tpu.dot_dimension_numbers<[1], [0], [0], [1], [0, 0, 1, 1], [], []>, transpose_lhs_hint = false} : vector<512x131xf32>, vector<131x128xf32>, vector<512x128xf32> -> vector<512x128xf32>
    %get3A_172 = arith.constant 0 : index
    %get3A_173 = arith.constant 0 : index
    %get3A_174 = vector.load %arg6[%get3A_172, %get3A_173] : memref<1x128xf32, #tpu.memory_space<vmem>>, vector<1x128xf32>
    %add3A_175 = vector.broadcast %get3A_174 : vector<1x128xf32> to vector<512x128xf32>
    %add3A_176 = arith.addf %dot_general3A_171, %add3A_175 : vector<512x128xf32>
    %max3A = arith.constant 0.000000e+00 : f32
    %max3A_177 = vector.broadcast %max3A : f32 to vector<512x128xf32>
    %max3A_178 = arith.maximumf %add3A_176, %max3A_177 : vector<512x128xf32>
    %get3A_179 = arith.constant 0 : index
    %get3A_180 = arith.constant 0 : index
    %get3A_181 = vector.load %arg7[%get3A_179, %get3A_180] : memref<128x128xf32, #tpu.memory_space<vmem>>, vector<128x128xf32>
    %dot_general3A_182 = arith.constant dense<0.000000e+00> : vector<512x128xf32>
    %dot_general3A_183 = tpu.matmul %max3A_178, %get3A_181, %dot_general3A_182 {dimension_numbers = #tpu.dot_dimension_numbers<[1], [0], [0], [1], [0, 0, 1, 1], [], []>, transpose_lhs_hint = false} : vector<512x128xf32>, vector<128x128xf32>, vector<512x128xf32> -> vector<512x128xf32>
    %get3A_184 = arith.constant 0 : index
    %get3A_185 = arith.constant 0 : index
    %get3A_186 = vector.load %arg8[%get3A_184, %get3A_185] : memref<1x128xf32, #tpu.memory_space<vmem>>, vector<1x128xf32>
    %add3A_187 = vector.broadcast %get3A_186 : vector<1x128xf32> to vector<512x128xf32>
    %add3A_188 = arith.addf %dot_general3A_183, %add3A_187 : vector<512x128xf32>
    %max3A_189 = arith.constant 0.000000e+00 : f32
    %max3A_190 = vector.broadcast %max3A_189 : f32 to vector<512x128xf32>
    %max3A_191 = arith.maximumf %add3A_188, %max3A_190 : vector<512x128xf32>
    %get3A_192 = arith.constant 0 : index
    %get3A_193 = arith.constant 0 : index
    %get3A_194 = vector.load %arg9[%get3A_192, %get3A_193] : memref<128x256xf32, #tpu.memory_space<vmem>>, vector<128x256xf32>
    %dot_general3A_195 = arith.constant dense<0.000000e+00> : vector<512x256xf32>
    %dot_general3A_196 = tpu.matmul %max3A_191, %get3A_194, %dot_general3A_195 {dimension_numbers = #tpu.dot_dimension_numbers<[1], [0], [0], [1], [0, 0, 1, 1], [], []>, transpose_lhs_hint = false} : vector<512x128xf32>, vector<128x256xf32>, vector<512x256xf32> -> vector<512x256xf32>
    %get3A_197 = arith.constant 0 : index
    %get3A_198 = arith.constant 0 : index
    %get3A_199 = vector.load %arg10[%get3A_197, %get3A_198] : memref<1x256xf32, #tpu.memory_space<vmem>>, vector<1x256xf32>
    %add3A_200 = vector.broadcast %get3A_199 : vector<1x256xf32> to vector<512x256xf32>
    %add3A_201 = arith.addf %dot_general3A_196, %add3A_200 : vector<512x256xf32>
    %max3A_202 = arith.constant 0.000000e+00 : f32
    %max3A_203 = vector.broadcast %max3A_202 : f32 to vector<512x256xf32>
    %max3A_204 = arith.maximumf %add3A_201, %max3A_203 : vector<512x256xf32>
    %reshape3A = vector.shape_cast %max3A_204 : vector<512x256xf32> to vector<8x64x256xf32>
    %reduce_max3A = arith.constant dense<0xFF800000> : vector<64x256xf32>
    %reduce_max3A_205 = vector.multi_reduction <maximumf>, %reshape3A, %reduce_max3A [0] : vector<8x64x256xf32> to vector<64x256xf32>
    %swap3A = arith.constant 0 : index
    %swap3A_206 = arith.constant 0 : index
    %swap3A_207 = arith.constant 0 : index
    %swap3A_208 = vector.load %arg11[%swap3A, %swap3A_206, %swap3A_207] : memref<1x64x256xf32, #tpu.memory_space<vmem>>, vector<1x64x256xf32>
    %swap3A_209 = vector.shape_cast %swap3A_208 : vector<1x64x256xf32> to vector<64x256xf32>
    %swap3A_210 = vector.shape_cast %reduce_max3A_205 : vector<64x256xf32> to vector<1x64x256xf32>
    tpu.vector_store %arg11[%swap3A, %swap3A_206, %swap3A_207], %swap3A_210 {strides = array<i32>} : memref<1x64x256xf32, #tpu.memory_space<vmem>>, vector<1x64x256xf32>,
    return
  }
  func.func @transform_0(%arg0: i32, %arg1: i32) -> (i32, i32, i32) {
    %c0_i32 = arith.constant 0 : i32
    %c0_i32_0 = arith.constant 0 : i32
    return %arg0, %arg1, %c0_i32 : i32, i32, i32
  }
  func.func @transform_1(%arg0: i32, %arg1: i32) -> (i32, i32, i32) {
    %c0_i32 = arith.constant 0 : i32
    %c0_i32_0 = arith.constant 0 : i32
    %c0_i32_1 = arith.constant 0 : i32
    return %arg0, %c0_i32, %c0_i32_0 : i32, i32, i32
  }
  func.func @transform_2(%arg0: i32, %arg1: i32) -> (i32, i32, i32) {
    %c0_i32 = arith.constant 0 : i32
    %c0_i32_0 = arith.constant 0 : i32
    %c0_i32_1 = arith.constant 0 : i32
    return %arg0, %c0_i32, %c0_i32_0 : i32, i32, i32
  }
  func.func @transform_3(%arg0: i32, %arg1: i32) -> (i32, i32) {
    %c0_i32 = arith.constant 0 : i32
    %c0_i32_0 = arith.constant 0 : i32
    %c0_i32_1 = arith.constant 0 : i32
    return %c0_i32, %c0_i32_0 : i32, i32
  }
  func.func @transform_4(%arg0: i32, %arg1: i32) -> (i32, i32) {
    %c0_i32 = arith.constant 0 : i32
    %c0_i32_0 = arith.constant 0 : i32
    %c0_i32_1 = arith.constant 0 : i32
    return %c0_i32, %c0_i32_0 : i32, i32
  }
  func.func @transform_5(%arg0: i32, %arg1: i32) -> (i32, i32) {
    %c0_i32 = arith.constant 0 : i32
    %c0_i32_0 = arith.constant 0 : i32
    %c0_i32_1 = arith.constant 0 : i32
    return %c0_i32, %c0_i32_0 : i32, i32
  }
  func.func @transform_6(%arg0: i32, %arg1: i32) -> (i32, i32) {
    %c0_i32 = arith.constant 0 : i32
    %c0_i32_0 = arith.constant 0 : i32
    %c0_i32_1 = arith.constant 0 : i32
    return %c0_i32, %c0_i32_0 : i32, i32
  }
  func.func @transform_7(%arg0: i32, %arg1: i32) -> (i32, i32) {
    %c0_i32 = arith.constant 0 : i32
    %c0_i32_0 = arith.constant 0 : i32
    %c0_i32_1 = arith.constant 0 : i32
    return %c0_i32, %c0_i32_0 : i32, i32
  }
  func.func @transform_8(%arg0: i32, %arg1: i32) -> (i32, i32) {
    %c0_i32 = arith.constant 0 : i32
    %c0_i32_0 = arith.constant 0 : i32
    %c0_i32_1 = arith.constant 0 : i32
    return %c0_i32, %c0_i32_0 : i32, i32
  }
  func.func @transform_9(%arg0: i32, %arg1: i32) -> (i32, i32, i32) {
    %c0_i32 = arith.constant 0 : i32
    %c0_i32_0 = arith.constant 0 : i32
    return %arg0, %arg1, %c0_i32 : i32, i32, i32
  }
}

module attributes {stable_mosaic.version = 14 : i64} {
  func.func @kern(%arg0: i32, %arg1: i32, %arg2: memref<1x16x3xf32, #tpu.memory_space<vmem>>, %arg3: memref<1x3x64xf32, #tpu.memory_space<vmem>>, %arg4: memref<1x64x259xf32, #tpu.memory_space<vmem>>, %arg5: memref<259x256xf32, #tpu.memory_space<vmem>>, %arg6: memref<1x256xf32, #tpu.memory_space<vmem>>, %arg7: memref<256x256xf32, #tpu.memory_space<vmem>>, %arg8: memref<1x256xf32, #tpu.memory_space<vmem>>, %arg9: memref<256x512xf32, #tpu.memory_space<vmem>>, %arg10: memref<1x512xf32, #tpu.memory_space<vmem>>, %arg11: memref<1x16x512xf32, #tpu.memory_space<vmem>>) attributes {dimension_semantics = [#tpu.dimension_semantics<parallel>, #tpu.dimension_semantics<parallel>], iteration_bounds = array<i64: 4, 1>, scalar_prefetch = 0 : i64, scratch_operands = 0 : i64, tpu.core_type = #tpu.core_type<tc>, window_params = [{transform_indices = @transform_0, window_bounds = array<i64: 1, 16, 3>}, {transform_indices = @transform_1, window_bounds = array<i64: 1, 3, 64>}, {transform_indices = @transform_2, window_bounds = array<i64: 1, 64, 259>}, {pipeline_mode = #tpu.pipeline_mode<synchronous>, transform_indices = @transform_3, window_bounds = array<i64: 259, 256>}, {pipeline_mode = #tpu.pipeline_mode<synchronous>, transform_indices = @transform_4, window_bounds = array<i64: 1, 256>}, {pipeline_mode = #tpu.pipeline_mode<synchronous>, transform_indices = @transform_5, window_bounds = array<i64: 256, 256>}, {pipeline_mode = #tpu.pipeline_mode<synchronous>, transform_indices = @transform_6, window_bounds = array<i64: 1, 256>}, {pipeline_mode = #tpu.pipeline_mode<synchronous>, transform_indices = @transform_7, window_bounds = array<i64: 256, 512>}, {pipeline_mode = #tpu.pipeline_mode<synchronous>, transform_indices = @transform_8, window_bounds = array<i64: 1, 512>}, {transform_indices = @transform_9, window_bounds = array<i64: 1, 16, 512>}]} {
    %get3A = arith.constant 0 : index
    %get3A_0 = arith.constant 0 : index
    %get3A_1 = arith.constant 0 : index
    %get3A_2 = vector.load %arg2[%get3A, %get3A_0, %get3A_1] : memref<1x16x3xf32, #tpu.memory_space<vmem>>, vector<1x16x3xf32>
    %get3A_3 = vector.shape_cast %get3A_2 : vector<1x16x3xf32> to vector<16x3xf32>
    %slice3A = vector.extract_strided_slice %get3A_3 {offsets = [0, 0], sizes = [16, 1], strides = [1, 1]} : vector<16x3xf32> to vector<16x1xf32>
    %get3A_4 = arith.constant 0 : index
    %get3A_5 = arith.constant 0 : index
    %get3A_6 = arith.constant 0 : index
    %get3A_7 = vector.load %arg3[%get3A_4, %get3A_5, %get3A_6] : memref<1x3x64xf32, #tpu.memory_space<vmem>>, vector<1x1x64xf32>
    %get3A_8 = vector.shape_cast %get3A_7 : vector<1x1x64xf32> to vector<1x64xf32>
    %sub3A = vector.broadcast %slice3A : vector<16x1xf32> to vector<16x64xf32>
    %sub3A_9 = vector.broadcast %get3A_8 : vector<1x64xf32> to vector<16x64xf32>
    %sub3A_10 = arith.subf %sub3A, %sub3A_9 : vector<16x64xf32>
    %slice3A_11 = vector.extract_strided_slice %get3A_3 {offsets = [0, 1], sizes = [16, 1], strides = [1, 1]} : vector<16x3xf32> to vector<16x1xf32>
    %get3A_12 = arith.constant 0 : index
    %get3A_13 = arith.constant 1 : index
    %get3A_14 = arith.constant 0 : index
    %get3A_15 = vector.load %arg3[%get3A_12, %get3A_13, %get3A_14] : memref<1x3x64xf32, #tpu.memory_space<vmem>>, vector<1x1x64xf32>
    %get3A_16 = vector.shape_cast %get3A_15 : vector<1x1x64xf32> to vector<1x64xf32>
    %sub3A_17 = vector.broadcast %slice3A_11 : vector<16x1xf32> to vector<16x64xf32>
    %sub3A_18 = vector.broadcast %get3A_16 : vector<1x64xf32> to vector<16x64xf32>
    %sub3A_19 = arith.subf %sub3A_17, %sub3A_18 : vector<16x64xf32>
    %slice3A_20 = vector.extract_strided_slice %get3A_3 {offsets = [0, 2], sizes = [16, 1], strides = [1, 1]} : vector<16x3xf32> to vector<16x1xf32>
    %get3A_21 = arith.constant 0 : index
    %get3A_22 = arith.constant 2 : index
    %get3A_23 = arith.constant 0 : index
    %get3A_24 = vector.load %arg3[%get3A_21, %get3A_22, %get3A_23] : memref<1x3x64xf32, #tpu.memory_space<vmem>>, vector<1x1x64xf32>
    %get3A_25 = vector.shape_cast %get3A_24 : vector<1x1x64xf32> to vector<1x64xf32>
    %sub3A_26 = vector.broadcast %slice3A_20 : vector<16x1xf32> to vector<16x64xf32>
    %sub3A_27 = vector.broadcast %get3A_25 : vector<1x64xf32> to vector<16x64xf32>
    %sub3A_28 = arith.subf %sub3A_26, %sub3A_27 : vector<16x64xf32>
    %mul3A = arith.mulf %sub3A_10, %sub3A_10 : vector<16x64xf32>
    %mul3A_29 = arith.mulf %sub3A_19, %sub3A_19 : vector<16x64xf32>
    %add3A = arith.addf %mul3A, %mul3A_29 : vector<16x64xf32>
    %mul3A_30 = arith.mulf %sub3A_28, %sub3A_28 : vector<16x64xf32>
    %add3A_31 = arith.addf %add3A, %mul3A_30 : vector<16x64xf32>
    %iota3A = tpu.iota {dimensions = array<i32: 1>} : vector<16x64xi32>
    %le3A = arith.constant 1.600000e+01 : f32
    %le3A_32 = vector.broadcast %le3A : f32 to vector<16x64xf32>
    %le3A_33 = arith.cmpf ole, %add3A_31, %le3A_32 : vector<16x64xf32>
    %jit3A = arith.constant 64 : i32
    %broadcast_in_dim3A = vector.broadcast %jit3A : i32 to vector<16x64xi32>
    %select_n3A = arith.select %le3A_33, %iota3A, %broadcast_in_dim3A : vector<16x64xi1>, vector<16x64xi32>
    %reduce_min3A = arith.constant dense<2147483647> : vector<16xi32>
    %reduce_min3A_34 = vector.multi_reduction <minsi>, %select_n3A, %reduce_min3A [1] : vector<16x64xi32> to vector<16xi32>
    %broadcast_in_dim3A_35 = vector.shape_cast %reduce_min3A_34 : vector<16xi32> to vector<16x1xi32>
    %eq3A = vector.broadcast %broadcast_in_dim3A_35 : vector<16x1xi32> to vector<16x64xi32>
    %eq3A_36 = arith.cmpi eq, %select_n3A, %eq3A : vector<16x64xi32>
    %jit3A_37 = arith.constant 64 : i32
    %broadcast_in_dim3A_38 = vector.broadcast %jit3A_37 : i32 to vector<16x64xi32>
    %select_n3A_39 = arith.select %eq3A_36, %broadcast_in_dim3A_38, %select_n3A : vector<16x64xi1>, vector<16x64xi32>
    %eq3A_40 = arith.constant 64 : i32
    %eq3A_41 = vector.broadcast %eq3A_40 : i32 to vector<16x1xi32>
    %eq3A_42 = arith.cmpi eq, %broadcast_in_dim3A_35, %eq3A_41 : vector<16x1xi32>
    %jit3A_43 = arith.constant 0 : i32
    %broadcast_in_dim3A_44 = vector.broadcast %jit3A_43 : i32 to vector<16x1xi32>
    %select_n3A_45 = arith.select %eq3A_42, %broadcast_in_dim3A_44, %broadcast_in_dim3A_35 : vector<16x1xi1>, vector<16x1xi32>
    %eq3A_46 = vector.broadcast %select_n3A_45 : vector<16x1xi32> to vector<16x64xi32>
    %eq3A_47 = arith.cmpi eq, %iota3A, %eq3A_46 : vector<16x64xi32>
    %convert_element_type3A = arith.extui %eq3A_47 : vector<16x64xi1> to vector<16x64xi32>
    %convert_element_type3A_48 = arith.sitofp %convert_element_type3A : vector<16x64xi32> to vector<16x64xf32>
    %reduce_min3A_49 = arith.constant dense<2147483647> : vector<16xi32>
    %reduce_min3A_50 = vector.multi_reduction <minsi>, %select_n3A_39, %reduce_min3A_49 [1] : vector<16x64xi32> to vector<16xi32>
    %broadcast_in_dim3A_51 = vector.shape_cast %reduce_min3A_50 : vector<16xi32> to vector<16x1xi32>
    %eq3A_52 = vector.broadcast %broadcast_in_dim3A_51 : vector<16x1xi32> to vector<16x64xi32>
    %eq3A_53 = arith.cmpi eq, %select_n3A_39, %eq3A_52 : vector<16x64xi32>
    %jit3A_54 = arith.constant 64 : i32
    %broadcast_in_dim3A_55 = vector.broadcast %jit3A_54 : i32 to vector<16x64xi32>
    %select_n3A_56 = arith.select %eq3A_53, %broadcast_in_dim3A_55, %select_n3A_39 : vector<16x64xi1>, vector<16x64xi32>
    %eq3A_57 = arith.constant 64 : i32
    %eq3A_58 = vector.broadcast %eq3A_57 : i32 to vector<16x1xi32>
    %eq3A_59 = arith.cmpi eq, %broadcast_in_dim3A_51, %eq3A_58 : vector<16x1xi32>
    %select_n3A_60 = arith.select %eq3A_59, %select_n3A_45, %broadcast_in_dim3A_51 : vector<16x1xi1>, vector<16x1xi32>
    %eq3A_61 = vector.broadcast %select_n3A_60 : vector<16x1xi32> to vector<16x64xi32>
    %eq3A_62 = arith.cmpi eq, %iota3A, %eq3A_61 : vector<16x64xi32>
    %convert_element_type3A_63 = arith.extui %eq3A_62 : vector<16x64xi1> to vector<16x64xi32>
    %convert_element_type3A_64 = arith.sitofp %convert_element_type3A_63 : vector<16x64xi32> to vector<16x64xf32>
    %reduce_min3A_65 = arith.constant dense<2147483647> : vector<16xi32>
    %reduce_min3A_66 = vector.multi_reduction <minsi>, %select_n3A_56, %reduce_min3A_65 [1] : vector<16x64xi32> to vector<16xi32>
    %broadcast_in_dim3A_67 = vector.shape_cast %reduce_min3A_66 : vector<16xi32> to vector<16x1xi32>
    %eq3A_68 = vector.broadcast %broadcast_in_dim3A_67 : vector<16x1xi32> to vector<16x64xi32>
    %eq3A_69 = arith.cmpi eq, %select_n3A_56, %eq3A_68 : vector<16x64xi32>
    %jit3A_70 = arith.constant 64 : i32
    %broadcast_in_dim3A_71 = vector.broadcast %jit3A_70 : i32 to vector<16x64xi32>
    %select_n3A_72 = arith.select %eq3A_69, %broadcast_in_dim3A_71, %select_n3A_56 : vector<16x64xi1>, vector<16x64xi32>
    %eq3A_73 = arith.constant 64 : i32
    %eq3A_74 = vector.broadcast %eq3A_73 : i32 to vector<16x1xi32>
    %eq3A_75 = arith.cmpi eq, %broadcast_in_dim3A_67, %eq3A_74 : vector<16x1xi32>
    %select_n3A_76 = arith.select %eq3A_75, %select_n3A_45, %broadcast_in_dim3A_67 : vector<16x1xi1>, vector<16x1xi32>
    %eq3A_77 = vector.broadcast %select_n3A_76 : vector<16x1xi32> to vector<16x64xi32>
    %eq3A_78 = arith.cmpi eq, %iota3A, %eq3A_77 : vector<16x64xi32>
    %convert_element_type3A_79 = arith.extui %eq3A_78 : vector<16x64xi1> to vector<16x64xi32>
    %convert_element_type3A_80 = arith.sitofp %convert_element_type3A_79 : vector<16x64xi32> to vector<16x64xf32>
    %reduce_min3A_81 = arith.constant dense<2147483647> : vector<16xi32>
    %reduce_min3A_82 = vector.multi_reduction <minsi>, %select_n3A_72, %reduce_min3A_81 [1] : vector<16x64xi32> to vector<16xi32>
    %broadcast_in_dim3A_83 = vector.shape_cast %reduce_min3A_82 : vector<16xi32> to vector<16x1xi32>
    %eq3A_84 = vector.broadcast %broadcast_in_dim3A_83 : vector<16x1xi32> to vector<16x64xi32>
    %eq3A_85 = arith.cmpi eq, %select_n3A_72, %eq3A_84 : vector<16x64xi32>
    %jit3A_86 = arith.constant 64 : i32
    %broadcast_in_dim3A_87 = vector.broadcast %jit3A_86 : i32 to vector<16x64xi32>
    %select_n3A_88 = arith.select %eq3A_85, %broadcast_in_dim3A_87, %select_n3A_72 : vector<16x64xi1>, vector<16x64xi32>
    %eq3A_89 = arith.constant 64 : i32
    %eq3A_90 = vector.broadcast %eq3A_89 : i32 to vector<16x1xi32>
    %eq3A_91 = arith.cmpi eq, %broadcast_in_dim3A_83, %eq3A_90 : vector<16x1xi32>
    %select_n3A_92 = arith.select %eq3A_91, %select_n3A_45, %broadcast_in_dim3A_83 : vector<16x1xi1>, vector<16x1xi32>
    %eq3A_93 = vector.broadcast %select_n3A_92 : vector<16x1xi32> to vector<16x64xi32>
    %eq3A_94 = arith.cmpi eq, %iota3A, %eq3A_93 : vector<16x64xi32>
    %convert_element_type3A_95 = arith.extui %eq3A_94 : vector<16x64xi1> to vector<16x64xi32>
    %convert_element_type3A_96 = arith.sitofp %convert_element_type3A_95 : vector<16x64xi32> to vector<16x64xf32>
    %reduce_min3A_97 = arith.constant dense<2147483647> : vector<16xi32>
    %reduce_min3A_98 = vector.multi_reduction <minsi>, %select_n3A_88, %reduce_min3A_97 [1] : vector<16x64xi32> to vector<16xi32>
    %broadcast_in_dim3A_99 = vector.shape_cast %reduce_min3A_98 : vector<16xi32> to vector<16x1xi32>
    %eq3A_100 = vector.broadcast %broadcast_in_dim3A_99 : vector<16x1xi32> to vector<16x64xi32>
    %eq3A_101 = arith.cmpi eq, %select_n3A_88, %eq3A_100 : vector<16x64xi32>
    %jit3A_102 = arith.constant 64 : i32
    %broadcast_in_dim3A_103 = vector.broadcast %jit3A_102 : i32 to vector<16x64xi32>
    %select_n3A_104 = arith.select %eq3A_101, %broadcast_in_dim3A_103, %select_n3A_88 : vector<16x64xi1>, vector<16x64xi32>
    %eq3A_105 = arith.constant 64 : i32
    %eq3A_106 = vector.broadcast %eq3A_105 : i32 to vector<16x1xi32>
    %eq3A_107 = arith.cmpi eq, %broadcast_in_dim3A_99, %eq3A_106 : vector<16x1xi32>
    %select_n3A_108 = arith.select %eq3A_107, %select_n3A_45, %broadcast_in_dim3A_99 : vector<16x1xi1>, vector<16x1xi32>
    %eq3A_109 = vector.broadcast %select_n3A_108 : vector<16x1xi32> to vector<16x64xi32>
    %eq3A_110 = arith.cmpi eq, %iota3A, %eq3A_109 : vector<16x64xi32>
    %convert_element_type3A_111 = arith.extui %eq3A_110 : vector<16x64xi1> to vector<16x64xi32>
    %convert_element_type3A_112 = arith.sitofp %convert_element_type3A_111 : vector<16x64xi32> to vector<16x64xf32>
    %reduce_min3A_113 = arith.constant dense<2147483647> : vector<16xi32>
    %reduce_min3A_114 = vector.multi_reduction <minsi>, %select_n3A_104, %reduce_min3A_113 [1] : vector<16x64xi32> to vector<16xi32>
    %broadcast_in_dim3A_115 = vector.shape_cast %reduce_min3A_114 : vector<16xi32> to vector<16x1xi32>
    %eq3A_116 = vector.broadcast %broadcast_in_dim3A_115 : vector<16x1xi32> to vector<16x64xi32>
    %eq3A_117 = arith.cmpi eq, %select_n3A_104, %eq3A_116 : vector<16x64xi32>
    %jit3A_118 = arith.constant 64 : i32
    %broadcast_in_dim3A_119 = vector.broadcast %jit3A_118 : i32 to vector<16x64xi32>
    %select_n3A_120 = arith.select %eq3A_117, %broadcast_in_dim3A_119, %select_n3A_104 : vector<16x64xi1>, vector<16x64xi32>
    %eq3A_121 = arith.constant 64 : i32
    %eq3A_122 = vector.broadcast %eq3A_121 : i32 to vector<16x1xi32>
    %eq3A_123 = arith.cmpi eq, %broadcast_in_dim3A_115, %eq3A_122 : vector<16x1xi32>
    %select_n3A_124 = arith.select %eq3A_123, %select_n3A_45, %broadcast_in_dim3A_115 : vector<16x1xi1>, vector<16x1xi32>
    %eq3A_125 = vector.broadcast %select_n3A_124 : vector<16x1xi32> to vector<16x64xi32>
    %eq3A_126 = arith.cmpi eq, %iota3A, %eq3A_125 : vector<16x64xi32>
    %convert_element_type3A_127 = arith.extui %eq3A_126 : vector<16x64xi1> to vector<16x64xi32>
    %convert_element_type3A_128 = arith.sitofp %convert_element_type3A_127 : vector<16x64xi32> to vector<16x64xf32>
    %reduce_min3A_129 = arith.constant dense<2147483647> : vector<16xi32>
    %reduce_min3A_130 = vector.multi_reduction <minsi>, %select_n3A_120, %reduce_min3A_129 [1] : vector<16x64xi32> to vector<16xi32>
    %broadcast_in_dim3A_131 = vector.shape_cast %reduce_min3A_130 : vector<16xi32> to vector<16x1xi32>
    %eq3A_132 = vector.broadcast %broadcast_in_dim3A_131 : vector<16x1xi32> to vector<16x64xi32>
    %eq3A_133 = arith.cmpi eq, %select_n3A_120, %eq3A_132 : vector<16x64xi32>
    %jit3A_134 = arith.constant 64 : i32
    %broadcast_in_dim3A_135 = vector.broadcast %jit3A_134 : i32 to vector<16x64xi32>
    %select_n3A_136 = arith.select %eq3A_133, %broadcast_in_dim3A_135, %select_n3A_120 : vector<16x64xi1>, vector<16x64xi32>
    %eq3A_137 = arith.constant 64 : i32
    %eq3A_138 = vector.broadcast %eq3A_137 : i32 to vector<16x1xi32>
    %eq3A_139 = arith.cmpi eq, %broadcast_in_dim3A_131, %eq3A_138 : vector<16x1xi32>
    %select_n3A_140 = arith.select %eq3A_139, %select_n3A_45, %broadcast_in_dim3A_131 : vector<16x1xi1>, vector<16x1xi32>
    %eq3A_141 = vector.broadcast %select_n3A_140 : vector<16x1xi32> to vector<16x64xi32>
    %eq3A_142 = arith.cmpi eq, %iota3A, %eq3A_141 : vector<16x64xi32>
    %convert_element_type3A_143 = arith.extui %eq3A_142 : vector<16x64xi1> to vector<16x64xi32>
    %convert_element_type3A_144 = arith.sitofp %convert_element_type3A_143 : vector<16x64xi32> to vector<16x64xf32>
    %reduce_min3A_145 = arith.constant dense<2147483647> : vector<16xi32>
    %reduce_min3A_146 = vector.multi_reduction <minsi>, %select_n3A_136, %reduce_min3A_145 [1] : vector<16x64xi32> to vector<16xi32>
    %broadcast_in_dim3A_147 = vector.shape_cast %reduce_min3A_146 : vector<16xi32> to vector<16x1xi32>
    %eq3A_148 = arith.constant 64 : i32
    %eq3A_149 = vector.broadcast %eq3A_148 : i32 to vector<16x1xi32>
    %eq3A_150 = arith.cmpi eq, %broadcast_in_dim3A_147, %eq3A_149 : vector<16x1xi32>
    %select_n3A_151 = arith.select %eq3A_150, %select_n3A_45, %broadcast_in_dim3A_147 : vector<16x1xi1>, vector<16x1xi32>
    %eq3A_152 = vector.broadcast %select_n3A_151 : vector<16x1xi32> to vector<16x64xi32>
    %eq3A_153 = arith.cmpi eq, %iota3A, %eq3A_152 : vector<16x64xi32>
    %convert_element_type3A_154 = arith.extui %eq3A_153 : vector<16x64xi1> to vector<16x64xi32>
    %convert_element_type3A_155 = arith.sitofp %convert_element_type3A_154 : vector<16x64xi32> to vector<16x64xf32>
    %get3A_156 = arith.constant 0 : index
    %get3A_157 = arith.constant 0 : index
    %get3A_158 = arith.constant 0 : index
    %get3A_159 = vector.load %arg4[%get3A_156, %get3A_157, %get3A_158] : memref<1x64x259xf32, #tpu.memory_space<vmem>>, vector<1x64x259xf32>
    %get3A_160 = vector.shape_cast %get3A_159 : vector<1x64x259xf32> to vector<64x259xf32>
    %concatenate3A = tpu.concatenate %convert_element_type3A_48, %convert_element_type3A_64, %convert_element_type3A_80, %convert_element_type3A_96, %convert_element_type3A_112, %convert_element_type3A_128, %convert_element_type3A_144, %convert_element_type3A_155 in 0 : vector<16x64xf32>, vector<16x64xf32>, vector<16x64xf32>, vector<16x64xf32>, vector<16x64xf32>, vector<16x64xf32>, vector<16x64xf32>, vector<16x64xf32> -> vector<128x64xf32>
    %dot_general3A = arith.constant dense<0.000000e+00> : vector<128x259xf32>
    %dot_general3A_161 = tpu.matmul %concatenate3A, %get3A_160, %dot_general3A {dimension_numbers = #tpu.dot_dimension_numbers<[1], [0], [0], [1], [0, 0, 1, 1], [], []>, transpose_lhs_hint = false} : vector<128x64xf32>, vector<64x259xf32>, vector<128x259xf32> -> vector<128x259xf32>
    %concatenate3A_162 = tpu.concatenate %get3A_3, %get3A_3, %get3A_3, %get3A_3, %get3A_3, %get3A_3, %get3A_3, %get3A_3 in 0 : vector<16x3xf32>, vector<16x3xf32>, vector<16x3xf32>, vector<16x3xf32>, vector<16x3xf32>, vector<16x3xf32>, vector<16x3xf32>, vector<16x3xf32> -> vector<128x3xf32>
    %slice3A_163 = vector.extract_strided_slice %dot_general3A_161 {offsets = [0, 0], sizes = [128, 3], strides = [1, 1]} : vector<128x259xf32> to vector<128x3xf32>
    %sub3A_164 = arith.subf %slice3A_163, %concatenate3A_162 : vector<128x3xf32>
    %slice3A_165 = vector.extract_strided_slice %dot_general3A_161 {offsets = [0, 3], sizes = [128, 256], strides = [1, 1]} : vector<128x259xf32> to vector<128x256xf32>
    %concatenate3A_166 = tpu.concatenate %sub3A_164, %slice3A_165 in 1 : vector<128x3xf32>, vector<128x256xf32> -> vector<128x259xf32>
    %get3A_167 = arith.constant 0 : index
    %get3A_168 = arith.constant 0 : index
    %get3A_169 = vector.load %arg5[%get3A_167, %get3A_168] : memref<259x256xf32, #tpu.memory_space<vmem>>, vector<259x256xf32>
    %dot_general3A_170 = arith.constant dense<0.000000e+00> : vector<128x256xf32>
    %dot_general3A_171 = tpu.matmul %concatenate3A_166, %get3A_169, %dot_general3A_170 {dimension_numbers = #tpu.dot_dimension_numbers<[1], [0], [0], [1], [0, 0, 1, 1], [], []>, transpose_lhs_hint = false} : vector<128x259xf32>, vector<259x256xf32>, vector<128x256xf32> -> vector<128x256xf32>
    %get3A_172 = arith.constant 0 : index
    %get3A_173 = arith.constant 0 : index
    %get3A_174 = vector.load %arg6[%get3A_172, %get3A_173] : memref<1x256xf32, #tpu.memory_space<vmem>>, vector<1x256xf32>
    %add3A_175 = vector.broadcast %get3A_174 : vector<1x256xf32> to vector<128x256xf32>
    %add3A_176 = arith.addf %dot_general3A_171, %add3A_175 : vector<128x256xf32>
    %max3A = arith.constant 0.000000e+00 : f32
    %max3A_177 = vector.broadcast %max3A : f32 to vector<128x256xf32>
    %max3A_178 = arith.maximumf %add3A_176, %max3A_177 : vector<128x256xf32>
    %get3A_179 = arith.constant 0 : index
    %get3A_180 = arith.constant 0 : index
    %get3A_181 = vector.load %arg7[%get3A_179, %get3A_180] : memref<256x256xf32, #tpu.memory_space<vmem>>, vector<256x256xf32>
    %dot_general3A_182 = arith.constant dense<0.000000e+00> : vector<128x256xf32>
    %dot_general3A_183 = tpu.matmul %max3A_178, %get3A_181, %dot_general3A_182 {dimension_numbers = #tpu.dot_dimension_numbers<[1], [0], [0], [1], [0, 0, 1, 1], [], []>, transpose_lhs_hint = false} : vector<128x256xf32>, vector<256x256xf32>, vector<128x256xf32> -> vector<128x256xf32>
    %get3A_184 = arith.constant 0 : index
    %get3A_185 = arith.constant 0 : index
    %get3A_186 = vector.load %arg8[%get3A_184, %get3A_185] : memref<1x256xf32, #tpu.memory_space<vmem>>, vector<1x256xf32>
    %add3A_187 = vector.broadcast %get3A_186 : vector<1x256xf32> to vector<128x256xf32>
    %add3A_188 = arith.addf %dot_general3A_183, %add3A_187 : vector<128x256xf32>
    %max3A_189 = arith.constant 0.000000e+00 : f32
    %max3A_190 = vector.broadcast %max3A_189 : f32 to vector<128x256xf32>
    %max3A_191 = arith.maximumf %add3A_188, %max3A_190 : vector<128x256xf32>
    %get3A_192 = arith.constant 0 : index
    %get3A_193 = arith.constant 0 : index
    %get3A_194 = vector.load %arg9[%get3A_192, %get3A_193] : memref<256x512xf32, #tpu.memory_space<vmem>>, vector<256x512xf32>
    %dot_general3A_195 = arith.constant dense<0.000000e+00> : vector<128x512xf32>
    %dot_general3A_196 = tpu.matmul %max3A_191, %get3A_194, %dot_general3A_195 {dimension_numbers = #tpu.dot_dimension_numbers<[1], [0], [0], [1], [0, 0, 1, 1], [], []>, transpose_lhs_hint = false} : vector<128x256xf32>, vector<256x512xf32>, vector<128x512xf32> -> vector<128x512xf32>
    %get3A_197 = arith.constant 0 : index
    %get3A_198 = arith.constant 0 : index
    %get3A_199 = vector.load %arg10[%get3A_197, %get3A_198] : memref<1x512xf32, #tpu.memory_space<vmem>>, vector<1x512xf32>
    %add3A_200 = vector.broadcast %get3A_199 : vector<1x512xf32> to vector<128x512xf32>
    %add3A_201 = arith.addf %dot_general3A_196, %add3A_200 : vector<128x512xf32>
    %max3A_202 = arith.constant 0.000000e+00 : f32
    %max3A_203 = vector.broadcast %max3A_202 : f32 to vector<128x512xf32>
    %max3A_204 = arith.maximumf %add3A_201, %max3A_203 : vector<128x512xf32>
    %reshape3A = vector.shape_cast %max3A_204 : vector<128x512xf32> to vector<8x16x512xf32>
    %reduce_max3A = arith.constant dense<0xFF800000> : vector<16x512xf32>
    %reduce_max3A_205 = vector.multi_reduction <maximumf>, %reshape3A, %reduce_max3A [0] : vector<8x16x512xf32> to vector<16x512xf32>
    %swap3A = arith.constant 0 : index
    %swap3A_206 = arith.constant 0 : index
    %swap3A_207 = arith.constant 0 : index
    %swap3A_208 = vector.load %arg11[%swap3A, %swap3A_206, %swap3A_207] : memref<1x16x512xf32, #tpu.memory_space<vmem>>, vector<1x16x512xf32>
    %swap3A_209 = vector.shape_cast %swap3A_208 : vector<1x16x512xf32> to vector<16x512xf32>
    %swap3A_210 = vector.shape_cast %reduce_max3A_205 : vector<16x512xf32> to vector<1x16x512xf32>
    tpu.vector_store %arg11[%swap3A, %swap3A_206, %swap3A_207], %swap3A_210 {strides = array<i32>} : memref<1x16x512xf32, #tpu.memory_space<vmem>>, vector<1x16x512xf32>,
    return
  }
  func.func @transform_0(%arg0: i32, %arg1: i32) -> (i32, i32, i32) {
    %c0_i32 = arith.constant 0 : i32
    %c0_i32_0 = arith.constant 0 : i32
    return %arg0, %arg1, %c0_i32 : i32, i32, i32
  }
  func.func @transform_1(%arg0: i32, %arg1: i32) -> (i32, i32, i32) {
    %c0_i32 = arith.constant 0 : i32
    %c0_i32_0 = arith.constant 0 : i32
    %c0_i32_1 = arith.constant 0 : i32
    return %arg0, %c0_i32, %c0_i32_0 : i32, i32, i32
  }
  func.func @transform_2(%arg0: i32, %arg1: i32) -> (i32, i32, i32) {
    %c0_i32 = arith.constant 0 : i32
    %c0_i32_0 = arith.constant 0 : i32
    %c0_i32_1 = arith.constant 0 : i32
    return %arg0, %c0_i32, %c0_i32_0 : i32, i32, i32
  }
  func.func @transform_3(%arg0: i32, %arg1: i32) -> (i32, i32) {
    %c0_i32 = arith.constant 0 : i32
    %c0_i32_0 = arith.constant 0 : i32
    %c0_i32_1 = arith.constant 0 : i32
    return %c0_i32, %c0_i32_0 : i32, i32
  }
  func.func @transform_4(%arg0: i32, %arg1: i32) -> (i32, i32) {
    %c0_i32 = arith.constant 0 : i32
    %c0_i32_0 = arith.constant 0 : i32
    %c0_i32_1 = arith.constant 0 : i32
    return %c0_i32, %c0_i32_0 : i32, i32
  }
  func.func @transform_5(%arg0: i32, %arg1: i32) -> (i32, i32) {
    %c0_i32 = arith.constant 0 : i32
    %c0_i32_0 = arith.constant 0 : i32
    %c0_i32_1 = arith.constant 0 : i32
    return %c0_i32, %c0_i32_0 : i32, i32
  }
  func.func @transform_6(%arg0: i32, %arg1: i32) -> (i32, i32) {
    %c0_i32 = arith.constant 0 : i32
    %c0_i32_0 = arith.constant 0 : i32
    %c0_i32_1 = arith.constant 0 : i32
    return %c0_i32, %c0_i32_0 : i32, i32
  }
  func.func @transform_7(%arg0: i32, %arg1: i32) -> (i32, i32) {
    %c0_i32 = arith.constant 0 : i32
    %c0_i32_0 = arith.constant 0 : i32
    %c0_i32_1 = arith.constant 0 : i32
    return %c0_i32, %c0_i32_0 : i32, i32
  }
  func.func @transform_8(%arg0: i32, %arg1: i32) -> (i32, i32) {
    %c0_i32 = arith.constant 0 : i32
    %c0_i32_0 = arith.constant 0 : i32
    %c0_i32_1 = arith.constant 0 : i32
    return %c0_i32, %c0_i32_0 : i32, i32
  }
  func.func @transform_9(%arg0: i32, %arg1: i32) -> (i32, i32, i32) {
    %c0_i32 = arith.constant 0 : i32
    %c0_i32_0 = arith.constant 0 : i32
    return %arg0, %arg1, %c0_i32 : i32, i32, i32
  }
}

module attributes {stable_mosaic.version = 14 : i64} {
  func.func @kern(%arg0: i32, %arg1: i32, %arg2: memref<1x64x3xf32, #tpu.memory_space<vmem>>, %arg3: memref<1x3x16xf32, #tpu.memory_space<vmem>>, %arg4: memref<1x16x515xf32, #tpu.memory_space<vmem>>, %arg5: memref<1x64x515xf32, #tpu.memory_space<vmem>>) attributes {dimension_semantics = [#tpu.dimension_semantics<parallel>, #tpu.dimension_semantics<parallel>], iteration_bounds = array<i64: 4, 1>, scalar_prefetch = 0 : i64, scratch_operands = 0 : i64, tpu.core_type = #tpu.core_type<tc>, window_params = [{transform_indices = @transform_0, window_bounds = array<i64: 1, 64, 3>}, {transform_indices = @transform_1, window_bounds = array<i64: 1, 3, 16>}, {transform_indices = @transform_2, window_bounds = array<i64: 1, 16, 515>}, {transform_indices = @transform_3, window_bounds = array<i64: 1, 64, 515>}]} {
    %get3A = arith.constant 0 : index
    %get3A_0 = arith.constant 0 : index
    %get3A_1 = arith.constant 0 : index
    %get3A_2 = vector.load %arg2[%get3A, %get3A_0, %get3A_1] : memref<1x64x3xf32, #tpu.memory_space<vmem>>, vector<1x64x3xf32>
    %get3A_3 = vector.shape_cast %get3A_2 : vector<1x64x3xf32> to vector<64x3xf32>
    %slice3A = vector.extract_strided_slice %get3A_3 {offsets = [0, 0], sizes = [64, 1], strides = [1, 1]} : vector<64x3xf32> to vector<64x1xf32>
    %get3A_4 = arith.constant 0 : index
    %get3A_5 = arith.constant 0 : index
    %get3A_6 = arith.constant 0 : index
    %get3A_7 = vector.load %arg3[%get3A_4, %get3A_5, %get3A_6] : memref<1x3x16xf32, #tpu.memory_space<vmem>>, vector<1x1x16xf32>
    %get3A_8 = vector.shape_cast %get3A_7 : vector<1x1x16xf32> to vector<1x16xf32>
    %sub3A = vector.broadcast %slice3A : vector<64x1xf32> to vector<64x16xf32>
    %sub3A_9 = vector.broadcast %get3A_8 : vector<1x16xf32> to vector<64x16xf32>
    %sub3A_10 = arith.subf %sub3A, %sub3A_9 : vector<64x16xf32>
    %slice3A_11 = vector.extract_strided_slice %get3A_3 {offsets = [0, 1], sizes = [64, 1], strides = [1, 1]} : vector<64x3xf32> to vector<64x1xf32>
    %get3A_12 = arith.constant 0 : index
    %get3A_13 = arith.constant 1 : index
    %get3A_14 = arith.constant 0 : index
    %get3A_15 = vector.load %arg3[%get3A_12, %get3A_13, %get3A_14] : memref<1x3x16xf32, #tpu.memory_space<vmem>>, vector<1x1x16xf32>
    %get3A_16 = vector.shape_cast %get3A_15 : vector<1x1x16xf32> to vector<1x16xf32>
    %sub3A_17 = vector.broadcast %slice3A_11 : vector<64x1xf32> to vector<64x16xf32>
    %sub3A_18 = vector.broadcast %get3A_16 : vector<1x16xf32> to vector<64x16xf32>
    %sub3A_19 = arith.subf %sub3A_17, %sub3A_18 : vector<64x16xf32>
    %slice3A_20 = vector.extract_strided_slice %get3A_3 {offsets = [0, 2], sizes = [64, 1], strides = [1, 1]} : vector<64x3xf32> to vector<64x1xf32>
    %get3A_21 = arith.constant 0 : index
    %get3A_22 = arith.constant 2 : index
    %get3A_23 = arith.constant 0 : index
    %get3A_24 = vector.load %arg3[%get3A_21, %get3A_22, %get3A_23] : memref<1x3x16xf32, #tpu.memory_space<vmem>>, vector<1x1x16xf32>
    %get3A_25 = vector.shape_cast %get3A_24 : vector<1x1x16xf32> to vector<1x16xf32>
    %sub3A_26 = vector.broadcast %slice3A_20 : vector<64x1xf32> to vector<64x16xf32>
    %sub3A_27 = vector.broadcast %get3A_25 : vector<1x16xf32> to vector<64x16xf32>
    %sub3A_28 = arith.subf %sub3A_26, %sub3A_27 : vector<64x16xf32>
    %mul3A = arith.mulf %sub3A_10, %sub3A_10 : vector<64x16xf32>
    %mul3A_29 = arith.mulf %sub3A_19, %sub3A_19 : vector<64x16xf32>
    %add3A = arith.addf %mul3A, %mul3A_29 : vector<64x16xf32>
    %mul3A_30 = arith.mulf %sub3A_28, %sub3A_28 : vector<64x16xf32>
    %add3A_31 = arith.addf %add3A, %mul3A_30 : vector<64x16xf32>
    %iota3A = tpu.iota {dimensions = array<i32: 2>} : vector<64x1x16xi32>
    %broadcast_in_dim3A = arith.constant 0.000000e+00 : f32
    %broadcast_in_dim3A_32 = vector.broadcast %broadcast_in_dim3A : f32 to vector<64x16xf32>
    %iota3A_33 = tpu.iota {dimensions = array<i32: 1>} : vector<64x16x1xi32>
    %add3A_34 = arith.constant 0 : i32
    %add3A_35 = vector.broadcast %add3A_34 : i32 to vector<64x16x1xi32>
    %add3A_36 = arith.addi %iota3A_33, %add3A_35 : vector<64x16x1xi32>
    %broadcast_in_dim3A_37 = vector.shape_cast %add3A_31 : vector<64x16xf32> to vector<64x16x1xf32>
    %broadcast_in_dim3A_38 = vector.shape_cast %add3A_31 : vector<64x16xf32> to vector<64x1x16xf32>
    %lt3A = vector.broadcast %broadcast_in_dim3A_37 : vector<64x16x1xf32> to vector<64x16x16xf32>
    %lt3A_39 = vector.broadcast %broadcast_in_dim3A_38 : vector<64x1x16xf32> to vector<64x16x16xf32>
    %lt3A_40 = arith.cmpf olt, %lt3A, %lt3A_39 : vector<64x16x16xf32>
    %broadcast_in_dim3A_41 = vector.shape_cast %add3A_31 : vector<64x16xf32> to vector<64x16x1xf32>
    %broadcast_in_dim3A_42 = vector.shape_cast %add3A_31 : vector<64x16xf32> to vector<64x1x16xf32>
    %eq3A = vector.broadcast %broadcast_in_dim3A_41 : vector<64x16x1xf32> to vector<64x16x16xf32>
    %eq3A_43 = vector.broadcast %broadcast_in_dim3A_42 : vector<64x1x16xf32> to vector<64x16x16xf32>
    %eq3A_44 = arith.cmpf oeq, %eq3A, %eq3A_43 : vector<64x16x16xf32>
    %lt3A_45 = vector.broadcast %add3A_36 : vector<64x16x1xi32> to vector<64x16x16xi32>
    %lt3A_46 = vector.broadcast %iota3A : vector<64x1x16xi32> to vector<64x16x16xi32>
    %lt3A_47 = arith.cmpi slt, %lt3A_45, %lt3A_46 : vector<64x16x16xi32>
    %and3A = arith.andi %eq3A_44, %lt3A_47 : vector<64x16x16xi1>
    %or3A = arith.ori %lt3A_40, %and3A : vector<64x16x16xi1>
    %convert_element_type3A = arith.extui %or3A : vector<64x16x16xi1> to vector<64x16x16xi32>
    %convert_element_type3A_48 = arith.sitofp %convert_element_type3A : vector<64x16x16xi32> to vector<64x16x16xf32>
    %reduce_sum3A = arith.constant dense<0.000000e+00> : vector<64x16xf32>
    %reduce_sum3A_49 = vector.multi_reduction <add>, %convert_element_type3A_48, %reduce_sum3A [1] : vector<64x16x16xf32> to vector<64x16xf32>
    %add3A_50 = arith.addf %broadcast_in_dim3A_32, %reduce_sum3A_49 : vector<64x16xf32>
    %eq3A_51 = arith.constant 0.000000e+00 : f32
    %eq3A_52 = vector.broadcast %eq3A_51 : f32 to vector<64x16xf32>
    %eq3A_53 = arith.cmpf oeq, %add3A_50, %eq3A_52 : vector<64x16xf32>
    %convert_element_type3A_54 = arith.extui %eq3A_53 : vector<64x16xi1> to vector<64x16xi32>
    %convert_element_type3A_55 = arith.sitofp %convert_element_type3A_54 : vector<64x16xi32> to vector<64x16xf32>
    %eq3A_56 = arith.constant 1.000000e+00 : f32
    %eq3A_57 = vector.broadcast %eq3A_56 : f32 to vector<64x16xf32>
    %eq3A_58 = arith.cmpf oeq, %add3A_50, %eq3A_57 : vector<64x16xf32>
    %convert_element_type3A_59 = arith.extui %eq3A_58 : vector<64x16xi1> to vector<64x16xi32>
    %convert_element_type3A_60 = arith.sitofp %convert_element_type3A_59 : vector<64x16xi32> to vector<64x16xf32>
    %eq3A_61 = arith.constant 2.000000e+00 : f32
    %eq3A_62 = vector.broadcast %eq3A_61 : f32 to vector<64x16xf32>
    %eq3A_63 = arith.cmpf oeq, %add3A_50, %eq3A_62 : vector<64x16xf32>
    %convert_element_type3A_64 = arith.extui %eq3A_63 : vector<64x16xi1> to vector<64x16xi32>
    %convert_element_type3A_65 = arith.sitofp %convert_element_type3A_64 : vector<64x16xi32> to vector<64x16xf32>
    %eq3A_66 = arith.constant 3.000000e+00 : f32
    %eq3A_67 = vector.broadcast %eq3A_66 : f32 to vector<64x16xf32>
    %eq3A_68 = arith.cmpf oeq, %add3A_50, %eq3A_67 : vector<64x16xf32>
    %convert_element_type3A_69 = arith.extui %eq3A_68 : vector<64x16xi1> to vector<64x16xi32>
    %convert_element_type3A_70 = arith.sitofp %convert_element_type3A_69 : vector<64x16xi32> to vector<64x16xf32>
    %eq3A_71 = arith.constant 4.000000e+00 : f32
    %eq3A_72 = vector.broadcast %eq3A_71 : f32 to vector<64x16xf32>
    %eq3A_73 = arith.cmpf oeq, %add3A_50, %eq3A_72 : vector<64x16xf32>
    %convert_element_type3A_74 = arith.extui %eq3A_73 : vector<64x16xi1> to vector<64x16xi32>
    %convert_element_type3A_75 = arith.sitofp %convert_element_type3A_74 : vector<64x16xi32> to vector<64x16xf32>
    %eq3A_76 = arith.constant 5.000000e+00 : f32
    %eq3A_77 = vector.broadcast %eq3A_76 : f32 to vector<64x16xf32>
    %eq3A_78 = arith.cmpf oeq, %add3A_50, %eq3A_77 : vector<64x16xf32>
    %convert_element_type3A_79 = arith.extui %eq3A_78 : vector<64x16xi1> to vector<64x16xi32>
    %convert_element_type3A_80 = arith.sitofp %convert_element_type3A_79 : vector<64x16xi32> to vector<64x16xf32>
    %eq3A_81 = arith.constant 6.000000e+00 : f32
    %eq3A_82 = vector.broadcast %eq3A_81 : f32 to vector<64x16xf32>
    %eq3A_83 = arith.cmpf oeq, %add3A_50, %eq3A_82 : vector<64x16xf32>
    %convert_element_type3A_84 = arith.extui %eq3A_83 : vector<64x16xi1> to vector<64x16xi32>
    %convert_element_type3A_85 = arith.sitofp %convert_element_type3A_84 : vector<64x16xi32> to vector<64x16xf32>
    %eq3A_86 = arith.constant 7.000000e+00 : f32
    %eq3A_87 = vector.broadcast %eq3A_86 : f32 to vector<64x16xf32>
    %eq3A_88 = arith.cmpf oeq, %add3A_50, %eq3A_87 : vector<64x16xf32>
    %convert_element_type3A_89 = arith.extui %eq3A_88 : vector<64x16xi1> to vector<64x16xi32>
    %convert_element_type3A_90 = arith.sitofp %convert_element_type3A_89 : vector<64x16xi32> to vector<64x16xf32>
    %get3A_91 = arith.constant 0 : index
    %get3A_92 = arith.constant 0 : index
    %get3A_93 = arith.constant 0 : index
    %get3A_94 = vector.load %arg4[%get3A_91, %get3A_92, %get3A_93] : memref<1x16x515xf32, #tpu.memory_space<vmem>>, vector<1x16x515xf32>
    %get3A_95 = vector.shape_cast %get3A_94 : vector<1x16x515xf32> to vector<16x515xf32>
    %concatenate3A = tpu.concatenate %convert_element_type3A_55, %convert_element_type3A_60, %convert_element_type3A_65, %convert_element_type3A_70, %convert_element_type3A_75, %convert_element_type3A_80, %convert_element_type3A_85, %convert_element_type3A_90 in 0 : vector<64x16xf32>, vector<64x16xf32>, vector<64x16xf32>, vector<64x16xf32>, vector<64x16xf32>, vector<64x16xf32>, vector<64x16xf32>, vector<64x16xf32> -> vector<512x16xf32>
    %dot_general3A = arith.constant dense<0.000000e+00> : vector<512x515xf32>
    %dot_general3A_96 = tpu.matmul %concatenate3A, %get3A_95, %dot_general3A {dimension_numbers = #tpu.dot_dimension_numbers<[1], [0], [0], [1], [0, 0, 1, 1], [], []>, transpose_lhs_hint = false} : vector<512x16xf32>, vector<16x515xf32>, vector<512x515xf32> -> vector<512x515xf32>
    %concatenate3A_97 = tpu.concatenate %get3A_3, %get3A_3, %get3A_3, %get3A_3, %get3A_3, %get3A_3, %get3A_3, %get3A_3 in 0 : vector<64x3xf32>, vector<64x3xf32>, vector<64x3xf32>, vector<64x3xf32>, vector<64x3xf32>, vector<64x3xf32>, vector<64x3xf32>, vector<64x3xf32> -> vector<512x3xf32>
    %slice3A_98 = vector.extract_strided_slice %dot_general3A_96 {offsets = [0, 0], sizes = [512, 3], strides = [1, 1]} : vector<512x515xf32> to vector<512x3xf32>
    %sub3A_99 = arith.subf %slice3A_98, %concatenate3A_97 : vector<512x3xf32>
    %slice3A_100 = vector.extract_strided_slice %dot_general3A_96 {offsets = [0, 3], sizes = [512, 512], strides = [1, 1]} : vector<512x515xf32> to vector<512x512xf32>
    %concatenate3A_101 = tpu.concatenate %sub3A_99, %slice3A_100 in 1 : vector<512x3xf32>, vector<512x512xf32> -> vector<512x515xf32>
    %reshape3A = vector.shape_cast %concatenate3A_101 : vector<512x515xf32> to vector<8x64x515xf32>
    %reduce_max3A = arith.constant dense<0xFF800000> : vector<64x515xf32>
    %reduce_max3A_102 = vector.multi_reduction <maximumf>, %reshape3A, %reduce_max3A [0] : vector<8x64x515xf32> to vector<64x515xf32>
    %swap3A = arith.constant 0 : index
    %swap3A_103 = arith.constant 0 : index
    %swap3A_104 = arith.constant 0 : index
    %swap3A_105 = vector.load %arg5[%swap3A, %swap3A_103, %swap3A_104] : memref<1x64x515xf32, #tpu.memory_space<vmem>>, vector<1x64x515xf32>
    %swap3A_106 = vector.shape_cast %swap3A_105 : vector<1x64x515xf32> to vector<64x515xf32>
    %swap3A_107 = vector.shape_cast %reduce_max3A_102 : vector<64x515xf32> to vector<1x64x515xf32>
    tpu.vector_store %arg5[%swap3A, %swap3A_103, %swap3A_104], %swap3A_107 {strides = array<i32>} : memref<1x64x515xf32, #tpu.memory_space<vmem>>, vector<1x64x515xf32>,
    return
  }
  func.func @transform_0(%arg0: i32, %arg1: i32) -> (i32, i32, i32) {
    %c0_i32 = arith.constant 0 : i32
    %c0_i32_0 = arith.constant 0 : i32
    return %arg0, %arg1, %c0_i32 : i32, i32, i32
  }
  func.func @transform_1(%arg0: i32, %arg1: i32) -> (i32, i32, i32) {
    %c0_i32 = arith.constant 0 : i32
    %c0_i32_0 = arith.constant 0 : i32
    %c0_i32_1 = arith.constant 0 : i32
    return %arg0, %c0_i32, %c0_i32_0 : i32, i32, i32
  }
  func.func @transform_2(%arg0: i32, %arg1: i32) -> (i32, i32, i32) {
    %c0_i32 = arith.constant 0 : i32
    %c0_i32_0 = arith.constant 0 : i32
    %c0_i32_1 = arith.constant 0 : i32
    return %arg0, %c0_i32, %c0_i32_0 : i32, i32, i32
  }
  func.func @transform_3(%arg0: i32, %arg1: i32) -> (i32, i32, i32) {
    %c0_i32 = arith.constant 0 : i32
    %c0_i32_0 = arith.constant 0 : i32
    return %arg0, %arg1, %c0_i32 : i32, i32, i32
  }
}

module attributes {stable_mosaic.version = 14 : i64} {
  func.func @kern(%arg0: i32, %arg1: memref<1x64x771xf32, #tpu.memory_space<vmem>>, %arg2: memref<771x256xf32, #tpu.memory_space<vmem>>, %arg3: memref<1x256xf32, #tpu.memory_space<vmem>>, %arg4: memref<256x256xf32, #tpu.memory_space<vmem>>, %arg5: memref<1x256xf32, #tpu.memory_space<vmem>>, %arg6: memref<1x64x256xf32, #tpu.memory_space<vmem>>) attributes {dimension_semantics = [#tpu.dimension_semantics<parallel>], iteration_bounds = array<i64: 4>, scalar_prefetch = 0 : i64, scratch_operands = 0 : i64, tpu.core_type = #tpu.core_type<tc>, window_params = [{transform_indices = @transform_0, window_bounds = array<i64: 1, 64, 771>}, {pipeline_mode = #tpu.pipeline_mode<synchronous>, transform_indices = @transform_1, window_bounds = array<i64: 771, 256>}, {pipeline_mode = #tpu.pipeline_mode<synchronous>, transform_indices = @transform_2, window_bounds = array<i64: 1, 256>}, {pipeline_mode = #tpu.pipeline_mode<synchronous>, transform_indices = @transform_3, window_bounds = array<i64: 256, 256>}, {pipeline_mode = #tpu.pipeline_mode<synchronous>, transform_indices = @transform_4, window_bounds = array<i64: 1, 256>}, {transform_indices = @transform_5, window_bounds = array<i64: 1, 64, 256>}]} {
    %get3A = arith.constant 0 : index
    %get3A_0 = arith.constant 0 : index
    %get3A_1 = arith.constant 0 : index
    %get3A_2 = vector.load %arg1[%get3A, %get3A_0, %get3A_1] : memref<1x64x771xf32, #tpu.memory_space<vmem>>, vector<1x64x771xf32>
    %get3A_3 = vector.shape_cast %get3A_2 : vector<1x64x771xf32> to vector<64x771xf32>
    %get3A_4 = arith.constant 0 : index
    %get3A_5 = arith.constant 0 : index
    %get3A_6 = vector.load %arg2[%get3A_4, %get3A_5] : memref<771x256xf32, #tpu.memory_space<vmem>>, vector<771x256xf32>
    %dot_general3A = arith.constant dense<0.000000e+00> : vector<64x256xf32>
    %dot_general3A_7 = tpu.matmul %get3A_3, %get3A_6, %dot_general3A {dimension_numbers = #tpu.dot_dimension_numbers<[1], [0], [0], [1], [0, 0, 1, 1], [], []>, transpose_lhs_hint = false} : vector<64x771xf32>, vector<771x256xf32>, vector<64x256xf32> -> vector<64x256xf32>
    %get3A_8 = arith.constant 0 : index
    %get3A_9 = arith.constant 0 : index
    %get3A_10 = vector.load %arg3[%get3A_8, %get3A_9] : memref<1x256xf32, #tpu.memory_space<vmem>>, vector<1x256xf32>
    %add3A = vector.broadcast %get3A_10 : vector<1x256xf32> to vector<64x256xf32>
    %add3A_11 = arith.addf %dot_general3A_7, %add3A : vector<64x256xf32>
    %max3A = arith.constant 0.000000e+00 : f32
    %max3A_12 = vector.broadcast %max3A : f32 to vector<64x256xf32>
    %max3A_13 = arith.maximumf %add3A_11, %max3A_12 : vector<64x256xf32>
    %get3A_14 = arith.constant 0 : index
    %get3A_15 = arith.constant 0 : index
    %get3A_16 = vector.load %arg4[%get3A_14, %get3A_15] : memref<256x256xf32, #tpu.memory_space<vmem>>, vector<256x256xf32>
    %dot_general3A_17 = arith.constant dense<0.000000e+00> : vector<64x256xf32>
    %dot_general3A_18 = tpu.matmul %max3A_13, %get3A_16, %dot_general3A_17 {dimension_numbers = #tpu.dot_dimension_numbers<[1], [0], [0], [1], [0, 0, 1, 1], [], []>, transpose_lhs_hint = false} : vector<64x256xf32>, vector<256x256xf32>, vector<64x256xf32> -> vector<64x256xf32>
    %get3A_19 = arith.constant 0 : index
    %get3A_20 = arith.constant 0 : index
    %get3A_21 = vector.load %arg5[%get3A_19, %get3A_20] : memref<1x256xf32, #tpu.memory_space<vmem>>, vector<1x256xf32>
    %add3A_22 = vector.broadcast %get3A_21 : vector<1x256xf32> to vector<64x256xf32>
    %add3A_23 = arith.addf %dot_general3A_18, %add3A_22 : vector<64x256xf32>
    %max3A_24 = arith.constant 0.000000e+00 : f32
    %max3A_25 = vector.broadcast %max3A_24 : f32 to vector<64x256xf32>
    %max3A_26 = arith.maximumf %add3A_23, %max3A_25 : vector<64x256xf32>
    %swap3A = arith.constant 0 : index
    %swap3A_27 = arith.constant 0 : index
    %swap3A_28 = arith.constant 0 : index
    %swap3A_29 = vector.load %arg6[%swap3A, %swap3A_27, %swap3A_28] : memref<1x64x256xf32, #tpu.memory_space<vmem>>, vector<1x64x256xf32>
    %swap3A_30 = vector.shape_cast %swap3A_29 : vector<1x64x256xf32> to vector<64x256xf32>
    %swap3A_31 = vector.shape_cast %max3A_26 : vector<64x256xf32> to vector<1x64x256xf32>
    tpu.vector_store %arg6[%swap3A, %swap3A_27, %swap3A_28], %swap3A_31 {strides = array<i32>} : memref<1x64x256xf32, #tpu.memory_space<vmem>>, vector<1x64x256xf32>,
    return
  }
  func.func @transform_0(%arg0: i32) -> (i32, i32, i32) {
    %c0_i32 = arith.constant 0 : i32
    %c0_i32_0 = arith.constant 0 : i32
    %c0_i32_1 = arith.constant 0 : i32
    return %arg0, %c0_i32, %c0_i32_0 : i32, i32, i32
  }
  func.func @transform_1(%arg0: i32) -> (i32, i32) {
    %c0_i32 = arith.constant 0 : i32
    %c0_i32_0 = arith.constant 0 : i32
    %c0_i32_1 = arith.constant 0 : i32
    return %c0_i32, %c0_i32_0 : i32, i32
  }
  func.func @transform_2(%arg0: i32) -> (i32, i32) {
    %c0_i32 = arith.constant 0 : i32
    %c0_i32_0 = arith.constant 0 : i32
    %c0_i32_1 = arith.constant 0 : i32
    return %c0_i32, %c0_i32_0 : i32, i32
  }
  func.func @transform_3(%arg0: i32) -> (i32, i32) {
    %c0_i32 = arith.constant 0 : i32
    %c0_i32_0 = arith.constant 0 : i32
    %c0_i32_1 = arith.constant 0 : i32
    return %c0_i32, %c0_i32_0 : i32, i32
  }
  func.func @transform_4(%arg0: i32) -> (i32, i32) {
    %c0_i32 = arith.constant 0 : i32
    %c0_i32_0 = arith.constant 0 : i32
    %c0_i32_1 = arith.constant 0 : i32
    return %c0_i32, %c0_i32_0 : i32, i32
  }
  func.func @transform_5(%arg0: i32) -> (i32, i32, i32) {
    %c0_i32 = arith.constant 0 : i32
    %c0_i32_0 = arith.constant 0 : i32
    %c0_i32_1 = arith.constant 0 : i32
    return %arg0, %c0_i32, %c0_i32_0 : i32, i32, i32
  }
}

module attributes {stable_mosaic.version = 14 : i64} {
  func.func @kern(%arg0: i32, %arg1: i32, %arg2: memref<1x256x3xf32, #tpu.memory_space<vmem>>, %arg3: memref<1x3x64xf32, #tpu.memory_space<vmem>>, %arg4: memref<1x64x259xf32, #tpu.memory_space<vmem>>, %arg5: memref<259x128xf32, #tpu.memory_space<vmem>>, %arg6: memref<1x128xf32, #tpu.memory_space<vmem>>, %arg7: memref<128x128xf32, #tpu.memory_space<vmem>>, %arg8: memref<1x128xf32, #tpu.memory_space<vmem>>, %arg9: memref<128x256xf32, #tpu.memory_space<vmem>>, %arg10: memref<1x256xf32, #tpu.memory_space<vmem>>, %arg11: memref<1x256x256xf32, #tpu.memory_space<vmem>>) attributes {dimension_semantics = [#tpu.dimension_semantics<parallel>, #tpu.dimension_semantics<parallel>], iteration_bounds = array<i64: 4, 1>, scalar_prefetch = 0 : i64, scratch_operands = 0 : i64, tpu.core_type = #tpu.core_type<tc>, window_params = [{transform_indices = @transform_0, window_bounds = array<i64: 1, 256, 3>}, {transform_indices = @transform_1, window_bounds = array<i64: 1, 3, 64>}, {transform_indices = @transform_2, window_bounds = array<i64: 1, 64, 259>}, {pipeline_mode = #tpu.pipeline_mode<synchronous>, transform_indices = @transform_3, window_bounds = array<i64: 259, 128>}, {pipeline_mode = #tpu.pipeline_mode<synchronous>, transform_indices = @transform_4, window_bounds = array<i64: 1, 128>}, {pipeline_mode = #tpu.pipeline_mode<synchronous>, transform_indices = @transform_5, window_bounds = array<i64: 128, 128>}, {pipeline_mode = #tpu.pipeline_mode<synchronous>, transform_indices = @transform_6, window_bounds = array<i64: 1, 128>}, {pipeline_mode = #tpu.pipeline_mode<synchronous>, transform_indices = @transform_7, window_bounds = array<i64: 128, 256>}, {pipeline_mode = #tpu.pipeline_mode<synchronous>, transform_indices = @transform_8, window_bounds = array<i64: 1, 256>}, {transform_indices = @transform_9, window_bounds = array<i64: 1, 256, 256>}]} {
    %get3A = arith.constant 0 : index
    %get3A_0 = arith.constant 0 : index
    %get3A_1 = arith.constant 0 : index
    %get3A_2 = vector.load %arg2[%get3A, %get3A_0, %get3A_1] : memref<1x256x3xf32, #tpu.memory_space<vmem>>, vector<1x256x3xf32>
    %get3A_3 = vector.shape_cast %get3A_2 : vector<1x256x3xf32> to vector<256x3xf32>
    %slice3A = vector.extract_strided_slice %get3A_3 {offsets = [0, 0], sizes = [256, 1], strides = [1, 1]} : vector<256x3xf32> to vector<256x1xf32>
    %get3A_4 = arith.constant 0 : index
    %get3A_5 = arith.constant 0 : index
    %get3A_6 = arith.constant 0 : index
    %get3A_7 = vector.load %arg3[%get3A_4, %get3A_5, %get3A_6] : memref<1x3x64xf32, #tpu.memory_space<vmem>>, vector<1x1x64xf32>
    %get3A_8 = vector.shape_cast %get3A_7 : vector<1x1x64xf32> to vector<1x64xf32>
    %sub3A = vector.broadcast %slice3A : vector<256x1xf32> to vector<256x64xf32>
    %sub3A_9 = vector.broadcast %get3A_8 : vector<1x64xf32> to vector<256x64xf32>
    %sub3A_10 = arith.subf %sub3A, %sub3A_9 : vector<256x64xf32>
    %slice3A_11 = vector.extract_strided_slice %get3A_3 {offsets = [0, 1], sizes = [256, 1], strides = [1, 1]} : vector<256x3xf32> to vector<256x1xf32>
    %get3A_12 = arith.constant 0 : index
    %get3A_13 = arith.constant 1 : index
    %get3A_14 = arith.constant 0 : index
    %get3A_15 = vector.load %arg3[%get3A_12, %get3A_13, %get3A_14] : memref<1x3x64xf32, #tpu.memory_space<vmem>>, vector<1x1x64xf32>
    %get3A_16 = vector.shape_cast %get3A_15 : vector<1x1x64xf32> to vector<1x64xf32>
    %sub3A_17 = vector.broadcast %slice3A_11 : vector<256x1xf32> to vector<256x64xf32>
    %sub3A_18 = vector.broadcast %get3A_16 : vector<1x64xf32> to vector<256x64xf32>
    %sub3A_19 = arith.subf %sub3A_17, %sub3A_18 : vector<256x64xf32>
    %slice3A_20 = vector.extract_strided_slice %get3A_3 {offsets = [0, 2], sizes = [256, 1], strides = [1, 1]} : vector<256x3xf32> to vector<256x1xf32>
    %get3A_21 = arith.constant 0 : index
    %get3A_22 = arith.constant 2 : index
    %get3A_23 = arith.constant 0 : index
    %get3A_24 = vector.load %arg3[%get3A_21, %get3A_22, %get3A_23] : memref<1x3x64xf32, #tpu.memory_space<vmem>>, vector<1x1x64xf32>
    %get3A_25 = vector.shape_cast %get3A_24 : vector<1x1x64xf32> to vector<1x64xf32>
    %sub3A_26 = vector.broadcast %slice3A_20 : vector<256x1xf32> to vector<256x64xf32>
    %sub3A_27 = vector.broadcast %get3A_25 : vector<1x64xf32> to vector<256x64xf32>
    %sub3A_28 = arith.subf %sub3A_26, %sub3A_27 : vector<256x64xf32>
    %mul3A = arith.mulf %sub3A_10, %sub3A_10 : vector<256x64xf32>
    %mul3A_29 = arith.mulf %sub3A_19, %sub3A_19 : vector<256x64xf32>
    %add3A = arith.addf %mul3A, %mul3A_29 : vector<256x64xf32>
    %mul3A_30 = arith.mulf %sub3A_28, %sub3A_28 : vector<256x64xf32>
    %add3A_31 = arith.addf %add3A, %mul3A_30 : vector<256x64xf32>
    %iota3A = tpu.iota {dimensions = array<i32: 2>} : vector<256x1x64xi32>
    %broadcast_in_dim3A = arith.constant 0.000000e+00 : f32
    %broadcast_in_dim3A_32 = vector.broadcast %broadcast_in_dim3A : f32 to vector<256x64xf32>
    %iota3A_33 = tpu.iota {dimensions = array<i32: 1>} : vector<256x64x1xi32>
    %add3A_34 = arith.constant 0 : i32
    %add3A_35 = vector.broadcast %add3A_34 : i32 to vector<256x64x1xi32>
    %add3A_36 = arith.addi %iota3A_33, %add3A_35 : vector<256x64x1xi32>
    %broadcast_in_dim3A_37 = vector.shape_cast %add3A_31 : vector<256x64xf32> to vector<256x64x1xf32>
    %broadcast_in_dim3A_38 = vector.shape_cast %add3A_31 : vector<256x64xf32> to vector<256x1x64xf32>
    %lt3A = vector.broadcast %broadcast_in_dim3A_37 : vector<256x64x1xf32> to vector<256x64x64xf32>
    %lt3A_39 = vector.broadcast %broadcast_in_dim3A_38 : vector<256x1x64xf32> to vector<256x64x64xf32>
    %lt3A_40 = arith.cmpf olt, %lt3A, %lt3A_39 : vector<256x64x64xf32>
    %broadcast_in_dim3A_41 = vector.shape_cast %add3A_31 : vector<256x64xf32> to vector<256x64x1xf32>
    %broadcast_in_dim3A_42 = vector.shape_cast %add3A_31 : vector<256x64xf32> to vector<256x1x64xf32>
    %eq3A = vector.broadcast %broadcast_in_dim3A_41 : vector<256x64x1xf32> to vector<256x64x64xf32>
    %eq3A_43 = vector.broadcast %broadcast_in_dim3A_42 : vector<256x1x64xf32> to vector<256x64x64xf32>
    %eq3A_44 = arith.cmpf oeq, %eq3A, %eq3A_43 : vector<256x64x64xf32>
    %lt3A_45 = vector.broadcast %add3A_36 : vector<256x64x1xi32> to vector<256x64x64xi32>
    %lt3A_46 = vector.broadcast %iota3A : vector<256x1x64xi32> to vector<256x64x64xi32>
    %lt3A_47 = arith.cmpi slt, %lt3A_45, %lt3A_46 : vector<256x64x64xi32>
    %and3A = arith.andi %eq3A_44, %lt3A_47 : vector<256x64x64xi1>
    %or3A = arith.ori %lt3A_40, %and3A : vector<256x64x64xi1>
    %convert_element_type3A = arith.extui %or3A : vector<256x64x64xi1> to vector<256x64x64xi32>
    %convert_element_type3A_48 = arith.sitofp %convert_element_type3A : vector<256x64x64xi32> to vector<256x64x64xf32>
    %reduce_sum3A = arith.constant dense<0.000000e+00> : vector<256x64xf32>
    %reduce_sum3A_49 = vector.multi_reduction <add>, %convert_element_type3A_48, %reduce_sum3A [1] : vector<256x64x64xf32> to vector<256x64xf32>
    %add3A_50 = arith.addf %broadcast_in_dim3A_32, %reduce_sum3A_49 : vector<256x64xf32>
    %eq3A_51 = arith.constant 0.000000e+00 : f32
    %eq3A_52 = vector.broadcast %eq3A_51 : f32 to vector<256x64xf32>
    %eq3A_53 = arith.cmpf oeq, %add3A_50, %eq3A_52 : vector<256x64xf32>
    %convert_element_type3A_54 = arith.extui %eq3A_53 : vector<256x64xi1> to vector<256x64xi32>
    %convert_element_type3A_55 = arith.sitofp %convert_element_type3A_54 : vector<256x64xi32> to vector<256x64xf32>
    %eq3A_56 = arith.constant 1.000000e+00 : f32
    %eq3A_57 = vector.broadcast %eq3A_56 : f32 to vector<256x64xf32>
    %eq3A_58 = arith.cmpf oeq, %add3A_50, %eq3A_57 : vector<256x64xf32>
    %convert_element_type3A_59 = arith.extui %eq3A_58 : vector<256x64xi1> to vector<256x64xi32>
    %convert_element_type3A_60 = arith.sitofp %convert_element_type3A_59 : vector<256x64xi32> to vector<256x64xf32>
    %eq3A_61 = arith.constant 2.000000e+00 : f32
    %eq3A_62 = vector.broadcast %eq3A_61 : f32 to vector<256x64xf32>
    %eq3A_63 = arith.cmpf oeq, %add3A_50, %eq3A_62 : vector<256x64xf32>
    %convert_element_type3A_64 = arith.extui %eq3A_63 : vector<256x64xi1> to vector<256x64xi32>
    %convert_element_type3A_65 = arith.sitofp %convert_element_type3A_64 : vector<256x64xi32> to vector<256x64xf32>
    %eq3A_66 = arith.constant 3.000000e+00 : f32
    %eq3A_67 = vector.broadcast %eq3A_66 : f32 to vector<256x64xf32>
    %eq3A_68 = arith.cmpf oeq, %add3A_50, %eq3A_67 : vector<256x64xf32>
    %convert_element_type3A_69 = arith.extui %eq3A_68 : vector<256x64xi1> to vector<256x64xi32>
    %convert_element_type3A_70 = arith.sitofp %convert_element_type3A_69 : vector<256x64xi32> to vector<256x64xf32>
    %eq3A_71 = arith.constant 4.000000e+00 : f32
    %eq3A_72 = vector.broadcast %eq3A_71 : f32 to vector<256x64xf32>
    %eq3A_73 = arith.cmpf oeq, %add3A_50, %eq3A_72 : vector<256x64xf32>
    %convert_element_type3A_74 = arith.extui %eq3A_73 : vector<256x64xi1> to vector<256x64xi32>
    %convert_element_type3A_75 = arith.sitofp %convert_element_type3A_74 : vector<256x64xi32> to vector<256x64xf32>
    %eq3A_76 = arith.constant 5.000000e+00 : f32
    %eq3A_77 = vector.broadcast %eq3A_76 : f32 to vector<256x64xf32>
    %eq3A_78 = arith.cmpf oeq, %add3A_50, %eq3A_77 : vector<256x64xf32>
    %convert_element_type3A_79 = arith.extui %eq3A_78 : vector<256x64xi1> to vector<256x64xi32>
    %convert_element_type3A_80 = arith.sitofp %convert_element_type3A_79 : vector<256x64xi32> to vector<256x64xf32>
    %eq3A_81 = arith.constant 6.000000e+00 : f32
    %eq3A_82 = vector.broadcast %eq3A_81 : f32 to vector<256x64xf32>
    %eq3A_83 = arith.cmpf oeq, %add3A_50, %eq3A_82 : vector<256x64xf32>
    %convert_element_type3A_84 = arith.extui %eq3A_83 : vector<256x64xi1> to vector<256x64xi32>
    %convert_element_type3A_85 = arith.sitofp %convert_element_type3A_84 : vector<256x64xi32> to vector<256x64xf32>
    %eq3A_86 = arith.constant 7.000000e+00 : f32
    %eq3A_87 = vector.broadcast %eq3A_86 : f32 to vector<256x64xf32>
    %eq3A_88 = arith.cmpf oeq, %add3A_50, %eq3A_87 : vector<256x64xf32>
    %convert_element_type3A_89 = arith.extui %eq3A_88 : vector<256x64xi1> to vector<256x64xi32>
    %convert_element_type3A_90 = arith.sitofp %convert_element_type3A_89 : vector<256x64xi32> to vector<256x64xf32>
    %get3A_91 = arith.constant 0 : index
    %get3A_92 = arith.constant 0 : index
    %get3A_93 = arith.constant 0 : index
    %get3A_94 = vector.load %arg4[%get3A_91, %get3A_92, %get3A_93] : memref<1x64x259xf32, #tpu.memory_space<vmem>>, vector<1x64x259xf32>
    %get3A_95 = vector.shape_cast %get3A_94 : vector<1x64x259xf32> to vector<64x259xf32>
    %concatenate3A = tpu.concatenate %convert_element_type3A_55, %convert_element_type3A_60, %convert_element_type3A_65, %convert_element_type3A_70, %convert_element_type3A_75, %convert_element_type3A_80, %convert_element_type3A_85, %convert_element_type3A_90 in 0 : vector<256x64xf32>, vector<256x64xf32>, vector<256x64xf32>, vector<256x64xf32>, vector<256x64xf32>, vector<256x64xf32>, vector<256x64xf32>, vector<256x64xf32> -> vector<2048x64xf32>
    %dot_general3A = arith.constant dense<0.000000e+00> : vector<2048x259xf32>
    %dot_general3A_96 = tpu.matmul %concatenate3A, %get3A_95, %dot_general3A {dimension_numbers = #tpu.dot_dimension_numbers<[1], [0], [0], [1], [0, 0, 1, 1], [], []>, transpose_lhs_hint = false} : vector<2048x64xf32>, vector<64x259xf32>, vector<2048x259xf32> -> vector<2048x259xf32>
    %concatenate3A_97 = tpu.concatenate %get3A_3, %get3A_3, %get3A_3, %get3A_3, %get3A_3, %get3A_3, %get3A_3, %get3A_3 in 0 : vector<256x3xf32>, vector<256x3xf32>, vector<256x3xf32>, vector<256x3xf32>, vector<256x3xf32>, vector<256x3xf32>, vector<256x3xf32>, vector<256x3xf32> -> vector<2048x3xf32>
    %slice3A_98 = vector.extract_strided_slice %dot_general3A_96 {offsets = [0, 0], sizes = [2048, 3], strides = [1, 1]} : vector<2048x259xf32> to vector<2048x3xf32>
    %sub3A_99 = arith.subf %slice3A_98, %concatenate3A_97 : vector<2048x3xf32>
    %slice3A_100 = vector.extract_strided_slice %dot_general3A_96 {offsets = [0, 3], sizes = [2048, 256], strides = [1, 1]} : vector<2048x259xf32> to vector<2048x256xf32>
    %concatenate3A_101 = tpu.concatenate %sub3A_99, %slice3A_100 in 1 : vector<2048x3xf32>, vector<2048x256xf32> -> vector<2048x259xf32>
    %get3A_102 = arith.constant 0 : index
    %get3A_103 = arith.constant 0 : index
    %get3A_104 = vector.load %arg5[%get3A_102, %get3A_103] : memref<259x128xf32, #tpu.memory_space<vmem>>, vector<259x128xf32>
    %dot_general3A_105 = arith.constant dense<0.000000e+00> : vector<2048x128xf32>
    %dot_general3A_106 = tpu.matmul %concatenate3A_101, %get3A_104, %dot_general3A_105 {dimension_numbers = #tpu.dot_dimension_numbers<[1], [0], [0], [1], [0, 0, 1, 1], [], []>, transpose_lhs_hint = false} : vector<2048x259xf32>, vector<259x128xf32>, vector<2048x128xf32> -> vector<2048x128xf32>
    %get3A_107 = arith.constant 0 : index
    %get3A_108 = arith.constant 0 : index
    %get3A_109 = vector.load %arg6[%get3A_107, %get3A_108] : memref<1x128xf32, #tpu.memory_space<vmem>>, vector<1x128xf32>
    %add3A_110 = vector.broadcast %get3A_109 : vector<1x128xf32> to vector<2048x128xf32>
    %add3A_111 = arith.addf %dot_general3A_106, %add3A_110 : vector<2048x128xf32>
    %max3A = arith.constant 0.000000e+00 : f32
    %max3A_112 = vector.broadcast %max3A : f32 to vector<2048x128xf32>
    %max3A_113 = arith.maximumf %add3A_111, %max3A_112 : vector<2048x128xf32>
    %get3A_114 = arith.constant 0 : index
    %get3A_115 = arith.constant 0 : index
    %get3A_116 = vector.load %arg7[%get3A_114, %get3A_115] : memref<128x128xf32, #tpu.memory_space<vmem>>, vector<128x128xf32>
    %dot_general3A_117 = arith.constant dense<0.000000e+00> : vector<2048x128xf32>
    %dot_general3A_118 = tpu.matmul %max3A_113, %get3A_116, %dot_general3A_117 {dimension_numbers = #tpu.dot_dimension_numbers<[1], [0], [0], [1], [0, 0, 1, 1], [], []>, transpose_lhs_hint = false} : vector<2048x128xf32>, vector<128x128xf32>, vector<2048x128xf32> -> vector<2048x128xf32>
    %get3A_119 = arith.constant 0 : index
    %get3A_120 = arith.constant 0 : index
    %get3A_121 = vector.load %arg8[%get3A_119, %get3A_120] : memref<1x128xf32, #tpu.memory_space<vmem>>, vector<1x128xf32>
    %add3A_122 = vector.broadcast %get3A_121 : vector<1x128xf32> to vector<2048x128xf32>
    %add3A_123 = arith.addf %dot_general3A_118, %add3A_122 : vector<2048x128xf32>
    %max3A_124 = arith.constant 0.000000e+00 : f32
    %max3A_125 = vector.broadcast %max3A_124 : f32 to vector<2048x128xf32>
    %max3A_126 = arith.maximumf %add3A_123, %max3A_125 : vector<2048x128xf32>
    %get3A_127 = arith.constant 0 : index
    %get3A_128 = arith.constant 0 : index
    %get3A_129 = vector.load %arg9[%get3A_127, %get3A_128] : memref<128x256xf32, #tpu.memory_space<vmem>>, vector<128x256xf32>
    %dot_general3A_130 = arith.constant dense<0.000000e+00> : vector<2048x256xf32>
    %dot_general3A_131 = tpu.matmul %max3A_126, %get3A_129, %dot_general3A_130 {dimension_numbers = #tpu.dot_dimension_numbers<[1], [0], [0], [1], [0, 0, 1, 1], [], []>, transpose_lhs_hint = false} : vector<2048x128xf32>, vector<128x256xf32>, vector<2048x256xf32> -> vector<2048x256xf32>
    %get3A_132 = arith.constant 0 : index
    %get3A_133 = arith.constant 0 : index
    %get3A_134 = vector.load %arg10[%get3A_132, %get3A_133] : memref<1x256xf32, #tpu.memory_space<vmem>>, vector<1x256xf32>
    %add3A_135 = vector.broadcast %get3A_134 : vector<1x256xf32> to vector<2048x256xf32>
    %add3A_136 = arith.addf %dot_general3A_131, %add3A_135 : vector<2048x256xf32>
    %max3A_137 = arith.constant 0.000000e+00 : f32
    %max3A_138 = vector.broadcast %max3A_137 : f32 to vector<2048x256xf32>
    %max3A_139 = arith.maximumf %add3A_136, %max3A_138 : vector<2048x256xf32>
    %reshape3A = vector.shape_cast %max3A_139 : vector<2048x256xf32> to vector<8x256x256xf32>
    %reduce_max3A = arith.constant dense<0xFF800000> : vector<256x256xf32>
    %reduce_max3A_140 = vector.multi_reduction <maximumf>, %reshape3A, %reduce_max3A [0] : vector<8x256x256xf32> to vector<256x256xf32>
    %swap3A = arith.constant 0 : index
    %swap3A_141 = arith.constant 0 : index
    %swap3A_142 = arith.constant 0 : index
    %swap3A_143 = vector.load %arg11[%swap3A, %swap3A_141, %swap3A_142] : memref<1x256x256xf32, #tpu.memory_space<vmem>>, vector<1x256x256xf32>
    %swap3A_144 = vector.shape_cast %swap3A_143 : vector<1x256x256xf32> to vector<256x256xf32>
    %swap3A_145 = vector.shape_cast %reduce_max3A_140 : vector<256x256xf32> to vector<1x256x256xf32>
    tpu.vector_store %arg11[%swap3A, %swap3A_141, %swap3A_142], %swap3A_145 {strides = array<i32>} : memref<1x256x256xf32, #tpu.memory_space<vmem>>, vector<1x256x256xf32>,
    return
  }
  func.func @transform_0(%arg0: i32, %arg1: i32) -> (i32, i32, i32) {
    %c0_i32 = arith.constant 0 : i32
    %c0_i32_0 = arith.constant 0 : i32
    return %arg0, %arg1, %c0_i32 : i32, i32, i32
  }
  func.func @transform_1(%arg0: i32, %arg1: i32) -> (i32, i32, i32) {
    %c0_i32 = arith.constant 0 : i32
    %c0_i32_0 = arith.constant 0 : i32
    %c0_i32_1 = arith.constant 0 : i32
    return %arg0, %c0_i32, %c0_i32_0 : i32, i32, i32
  }
  func.func @transform_2(%arg0: i32, %arg1: i32) -> (i32, i32, i32) {
    %c0_i32 = arith.constant 0 : i32
    %c0_i32_0 = arith.constant 0 : i32
    %c0_i32_1 = arith.constant 0 : i32
    return %arg0, %c0_i32, %c0_i32_0 : i32, i32, i32
  }
  func.func @transform_3(%arg0: i32, %arg1: i32) -> (i32, i32) {
    %c0_i32 = arith.constant 0 : i32
    %c0_i32_0 = arith.constant 0 : i32
    %c0_i32_1 = arith.constant 0 : i32
    return %c0_i32, %c0_i32_0 : i32, i32
  }
  func.func @transform_4(%arg0: i32, %arg1: i32) -> (i32, i32) {
    %c0_i32 = arith.constant 0 : i32
    %c0_i32_0 = arith.constant 0 : i32
    %c0_i32_1 = arith.constant 0 : i32
    return %c0_i32, %c0_i32_0 : i32, i32
  }
  func.func @transform_5(%arg0: i32, %arg1: i32) -> (i32, i32) {
    %c0_i32 = arith.constant 0 : i32
    %c0_i32_0 = arith.constant 0 : i32
    %c0_i32_1 = arith.constant 0 : i32
    return %c0_i32, %c0_i32_0 : i32, i32
  }
  func.func @transform_6(%arg0: i32, %arg1: i32) -> (i32, i32) {
    %c0_i32 = arith.constant 0 : i32
    %c0_i32_0 = arith.constant 0 : i32
    %c0_i32_1 = arith.constant 0 : i32
    return %c0_i32, %c0_i32_0 : i32, i32
  }
  func.func @transform_7(%arg0: i32, %arg1: i32) -> (i32, i32) {
    %c0_i32 = arith.constant 0 : i32
    %c0_i32_0 = arith.constant 0 : i32
    %c0_i32_1 = arith.constant 0 : i32
    return %c0_i32, %c0_i32_0 : i32, i32
  }
  func.func @transform_8(%arg0: i32, %arg1: i32) -> (i32, i32) {
    %c0_i32 = arith.constant 0 : i32
    %c0_i32_0 = arith.constant 0 : i32
    %c0_i32_1 = arith.constant 0 : i32
    return %c0_i32, %c0_i32_0 : i32, i32
  }
  func.func @transform_9(%arg0: i32, %arg1: i32) -> (i32, i32, i32) {
    %c0_i32 = arith.constant 0 : i32
    %c0_i32_0 = arith.constant 0 : i32
    return %arg0, %arg1, %c0_i32 : i32, i32, i32
  }
}

module attributes {stable_mosaic.version = 14 : i64} {
  func.func @kern(%arg0: i32, %arg1: memref<1x256x512xf32, #tpu.memory_space<vmem>>, %arg2: memref<512x256xf32, #tpu.memory_space<vmem>>, %arg3: memref<1x256xf32, #tpu.memory_space<vmem>>, %arg4: memref<1x256x256xf32, #tpu.memory_space<vmem>>) attributes {dimension_semantics = [#tpu.dimension_semantics<parallel>], iteration_bounds = array<i64: 4>, scalar_prefetch = 0 : i64, scratch_operands = 0 : i64, tpu.core_type = #tpu.core_type<tc>, window_params = [{transform_indices = @transform_0, window_bounds = array<i64: 1, 256, 512>}, {pipeline_mode = #tpu.pipeline_mode<synchronous>, transform_indices = @transform_1, window_bounds = array<i64: 512, 256>}, {pipeline_mode = #tpu.pipeline_mode<synchronous>, transform_indices = @transform_2, window_bounds = array<i64: 1, 256>}, {transform_indices = @transform_3, window_bounds = array<i64: 1, 256, 256>}]} {
    %get3A = arith.constant 0 : index
    %get3A_0 = arith.constant 0 : index
    %get3A_1 = arith.constant 0 : index
    %get3A_2 = vector.load %arg1[%get3A, %get3A_0, %get3A_1] : memref<1x256x512xf32, #tpu.memory_space<vmem>>, vector<1x256x512xf32>
    %get3A_3 = vector.shape_cast %get3A_2 : vector<1x256x512xf32> to vector<256x512xf32>
    %get3A_4 = arith.constant 0 : index
    %get3A_5 = arith.constant 0 : index
    %get3A_6 = vector.load %arg2[%get3A_4, %get3A_5] : memref<512x256xf32, #tpu.memory_space<vmem>>, vector<512x256xf32>
    %dot_general3A = arith.constant dense<0.000000e+00> : vector<256x256xf32>
    %dot_general3A_7 = tpu.matmul %get3A_3, %get3A_6, %dot_general3A {dimension_numbers = #tpu.dot_dimension_numbers<[1], [0], [0], [1], [0, 0, 1, 1], [], []>, transpose_lhs_hint = false} : vector<256x512xf32>, vector<512x256xf32>, vector<256x256xf32> -> vector<256x256xf32>
    %get3A_8 = arith.constant 0 : index
    %get3A_9 = arith.constant 0 : index
    %get3A_10 = vector.load %arg3[%get3A_8, %get3A_9] : memref<1x256xf32, #tpu.memory_space<vmem>>, vector<1x256xf32>
    %add3A = vector.broadcast %get3A_10 : vector<1x256xf32> to vector<256x256xf32>
    %add3A_11 = arith.addf %dot_general3A_7, %add3A : vector<256x256xf32>
    %max3A = arith.constant 0.000000e+00 : f32
    %max3A_12 = vector.broadcast %max3A : f32 to vector<256x256xf32>
    %max3A_13 = arith.maximumf %add3A_11, %max3A_12 : vector<256x256xf32>
    %swap3A = arith.constant 0 : index
    %swap3A_14 = arith.constant 0 : index
    %swap3A_15 = arith.constant 0 : index
    %swap3A_16 = vector.load %arg4[%swap3A, %swap3A_14, %swap3A_15] : memref<1x256x256xf32, #tpu.memory_space<vmem>>, vector<1x256x256xf32>
    %swap3A_17 = vector.shape_cast %swap3A_16 : vector<1x256x256xf32> to vector<256x256xf32>
    %swap3A_18 = vector.shape_cast %max3A_13 : vector<256x256xf32> to vector<1x256x256xf32>
    tpu.vector_store %arg4[%swap3A, %swap3A_14, %swap3A_15], %swap3A_18 {strides = array<i32>} : memref<1x256x256xf32, #tpu.memory_space<vmem>>, vector<1x256x256xf32>,
    return
  }
  func.func @transform_0(%arg0: i32) -> (i32, i32, i32) {
    %c0_i32 = arith.constant 0 : i32
    %c0_i32_0 = arith.constant 0 : i32
    %c0_i32_1 = arith.constant 0 : i32
    return %arg0, %c0_i32, %c0_i32_0 : i32, i32, i32
  }
  func.func @transform_1(%arg0: i32) -> (i32, i32) {
    %c0_i32 = arith.constant 0 : i32
    %c0_i32_0 = arith.constant 0 : i32
    %c0_i32_1 = arith.constant 0 : i32
    return %c0_i32, %c0_i32_0 : i32, i32
  }
  func.func @transform_2(%arg0: i32) -> (i32, i32) {
    %c0_i32 = arith.constant 0 : i32
    %c0_i32_0 = arith.constant 0 : i32
    %c0_i32_1 = arith.constant 0 : i32
    return %c0_i32, %c0_i32_0 : i32, i32
  }
  func.func @transform_3(%arg0: i32) -> (i32, i32, i32) {
    %c0_i32 = arith.constant 0 : i32
    %c0_i32_0 = arith.constant 0 : i32
    %c0_i32_1 = arith.constant 0 : i32
    return %arg0, %c0_i32, %c0_i32_0 : i32, i32, i32
  }
}

module attributes {stable_mosaic.version = 14 : i64} {
  func.func @kern(%arg0: i32, %arg1: i32, %arg2: memref<1x2048x3xf32, #tpu.memory_space<vmem>>, %arg3: memref<1x3x256xf32, #tpu.memory_space<vmem>>, %arg4: memref<1x256x256xf32, #tpu.memory_space<vmem>>, %arg5: memref<1x2048x64xf32, #tpu.memory_space<vmem>>, %arg6: memref<320x256xf32, #tpu.memory_space<vmem>>, %arg7: memref<1x256xf32, #tpu.memory_space<vmem>>, %arg8: memref<256x256xf32, #tpu.memory_space<vmem>>, %arg9: memref<1x256xf32, #tpu.memory_space<vmem>>, %arg10: memref<256x128xf32, #tpu.memory_space<vmem>>, %arg11: memref<1x128xf32, #tpu.memory_space<vmem>>, %arg12: memref<128x3xf32, #tpu.memory_space<vmem>>, %arg13: memref<1x3xf32, #tpu.memory_space<vmem>>, %arg14: memref<1x2048x3xf32, #tpu.memory_space<vmem>>) attributes {dimension_semantics = [#tpu.dimension_semantics<parallel>, #tpu.dimension_semantics<parallel>], iteration_bounds = array<i64: 4, 4>, scalar_prefetch = 0 : i64, scratch_operands = 0 : i64, tpu.core_type = #tpu.core_type<tc>, window_params = [{transform_indices = @transform_0, window_bounds = array<i64: 1, 2048, 3>}, {transform_indices = @transform_1, window_bounds = array<i64: 1, 3, 256>}, {transform_indices = @transform_2, window_bounds = array<i64: 1, 256, 256>}, {transform_indices = @transform_3, window_bounds = array<i64: 1, 2048, 64>}, {pipeline_mode = #tpu.pipeline_mode<synchronous>, transform_indices = @transform_4, window_bounds = array<i64: 320, 256>}, {pipeline_mode = #tpu.pipeline_mode<synchronous>, transform_indices = @transform_5, window_bounds = array<i64: 1, 256>}, {pipeline_mode = #tpu.pipeline_mode<synchronous>, transform_indices = @transform_6, window_bounds = array<i64: 256, 256>}, {pipeline_mode = #tpu.pipeline_mode<synchronous>, transform_indices = @transform_7, window_bounds = array<i64: 1, 256>}, {pipeline_mode = #tpu.pipeline_mode<synchronous>, transform_indices = @transform_8, window_bounds = array<i64: 256, 128>}, {pipeline_mode = #tpu.pipeline_mode<synchronous>, transform_indices = @transform_9, window_bounds = array<i64: 1, 128>}, {pipeline_mode = #tpu.pipeline_mode<synchronous>, transform_indices = @transform_10, window_bounds = array<i64: 128, 3>}, {pipeline_mode = #tpu.pipeline_mode<synchronous>, transform_indices = @transform_11, window_bounds = array<i64: 1, 3>}, {transform_indices = @transform_12, window_bounds = array<i64: 1, 2048, 3>}]} {
    %get3A = arith.constant 0 : index
    %get3A_0 = arith.constant 0 : index
    %get3A_1 = arith.constant 0 : index
    %get3A_2 = vector.load %arg2[%get3A, %get3A_0, %get3A_1] : memref<1x2048x3xf32, #tpu.memory_space<vmem>>, vector<1x2048x3xf32>
    %get3A_3 = vector.shape_cast %get3A_2 : vector<1x2048x3xf32> to vector<2048x3xf32>
    %slice3A = vector.extract_strided_slice %get3A_3 {offsets = [0, 0], sizes = [2048, 1], strides = [1, 1]} : vector<2048x3xf32> to vector<2048x1xf32>
    %get3A_4 = arith.constant 0 : index
    %get3A_5 = arith.constant 0 : index
    %get3A_6 = arith.constant 0 : index
    %get3A_7 = vector.load %arg3[%get3A_4, %get3A_5, %get3A_6] : memref<1x3x256xf32, #tpu.memory_space<vmem>>, vector<1x1x256xf32>
    %get3A_8 = vector.shape_cast %get3A_7 : vector<1x1x256xf32> to vector<1x256xf32>
    %sub3A = vector.broadcast %slice3A : vector<2048x1xf32> to vector<2048x256xf32>
    %sub3A_9 = vector.broadcast %get3A_8 : vector<1x256xf32> to vector<2048x256xf32>
    %sub3A_10 = arith.subf %sub3A, %sub3A_9 : vector<2048x256xf32>
    %slice3A_11 = vector.extract_strided_slice %get3A_3 {offsets = [0, 1], sizes = [2048, 1], strides = [1, 1]} : vector<2048x3xf32> to vector<2048x1xf32>
    %get3A_12 = arith.constant 0 : index
    %get3A_13 = arith.constant 1 : index
    %get3A_14 = arith.constant 0 : index
    %get3A_15 = vector.load %arg3[%get3A_12, %get3A_13, %get3A_14] : memref<1x3x256xf32, #tpu.memory_space<vmem>>, vector<1x1x256xf32>
    %get3A_16 = vector.shape_cast %get3A_15 : vector<1x1x256xf32> to vector<1x256xf32>
    %sub3A_17 = vector.broadcast %slice3A_11 : vector<2048x1xf32> to vector<2048x256xf32>
    %sub3A_18 = vector.broadcast %get3A_16 : vector<1x256xf32> to vector<2048x256xf32>
    %sub3A_19 = arith.subf %sub3A_17, %sub3A_18 : vector<2048x256xf32>
    %slice3A_20 = vector.extract_strided_slice %get3A_3 {offsets = [0, 2], sizes = [2048, 1], strides = [1, 1]} : vector<2048x3xf32> to vector<2048x1xf32>
    %get3A_21 = arith.constant 0 : index
    %get3A_22 = arith.constant 2 : index
    %get3A_23 = arith.constant 0 : index
    %get3A_24 = vector.load %arg3[%get3A_21, %get3A_22, %get3A_23] : memref<1x3x256xf32, #tpu.memory_space<vmem>>, vector<1x1x256xf32>
    %get3A_25 = vector.shape_cast %get3A_24 : vector<1x1x256xf32> to vector<1x256xf32>
    %sub3A_26 = vector.broadcast %slice3A_20 : vector<2048x1xf32> to vector<2048x256xf32>
    %sub3A_27 = vector.broadcast %get3A_25 : vector<1x256xf32> to vector<2048x256xf32>
    %sub3A_28 = arith.subf %sub3A_26, %sub3A_27 : vector<2048x256xf32>
    %mul3A = arith.mulf %sub3A_10, %sub3A_10 : vector<2048x256xf32>
    %mul3A_29 = arith.mulf %sub3A_19, %sub3A_19 : vector<2048x256xf32>
    %add3A = arith.addf %mul3A, %mul3A_29 : vector<2048x256xf32>
    %mul3A_30 = arith.mulf %sub3A_28, %sub3A_28 : vector<2048x256xf32>
    %add3A_31 = arith.addf %add3A, %mul3A_30 : vector<2048x256xf32>
    %iota3A = tpu.iota {dimensions = array<i32: 1>} : vector<2048x256xi32>
    %broadcast_in_dim3A = arith.constant 0.000000e+00 : f32
    %broadcast_in_dim3A_32 = vector.broadcast %broadcast_in_dim3A : f32 to vector<2048x256xf32>
    %broadcast_in_dim3A_33 = arith.constant 0.000000e+00 : f32
    %broadcast_in_dim3A_34 = vector.broadcast %broadcast_in_dim3A_33 : f32 to vector<2048x1xf32>
    %reduce_min3A = arith.constant dense<0x7F800000> : vector<2048xf32>
    %reduce_min3A_35 = vector.multi_reduction <minimumf>, %add3A_31, %reduce_min3A [1] : vector<2048x256xf32> to vector<2048xf32>
    %broadcast_in_dim3A_36 = vector.shape_cast %reduce_min3A_35 : vector<2048xf32> to vector<2048x1xf32>
    %eq3A = vector.broadcast %broadcast_in_dim3A_36 : vector<2048x1xf32> to vector<2048x256xf32>
    %eq3A_37 = arith.cmpf oeq, %add3A_31, %eq3A : vector<2048x256xf32>
    %jit3A = arith.constant 256 : i32
    %broadcast_in_dim3A_38 = vector.broadcast %jit3A : i32 to vector<2048x256xi32>
    %select_n3A = arith.select %eq3A_37, %iota3A, %broadcast_in_dim3A_38 : vector<2048x256xi1>, vector<2048x256xi32>
    %reduce_min3A_39 = arith.constant dense<2147483647> : vector<2048xi32>
    %reduce_min3A_40 = vector.multi_reduction <minsi>, %select_n3A, %reduce_min3A_39 [1] : vector<2048x256xi32> to vector<2048xi32>
    %broadcast_in_dim3A_41 = vector.shape_cast %reduce_min3A_40 : vector<2048xi32> to vector<2048x1xi32>
    %eq3A_42 = vector.broadcast %broadcast_in_dim3A_41 : vector<2048x1xi32> to vector<2048x256xi32>
    %eq3A_43 = arith.cmpi eq, %iota3A, %eq3A_42 : vector<2048x256xi32>
    %jit3A_44 = arith.constant 1.000000e+10 : f32
    %broadcast_in_dim3A_45 = vector.broadcast %jit3A_44 : f32 to vector<2048x256xf32>
    %select_n3A_46 = arith.select %eq3A_43, %broadcast_in_dim3A_45, %add3A_31 : vector<2048x256xi1>, vector<2048x256xf32>
    %add3A_47 = arith.constant 1.000000e-10 : f32
    %add3A_48 = vector.broadcast %add3A_47 : f32 to vector<2048x1xf32>
    %add3A_49 = arith.addf %broadcast_in_dim3A_36, %add3A_48 : vector<2048x1xf32>
    %div3A = arith.constant 1.000000e+00 : f32
    %div3A_50 = vector.broadcast %div3A : f32 to vector<2048x1xf32>
    %div3A_51 = arith.divf %div3A_50, %add3A_49 : vector<2048x1xf32>
    %eq3A_52 = vector.broadcast %broadcast_in_dim3A_41 : vector<2048x1xi32> to vector<2048x256xi32>
    %eq3A_53 = arith.cmpi eq, %iota3A, %eq3A_52 : vector<2048x256xi32>
    %convert_element_type3A = arith.extui %eq3A_53 : vector<2048x256xi1> to vector<2048x256xi32>
    %convert_element_type3A_54 = arith.sitofp %convert_element_type3A : vector<2048x256xi32> to vector<2048x256xf32>
    %mul3A_55 = vector.broadcast %div3A_51 : vector<2048x1xf32> to vector<2048x256xf32>
    %mul3A_56 = arith.mulf %mul3A_55, %convert_element_type3A_54 : vector<2048x256xf32>
    %add3A_57 = arith.addf %broadcast_in_dim3A_32, %mul3A_56 : vector<2048x256xf32>
    %add3A_58 = arith.addf %broadcast_in_dim3A_34, %div3A_51 : vector<2048x1xf32>
    %reduce_min3A_59 = arith.constant dense<0x7F800000> : vector<2048xf32>
    %reduce_min3A_60 = vector.multi_reduction <minimumf>, %select_n3A_46, %reduce_min3A_59 [1] : vector<2048x256xf32> to vector<2048xf32>
    %broadcast_in_dim3A_61 = vector.shape_cast %reduce_min3A_60 : vector<2048xf32> to vector<2048x1xf32>
    %eq3A_62 = vector.broadcast %broadcast_in_dim3A_61 : vector<2048x1xf32> to vector<2048x256xf32>
    %eq3A_63 = arith.cmpf oeq, %select_n3A_46, %eq3A_62 : vector<2048x256xf32>
    %jit3A_64 = arith.constant 256 : i32
    %broadcast_in_dim3A_65 = vector.broadcast %jit3A_64 : i32 to vector<2048x256xi32>
    %select_n3A_66 = arith.select %eq3A_63, %iota3A, %broadcast_in_dim3A_65 : vector<2048x256xi1>, vector<2048x256xi32>
    %reduce_min3A_67 = arith.constant dense<2147483647> : vector<2048xi32>
    %reduce_min3A_68 = vector.multi_reduction <minsi>, %select_n3A_66, %reduce_min3A_67 [1] : vector<2048x256xi32> to vector<2048xi32>
    %broadcast_in_dim3A_69 = vector.shape_cast %reduce_min3A_68 : vector<2048xi32> to vector<2048x1xi32>
    %eq3A_70 = vector.broadcast %broadcast_in_dim3A_69 : vector<2048x1xi32> to vector<2048x256xi32>
    %eq3A_71 = arith.cmpi eq, %iota3A, %eq3A_70 : vector<2048x256xi32>
    %jit3A_72 = arith.constant 1.000000e+10 : f32
    %broadcast_in_dim3A_73 = vector.broadcast %jit3A_72 : f32 to vector<2048x256xf32>
    %select_n3A_74 = arith.select %eq3A_71, %broadcast_in_dim3A_73, %select_n3A_46 : vector<2048x256xi1>, vector<2048x256xf32>
    %add3A_75 = arith.constant 1.000000e-10 : f32
    %add3A_76 = vector.broadcast %add3A_75 : f32 to vector<2048x1xf32>
    %add3A_77 = arith.addf %broadcast_in_dim3A_61, %add3A_76 : vector<2048x1xf32>
    %div3A_78 = arith.constant 1.000000e+00 : f32
    %div3A_79 = vector.broadcast %div3A_78 : f32 to vector<2048x1xf32>
    %div3A_80 = arith.divf %div3A_79, %add3A_77 : vector<2048x1xf32>
    %eq3A_81 = vector.broadcast %broadcast_in_dim3A_69 : vector<2048x1xi32> to vector<2048x256xi32>
    %eq3A_82 = arith.cmpi eq, %iota3A, %eq3A_81 : vector<2048x256xi32>
    %convert_element_type3A_83 = arith.extui %eq3A_82 : vector<2048x256xi1> to vector<2048x256xi32>
    %convert_element_type3A_84 = arith.sitofp %convert_element_type3A_83 : vector<2048x256xi32> to vector<2048x256xf32>
    %mul3A_85 = vector.broadcast %div3A_80 : vector<2048x1xf32> to vector<2048x256xf32>
    %mul3A_86 = arith.mulf %mul3A_85, %convert_element_type3A_84 : vector<2048x256xf32>
    %add3A_87 = arith.addf %add3A_57, %mul3A_86 : vector<2048x256xf32>
    %add3A_88 = arith.addf %add3A_58, %div3A_80 : vector<2048x1xf32>
    %reduce_min3A_89 = arith.constant dense<0x7F800000> : vector<2048xf32>
    %reduce_min3A_90 = vector.multi_reduction <minimumf>, %select_n3A_74, %reduce_min3A_89 [1] : vector<2048x256xf32> to vector<2048xf32>
    %broadcast_in_dim3A_91 = vector.shape_cast %reduce_min3A_90 : vector<2048xf32> to vector<2048x1xf32>
    %eq3A_92 = vector.broadcast %broadcast_in_dim3A_91 : vector<2048x1xf32> to vector<2048x256xf32>
    %eq3A_93 = arith.cmpf oeq, %select_n3A_74, %eq3A_92 : vector<2048x256xf32>
    %jit3A_94 = arith.constant 256 : i32
    %broadcast_in_dim3A_95 = vector.broadcast %jit3A_94 : i32 to vector<2048x256xi32>
    %select_n3A_96 = arith.select %eq3A_93, %iota3A, %broadcast_in_dim3A_95 : vector<2048x256xi1>, vector<2048x256xi32>
    %reduce_min3A_97 = arith.constant dense<2147483647> : vector<2048xi32>
    %reduce_min3A_98 = vector.multi_reduction <minsi>, %select_n3A_96, %reduce_min3A_97 [1] : vector<2048x256xi32> to vector<2048xi32>
    %broadcast_in_dim3A_99 = vector.shape_cast %reduce_min3A_98 : vector<2048xi32> to vector<2048x1xi32>
    %add3A_100 = arith.constant 1.000000e-10 : f32
    %add3A_101 = vector.broadcast %add3A_100 : f32 to vector<2048x1xf32>
    %add3A_102 = arith.addf %broadcast_in_dim3A_91, %add3A_101 : vector<2048x1xf32>
    %div3A_103 = arith.constant 1.000000e+00 : f32
    %div3A_104 = vector.broadcast %div3A_103 : f32 to vector<2048x1xf32>
    %div3A_105 = arith.divf %div3A_104, %add3A_102 : vector<2048x1xf32>
    %eq3A_106 = vector.broadcast %broadcast_in_dim3A_99 : vector<2048x1xi32> to vector<2048x256xi32>
    %eq3A_107 = arith.cmpi eq, %iota3A, %eq3A_106 : vector<2048x256xi32>
    %convert_element_type3A_108 = arith.extui %eq3A_107 : vector<2048x256xi1> to vector<2048x256xi32>
    %convert_element_type3A_109 = arith.sitofp %convert_element_type3A_108 : vector<2048x256xi32> to vector<2048x256xf32>
    %mul3A_110 = vector.broadcast %div3A_105 : vector<2048x1xf32> to vector<2048x256xf32>
    %mul3A_111 = arith.mulf %mul3A_110, %convert_element_type3A_109 : vector<2048x256xf32>
    %add3A_112 = arith.addf %add3A_87, %mul3A_111 : vector<2048x256xf32>
    %add3A_113 = arith.addf %add3A_88, %div3A_105 : vector<2048x1xf32>
    %div3A_114 = vector.broadcast %add3A_113 : vector<2048x1xf32> to vector<2048x256xf32>
    %div3A_115 = arith.divf %add3A_112, %div3A_114 : vector<2048x256xf32>
    %get3A_116 = arith.constant 0 : index
    %get3A_117 = arith.constant 0 : index
    %get3A_118 = arith.constant 0 : index
    %get3A_119 = vector.load %arg4[%get3A_116, %get3A_117, %get3A_118] : memref<1x256x256xf32, #tpu.memory_space<vmem>>, vector<1x256x256xf32>
    %get3A_120 = vector.shape_cast %get3A_119 : vector<1x256x256xf32> to vector<256x256xf32>
    %dot_general3A = arith.constant dense<0.000000e+00> : vector<2048x256xf32>
    %dot_general3A_121 = tpu.matmul %div3A_115, %get3A_120, %dot_general3A {dimension_numbers = #tpu.dot_dimension_numbers<[1], [0], [0], [1], [0, 0, 1, 1], [], []>, transpose_lhs_hint = false} : vector<2048x256xf32>, vector<256x256xf32>, vector<2048x256xf32> -> vector<2048x256xf32>
    %get3A_122 = arith.constant 0 : index
    %get3A_123 = arith.constant 0 : index
    %get3A_124 = arith.constant 0 : index
    %get3A_125 = vector.load %arg5[%get3A_122, %get3A_123, %get3A_124] : memref<1x2048x64xf32, #tpu.memory_space<vmem>>, vector<1x2048x64xf32>
    %get3A_126 = vector.shape_cast %get3A_125 : vector<1x2048x64xf32> to vector<2048x64xf32>
    %concatenate3A = tpu.concatenate %dot_general3A_121, %get3A_126 in 1 : vector<2048x256xf32>, vector<2048x64xf32> -> vector<2048x320xf32>
    %get3A_127 = arith.constant 0 : index
    %get3A_128 = arith.constant 0 : index
    %get3A_129 = vector.load %arg6[%get3A_127, %get3A_128] : memref<320x256xf32, #tpu.memory_space<vmem>>, vector<320x256xf32>
    %dot_general3A_130 = arith.constant dense<0.000000e+00> : vector<2048x256xf32>
    %dot_general3A_131 = tpu.matmul %concatenate3A, %get3A_129, %dot_general3A_130 {dimension_numbers = #tpu.dot_dimension_numbers<[1], [0], [0], [1], [0, 0, 1, 1], [], []>, transpose_lhs_hint = false} : vector<2048x320xf32>, vector<320x256xf32>, vector<2048x256xf32> -> vector<2048x256xf32>
    %get3A_132 = arith.constant 0 : index
    %get3A_133 = arith.constant 0 : index
    %get3A_134 = vector.load %arg7[%get3A_132, %get3A_133] : memref<1x256xf32, #tpu.memory_space<vmem>>, vector<1x256xf32>
    %add3A_135 = vector.broadcast %get3A_134 : vector<1x256xf32> to vector<2048x256xf32>
    %add3A_136 = arith.addf %dot_general3A_131, %add3A_135 : vector<2048x256xf32>
    %max3A = arith.constant 0.000000e+00 : f32
    %max3A_137 = vector.broadcast %max3A : f32 to vector<2048x256xf32>
    %max3A_138 = arith.maximumf %add3A_136, %max3A_137 : vector<2048x256xf32>
    %get3A_139 = arith.constant 0 : index
    %get3A_140 = arith.constant 0 : index
    %get3A_141 = vector.load %arg8[%get3A_139, %get3A_140] : memref<256x256xf32, #tpu.memory_space<vmem>>, vector<256x256xf32>
    %dot_general3A_142 = arith.constant dense<0.000000e+00> : vector<2048x256xf32>
    %dot_general3A_143 = tpu.matmul %max3A_138, %get3A_141, %dot_general3A_142 {dimension_numbers = #tpu.dot_dimension_numbers<[1], [0], [0], [1], [0, 0, 1, 1], [], []>, transpose_lhs_hint = false} : vector<2048x256xf32>, vector<256x256xf32>, vector<2048x256xf32> -> vector<2048x256xf32>
    %get3A_144 = arith.constant 0 : index
    %get3A_145 = arith.constant 0 : index
    %get3A_146 = vector.load %arg9[%get3A_144, %get3A_145] : memref<1x256xf32, #tpu.memory_space<vmem>>, vector<1x256xf32>
    %add3A_147 = vector.broadcast %get3A_146 : vector<1x256xf32> to vector<2048x256xf32>
    %add3A_148 = arith.addf %dot_general3A_143, %add3A_147 : vector<2048x256xf32>
    %max3A_149 = arith.constant 0.000000e+00 : f32
    %max3A_150 = vector.broadcast %max3A_149 : f32 to vector<2048x256xf32>
    %max3A_151 = arith.maximumf %add3A_148, %max3A_150 : vector<2048x256xf32>
    %get3A_152 = arith.constant 0 : index
    %get3A_153 = arith.constant 0 : index
    %get3A_154 = vector.load %arg10[%get3A_152, %get3A_153] : memref<256x128xf32, #tpu.memory_space<vmem>>, vector<256x128xf32>
    %dot_general3A_155 = arith.constant dense<0.000000e+00> : vector<2048x128xf32>
    %dot_general3A_156 = tpu.matmul %max3A_151, %get3A_154, %dot_general3A_155 {dimension_numbers = #tpu.dot_dimension_numbers<[1], [0], [0], [1], [0, 0, 1, 1], [], []>, transpose_lhs_hint = false} : vector<2048x256xf32>, vector<256x128xf32>, vector<2048x128xf32> -> vector<2048x128xf32>
    %get3A_157 = arith.constant 0 : index
    %get3A_158 = arith.constant 0 : index
    %get3A_159 = vector.load %arg11[%get3A_157, %get3A_158] : memref<1x128xf32, #tpu.memory_space<vmem>>, vector<1x128xf32>
    %add3A_160 = vector.broadcast %get3A_159 : vector<1x128xf32> to vector<2048x128xf32>
    %add3A_161 = arith.addf %dot_general3A_156, %add3A_160 : vector<2048x128xf32>
    %max3A_162 = arith.constant 0.000000e+00 : f32
    %max3A_163 = vector.broadcast %max3A_162 : f32 to vector<2048x128xf32>
    %max3A_164 = arith.maximumf %add3A_161, %max3A_163 : vector<2048x128xf32>
    %get3A_165 = arith.constant 0 : index
    %get3A_166 = arith.constant 0 : index
    %get3A_167 = vector.load %arg12[%get3A_165, %get3A_166] : memref<128x3xf32, #tpu.memory_space<vmem>>, vector<128x3xf32>
    %dot_general3A_168 = arith.constant dense<0.000000e+00> : vector<2048x3xf32>
    %dot_general3A_169 = tpu.matmul %max3A_164, %get3A_167, %dot_general3A_168 {dimension_numbers = #tpu.dot_dimension_numbers<[1], [0], [0], [1], [0, 0, 1, 1], [], []>, transpose_lhs_hint = false} : vector<2048x128xf32>, vector<128x3xf32>, vector<2048x3xf32> -> vector<2048x3xf32>
    %get3A_170 = arith.constant 0 : index
    %get3A_171 = arith.constant 0 : index
    %get3A_172 = vector.load %arg13[%get3A_170, %get3A_171] : memref<1x3xf32, #tpu.memory_space<vmem>>, vector<1x3xf32>
    %add3A_173 = vector.broadcast %get3A_172 : vector<1x3xf32> to vector<2048x3xf32>
    %add3A_174 = arith.addf %dot_general3A_169, %add3A_173 : vector<2048x3xf32>
    %swap3A = arith.constant 0 : index
    %swap3A_175 = arith.constant 0 : index
    %swap3A_176 = arith.constant 0 : index
    %swap3A_177 = vector.load %arg14[%swap3A, %swap3A_175, %swap3A_176] : memref<1x2048x3xf32, #tpu.memory_space<vmem>>, vector<1x2048x3xf32>
    %swap3A_178 = vector.shape_cast %swap3A_177 : vector<1x2048x3xf32> to vector<2048x3xf32>
    %swap3A_179 = vector.shape_cast %add3A_174 : vector<2048x3xf32> to vector<1x2048x3xf32>
    tpu.vector_store %arg14[%swap3A, %swap3A_175, %swap3A_176], %swap3A_179 {strides = array<i32>} : memref<1x2048x3xf32, #tpu.memory_space<vmem>>, vector<1x2048x3xf32>,
    return
  }
  func.func @transform_0(%arg0: i32, %arg1: i32) -> (i32, i32, i32) {
    %c0_i32 = arith.constant 0 : i32
    %c0_i32_0 = arith.constant 0 : i32
    return %arg0, %arg1, %c0_i32 : i32, i32, i32
  }
  func.func @transform_1(%arg0: i32, %arg1: i32) -> (i32, i32, i32) {
    %c0_i32 = arith.constant 0 : i32
    %c0_i32_0 = arith.constant 0 : i32
    %c0_i32_1 = arith.constant 0 : i32
    return %arg0, %c0_i32, %c0_i32_0 : i32, i32, i32
  }
  func.func @transform_2(%arg0: i32, %arg1: i32) -> (i32, i32, i32) {
    %c0_i32 = arith.constant 0 : i32
    %c0_i32_0 = arith.constant 0 : i32
    %c0_i32_1 = arith.constant 0 : i32
    return %arg0, %c0_i32, %c0_i32_0 : i32, i32, i32
  }
  func.func @transform_3(%arg0: i32, %arg1: i32) -> (i32, i32, i32) {
    %c0_i32 = arith.constant 0 : i32
    %c0_i32_0 = arith.constant 0 : i32
    return %arg0, %arg1, %c0_i32 : i32, i32, i32
  }
  func.func @transform_4(%arg0: i32, %arg1: i32) -> (i32, i32) {
    %c0_i32 = arith.constant 0 : i32
    %c0_i32_0 = arith.constant 0 : i32
    %c0_i32_1 = arith.constant 0 : i32
    return %c0_i32, %c0_i32_0 : i32, i32
  }
  func.func @transform_5(%arg0: i32, %arg1: i32) -> (i32, i32) {
    %c0_i32 = arith.constant 0 : i32
    %c0_i32_0 = arith.constant 0 : i32
    %c0_i32_1 = arith.constant 0 : i32
    return %c0_i32, %c0_i32_0 : i32, i32
  }
  func.func @transform_6(%arg0: i32, %arg1: i32) -> (i32, i32) {
    %c0_i32 = arith.constant 0 : i32
    %c0_i32_0 = arith.constant 0 : i32
    %c0_i32_1 = arith.constant 0 : i32
    return %c0_i32, %c0_i32_0 : i32, i32
  }
  func.func @transform_7(%arg0: i32, %arg1: i32) -> (i32, i32) {
    %c0_i32 = arith.constant 0 : i32
    %c0_i32_0 = arith.constant 0 : i32
    %c0_i32_1 = arith.constant 0 : i32
    return %c0_i32, %c0_i32_0 : i32, i32
  }
  func.func @transform_8(%arg0: i32, %arg1: i32) -> (i32, i32) {
    %c0_i32 = arith.constant 0 : i32
    %c0_i32_0 = arith.constant 0 : i32
    %c0_i32_1 = arith.constant 0 : i32
    return %c0_i32, %c0_i32_0 : i32, i32
  }
  func.func @transform_9(%arg0: i32, %arg1: i32) -> (i32, i32) {
    %c0_i32 = arith.constant 0 : i32
    %c0_i32_0 = arith.constant 0 : i32
    %c0_i32_1 = arith.constant 0 : i32
    return %c0_i32, %c0_i32_0 : i32, i32
  }
  func.func @transform_10(%arg0: i32, %arg1: i32) -> (i32, i32) {
    %c0_i32 = arith.constant 0 : i32
    %c0_i32_0 = arith.constant 0 : i32
    %c0_i32_1 = arith.constant 0 : i32
    return %c0_i32, %c0_i32_0 : i32, i32
  }
  func.func @transform_11(%arg0: i32, %arg1: i32) -> (i32, i32) {
    %c0_i32 = arith.constant 0 : i32
    %c0_i32_0 = arith.constant 0 : i32
    %c0_i32_1 = arith.constant 0 : i32
    return %c0_i32, %c0_i32_0 : i32, i32
  }
  func.func @transform_12(%arg0: i32, %arg1: i32) -> (i32, i32, i32) {
    %c0_i32 = arith.constant 0 : i32
    %c0_i32_0 = arith.constant 0 : i32
    return %arg0, %arg1, %c0_i32 : i32, i32, i32
  }
}

</mosaic_0001>

<sc_bundles>
// kernel: kernel.16.cloned.1.call-start
scs
__scs_entry_jumppad:
0x0: {  	(pc) =	sbr.rel $0x88, $3  }
0x1: {  	(tag) =	ssettag $0x0;
	lr =	simm.s32 $0x1  }
0x2: {  	[smem:$0x3F71] =	sst lr;
	_ =	strace $0xD0000000  }
0x3: {  	_ = 	snop  }
0x4: {  	_ = 	snop  }
0x5: {  	_ = 	snop  }
0x6: {  	_ = 	snop  }
0x7: {  	_ = 	snop  }
__scs_overlays_trampoline_lowered:
0x8: {  	[smem:$0x3F80] =	sst s0  }
0x9: {  	[smem:$0x3F81] =	sst s1  }
0xa: {  	[smem:$0x3F82] =	sst s2  }
0xb: {  	[smem:$0x3F83] =	sst s3  }
0xc: {  	[smem:$0x3F84] =	sst s4  }
0xd: {  	[smem:$0x3F85] =	sst s5  }
0xe: {  	[smem:$0x3F86] =	sst s6  }
0xf: {  	[smem:$0x3F87] =	sst s7  }
0x10: {  	[smem:$0x3F88] =	sst s8  }
0x11: {  	[smem:$0x3F89] =	sst s9;
	s0 =	simm.s32 @!p0 $0x0  }
0x12: {  	s1 =	sld [smem:$0x3F6F];
	s0 =	simm.s32 @p0 $0x1  }
0x13: {  	[smem:$0x3F8A] =	sst s0;
	s0 =	simm.s32 @!p1 $0x0  }
0x14: {  	s2 =	sld [smem:$0x3F6E];
	s0 =	simm.s32 @p1 $0x1  }
0x15: {  	[smem:$0x3F8B] =	sst s0;
	s0 =	simm.s32 @!p2 $0x0  }
0x16: {  	s3 =	sld [smem:$0x3FDB];
	s0 =	simm.s32 @p2 $0x1  }
0x17: {  	s4 =	simm.s32 $0x1BF5;
	[smem:$0x3F8D] =	sst s0  }
0x18: {  	s0 =	sld [smem:$0x3F70];
	_ =	swait.ge [sflag:s4], $0x0  }
0x19: {  	s7 =	sld [smem:$0x3F71]  }
0x1a: {  	s8 =	sadd.s32 $0xFFFFE003, lr  }
0x1b: {  	s9 =	sadd.s32 $0xFFFFFEF7, lr;
	s5 =	simm.s32 $0xFFFFFFFF;
	p2 =	slt.u32 s8, $0xFFFFF086  }
0x1c: {  	p1 =	slt.u32 s9, $0xF7A;
	s5 =	simm.s32 @!p2 $0x0  }
0x1d: {  	s5 =	simm.s32 @p1 $0x1;
	p0 =	seq.s32 s7, s2  }
0x1e: {  	s7 =	smul.u32 @!p0 $0xF7A, s2;
	p2 =	seq.s32 @!p0 s5, $0x0  }
0x1f: {  	s9 =	smul.u32 $0xF7A, s1;
	s8 =	simm.s32 @!p0 $0x1BF5;
	p2 =	por !p2, p0  }
0x20: {  	[sflag:s8] =	ssyncset.s32 @!p0 $0xFFFFF086;
	s6 =	sadd.s32 @!p0 s3, s7;
	s7 =	simm.s32 @!p0 $0x108  }
0x21: {  	s3 =	sadd.s32 s3, s9;
	s6 =	sadd.s32 @!p0 $0x88, s6;
	s7 =	simm.s32 @p2 $0x1082  }
0x22: {  	[simem:s7], [sflag:s8] =	dma.local @!p0 [hbm:s6], $0xF7A  }
0x23: {  	s9 =	sor.u32 $0xD0000000, s2;
	s6 =	simm.s32 $0x108;
	_ =	swait.ge @!p0 [sflag:s8], $0x0  }
0x24: {  	s3 =	sadd.s32 $0x88, s3;
	s6 =	simm.s32 @!p1 $0x1082;
	[sflag:s4] =	ssyncset.s32 $0xFFFFF086  }
0x25: {  	[simem:s6], [sflag:s4] =	dma.local [hbm:s3], $0xF7A  }
0x26: {  	[smem:$0x3F71] =	sst s1;
	(tag) =	ssettag s2;
	_ =	strace s9  }
0x27: {  	s1 =	sld [smem:$0x3F81]  }
0x28: {  	s2 =	sld [smem:$0x3F82]  }
0x29: {  	s4 =	sld [smem:$0x3F84]  }
0x2a: {  	p0 =	seq.s32 s5, $0x0;
	s5 =	sld [smem:$0x3F85]  }
0x2b: {  	s6 =	sld [smem:$0x3F86]  }
0x2c: {  	s7 =	sld [smem:$0x3F87]  }
0x2d: {  	s3 =	simm.s32 $0x108;
	s8 =	sld [smem:$0x3F88]  }
0x2e: {  	s3 =	simm.s32 @!p0 $0x1082;
	s9 =	sld [smem:$0x3F89]  }
0x2f: {  	lr =	sadd.s32 s0, s3;
	s0 =	sld [smem:$0x3F80]  }
0x30: {  	s3 =	sld [smem:$0x3F83]  }
0x31: {  	[smem:$0x3F8C] =	sst s10  }
0x32: {  	s10 =	sld [smem:$0x3F8A];
	_ =	sdelay $0x3  }
0x33: {  	p0 =	seq.s32 s10, $0x1;
	s10 =	sld [smem:$0x3F8C];
	_ =	sdelay $0x3  }
0x34: {  	[smem:$0x3F8C] =	sst s10  }
0x35: {  	s10 =	sld [smem:$0x3F8B];
	_ =	sdelay $0x3  }
0x36: {  	p1 =	seq.s32 s10, $0x1;
	s10 =	sld [smem:$0x3F8C];
	_ =	sdelay $0x3  }
0x37: {  	[smem:$0x3F8C] =	sst s10  }
0x38: {  	s10 =	sld [smem:$0x3F8D]  }
0x39: {  	_ = 	snop;
	(pc) =	sbr.ind lr, $3  }
0x3a: {  	_ = 	snop  }
0x3b: {  	_ = 	snop  }
0x3c: {  	p2 =	seq.s32 s10, $0x1;
	s10 =	sld [smem:$0x3F8C]  }
0x3d: {  	_ =	shalt  }
0x3e: {  	_ =	shalt  }
0x3f: {  	_ =	shalt  }
0x40: {  	_ =	shalt  }
0x41: {  	_ =	shalt  }
0x42: {  	_ =	shalt  }
0x43: {  	_ =	shalt  }
0x44: {  	_ =	shalt  }
0x45: {  	_ =	shalt  }
0x46: {  	_ =	shalt  }
0x47: {  	_ =	shalt  }
0x48: {  	_ =	shalt  }
0x49: {  	_ =	shalt  }
0x4a: {  	_ =	shalt  }
0x4b: {  	_ =	shalt  }
0x4c: {  	_ =	shalt  }
0x4d: {  	_ =	shalt  }
0x4e: {  	_ =	shalt  }
0x4f: {  	_ =	shalt  }
0x50: {  	_ =	shalt  }
0x51: {  	_ =	shalt  }
0x52: {  	_ =	shalt  }
0x53: {  	_ =	shalt  }
0x54: {  	_ =	shalt  }
0x55: {  	_ =	shalt  }
0x56: {  	_ =	shalt  }
0x57: {  	_ =	shalt  }
0x58: {  	_ =	shalt  }
0x59: {  	_ =	shalt  }
0x5a: {  	_ =	shalt  }
0x5b: {  	_ =	shalt  }
0x5c: {  	_ =	shalt  }
0x5d: {  	_ =	shalt  }
0x5e: {  	_ =	shalt  }
0x5f: {  	_ =	shalt  }
0x60: {  	_ =	shalt  }
0x61: {  	_ =	shalt  }
0x62: {  	_ =	shalt  }
0x63: {  	_ =	shalt  }
0x64: {  	_ =	shalt  }
0x65: {  	_ =	shalt  }
0x66: {  	_ =	shalt  }
0x67: {  	_ =	shalt  }
0x68: {  	_ =	shalt  }
0x69: {  	_ =	shalt  }
0x6a: {  	_ =	shalt  }
0x6b: {  	_ =	shalt  }
0x6c: {  	_ =	shalt  }
0x6d: {  	_ =	shalt  }
0x6e: {  	_ =	shalt  }
0x6f: {  	_ =	shalt  }
0x70: {  	_ =	shalt  }
0x71: {  	_ =	shalt  }
0x72: {  	_ =	shalt  }
0x73: {  	_ =	shalt  }
0x74: {  	_ =	shalt  }
0x75: {  	_ =	shalt  }
0x76: {  	_ =	shalt  }
0x77: {  	_ =	shalt  }
0x78: {  	_ =	shalt  }
0x79: {  	_ =	shalt  }
0x7a: {  	_ =	shalt  }
0x7b: {  	_ =	shalt  }
0x7c: {  	_ =	shalt  }
0x7d: {  	_ =	shalt  }
0x7e: {  	_ =	shalt  }
0x7f: {  	_ =	shalt  }
0x80: {  	_ =	shalt  }
0x81: {  	_ =	shalt  }
0x82: {  	_ =	shalt  }
0x83: {  	_ =	shalt  }
0x84: {  	_ =	shalt  }
0x85: {  	_ =	shalt  }
0x86: {  	_ =	shalt  }
0x87: {  	_ =	shalt  }
.Lfunc_end0:
.L_simem_size_0:
called_computation_lowered:
.L_overlay_start_0:
0x88: {  	s2 =	sld [smem:$0x3FD9]  }
0x89: {  	s3 =	sld [smem:$0x3FFE];
	_ =	sdelay $0x1  }
0x8a: {  	s1 =	srdreg.scid  }
0x8b: {  	s0 =	sand.u32 $0x1, s1  }
0x8c: {  	s17 =	sshll.u32 s0, $0xA;
	s2 =	sadd.s32 s3, s2  }
0x8d: {  	s2 =	sadd.s32 s2, s17  }
0x8e: {  	[smem:$0x3F98] =	sst s2  }
0x8f: {  	_ = 	snop  }
0x90: {  	s2 =	sld [smem:$0x3FD0];
	(tm) =	ssettm $0x1  }
0x91: {  	s18 =	sld [smem:$0x3FFB];
	_ =	sdelay $0x3  }
0x92: {  	_ =	strace s18  }
0x93: {  	s3 =	sld [smem:$0x3FFC];
	_ =	sdelay $0x3  }
0x94: {  	_ =	strace s3  }
0x95: {  	s3 =	sld [smem:$0x3FFD];
	_ =	sdelay $0x3  }
0x96: {  	_ =	strace s3  }
0x97: {  	_ =	strace $0x8FFFFFFF  }
0x98: {  	s19 =	sld [smem:$0x3FDB];
	_ =	sdelay $0x1  }
0x99: {  	s4 =	simm.s32 $_scs_section_size  }
0x9a: {  	s5 =	simm.s32 $_size__tile_overlayer_lowered;
	s6 =	simm.s32 $_tile_overlayer_lowered  }
0x9b: {  	s22 =	simm.s32 $0x1BFF;
	s21 =	sshll.u32 s6, $0x1;
	s3 =	sadd.s32 s4, s19  }
0x9c: {  	s7 =	simm.s32 $0x0;
	s20 =	sshll.u32 s5, $0x1;
	s5 =	sadd.s32 s21, s3  }
0x9d: {  	[timem:s7], [sflag:s22] =	dma.local [hbm:s5], s20  }
0x9e: {  	_ =	swait.ge [sflag:s22], s20  }
0x9f: {  	s4 =	ssub.s32 $0x0, s20;
	[sflag:s22] =	ssyncset.done $0x0  }
0xa0: {  	[sflag:s22] =	ssyncadd.s32 s4;
	_ =	sdelay $0x1  }
0xa1: {  	s23 =	simm.s32 $0x1B8B  }
0xa2: {  	_ =	swait.ge [sflag:s23], $0x1  }
0xa3: {  	[sflag:s23] =	ssyncset.done $0x0  }
0xa4: {  	s25 =	simm.s32 $0x1B8E;
	s24 =	sld [smem:$0x3FFE];
	[sflag:s23] =	ssyncadd.s32 $0xFFFFFFFF  }
0xa5: {  	s26 =	simm.s32 $execute0_lowered;
	[smem:$0x3FD2] =	sst s25  }
0xa6: {  	s5 =	sshll.u32 s26, $0x1;
	_ =	strace $0x80000046;
	[dreg:$0x1] =	wrdreg $0xFFFFFFFF  }
0xa7: {  	s28 =	simm.s32 $_size_execute0_lowered;
	s3 =	sadd.s32 s3, s5;
	[dreg:$0x0] =	wrdreg $0x0  }
0xa8: {  	s5 =	sshll.u32 s28, $0x1;
	[dreg:$0x2] =	wrdreg s3  }
0xa9: {  	[dreg:$0x3] =	wrdreg s5  }
0xaa: {  	[dreg:$0x4] =	wrdreg $0xC0  }
0xab: {  	_ =	task [dreg:s7], $0x5FFFF  }
0xac: {  	[dreg:$0x1] =	wrdreg $0xFFFFFFFF  }
0xad: {  	[dreg:$0x0] =	wrdreg $0x60  }
0xae: {  	[dreg:$0x2] =	wrdreg s24  }
0xaf: {  	[dreg:$0x3] =	wrdreg s2  }
0xb0: {  	[dreg:$0x4] =	wrdreg $0x9  }
0xb1: {  	_ =	task.clear_ibuf [dreg:s7], $0x5FFFF;
	_ =	strace $0x90000046  }
0xb2: {  	s29 =	simm.s32 $0x9;
	_ =	strace $0x80000048  }
0xb3: {  	_ =	swait.ge [sflag:s29], $0x1  }
0xb4: {  	[sflag:s29] =	ssyncadd.s32 $0xFFFFFFFF  }
0xb5: {  	_ =	strace $0x90000048  }
0xb6: {  	_ =	sfence  }
0xb7: {  	s30 =	sld [smem:$0x0];
	_ =	sdelay $0x2  }
0xb8: {  	s31 =	sshll.u32 s1, $0xD;
	s1 =	sshrl.u32 s1, $0x2  }
0xb9: {  	s3 =	sand.u32 $0x4000, s31;
	s1 =	sadd.s32 s1, s30  }
0xba: {  	s0 =	sor.u32 s3, s0;
	s1 =	sshll.u32 s1, $0x11  }
0xbb: {  	s0 =	sor.u32 s1, s0  }
0xbc: {  	s0 =	sadd.s32 $0x8F2B, s0  }
0xbd: {  	[sflag:s0] =	ssyncadd.remote.s32 $0x1  }
0xbe: {  	_ =	sfence.sel $0xFFFF  }
0xbf: {  	[dreg:$0x0] =	wrdreg $0xFFFFFFFF;
	(pc) =	sbr.abs _section_cstart, $3  }
0xc0: {  	[dreg:$0x1] =	wrdreg $0xFFFFFFFF  }
0xc1: {  	_ =	task.clear_ibuf [dreg:s7], $0x2FFFF;
	_ =	strace $0x9FFFFFFF  }
0xc2: {  	(tm) =	ssettm $0x7FFFFFFF  }
0xc3: {  	_ =	shalt  }
tec
execute0_lowered:
.L_overlay_start_1:
0x0: {  	(tag) =	ssettag $0x1  }
0x1: {  	s14 =	rddreg [dreg:$0x0]  }
0x2: {  	s1 =	srdreg.scid;
	s0 =	stileid.u32  }
0x3: {  	s3 =	rddreg [dreg:$0x1];
	s19 =	sand.u32 $0x1, s1;
	s4 =	sshll.u32 s0, $0x1  }
0x4: {  	s2 =	simm.s32 $0x0;
	s1 =	rddreg [dreg:$0x2];
	s15 =	sor.u32 s19, s4  }
0x5: {  	[smem:$0x7FF] =	sst s2;
	s4 =	sshll.u32 s15, $0x7  }
0x6: {  	_ =	strace $0x80000047;
	s4 =	sadd.s32 s3, s4;
	s3 =	simm.s32 $0x2  }
0x7: {  	[tilespmem:s2], [sflag:$0x2] =	stream.linear.gather [hbm4b:s4+s2], $0x400, $0x38;
	[tilespmem:$0x10400] =	vst v63  }
0x8: {  	_ =	swait.ge [sflag:s3], $0x400  }
0x9: {  	s6 =	simm.s32 $0x80;
	[sflag:s3] =	ssyncset.done $0x0  }
0xa: {  	s7 =	simm.s32 $0x400;
	s5 =	sadd.s32 $0x207000, s14;
	[sflag:s3] =	ssyncadd.s32 $0xFFFFFC00  }
0xb: {  	[tilespmem:s7], [sflag:$0x1] =	stream.indirect.gather [hbm4b:s5+s6], $0x80, s2, s6, $0xb8;
	[tilespmem:$0x10400] =	vst v63  }
0xc: {  	s8 =	simm.s32 $0x4400  }
0xd: {  	[tilespmem:s8], [sflag:$0x1] =	stream.indirect.gather [hbm4b:s5+s6], $0x80, s6, s6, $0xb8;
	[tilespmem:$0x10400] =	vst v63  }
0xe: {  	s9 =	simm.s32 $0x100;
	s10 =	simm.s32 $0x8400  }
0xf: {  	[tilespmem:s10], [sflag:$0x1] =	stream.indirect.gather [hbm4b:s5+s6], $0x80, s9, s6, $0xb8;
	[tilespmem:$0x10400] =	vst v63  }
0x10: {  	s11 =	simm.s32 $0x180;
	s12 =	simm.s32 $0xC400;
	s13 =	simm.s32 $0x1  }
0x11: {  	[tilespmem:s12], [sflag:$0x1] =	stream.indirect.gather [hbm4b:s5+s6], $0x80, s11, s6, $0xb8;
	[tilespmem:$0x10400] =	vst v63  }
0x12: {  	_ =	swait.ge [sflag:s13], $0x4000  }
0x13: {  	[sflag:s13] =	ssyncset.done $0x0  }
0x14: {  	[sflag:s13] =	ssyncadd.s32 $0xFFFFC000  }
0x15: {  	_ =	swait.ge [sflag:s13], $0x4000  }
0x16: {  	[sflag:s13] =	ssyncset.done $0x0  }
0x17: {  	[sflag:s13] =	ssyncadd.s32 $0xFFFFC000  }
0x18: {  	_ =	swait.ge [sflag:s13], $0x4000  }
0x19: {  	[sflag:s13] =	ssyncset.done $0x0  }
0x1a: {  	[sflag:s13] =	ssyncadd.s32 $0xFFFFC000  }
0x1b: {  	s15 =	sshll.u32 s15, $0xE;
	_ =	swait.ge [sflag:s13], $0x4000  }
0x1c: {  	s20 =	sadd.s32 s15, s14;
	[sflag:s13] =	ssyncset.done $0x0  }
0x1d: {  	s14 =	sadd.s32 $0x187000, s20;
	[sflag:s13] =	ssyncadd.s32 $0xFFFFC000  }
0x1e: {  	[hbm4b:s14+s2] =	stream.linear.scatter [tilespmem:s7], [sflag:$0x2], $0x10000, $0x38;
	[tilespmem:$0x10400] =	vst v63  }
0x1f: {  	_ =	swait.ge [sflag:s3], $0x10000  }
0x20: {  	[sflag:s3] =	ssyncset.done $0x0  }
0x21: {  	s15 =	simm.s32 $0x200;
	[sflag:s3] =	ssyncadd.s32 $0xFFFF0000  }
0x22: {  	[tilespmem:s7], [sflag:$0x1] =	stream.indirect.gather [hbm4b:s5+s6], $0x80, s15, s6, $0xb8;
	[tilespmem:$0x10400] =	vst v63  }
0x23: {  	s16 =	simm.s32 $0x280  }
0x24: {  	[tilespmem:s8], [sflag:$0x1] =	stream.indirect.gather [hbm4b:s5+s6], $0x80, s16, s6, $0xb8;
	[tilespmem:$0x10400] =	vst v63  }
0x25: {  	s17 =	simm.s32 $0x300  }
0x26: {  	[tilespmem:s10], [sflag:$0x1] =	stream.indirect.gather [hbm4b:s5+s6], $0x80, s17, s6, $0xb8;
	[tilespmem:$0x10400] =	vst v63  }
0x27: {  	s18 =	simm.s32 $0x380  }
0x28: {  	[tilespmem:s12], [sflag:$0x1] =	stream.indirect.gather [hbm4b:s5+s6], $0x80, s18, s6, $0xb8;
	[tilespmem:$0x10400] =	vst v63  }
0x29: {  	_ =	swait.ge [sflag:s13], $0x4000  }
0x2a: {  	[sflag:s13] =	ssyncset.done $0x0  }
0x2b: {  	[sflag:s13] =	ssyncadd.s32 $0xFFFFC000  }
0x2c: {  	_ =	swait.ge [sflag:s13], $0x4000  }
0x2d: {  	[sflag:s13] =	ssyncset.done $0x0  }
0x2e: {  	s19 =	ssub.s32 $0x2, s19;
	[sflag:s13] =	ssyncadd.s32 $0xFFFFC000  }
0x2f: {  	s21 =	sshrl.u32 s19, $0x1;
	_ =	swait.ge [sflag:s13], $0x4000  }
0x30: {  	s21 =	ssub.s32 s19, s21;
	[sflag:s13] =	ssyncset.done $0x0  }
0x31: {  	s31 =	smax.u32 s21, $0x1;
	[sflag:s13] =	ssyncadd.s32 $0xFFFFC000  }
0x32: {  	p0 =	sne.s32 s31, $0x1;
	_ =	swait.ge [sflag:s13], $0x4000  }
.Ltmp0:
0x33: {  	[sflag:s13] =	ssyncset.done $0x0;
	(pc) =	sbr.rel @!p0 .LBB2_2-.Ltmp0, $4  }
0x34: {  	s19 =	sadd.s32 $0x189000, s20;
	[sflag:s13] =	ssyncadd.s32 $0xFFFFC000  }
0x35: {  	[hbm4b:s19+s2] =	stream.linear.scatter [tilespmem:s7], [sflag:$0x2], $0x10000, $0x38;
	[tilespmem:$0x10400] =	vst v63  }
0x36: {  	_ =	swait.ge [sflag:s3], $0x10000  }
0x37: {  	s20 =	sadd.s32 $0xFFFFFFFF, s31;
	[sflag:s3] =	ssyncset.done $0x0  }
.LBB2_1:
0x38: {  	p0 =	sne.s32 s20, $0x1;
	s20 =	sadd.s32 $0xFFFFFFFF, s20;
	[sflag:s3] =	ssyncadd.s32 $0xFFFF0000  }
0x39: {  	[tilespmem:s2], [sflag:$0x2] =	stream.linear.gather [hbm4b:s4+s2], $0x400, $0x38;
	[tilespmem:$0x10400] =	vst v63  }
0x3a: {  	_ =	swait.ge [sflag:s3], $0x400  }
0x3b: {  	[sflag:s3] =	ssyncset.done $0x0  }
0x3c: {  	[sflag:s3] =	ssyncadd.s32 $0xFFFFFC00  }
0x3d: {  	[tilespmem:s7], [sflag:$0x1] =	stream.indirect.gather [hbm4b:s5+s6], $0x80, s2, s6, $0xb8;
	[tilespmem:$0x10400] =	vst v63  }
0x3e: {  	_ = 	snop  }
0x3f: {  	[tilespmem:s8], [sflag:$0x1] =	stream.indirect.gather [hbm4b:s5+s6], $0x80, s6, s6, $0xb8;
	[tilespmem:$0x10400] =	vst v63  }
0x40: {  	_ = 	snop  }
0x41: {  	[tilespmem:s10], [sflag:$0x1] =	stream.indirect.gather [hbm4b:s5+s6], $0x80, s9, s6, $0xb8;
	[tilespmem:$0x10400] =	vst v63  }
0x42: {  	_ = 	snop  }
0x43: {  	[tilespmem:s12], [sflag:$0x1] =	stream.indirect.gather [hbm4b:s5+s6], $0x80, s11, s6, $0xb8;
	[tilespmem:$0x10400] =	vst v63  }
0x44: {  	_ =	swait.ge [sflag:s13], $0x4000  }
0x45: {  	[sflag:s13] =	ssyncset.done $0x0  }
0x46: {  	[sflag:s13] =	ssyncadd.s32 $0xFFFFC000  }
0x47: {  	_ =	swait.ge [sflag:s13], $0x4000  }
0x48: {  	[sflag:s13] =	ssyncset.done $0x0  }
0x49: {  	[sflag:s13] =	ssyncadd.s32 $0xFFFFC000  }
0x4a: {  	_ =	swait.ge [sflag:s13], $0x4000  }
0x4b: {  	[sflag:s13] =	ssyncset.done $0x0  }
0x4c: {  	[sflag:s13] =	ssyncadd.s32 $0xFFFFC000  }
0x4d: {  	_ =	swait.ge [sflag:s13], $0x4000  }
0x4e: {  	[sflag:s13] =	ssyncset.done $0x0  }
0x4f: {  	[sflag:s13] =	ssyncadd.s32 $0xFFFFC000  }
0x50: {  	[hbm4b:s14+s2] =	stream.linear.scatter [tilespmem:s7], [sflag:$0x2], $0x10000, $0x38;
	[tilespmem:$0x10400] =	vst v63  }
0x51: {  	_ =	swait.ge [sflag:s3], $0x10000  }
0x52: {  	[sflag:s3] =	ssyncset.done $0x0  }
0x53: {  	[sflag:s3] =	ssyncadd.s32 $0xFFFF0000  }
0x54: {  	[tilespmem:s7], [sflag:$0x1] =	stream.indirect.gather [hbm4b:s5+s6], $0x80, s15, s6, $0xb8;
	[tilespmem:$0x10400] =	vst v63  }
0x55: {  	_ = 	snop  }
0x56: {  	[tilespmem:s8], [sflag:$0x1] =	stream.indirect.gather [hbm4b:s5+s6], $0x80, s16, s6, $0xb8;
	[tilespmem:$0x10400] =	vst v63  }
0x57: {  	_ = 	snop  }
0x58: {  	[tilespmem:s10], [sflag:$0x1] =	stream.indirect.gather [hbm4b:s5+s6], $0x80, s17, s6, $0xb8;
	[tilespmem:$0x10400] =	vst v63  }
0x59: {  	_ = 	snop  }
0x5a: {  	[tilespmem:s12], [sflag:$0x1] =	stream.indirect.gather [hbm4b:s5+s6], $0x80, s18, s6, $0xb8;
	[tilespmem:$0x10400] =	vst v63  }
0x5b: {  	_ =	swait.ge [sflag:s13], $0x4000  }
0x5c: {  	[sflag:s13] =	ssyncset.done $0x0  }
0x5d: {  	[sflag:s13] =	ssyncadd.s32 $0xFFFFC000  }
0x5e: {  	_ =	swait.ge [sflag:s13], $0x4000  }
0x5f: {  	[sflag:s13] =	ssyncset.done $0x0  }
0x60: {  	[sflag:s13] =	ssyncadd.s32 $0xFFFFC000  }
0x61: {  	_ =	swait.ge [sflag:s13], $0x4000  }
0x62: {  	[sflag:s13] =	ssyncset.done $0x0  }
0x63: {  	[sflag:s13] =	ssyncadd.s32 $0xFFFFC000  }
0x64: {  	_ =	swait.ge [sflag:s13], $0x4000  }
.Ltmp1:
0x65: {  	[sflag:s13] =	ssyncset.done $0x0;
	(pc) =	sbr.rel @p0 .LBB2_1-.Ltmp1, $4  }
0x66: {  	[sflag:s13] =	ssyncadd.s32 $0xFFFFC000  }
0x67: {  	[hbm4b:s19+s2] =	stream.linear.scatter [tilespmem:s7], [sflag:$0x2], $0x10000, $0x38;
	[tilespmem:$0x10400] =	vst v63  }
0x68: {  	_ =	swait.ge [sflag:s3], $0x10000  }
0x69: {  	[sflag:s3] =	ssyncset.done $0x0  }
.LBB2_2:
0x6a: {  	[sflag:s3] =	ssyncadd.s32 $0xFFFF0000  }
0x6b: {  	_ =	sfence.sel $0x180000  }
0x6c: {  	[bflag:$0x0] =	sbarrier.arrive $0xFFFF  }
0x6d: {  	p0 =	sne.s32 s0, $0x0;
	_ =	strace $0x90000047  }
0x6e: {  	s0 =	sadd.s32 @!p0 $0x100000, s1;
	[bflag:$0x2] =	sbarrier.arrive $0xFFFF  }
0x6f: {  	[sflag:s0] =	ssyncadd.tile.s32 @!p0 $0x1;
	_ =	shalt  }
.Lfunc_end2:
_tile_overlayer_lowered:
.L_overlay_start_2:
0x70: {  	(tag) =	ssettag $0x2  }
0x71: {  	s0 =	rddreg [dreg:$0x0];
	s2 =	stileid.u32  }
0x72: {  	s1 =	rddreg [dreg:$0x1];
	p0 =	sne.s32 s2, $0x0  }
0x73: {  	s3 =	rddreg [dreg:$0x2];
	[bflag:$0x3] =	sbarrier.arrive $0xFFFF;
	s2 =	simm.s32 @!p0 $0x1C02  }
0x74: {  	[timem:s3], [sflag:s2] =	dma.local @!p0 [hbm:s0], s1  }
0x75: {  	s0 =	simm.s32 @!p0 $0x2  }
0x76: {  	_ =	swait.ge @!p0 [sflag:s0], s1  }
0x77: {  	s1 =	ssub.s32 @!p0 $0x0, s1;
	[sflag:s0] =	ssyncset.done @!p0 $0x0  }
0x78: {  	[sflag:s0] =	ssyncadd.s32 @!p0 s1  }
0x79: {  	[bflag:$0x3] =	sbarrier.arrive $0xFFFF  }
0x7a: {  	_ =	shalt  }

</sc_bundles>
